<compile_context>
chip_gen: v7x
topology: tpu7x:2x2x1
jax: 0.10.2.dev20260603
libtpu: 0.0.44.dev20260713+nightly
codegen_flags: <defaults>
</compile_context>

<pallas_src>
import functools

import jax
import jax.numpy as jnp
from jax import lax
from jax.experimental import pallas as pl
from jax.experimental.pallas import tpu as pltpu
from jax.experimental.pallas import tpu_sc as plsc

F32 = jnp.float32
I32 = jnp.int32
EPS = 1e-5

N = 10000
E = 640000
NC, NS = 2, 16
NW = NC * NS
EPW = E // NW
CH = 2000
NPAD = 10240
STRIPE = NPAD // NS
ET = 8000
EG = E // ET

_MESH = plsc.VectorSubcoreMesh(core_axis_name="c", subcore_axis_name="s")
_SC_PARAMS = pltpu.CompilerParams(use_tc_tiling_on_sc=False,
                                  needs_layout_passes=False)



def _bn(z, g, b):
    mu = jnp.mean(z, axis=0, keepdims=True)
    var = jnp.mean((z - mu) * (z - mu), axis=0, keepdims=True)
    return g * (z - mu) * lax.rsqrt(var + EPS) + b


def _mlp_full(h, p):
    for i in range(3):
        h = jnp.dot(h, p['W%d' % i], preferred_element_type=F32) + p['b%d' % i]
        if i < 2:
            h = jax.nn.relu(_bn(h, p['g%d' % i], p['be%d' % i]))
    return h



def _node_pre_body(x_ref, W0, b0, g0, be0, W1, b1, g1, be1, W2, b2, cW,
                   A_ref, NB_ref, h1_ref):
    x = x_ref[...]
    p = {'W0': W0[...], 'b0': b0[...], 'g0': g0[...], 'be0': be0[...],
         'W1': W1[...], 'b1': b1[...], 'g1': g1[...], 'be1': be1[...],
         'W2': W2[...], 'b2': b2[...]}
    disp = _mlp_full(x[:, 0:4], p)
    zero13 = jnp.zeros((N, 13), F32)
    A_ref[...] = jnp.concatenate([x[:, 0:3] + disp, zero13], axis=1)
    NB_ref[...] = jnp.concatenate(
        [-x[:, 0:3], x[:, 3:4], jnp.zeros((N, 12), F32)], axis=1)
    h1 = jnp.dot(x[:, 0:7], cW[...], preferred_element_type=F32)
    h1_ref[...] = jnp.concatenate([h1, jnp.zeros((N, 9), F32)], axis=1)


def _node_pre(x, p1, cW):
    outs = (jax.ShapeDtypeStruct((N, 16), F32),
            jax.ShapeDtypeStruct((N, 16), F32),
            jax.ShapeDtypeStruct((N, 16), F32))
    args = [x] + [p1[k] for k in
                  ('W0', 'b0', 'g0', 'be0', 'W1', 'b1', 'g1', 'be1', 'W2', 'b2')] + [cW]
    return pl.pallas_call(_node_pre_body, out_shape=outs)(*args)



CHR = 1000
NKR = EPW // CHR


def _reg_gather_body(A_hbm, NB_hbm, src_hbm, dst_hbm, out_hbm,
                     sidx0, didx0, bufA0, bufB0, sidx1, didx1, bufA1, bufB1,
                     semA0, semB0, semA1, semB1):
    cid = lax.axis_index("c")
    sid = lax.axis_index("s")
    wid = sid * NC + cid
    base = wid * EPW

    def load_idx(k, sidx, didx):
        off = base + k * CHR
        pltpu.sync_copy(src_hbm.at[pl.ds(off, CHR)], sidx)
        pltpu.sync_copy(dst_hbm.at[pl.ds(off, CHR)], didx)

    def start(sidx, didx, bufA, bufB, semA, semB):
        pltpu.async_copy(A_hbm.at[sidx], bufA, semA)
        pltpu.async_copy(NB_hbm.at[didx], bufB, semB)

    def finish(k, sidx, bufA, bufB, semA, semB):
        pltpu.make_async_copy(A_hbm.at[sidx], bufA, semA).wait()
        pltpu.make_async_copy(A_hbm.at[sidx], bufB, semB).wait()

        def vec(i, c):
            bufA[i, :] = bufA[i, :] + bufB[i, :]
            return c
        lax.fori_loop(0, CHR, vec, 0, unroll=8)
        pltpu.sync_copy(bufA, out_hbm.at[pl.ds(base + k * CHR, CHR)])

    load_idx(0, sidx0, didx0)
    start(sidx0, didx0, bufA0, bufB0, semA0, semB0)

    def pair(t, carry):
        a = 2 * t
        b = a + 1
        load_idx(b, sidx1, didx1)
        start(sidx1, didx1, bufA1, bufB1, semA1, semB1)
        finish(a, sidx0, bufA0, bufB0, semA0, semB0)

        @pl.when(t < NKR // 2 - 1)
        def _():
            load_idx(a + 2, sidx0, didx0)
            start(sidx0, didx0, bufA0, bufB0, semA0, semB0)
        finish(b, sidx1, bufA1, bufB1, semA1, semB1)
        return carry
    lax.fori_loop(0, NKR // 2, pair, 0)


def _reg_gather(A, NB, src, dst):
    f = pl.kernel(
        _reg_gather_body,
        out_type=jax.ShapeDtypeStruct((E, 16), F32),
        mesh=_MESH,
        compiler_params=_SC_PARAMS,
        scratch_types=[
            pltpu.VMEM((CHR,), I32),
            pltpu.VMEM((CHR,), I32),
            pltpu.VMEM((CHR, 16), F32),
            pltpu.VMEM((CHR, 16), F32),
            pltpu.VMEM((CHR,), I32),
            pltpu.VMEM((CHR,), I32),
            pltpu.VMEM((CHR, 16), F32),
            pltpu.VMEM((CHR, 16), F32),
            pltpu.SemaphoreType.DMA,
            pltpu.SemaphoreType.DMA,
            pltpu.SemaphoreType.DMA,
            pltpu.SemaphoreType.DMA,
        ])
    return f(A, NB, src, dst)



RP = E // 8
BR1 = 2000
BR2 = 1000
BR3 = 640


def _blk_gram(a, k):
    return sum(
        lax.dot_general(a[:, i * k:(i + 1) * k], a[:, i * k:(i + 1) * k],
                        (((0,), (0,)), ((), ())), preferred_element_type=F32)
        for i in range(8))


def _gram_body(reg_ref, gram_ref, csum_ref, gs_ref, cs_ref):
    i = pl.program_id(0)
    blk = reg_ref[...]
    g = _blk_gram(blk, 16)
    s = jnp.sum(blk, axis=0, keepdims=True)

    @pl.when(i == 0)
    def _():
        gs_ref[...] = jnp.zeros_like(gs_ref)
        cs_ref[...] = jnp.zeros_like(cs_ref)
    gs_ref[...] += g
    cs_ref[...] += s

    @pl.when(i == RP // BR1 - 1)
    def _():
        gram_ref[...] = gs_ref[...]
        csum_ref[...] = cs_ref[...]


def _edge_pass1(regp):
    return pl.pallas_call(
        _gram_body,
        grid=(RP // BR1,),
        in_specs=[pl.BlockSpec((BR1, 128), lambda i: (i, 0))],
        out_specs=(pl.BlockSpec((16, 16), lambda i: (0, 0)),
                   pl.BlockSpec((1, 128), lambda i: (0, 0))),
        out_shape=(jax.ShapeDtypeStruct((16, 16), F32),
                   jax.ShapeDtypeStruct((1, 128), F32)),
        scratch_shapes=[pltpu.VMEM((16, 16), F32), pltpu.VMEM((1, 128), F32)],
    )(regp)


def _epass2_body(reg_ref, W0p, b0p, aff1p, gram_ref, csum_ref, gs_ref, cs_ref):
    i = pl.program_id(0)
    z1 = jnp.dot(reg_ref[...], W0p[...], preferred_element_type=F32) + b0p[...]
    a1 = jax.nn.relu(z1 * aff1p[0:1, :] + aff1p[1:2, :])
    g = _blk_gram(a1, 64)
    s = jnp.sum(a1, axis=0, keepdims=True)

    @pl.when(i == 0)
    def _():
        gs_ref[...] = jnp.zeros_like(gs_ref)
        cs_ref[...] = jnp.zeros_like(cs_ref)
    gs_ref[...] += g
    cs_ref[...] += s

    @pl.when(i == RP // BR2 - 1)
    def _():
        gram_ref[...] = gs_ref[...]
        csum_ref[...] = cs_ref[...]


def _edge_pass2(regp, W0p, b0p, aff1p):
    return pl.pallas_call(
        _epass2_body,
        grid=(RP // BR2,),
        in_specs=[pl.BlockSpec((BR2, 128), lambda i: (i, 0)),
                  _wspec((128, 512)), _wspec((1, 512)), _wspec((2, 512))],
        out_specs=(pl.BlockSpec((64, 64), lambda i: (0, 0)),
                   pl.BlockSpec((1, 512), lambda i: (0, 0))),
        out_shape=(jax.ShapeDtypeStruct((64, 64), F32),
                   jax.ShapeDtypeStruct((1, 512), F32)),
        scratch_shapes=[pltpu.VMEM((64, 64), F32), pltpu.VMEM((1, 512), F32)],
    )(regp, W0p, b0p, aff1p)


def _epass3_body(reg_ref, W0p, b0p, aff1p, W1p, b1p, aff2p, W2p, b2p, out_ref):
    z1 = jnp.dot(reg_ref[...], W0p[...], preferred_element_type=F32) + b0p[...]
    a1 = jax.nn.relu(z1 * aff1p[0:1, :] + aff1p[1:2, :])
    z2 = jnp.dot(a1, W1p[...], preferred_element_type=F32) + b1p[...]
    a2 = jax.nn.relu(z2 * aff2p[0:1, :] + aff2p[1:2, :])
    z3 = jnp.dot(a2, W2p[...], preferred_element_type=F32) + b2p[...]
    out_ref[...] = jax.nn.relu(z3)


def _edge_pass3(regp, W0p, b0p, aff1p, W1p, b1p, aff2p, W2p, b2p):
    return pl.pallas_call(
        _epass3_body,
        grid=(RP // BR3,),
        in_specs=[pl.BlockSpec((BR3, 128), lambda i: (i, 0)),
                  _wspec((128, 512)), _wspec((1, 512)), _wspec((2, 512)),
                  _wspec((512, 512)), _wspec((1, 512)), _wspec((2, 512)),
                  _wspec((512, 8)), _wspec((1, 8))],
        out_specs=pl.BlockSpec((BR3, 8), lambda i: (i, 0)),
        out_shape=jax.ShapeDtypeStruct((RP, 8), F32),
    )(regp, W0p, b0p, aff1p, W1p, b1p, aff2p, W2p, b2p)


def _wspec(shape):
    nd = len(shape)
    return pl.BlockSpec(shape, lambda i: (0,) * nd)


def _affine_from_stats(ssum, ssq, g, be):
    mean = ssum / float(E)
    var = ssq / float(E) - mean * mean
    s = g * lax.rsqrt(var + EPS)
    return jnp.stack([s, be - mean * s])


def _fold_sum(cs, k):
    return cs.reshape(8, k).sum(axis=0)



def _deg_body(ew_hbm, dst_hbm, z_hbm, out_hbm, didx, ewv, stg, acc):
    cid = lax.axis_index("c")
    sid = lax.axis_index("s")
    wid = sid * NC + cid
    base = wid * EPW
    pltpu.sync_copy(z_hbm, acc.at[pl.ds(sid * STRIPE, STRIPE)])
    plsc.subcore_barrier()

    def chunk(k, carry):
        off = base + k * CH
        pltpu.sync_copy(dst_hbm.at[pl.ds(off, CH)], didx)
        pltpu.sync_copy(ew_hbm.at[pl.ds(off, CH)], ewv)
        pltpu.sync_copy(ewv, acc.at[didx], add=True)
        return carry
    lax.fori_loop(0, EPW // CH, chunk, 0)
    plsc.subcore_barrier()
    pltpu.sync_copy(acc.at[pl.ds(sid * STRIPE, STRIPE)], stg)
    pltpu.sync_copy(stg, out_hbm.at[cid].at[pl.ds(sid * STRIPE, STRIPE)])


def _deg_scatter(ew, dst, zrows1):
    f = pl.kernel(
        _deg_body,
        out_type=jax.ShapeDtypeStruct((NC, NPAD), F32),
        mesh=_MESH,
        compiler_params=_SC_PARAMS,
        scratch_types=[
            pltpu.VMEM((CH,), I32),
            pltpu.VMEM((CH,), F32),
            pltpu.VMEM((STRIPE,), F32),
            pltpu.VMEM_SHARED((NPAD,), F32),
        ])
    return f(ew, dst, zrows1)



_GDN = lax.GatherDimensionNumbers(
    offset_dims=(), collapsed_slice_dims=(0,), start_index_map=(0,))


def _vsplat(v, j):
    idx = jnp.full((16, 1), j, I32)
    return lax.gather(v, idx, _GDN, (1,),
                      mode=lax.GatherScatterMode.PROMISE_IN_BOUNDS)


def _conv_body(G_hbm, src_hbm, dst_hbm, ew_hbm, z_hbm, out_hbm,
               sidx0, didx0, ewv0, buf0, sidx1, didx1, ewv1, buf1,
               stg, acc, sem0, sem1):
    cid = lax.axis_index("c")
    sid = lax.axis_index("s")
    wid = sid * NC + cid
    base = wid * EPW
    pltpu.sync_copy(z_hbm, acc.at[pl.ds(sid * STRIPE, STRIPE)])
    plsc.subcore_barrier()

    def load_idx(k, sidx, didx, ewv):
        off = base + k * CH
        pltpu.sync_copy(src_hbm.at[pl.ds(off, CH)], sidx)
        pltpu.sync_copy(dst_hbm.at[pl.ds(off, CH)], didx)
        pltpu.sync_copy(ew_hbm.at[pl.ds(off, CH)], ewv)

    def finish(sidx, didx, ewv, buf, sem):
        pltpu.make_async_copy(G_hbm.at[sidx], buf, sem).wait()

        def grp(g, c):
            ew16 = ewv[pl.ds(g * 16, 16)]
            for j in range(16):
                e = g * 16 + j
                buf[e, :] = buf[e, :] * _vsplat(ew16, j)
            return c
        lax.fori_loop(0, CH // 16, grp, 0)
        pltpu.sync_copy(buf, acc.at[didx], add=True)

    NK = EPW // CH
    load_idx(0, sidx0, didx0, ewv0)
    pltpu.async_copy(G_hbm.at[sidx0], buf0, sem0)

    def pair(t, carry):
        a = 2 * t
        b = a + 1
        load_idx(b, sidx1, didx1, ewv1)
        pltpu.async_copy(G_hbm.at[sidx1], buf1, sem1)
        finish(sidx0, didx0, ewv0, buf0, sem0)

        @pl.when(t < NK // 2 - 1)
        def _():
            load_idx(a + 2, sidx0, didx0, ewv0)
            pltpu.async_copy(G_hbm.at[sidx0], buf0, sem0)
        finish(sidx1, didx1, ewv1, buf1, sem1)
        return carry
    lax.fori_loop(0, NK // 2, pair, 0)
    plsc.subcore_barrier()
    pltpu.sync_copy(acc.at[pl.ds(sid * STRIPE, STRIPE)], stg)
    pltpu.sync_copy(stg, out_hbm.at[cid].at[pl.ds(sid * STRIPE, STRIPE)])


def _conv_aggregate(G, src, dst, ew, zrows):
    f = pl.kernel(
        _conv_body,
        out_type=jax.ShapeDtypeStruct((NC, NPAD, 16), F32),
        mesh=_MESH,
        compiler_params=_SC_PARAMS,
        scratch_types=[
            pltpu.VMEM((CH,), I32),
            pltpu.VMEM((CH,), I32),
            pltpu.VMEM((CH,), F32),
            pltpu.VMEM((CH, 16), F32),
            pltpu.VMEM((CH,), I32),
            pltpu.VMEM((CH,), I32),
            pltpu.VMEM((CH,), F32),
            pltpu.VMEM((CH, 16), F32),
            pltpu.VMEM((STRIPE, 16), F32),
            pltpu.VMEM_SHARED((NPAD, 16), F32),
            pltpu.SemaphoreType.DMA,
            pltpu.SemaphoreType.DMA,
        ])
    return f(G, src, dst, ew, zrows)



def _mid1_body(degp_ref, h1_ref, dinv_ref, G1_ref):
    deg = 1.0 + degp_ref[0, 0:N, :] + degp_ref[1, 0:N, :]
    dinv = lax.rsqrt(deg)
    dinv_ref[...] = dinv
    G1_ref[...] = dinv * h1_ref[...]


def _mid1(degp, h1):
    outs = (jax.ShapeDtypeStruct((N, 1), F32),
            jax.ShapeDtypeStruct((N, 16), F32))
    return pl.pallas_call(_mid1_body, out_shape=outs)(degp, h1)



def _mid2_body(acc_ref, G1_ref, dinv_ref, b1c,
               W0, b0, g0, be0, W1, b1, g1, be1, W2, b2,
               bng1, bnb1, bng2, bnb2, cW2, G2_ref):
    dinv = dinv_ref[...]
    accsum = acc_ref[0, 0:N, :] + acc_ref[1, 0:N, :]
    out1 = (dinv * (accsum + G1_ref[...]))[:, 0:7] + b1c[...]
    h = _bn(out1, bng1[...], bnb1[...])
    p = {'W0': W0[...], 'b0': b0[...], 'g0': g0[...], 'be0': be0[...],
         'W1': W1[...], 'b1': b1[...], 'g1': g1[...], 'be1': be1[...],
         'W2': W2[...], 'b2': b2[...]}
    h = _mlp_full(h, p)
    h = _bn(jax.nn.relu(h), bng2[...], bnb2[...])
    h2 = jnp.dot(h, cW2[...], preferred_element_type=F32)
    G2_ref[...] = dinv * h2


def _mid2(acc1, G1, dinv, params):
    p = params['mlp1_2']
    args = [acc1, G1, dinv, params['conv1_1_b'].reshape(1, 7),
            p['W0'], p['b0'].reshape(1, 64), p['g0'].reshape(1, 64), p['be0'].reshape(1, 64),
            p['W1'], p['b1'].reshape(1, 64), p['g1'].reshape(1, 64), p['be1'].reshape(1, 64),
            p['W2'], p['b2'].reshape(1, 16),
            params['bn1_1_g'].reshape(1, 7), params['bn1_1_b'].reshape(1, 7),
            params['bn1_2_g'].reshape(1, 16), params['bn1_2_b'].reshape(1, 16),
            params['conv1_2_W']]
    return pl.pallas_call(
        _mid2_body, out_shape=jax.ShapeDtypeStruct((N, 16), F32))(*args)



def _final_body(acc_ref, G2_ref, dinv_ref, b2c,
                W0, b0, g0, be0, W1, b1, g1, be1, W2, b2,
                bng3, bnb3, bng4, bnb4, linW, linb, out_ref):
    dinv = dinv_ref[...]
    accsum = acc_ref[0, 0:N, :] + acc_ref[1, 0:N, :]
    out2 = dinv * (accsum + G2_ref[...]) + b2c[...]
    h = _bn(out2, bng3[...], bnb3[...])
    p = {'W0': W0[...], 'b0': b0[...], 'g0': g0[...], 'be0': be0[...],
         'W1': W1[...], 'b1': b1[...], 'g1': g1[...], 'be1': be1[...],
         'W2': W2[...], 'b2': b2[...]}
    h = _mlp_full(h, p)
    h = _bn(jax.nn.relu(h), bng4[...], bnb4[...])
    z = jnp.dot(h, linW[...], preferred_element_type=F32) + linb[...]
    out_ref[...] = jax.nn.sigmoid(z)


def _final(acc2, G2, dinv, params):
    p = params['mlp1_3']
    args = [acc2, G2, dinv, params['conv1_2_b'].reshape(1, 16),
            p['W0'], p['b0'].reshape(1, 64), p['g0'].reshape(1, 64), p['be0'].reshape(1, 64),
            p['W1'], p['b1'].reshape(1, 64), p['g1'].reshape(1, 64), p['be1'].reshape(1, 64),
            p['W2'], p['b2'].reshape(1, 32),
            params['bn1_3_g'].reshape(1, 16), params['bn1_3_b'].reshape(1, 16),
            params['bn1_4_g'].reshape(1, 32), params['bn1_4_b'].reshape(1, 32),
            params['lin_W'], params['lin_b'].reshape(1, 1)]
    return pl.pallas_call(
        _final_body, out_shape=jax.ShapeDtypeStruct((N, 1), F32))(*args)



def kernel(x, edge_index, params):
    src = edge_index[0]
    dst = edge_index[1]
    p4 = params['mlp1_4']

    A, NB, h1 = _node_pre(x, params['mlp1_1'], params['conv1_1_W'])
    reg = _reg_gather(A, NB, src, dst)

    W0 = jnp.concatenate([p4['W0'], jnp.zeros((12, 64), F32)], axis=0)
    W1 = p4['W1']
    eye8 = jnp.eye(8, dtype=F32)
    W0p = jnp.kron(eye8, W0)
    W1p = jnp.kron(eye8, W1)
    W2p = jnp.kron(eye8, p4['W2'])
    b0p = jnp.tile(p4['b0'].reshape(1, 64), (1, 8))
    b1p = jnp.tile(p4['b1'].reshape(1, 64), (1, 8))
    b2p = jnp.tile(p4['b2'].reshape(1, 1), (1, 8))
    regp = reg.reshape(RP, 128)

    G16, cs1 = _edge_pass1(regp)
    c16 = _fold_sum(cs1, 16)
    b0 = p4['b0']
    cW0 = c16 @ W0
    ssum1 = cW0 + float(E) * b0
    ssq1 = ((G16 @ W0) * W0).sum(axis=0) + 2.0 * b0 * cW0 + float(E) * b0 * b0
    aff1 = _affine_from_stats(ssum1, ssq1, p4['g0'], p4['be0'])
    aff1p = jnp.tile(aff1, (1, 8))

    G64, cs2 = _edge_pass2(regp, W0p, b0p, aff1p)
    c64 = _fold_sum(cs2, 64)
    b1 = p4['b1']
    cW1 = c64 @ W1
    ssum2 = cW1 + float(E) * b1
    ssq2 = ((G64 @ W1) * W1).sum(axis=0) + 2.0 * b1 * cW1 + float(E) * b1 * b1
    aff2 = _affine_from_stats(ssum2, ssq2, p4['g1'], p4['be1'])
    aff2p = jnp.tile(aff2, (1, 8))

    ew = _edge_pass3(regp, W0p, b0p, aff1p, W1p, b1p, aff2p, W2p, b2p).reshape(E)

    zrows1 = jnp.zeros((STRIPE,), F32)
    zrows16 = jnp.zeros((STRIPE, 16), F32)
    degp = _deg_scatter(ew, dst, zrows1)
    dinv, G1 = _mid1(degp.reshape(NC, NPAD, 1), h1)

    acc1 = _conv_aggregate(G1, src, dst, ew, zrows16)
    G2 = _mid2(acc1, G1, dinv, params)
    acc2 = _conv_aggregate(G2, src, dst, ew, zrows16)
    return _final(acc2, G2, dinv, params)

# --- scband reference (transcript-rebuilt; emitter-appended) ---
"""Pipeline reference for scband-net-8555574853919 (READ-ONLY COPY).

The authoritative reference and input builder live on the scoring server;
editing this copy changes nothing except your own understanding.
"""

import jax, jax.numpy as jnp
import numpy as np

N_NODES = 10000
N_EDGES = 640000


def _bn(x, gamma, beta, eps=1e-5):
    mu = jnp.mean(x, axis=0, keepdims=True)
    var = jnp.var(x, axis=0, keepdims=True)
    return gamma * (x - mu) / jnp.sqrt(var + eps) + beta


def _mlp(x, p):
    # PyG-style MLP: 3 linear layers, batch_norm + relu after the first two,
    # plain last layer.
    for i in range(3):
        x = x @ p['W%d' % i] + p['b%d' % i]
        if i < 2:
            x = _bn(x, p['g%d' % i], p['be%d' % i])
            x = jax.nn.relu(x)
    return x


def _gcn_conv(x, edge_index, edge_weight, W, b):
    # Faithful GCNConv with edge_weight: add self-loops (weight 1),
    # symmetric normalization, linear transform, scatter-add aggregation, bias.
    n = x.shape[0]
    src = edge_index[0]
    dst = edge_index[1]
    loop = jnp.arange(n, dtype=src.dtype)
    src2 = jnp.concatenate([src, loop])
    dst2 = jnp.concatenate([dst, loop])
    w = jnp.concatenate([edge_weight, jnp.ones((n,), x.dtype)])
    deg = jnp.zeros((n,), x.dtype).at[dst2].add(w)
    deg_safe = jnp.where(deg > 0, deg, 1.0)
    dinv = jnp.where(deg > 0, 1.0 / jnp.sqrt(deg_safe), 0.0)
    norm = dinv[src2] * w * dinv[dst2]
    h = x @ W
    msg = h[src2] * norm[:, None]
    out = jnp.zeros((n, h.shape[1]), x.dtype).at[dst2].add(msg)
    return out + b


def _registration(x, edge_index, disp):
    # Reconstruction of the undefined `registration` helper: per-edge
    # registered relative position (coords are x[:, 0:3], disp is [N, 3]).
    src = edge_index[0]
    dst = edge_index[1]
    return (x[src, 0:3] + disp[src]) - x[dst, 0:3]


def _mlp_params(key, dims):
    p = {}
    ks = jax.random.split(key, 3)
    for i in range(3):
        p['W%d' % i] = jax.random.normal(ks[i], (dims[i], dims[i + 1]), jnp.float32) / np.sqrt(float(dims[i]))
        p['b%d' % i] = jnp.zeros((dims[i + 1],), jnp.float32)
        if i < 2:
            p['g%d' % i] = jnp.ones((dims[i + 1],), jnp.float32)
            p['be%d' % i] = jnp.zeros((dims[i + 1],), jnp.float32)
    return p


def setup_inputs(seed: int = 0):
    key = jax.random.key(seed)
    ks = jax.random.split(key, 12)
    x = jax.random.normal(ks[0], (N_NODES, 7), jnp.float32)
    edge_index = jax.random.randint(ks[1], (2, N_EDGES), 0, N_NODES, jnp.int32)
    params = {
        'mlp1_1': _mlp_params(ks[2], [4, 64, 64, 3]),
        'mlp1_2': _mlp_params(ks[3], [7, 64, 64, 16]),
        'mlp1_3': _mlp_params(ks[4], [16, 64, 64, 32]),
        'mlp1_4': _mlp_params(ks[5], [4, 64, 64, 1]),
        'conv1_1_W': jax.random.normal(ks[6], (7, 7), jnp.float32) / np.sqrt(7.0),
        'conv1_1_b': jnp.zeros((7,), jnp.float32),
        'conv1_2_W': jax.random.normal(ks[7], (16, 16), jnp.float32) / 4.0,
        'conv1_2_b': jnp.zeros((16,), jnp.float32),
        'lin_W': jax.random.normal(ks[8], (32, 1), jnp.float32) / np.sqrt(32.0),
        'lin_b': jnp.zeros((1,), jnp.float32),
        'bn1_1_g': jnp.ones((7,), jnp.float32), 'bn1_1_b': jnp.zeros((7,), jnp.float32),
        'bn1_2_g': jnp.ones((16,), jnp.float32), 'bn1_2_b': jnp.zeros((16,), jnp.float32),
        'bn1_3_g': jnp.ones((16,), jnp.float32), 'bn1_3_b': jnp.zeros((16,), jnp.float32),
        'bn1_4_g': jnp.ones((32,), jnp.float32), 'bn1_4_b': jnp.zeros((32,), jnp.float32),
    }
    return {'x': x, 'edge_index': edge_index, 'params': params}


def _forward(x, params, edge_index):
    src = edge_index[0]
    dst = edge_index[1]
    # registration branch -> per-edge scalar edge weight
    reg_disp = _mlp(x[:, 0:4], params['mlp1_1'])              # [N, 3]
    reg_e = _registration(x, edge_index, reg_disp)            # [E, 3]
    reg_e = jnp.concatenate([reg_e, x[dst, 3:4]], axis=1)     # [E, 4]
    ew = jax.nn.relu(_mlp(reg_e, params['mlp1_4']))[:, 0]     # [E]
    # main GCN trunk
    h = _gcn_conv(x[:, 0:7], edge_index, ew, params['conv1_1_W'], params['conv1_1_b'])
    h = _bn(h, params['bn1_1_g'], params['bn1_1_b'])
    h = _mlp(h, params['mlp1_2'])
    h = _bn(jax.nn.relu(h), params['bn1_2_g'], params['bn1_2_b'])
    h = _gcn_conv(h, edge_index, ew, params['conv1_2_W'], params['conv1_2_b'])
    h = _bn(h, params['bn1_3_g'], params['bn1_3_b'])
    h = _mlp(h, params['mlp1_3'])
    h = _bn(jax.nn.relu(h), params['bn1_4_g'], params['bn1_4_b'])
    return jax.nn.sigmoid(h @ params['lin_W'] + params['lin_b'])


def reference(x, edge_index, params):
    return _forward(x, params, edge_index)

if __name__ == "__main__":
    import jax
    _d = setup_inputs()
    print(jax.jit(kernel)(*tuple(_d.values())))

</pallas_src>

<mosaic_0001>
#map = affine_map<(d0, d1) -> (0, 0)>
#map1 = affine_map<(d0, d1) -> (0)>
#map2 = affine_map<(d0, d1) -> (0, 0, 0)>
module attributes {stable_mosaic.version = 14 : i64} {
  func.func @_conv_body(%arg0: i32, %arg1: i32, %arg2: memref<10000x16xf32, #tpu.memory_space<hbm>>, %arg3: memref<640000xi32, #tpu.memory_space<hbm>>, %arg4: memref<640000xi32, #tpu.memory_space<hbm>>, %arg5: memref<640000xf32, #tpu.memory_space<hbm>>, %arg6: memref<640x16xf32, #tpu.memory_space<hbm>>, %arg7: memref<2x10240x16xf32, #tpu.memory_space<hbm>>, %arg8: memref<2000xi32, #tpu.memory_space<vmem>>, %arg9: memref<2000xi32, #tpu.memory_space<vmem>>, %arg10: memref<2000xf32, #tpu.memory_space<vmem>>, %arg11: memref<2000x16xf32, #tpu.memory_space<vmem>>, %arg12: memref<2000xi32, #tpu.memory_space<vmem>>, %arg13: memref<2000xi32, #tpu.memory_space<vmem>>, %arg14: memref<2000xf32, #tpu.memory_space<vmem>>, %arg15: memref<2000x16xf32, #tpu.memory_space<vmem>>, %arg16: memref<640x16xf32, #tpu.memory_space<vmem>>, %arg17: memref<10240x16xf32, #tpu.memory_space<vmem_shared>>, %arg18: memref<!tpu.dma_semaphore, #tpu.memory_space<semaphore_mem>>, %arg19: memref<!tpu.dma_semaphore, #tpu.memory_space<semaphore_mem>>) attributes {dimension_semantics = [#tpu.dimension_semantics<core_parallel>, #tpu.dimension_semantics<subcore_parallel>], iteration_bounds = array<i64: 2, 16>, scalar_prefetch = 0 : i64, scratch_operands = 12 : i64, tpu.core_type = #tpu.core_type<sc_vector_subcore>, window_params = [{transform_indices = #map}, {transform_indices = #map1}, {transform_indices = #map1}, {transform_indices = #map1}, {transform_indices = #map}, {transform_indices = #map2}]} {
    %mul3A = arith.constant 2 : i32
    %mul3A_0 = arith.muli %arg1, %mul3A : i32
    %add3A = arith.addi %mul3A_0, %arg0 : i32
    %mul3A_1 = arith.constant 20000 : i32
    %mul3A_2 = arith.muli %add3A, %mul3A_1 : i32
    %mul3A_3 = arith.constant 640 : i32
    %mul3A_4 = arith.muli %arg1, %mul3A_3 : i32
    "tpu.region"() ({
      %run_scoped3A = tpu.sem_alloc : memref<!tpu.dma_semaphore, #tpu.memory_space<semaphore_mem>>
      %dma_start3A_19 = arith.constant 0 : i32
      %dma_start3A_20 = tpu.memref_slice %arg17[%mul3A_4, %dma_start3A_19] : memref<10240x16xf32, #tpu.memory_space<vmem_shared>> -> memref<640x16xf32, #tpu.memory_space<vmem_shared>>
      tpu.enqueue_dma source(%arg6 : memref<640x16xf32, #tpu.memory_space<hbm>>) target(%dma_start3A_20 : memref<640x16xf32, #tpu.memory_space<vmem_shared>>) target_semaphore(%run_scoped3A : memref<!tpu.dma_semaphore, #tpu.memory_space<semaphore_mem>>)
      %dma_wait3A = arith.constant 0 : i32
      %dma_wait3A_21 = tpu.memref_slice %arg17[%mul3A_4, %dma_wait3A] : memref<10240x16xf32, #tpu.memory_space<vmem_shared>> -> memref<640x16xf32, #tpu.memory_space<vmem_shared>>
      tpu.wait_dma2 semaphore(%run_scoped3A : memref<!tpu.dma_semaphore, #tpu.memory_space<semaphore_mem>>) src(%arg6 : memref<640x16xf32, #tpu.memory_space<hbm>>) dst(%dma_wait3A_21 : memref<640x16xf32, #tpu.memory_space<vmem_shared>>)
      tpu.yield
    }) : () -> ()
    %barrier3A = arith.constant 0 : index
    tpu.barrier barrier_id(%barrier3A)
    %add3A_5 = arith.constant 0 : i32
    %add3A_6 = arith.addi %mul3A_2, %add3A_5 : i32
    "tpu.region"() ({
      %run_scoped3A = tpu.sem_alloc : memref<!tpu.dma_semaphore, #tpu.memory_space<semaphore_mem>>
      %dma_start3A_19 = tpu.memref_slice %arg3[%add3A_6] : memref<640000xi32, #tpu.memory_space<hbm>> -> memref<2000xi32, #tpu.memory_space<hbm>>
      %dma_start3A_20 = tpu.memref_slice %arg3[%add3A_6] : memref<640000xi32, #tpu.memory_space<hbm>> -> memref<2000xi32, #tpu.memory_space<hbm>>
      tpu.enqueue_dma source(%dma_start3A_20 : memref<2000xi32, #tpu.memory_space<hbm>>) target(%arg8 : memref<2000xi32, #tpu.memory_space<vmem>>) target_semaphore(%run_scoped3A : memref<!tpu.dma_semaphore, #tpu.memory_space<semaphore_mem>>)
      %dma_wait3A = tpu.memref_slice %arg3[%add3A_6] : memref<640000xi32, #tpu.memory_space<hbm>> -> memref<2000xi32, #tpu.memory_space<hbm>>
      %dma_wait3A_21 = tpu.memref_slice %arg3[%add3A_6] : memref<640000xi32, #tpu.memory_space<hbm>> -> memref<2000xi32, #tpu.memory_space<hbm>>
      tpu.wait_dma2 semaphore(%run_scoped3A : memref<!tpu.dma_semaphore, #tpu.memory_space<semaphore_mem>>) src(%dma_wait3A_21 : memref<2000xi32, #tpu.memory_space<hbm>>) dst(%arg8 : memref<2000xi32, #tpu.memory_space<vmem>>)
      tpu.yield
    }) : () -> ()
    "tpu.region"() ({
      %run_scoped3A = tpu.sem_alloc : memref<!tpu.dma_semaphore, #tpu.memory_space<semaphore_mem>>
      %dma_start3A_19 = tpu.memref_slice %arg4[%add3A_6] : memref<640000xi32, #tpu.memory_space<hbm>> -> memref<2000xi32, #tpu.memory_space<hbm>>
      %dma_start3A_20 = tpu.memref_slice %arg4[%add3A_6] : memref<640000xi32, #tpu.memory_space<hbm>> -> memref<2000xi32, #tpu.memory_space<hbm>>
      tpu.enqueue_dma source(%dma_start3A_20 : memref<2000xi32, #tpu.memory_space<hbm>>) target(%arg9 : memref<2000xi32, #tpu.memory_space<vmem>>) target_semaphore(%run_scoped3A : memref<!tpu.dma_semaphore, #tpu.memory_space<semaphore_mem>>)
      %dma_wait3A = tpu.memref_slice %arg4[%add3A_6] : memref<640000xi32, #tpu.memory_space<hbm>> -> memref<2000xi32, #tpu.memory_space<hbm>>
      %dma_wait3A_21 = tpu.memref_slice %arg4[%add3A_6] : memref<640000xi32, #tpu.memory_space<hbm>> -> memref<2000xi32, #tpu.memory_space<hbm>>
      tpu.wait_dma2 semaphore(%run_scoped3A : memref<!tpu.dma_semaphore, #tpu.memory_space<semaphore_mem>>) src(%dma_wait3A_21 : memref<2000xi32, #tpu.memory_space<hbm>>) dst(%arg9 : memref<2000xi32, #tpu.memory_space<vmem>>)
      tpu.yield
    }) : () -> ()
    "tpu.region"() ({
      %run_scoped3A = tpu.sem_alloc : memref<!tpu.dma_semaphore, #tpu.memory_space<semaphore_mem>>
      %dma_start3A_19 = tpu.memref_slice %arg5[%add3A_6] : memref<640000xf32, #tpu.memory_space<hbm>> -> memref<2000xf32, #tpu.memory_space<hbm>>
      %dma_start3A_20 = tpu.memref_slice %arg5[%add3A_6] : memref<640000xf32, #tpu.memory_space<hbm>> -> memref<2000xf32, #tpu.memory_space<hbm>>
      tpu.enqueue_dma source(%dma_start3A_20 : memref<2000xf32, #tpu.memory_space<hbm>>) target(%arg10 : memref<2000xf32, #tpu.memory_space<vmem>>) target_semaphore(%run_scoped3A : memref<!tpu.dma_semaphore, #tpu.memory_space<semaphore_mem>>)
      %dma_wait3A = tpu.memref_slice %arg5[%add3A_6] : memref<640000xf32, #tpu.memory_space<hbm>> -> memref<2000xf32, #tpu.memory_space<hbm>>
      %dma_wait3A_21 = tpu.memref_slice %arg5[%add3A_6] : memref<640000xf32, #tpu.memory_space<hbm>> -> memref<2000xf32, #tpu.memory_space<hbm>>
      tpu.wait_dma2 semaphore(%run_scoped3A : memref<!tpu.dma_semaphore, #tpu.memory_space<semaphore_mem>>) src(%dma_wait3A_21 : memref<2000xf32, #tpu.memory_space<hbm>>) dst(%arg10 : memref<2000xf32, #tpu.memory_space<vmem>>)
      tpu.yield
    }) : () -> ()
    %dma_start3A = arith.constant 0 : i32
    %dma_start3A_7 = arith.constant 0 : i32
    %dma_start3A_8 = tpu.memref_slice %arg2[%dma_start3A, %dma_start3A_7] : memref<10000x16xf32, #tpu.memory_space<hbm>> -> memref<10000x16xf32, #tpu.memory_space<hbm>>
    tpu.enqueue_indirect_dma source(%dma_start3A_8 : memref<10000x16xf32, #tpu.memory_space<hbm>>) target(%arg11 : memref<2000x16xf32, #tpu.memory_space<vmem>>) offsets(%arg8 : memref<2000xi32, #tpu.memory_space<vmem>>) semaphore(%arg18 : memref<!tpu.dma_semaphore, #tpu.memory_space<semaphore_mem>>)
    %scan3A = arith.constant 0 : i32
    %scan3A_9 = arith.constant 0 : i32
    %scan3A_10 = arith.constant 5 : i32
    %scan3A_11 = arith.addi %scan3A_9, %scan3A_10 : i32
    %scan3A_12 = arith.constant 1 : i32
    scf.for %scan3A_19 = %scan3A_9 to %scan3A_11 step %scan3A_12  : i32 {
      %mul3A_20 = arith.constant 2 : i32
      %mul3A_21 = arith.muli %mul3A_20, %scan3A_19 : i32
      %add3A_22 = arith.constant 1 : i32
      %add3A_23 = arith.addi %mul3A_21, %add3A_22 : i32
      %mul3A_24 = arith.constant 2000 : i32
      %mul3A_25 = arith.muli %add3A_23, %mul3A_24 : i32
      %add3A_26 = arith.addi %mul3A_2, %mul3A_25 : i32
      "tpu.region"() ({
        %run_scoped3A = tpu.sem_alloc : memref<!tpu.dma_semaphore, #tpu.memory_space<semaphore_mem>>
        %dma_start3A_49 = tpu.memref_slice %arg3[%add3A_26] : memref<640000xi32, #tpu.memory_space<hbm>> -> memref<2000xi32, #tpu.memory_space<hbm>>
        %dma_start3A_50 = tpu.memref_slice %arg3[%add3A_26] : memref<640000xi32, #tpu.memory_space<hbm>> -> memref<2000xi32, #tpu.memory_space<hbm>>
        tpu.enqueue_dma source(%dma_start3A_50 : memref<2000xi32, #tpu.memory_space<hbm>>) target(%arg12 : memref<2000xi32, #tpu.memory_space<vmem>>) target_semaphore(%run_scoped3A : memref<!tpu.dma_semaphore, #tpu.memory_space<semaphore_mem>>)
        %dma_wait3A_51 = tpu.memref_slice %arg3[%add3A_26] : memref<640000xi32, #tpu.memory_space<hbm>> -> memref<2000xi32, #tpu.memory_space<hbm>>
        %dma_wait3A_52 = tpu.memref_slice %arg3[%add3A_26] : memref<640000xi32, #tpu.memory_space<hbm>> -> memref<2000xi32, #tpu.memory_space<hbm>>
        tpu.wait_dma2 semaphore(%run_scoped3A : memref<!tpu.dma_semaphore, #tpu.memory_space<semaphore_mem>>) src(%dma_wait3A_52 : memref<2000xi32, #tpu.memory_space<hbm>>) dst(%arg12 : memref<2000xi32, #tpu.memory_space<vmem>>)
        tpu.yield
      }) : () -> ()
      "tpu.region"() ({
        %run_scoped3A = tpu.sem_alloc : memref<!tpu.dma_semaphore, #tpu.memory_space<semaphore_mem>>
        %dma_start3A_49 = tpu.memref_slice %arg4[%add3A_26] : memref<640000xi32, #tpu.memory_space<hbm>> -> memref<2000xi32, #tpu.memory_space<hbm>>
        %dma_start3A_50 = tpu.memref_slice %arg4[%add3A_26] : memref<640000xi32, #tpu.memory_space<hbm>> -> memref<2000xi32, #tpu.memory_space<hbm>>
        tpu.enqueue_dma source(%dma_start3A_50 : memref<2000xi32, #tpu.memory_space<hbm>>) target(%arg13 : memref<2000xi32, #tpu.memory_space<vmem>>) target_semaphore(%run_scoped3A : memref<!tpu.dma_semaphore, #tpu.memory_space<semaphore_mem>>)
        %dma_wait3A_51 = tpu.memref_slice %arg4[%add3A_26] : memref<640000xi32, #tpu.memory_space<hbm>> -> memref<2000xi32, #tpu.memory_space<hbm>>
        %dma_wait3A_52 = tpu.memref_slice %arg4[%add3A_26] : memref<640000xi32, #tpu.memory_space<hbm>> -> memref<2000xi32, #tpu.memory_space<hbm>>
        tpu.wait_dma2 semaphore(%run_scoped3A : memref<!tpu.dma_semaphore, #tpu.memory_space<semaphore_mem>>) src(%dma_wait3A_52 : memref<2000xi32, #tpu.memory_space<hbm>>) dst(%arg13 : memref<2000xi32, #tpu.memory_space<vmem>>)
        tpu.yield
      }) : () -> ()
      "tpu.region"() ({
        %run_scoped3A = tpu.sem_alloc : memref<!tpu.dma_semaphore, #tpu.memory_space<semaphore_mem>>
        %dma_start3A_49 = tpu.memref_slice %arg5[%add3A_26] : memref<640000xf32, #tpu.memory_space<hbm>> -> memref<2000xf32, #tpu.memory_space<hbm>>
        %dma_start3A_50 = tpu.memref_slice %arg5[%add3A_26] : memref<640000xf32, #tpu.memory_space<hbm>> -> memref<2000xf32, #tpu.memory_space<hbm>>
        tpu.enqueue_dma source(%dma_start3A_50 : memref<2000xf32, #tpu.memory_space<hbm>>) target(%arg14 : memref<2000xf32, #tpu.memory_space<vmem>>) target_semaphore(%run_scoped3A : memref<!tpu.dma_semaphore, #tpu.memory_space<semaphore_mem>>)
        %dma_wait3A_51 = tpu.memref_slice %arg5[%add3A_26] : memref<640000xf32, #tpu.memory_space<hbm>> -> memref<2000xf32, #tpu.memory_space<hbm>>
        %dma_wait3A_52 = tpu.memref_slice %arg5[%add3A_26] : memref<640000xf32, #tpu.memory_space<hbm>> -> memref<2000xf32, #tpu.memory_space<hbm>>
        tpu.wait_dma2 semaphore(%run_scoped3A : memref<!tpu.dma_semaphore, #tpu.memory_space<semaphore_mem>>) src(%dma_wait3A_52 : memref<2000xf32, #tpu.memory_space<hbm>>) dst(%arg14 : memref<2000xf32, #tpu.memory_space<vmem>>)
        tpu.yield
      }) : () -> ()
      %dma_start3A_27 = arith.constant 0 : i32
      %dma_start3A_28 = arith.constant 0 : i32
      %dma_start3A_29 = tpu.memref_slice %arg2[%dma_start3A_27, %dma_start3A_28] : memref<10000x16xf32, #tpu.memory_space<hbm>> -> memref<10000x16xf32, #tpu.memory_space<hbm>>
      tpu.enqueue_indirect_dma source(%dma_start3A_29 : memref<10000x16xf32, #tpu.memory_space<hbm>>) target(%arg15 : memref<2000x16xf32, #tpu.memory_space<vmem>>) offsets(%arg12 : memref<2000xi32, #tpu.memory_space<vmem>>) semaphore(%arg19 : memref<!tpu.dma_semaphore, #tpu.memory_space<semaphore_mem>>)
      %dma_wait3A = arith.constant 0 : i32
      %dma_wait3A_30 = arith.constant 0 : i32
      %dma_wait3A_31 = tpu.memref_slice %arg2[%dma_wait3A, %dma_wait3A_30] : memref<10000x16xf32, #tpu.memory_space<hbm>> -> memref<10000x16xf32, #tpu.memory_space<hbm>>
      tpu.wait_indirect_dma semaphore(%arg18 : memref<!tpu.dma_semaphore, #tpu.memory_space<semaphore_mem>>) src(%dma_wait3A_31 : memref<10000x16xf32, #tpu.memory_space<hbm>>) dst(%arg11 : memref<2000x16xf32, #tpu.memory_space<vmem>>)
      %scan3A_32 = arith.constant 0 : i32
      %scan3A_33 = arith.constant 0 : i32
      %scan3A_34 = arith.constant 125 : i32
      %scan3A_35 = arith.addi %scan3A_33, %scan3A_34 : i32
      %scan3A_36 = arith.constant 1 : i32
      scf.for %scan3A_49 = %scan3A_33 to %scan3A_35 step %scan3A_36  : i32 {
        %mul3A_50 = arith.constant 16 : i32
        %mul3A_51 = arith.muli %scan3A_49, %mul3A_50 : i32
        %get3A = arith.index_cast %mul3A_51 : i32 to index
        %get3A_52 = tpu.vector_load %arg10[%get3A] {strides = array<i32>} : memref<2000xf32, #tpu.memory_space<vmem>>, vector<16xf32>,
        %mul3A_53 = arith.constant 16 : i32
        %mul3A_54 = arith.muli %scan3A_49, %mul3A_53 : i32
        %add3A_55 = arith.constant 0 : i32
        %add3A_56 = arith.addi %mul3A_54, %add3A_55 : i32
        %get3A_57 = arith.index_cast %add3A_56 : i32 to index
        %get3A_58 = arith.constant 0 : index
        %get3A_59 = tpu.vector_load %arg11[%get3A_57, %get3A_58] {strides = array<i32>} : memref<2000x16xf32, #tpu.memory_space<vmem>>, vector<16xf32>,
        %broadcast_in_dim3A = arith.constant 0 : i32
        %broadcast_in_dim3A_60 = vector.broadcast %broadcast_in_dim3A : i32 to vector<16x1xi32>
        %gather3A = vector.shape_cast %broadcast_in_dim3A_60 : vector<16x1xi32> to vector<16xi32>
        %gather3A_61 = tpu.dynamic_gather %get3A_52[%gather3A] in [0] : vector<16xf32>, vector<16xi32> -> vector<16xf32>
        %mul3A_62 = arith.mulf %get3A_59, %gather3A_61 : vector<16xf32>
        %swap3A = arith.index_cast %add3A_56 : i32 to index
        %swap3A_63 = arith.constant 0 : index
        %swap3A_64 = tpu.vector_load %arg11[%swap3A, %swap3A_63] {strides = array<i32>} : memref<2000x16xf32, #tpu.memory_space<vmem>>, vector<16xf32>,
        tpu.vector_store %arg11[%swap3A, %swap3A_63], %mul3A_62 {strides = array<i32>} : memref<2000x16xf32, #tpu.memory_space<vmem>>, vector<16xf32>,
        %mul3A_65 = arith.constant 16 : i32
        %mul3A_66 = arith.muli %scan3A_49, %mul3A_65 : i32
        %add3A_67 = arith.constant 1 : i32
        %add3A_68 = arith.addi %mul3A_66, %add3A_67 : i32
        %get3A_69 = arith.index_cast %add3A_68 : i32 to index
        %get3A_70 = arith.constant 0 : index
        %get3A_71 = tpu.vector_load %arg11[%get3A_69, %get3A_70] {strides = array<i32>} : memref<2000x16xf32, #tpu.memory_space<vmem>>, vector<16xf32>,
        %broadcast_in_dim3A_72 = arith.constant 1 : i32
        %broadcast_in_dim3A_73 = vector.broadcast %broadcast_in_dim3A_72 : i32 to vector<16x1xi32>
        %gather3A_74 = vector.shape_cast %broadcast_in_dim3A_73 : vector<16x1xi32> to vector<16xi32>
        %gather3A_75 = tpu.dynamic_gather %get3A_52[%gather3A_74] in [0] : vector<16xf32>, vector<16xi32> -> vector<16xf32>
        %mul3A_76 = arith.mulf %get3A_71, %gather3A_75 : vector<16xf32>
        %swap3A_77 = arith.index_cast %add3A_68 : i32 to index
        %swap3A_78 = arith.constant 0 : index
        %swap3A_79 = tpu.vector_load %arg11[%swap3A_77, %swap3A_78] {strides = array<i32>} : memref<2000x16xf32, #tpu.memory_space<vmem>>, vector<16xf32>,
        tpu.vector_store %arg11[%swap3A_77, %swap3A_78], %mul3A_76 {strides = array<i32>} : memref<2000x16xf32, #tpu.memory_space<vmem>>, vector<16xf32>,
        %mul3A_80 = arith.constant 16 : i32
        %mul3A_81 = arith.muli %scan3A_49, %mul3A_80 : i32
        %add3A_82 = arith.constant 2 : i32
        %add3A_83 = arith.addi %mul3A_81, %add3A_82 : i32
        %get3A_84 = arith.index_cast %add3A_83 : i32 to index
        %get3A_85 = arith.constant 0 : index
        %get3A_86 = tpu.vector_load %arg11[%get3A_84, %get3A_85] {strides = array<i32>} : memref<2000x16xf32, #tpu.memory_space<vmem>>, vector<16xf32>,
        %broadcast_in_dim3A_87 = arith.constant 2 : i32
        %broadcast_in_dim3A_88 = vector.broadcast %broadcast_in_dim3A_87 : i32 to vector<16x1xi32>
        %gather3A_89 = vector.shape_cast %broadcast_in_dim3A_88 : vector<16x1xi32> to vector<16xi32>
        %gather3A_90 = tpu.dynamic_gather %get3A_52[%gather3A_89] in [0] : vector<16xf32>, vector<16xi32> -> vector<16xf32>
        %mul3A_91 = arith.mulf %get3A_86, %gather3A_90 : vector<16xf32>
        %swap3A_92 = arith.index_cast %add3A_83 : i32 to index
        %swap3A_93 = arith.constant 0 : index
        %swap3A_94 = tpu.vector_load %arg11[%swap3A_92, %swap3A_93] {strides = array<i32>} : memref<2000x16xf32, #tpu.memory_space<vmem>>, vector<16xf32>,
        tpu.vector_store %arg11[%swap3A_92, %swap3A_93], %mul3A_91 {strides = array<i32>} : memref<2000x16xf32, #tpu.memory_space<vmem>>, vector<16xf32>,
        %mul3A_95 = arith.constant 16 : i32
        %mul3A_96 = arith.muli %scan3A_49, %mul3A_95 : i32
        %add3A_97 = arith.constant 3 : i32
        %add3A_98 = arith.addi %mul3A_96, %add3A_97 : i32
        %get3A_99 = arith.index_cast %add3A_98 : i32 to index
        %get3A_100 = arith.constant 0 : index
        %get3A_101 = tpu.vector_load %arg11[%get3A_99, %get3A_100] {strides = array<i32>} : memref<2000x16xf32, #tpu.memory_space<vmem>>, vector<16xf32>,
        %broadcast_in_dim3A_102 = arith.constant 3 : i32
        %broadcast_in_dim3A_103 = vector.broadcast %broadcast_in_dim3A_102 : i32 to vector<16x1xi32>
        %gather3A_104 = vector.shape_cast %broadcast_in_dim3A_103 : vector<16x1xi32> to vector<16xi32>
        %gather3A_105 = tpu.dynamic_gather %get3A_52[%gather3A_104] in [0] : vector<16xf32>, vector<16xi32> -> vector<16xf32>
        %mul3A_106 = arith.mulf %get3A_101, %gather3A_105 : vector<16xf32>
        %swap3A_107 = arith.index_cast %add3A_98 : i32 to index
        %swap3A_108 = arith.constant 0 : index
        %swap3A_109 = tpu.vector_load %arg11[%swap3A_107, %swap3A_108] {strides = array<i32>} : memref<2000x16xf32, #tpu.memory_space<vmem>>, vector<16xf32>,
        tpu.vector_store %arg11[%swap3A_107, %swap3A_108], %mul3A_106 {strides = array<i32>} : memref<2000x16xf32, #tpu.memory_space<vmem>>, vector<16xf32>,
        %mul3A_110 = arith.constant 16 : i32
        %mul3A_111 = arith.muli %scan3A_49, %mul3A_110 : i32
        %add3A_112 = arith.constant 4 : i32
        %add3A_113 = arith.addi %mul3A_111, %add3A_112 : i32
        %get3A_114 = arith.index_cast %add3A_113 : i32 to index
        %get3A_115 = arith.constant 0 : index
        %get3A_116 = tpu.vector_load %arg11[%get3A_114, %get3A_115] {strides = array<i32>} : memref<2000x16xf32, #tpu.memory_space<vmem>>, vector<16xf32>,
        %broadcast_in_dim3A_117 = arith.constant 4 : i32
        %broadcast_in_dim3A_118 = vector.broadcast %broadcast_in_dim3A_117 : i32 to vector<16x1xi32>
        %gather3A_119 = vector.shape_cast %broadcast_in_dim3A_118 : vector<16x1xi32> to vector<16xi32>
        %gather3A_120 = tpu.dynamic_gather %get3A_52[%gather3A_119] in [0] : vector<16xf32>, vector<16xi32> -> vector<16xf32>
        %mul3A_121 = arith.mulf %get3A_116, %gather3A_120 : vector<16xf32>
        %swap3A_122 = arith.index_cast %add3A_113 : i32 to index
        %swap3A_123 = arith.constant 0 : index
        %swap3A_124 = tpu.vector_load %arg11[%swap3A_122, %swap3A_123] {strides = array<i32>} : memref<2000x16xf32, #tpu.memory_space<vmem>>, vector<16xf32>,
        tpu.vector_store %arg11[%swap3A_122, %swap3A_123], %mul3A_121 {strides = array<i32>} : memref<2000x16xf32, #tpu.memory_space<vmem>>, vector<16xf32>,
        %mul3A_125 = arith.constant 16 : i32
        %mul3A_126 = arith.muli %scan3A_49, %mul3A_125 : i32
        %add3A_127 = arith.constant 5 : i32
        %add3A_128 = arith.addi %mul3A_126, %add3A_127 : i32
        %get3A_129 = arith.index_cast %add3A_128 : i32 to index
        %get3A_130 = arith.constant 0 : index
        %get3A_131 = tpu.vector_load %arg11[%get3A_129, %get3A_130] {strides = array<i32>} : memref<2000x16xf32, #tpu.memory_space<vmem>>, vector<16xf32>,
        %broadcast_in_dim3A_132 = arith.constant 5 : i32
        %broadcast_in_dim3A_133 = vector.broadcast %broadcast_in_dim3A_132 : i32 to vector<16x1xi32>
        %gather3A_134 = vector.shape_cast %broadcast_in_dim3A_133 : vector<16x1xi32> to vector<16xi32>
        %gather3A_135 = tpu.dynamic_gather %get3A_52[%gather3A_134] in [0] : vector<16xf32>, vector<16xi32> -> vector<16xf32>
        %mul3A_136 = arith.mulf %get3A_131, %gather3A_135 : vector<16xf32>
        %swap3A_137 = arith.index_cast %add3A_128 : i32 to index
        %swap3A_138 = arith.constant 0 : index
        %swap3A_139 = tpu.vector_load %arg11[%swap3A_137, %swap3A_138] {strides = array<i32>} : memref<2000x16xf32, #tpu.memory_space<vmem>>, vector<16xf32>,
        tpu.vector_store %arg11[%swap3A_137, %swap3A_138], %mul3A_136 {strides = array<i32>} : memref<2000x16xf32, #tpu.memory_space<vmem>>, vector<16xf32>,
        %mul3A_140 = arith.constant 16 : i32
        %mul3A_141 = arith.muli %scan3A_49, %mul3A_140 : i32
        %add3A_142 = arith.constant 6 : i32
        %add3A_143 = arith.addi %mul3A_141, %add3A_142 : i32
        %get3A_144 = arith.index_cast %add3A_143 : i32 to index
        %get3A_145 = arith.constant 0 : index
        %get3A_146 = tpu.vector_load %arg11[%get3A_144, %get3A_145] {strides = array<i32>} : memref<2000x16xf32, #tpu.memory_space<vmem>>, vector<16xf32>,
        %broadcast_in_dim3A_147 = arith.constant 6 : i32
        %broadcast_in_dim3A_148 = vector.broadcast %broadcast_in_dim3A_147 : i32 to vector<16x1xi32>
        %gather3A_149 = vector.shape_cast %broadcast_in_dim3A_148 : vector<16x1xi32> to vector<16xi32>
        %gather3A_150 = tpu.dynamic_gather %get3A_52[%gather3A_149] in [0] : vector<16xf32>, vector<16xi32> -> vector<16xf32>
        %mul3A_151 = arith.mulf %get3A_146, %gather3A_150 : vector<16xf32>
        %swap3A_152 = arith.index_cast %add3A_143 : i32 to index
        %swap3A_153 = arith.constant 0 : index
        %swap3A_154 = tpu.vector_load %arg11[%swap3A_152, %swap3A_153] {strides = array<i32>} : memref<2000x16xf32, #tpu.memory_space<vmem>>, vector<16xf32>,
        tpu.vector_store %arg11[%swap3A_152, %swap3A_153], %mul3A_151 {strides = array<i32>} : memref<2000x16xf32, #tpu.memory_space<vmem>>, vector<16xf32>,
        %mul3A_155 = arith.constant 16 : i32
        %mul3A_156 = arith.muli %scan3A_49, %mul3A_155 : i32
        %add3A_157 = arith.constant 7 : i32
        %add3A_158 = arith.addi %mul3A_156, %add3A_157 : i32
        %get3A_159 = arith.index_cast %add3A_158 : i32 to index
        %get3A_160 = arith.constant 0 : index
        %get3A_161 = tpu.vector_load %arg11[%get3A_159, %get3A_160] {strides = array<i32>} : memref<2000x16xf32, #tpu.memory_space<vmem>>, vector<16xf32>,
        %broadcast_in_dim3A_162 = arith.constant 7 : i32
        %broadcast_in_dim3A_163 = vector.broadcast %broadcast_in_dim3A_162 : i32 to vector<16x1xi32>
        %gather3A_164 = vector.shape_cast %broadcast_in_dim3A_163 : vector<16x1xi32> to vector<16xi32>
        %gather3A_165 = tpu.dynamic_gather %get3A_52[%gather3A_164] in [0] : vector<16xf32>, vector<16xi32> -> vector<16xf32>
        %mul3A_166 = arith.mulf %get3A_161, %gather3A_165 : vector<16xf32>
        %swap3A_167 = arith.index_cast %add3A_158 : i32 to index
        %swap3A_168 = arith.constant 0 : index
        %swap3A_169 = tpu.vector_load %arg11[%swap3A_167, %swap3A_168] {strides = array<i32>} : memref<2000x16xf32, #tpu.memory_space<vmem>>, vector<16xf32>,
        tpu.vector_store %arg11[%swap3A_167, %swap3A_168], %mul3A_166 {strides = array<i32>} : memref<2000x16xf32, #tpu.memory_space<vmem>>, vector<16xf32>,
        %mul3A_170 = arith.constant 16 : i32
        %mul3A_171 = arith.muli %scan3A_49, %mul3A_170 : i32
        %add3A_172 = arith.constant 8 : i32
        %add3A_173 = arith.addi %mul3A_171, %add3A_172 : i32
        %get3A_174 = arith.index_cast %add3A_173 : i32 to index
        %get3A_175 = arith.constant 0 : index
        %get3A_176 = tpu.vector_load %arg11[%get3A_174, %get3A_175] {strides = array<i32>} : memref<2000x16xf32, #tpu.memory_space<vmem>>, vector<16xf32>,
        %broadcast_in_dim3A_177 = arith.constant 8 : i32
        %broadcast_in_dim3A_178 = vector.broadcast %broadcast_in_dim3A_177 : i32 to vector<16x1xi32>
        %gather3A_179 = vector.shape_cast %broadcast_in_dim3A_178 : vector<16x1xi32> to vector<16xi32>
        %gather3A_180 = tpu.dynamic_gather %get3A_52[%gather3A_179] in [0] : vector<16xf32>, vector<16xi32> -> vector<16xf32>
        %mul3A_181 = arith.mulf %get3A_176, %gather3A_180 : vector<16xf32>
        %swap3A_182 = arith.index_cast %add3A_173 : i32 to index
        %swap3A_183 = arith.constant 0 : index
        %swap3A_184 = tpu.vector_load %arg11[%swap3A_182, %swap3A_183] {strides = array<i32>} : memref<2000x16xf32, #tpu.memory_space<vmem>>, vector<16xf32>,
        tpu.vector_store %arg11[%swap3A_182, %swap3A_183], %mul3A_181 {strides = array<i32>} : memref<2000x16xf32, #tpu.memory_space<vmem>>, vector<16xf32>,
        %mul3A_185 = arith.constant 16 : i32
        %mul3A_186 = arith.muli %scan3A_49, %mul3A_185 : i32
        %add3A_187 = arith.constant 9 : i32
        %add3A_188 = arith.addi %mul3A_186, %add3A_187 : i32
        %get3A_189 = arith.index_cast %add3A_188 : i32 to index
        %get3A_190 = arith.constant 0 : index
        %get3A_191 = tpu.vector_load %arg11[%get3A_189, %get3A_190] {strides = array<i32>} : memref<2000x16xf32, #tpu.memory_space<vmem>>, vector<16xf32>,
        %broadcast_in_dim3A_192 = arith.constant 9 : i32
        %broadcast_in_dim3A_193 = vector.broadcast %broadcast_in_dim3A_192 : i32 to vector<16x1xi32>
        %gather3A_194 = vector.shape_cast %broadcast_in_dim3A_193 : vector<16x1xi32> to vector<16xi32>
        %gather3A_195 = tpu.dynamic_gather %get3A_52[%gather3A_194] in [0] : vector<16xf32>, vector<16xi32> -> vector<16xf32>
        %mul3A_196 = arith.mulf %get3A_191, %gather3A_195 : vector<16xf32>
        %swap3A_197 = arith.index_cast %add3A_188 : i32 to index
        %swap3A_198 = arith.constant 0 : index
        %swap3A_199 = tpu.vector_load %arg11[%swap3A_197, %swap3A_198] {strides = array<i32>} : memref<2000x16xf32, #tpu.memory_space<vmem>>, vector<16xf32>,
        tpu.vector_store %arg11[%swap3A_197, %swap3A_198], %mul3A_196 {strides = array<i32>} : memref<2000x16xf32, #tpu.memory_space<vmem>>, vector<16xf32>,
        %mul3A_200 = arith.constant 16 : i32
        %mul3A_201 = arith.muli %scan3A_49, %mul3A_200 : i32
        %add3A_202 = arith.constant 10 : i32
        %add3A_203 = arith.addi %mul3A_201, %add3A_202 : i32
        %get3A_204 = arith.index_cast %add3A_203 : i32 to index
        %get3A_205 = arith.constant 0 : index
        %get3A_206 = tpu.vector_load %arg11[%get3A_204, %get3A_205] {strides = array<i32>} : memref<2000x16xf32, #tpu.memory_space<vmem>>, vector<16xf32>,
        %broadcast_in_dim3A_207 = arith.constant 10 : i32
        %broadcast_in_dim3A_208 = vector.broadcast %broadcast_in_dim3A_207 : i32 to vector<16x1xi32>
        %gather3A_209 = vector.shape_cast %broadcast_in_dim3A_208 : vector<16x1xi32> to vector<16xi32>
        %gather3A_210 = tpu.dynamic_gather %get3A_52[%gather3A_209] in [0] : vector<16xf32>, vector<16xi32> -> vector<16xf32>
        %mul3A_211 = arith.mulf %get3A_206, %gather3A_210 : vector<16xf32>
        %swap3A_212 = arith.index_cast %add3A_203 : i32 to index
        %swap3A_213 = arith.constant 0 : index
        %swap3A_214 = tpu.vector_load %arg11[%swap3A_212, %swap3A_213] {strides = array<i32>} : memref<2000x16xf32, #tpu.memory_space<vmem>>, vector<16xf32>,
        tpu.vector_store %arg11[%swap3A_212, %swap3A_213], %mul3A_211 {strides = array<i32>} : memref<2000x16xf32, #tpu.memory_space<vmem>>, vector<16xf32>,
        %mul3A_215 = arith.constant 16 : i32
        %mul3A_216 = arith.muli %scan3A_49, %mul3A_215 : i32
        %add3A_217 = arith.constant 11 : i32
        %add3A_218 = arith.addi %mul3A_216, %add3A_217 : i32
        %get3A_219 = arith.index_cast %add3A_218 : i32 to index
        %get3A_220 = arith.constant 0 : index
        %get3A_221 = tpu.vector_load %arg11[%get3A_219, %get3A_220] {strides = array<i32>} : memref<2000x16xf32, #tpu.memory_space<vmem>>, vector<16xf32>,
        %broadcast_in_dim3A_222 = arith.constant 11 : i32
        %broadcast_in_dim3A_223 = vector.broadcast %broadcast_in_dim3A_222 : i32 to vector<16x1xi32>
        %gather3A_224 = vector.shape_cast %broadcast_in_dim3A_223 : vector<16x1xi32> to vector<16xi32>
        %gather3A_225 = tpu.dynamic_gather %get3A_52[%gather3A_224] in [0] : vector<16xf32>, vector<16xi32> -> vector<16xf32>
        %mul3A_226 = arith.mulf %get3A_221, %gather3A_225 : vector<16xf32>
        %swap3A_227 = arith.index_cast %add3A_218 : i32 to index
        %swap3A_228 = arith.constant 0 : index
        %swap3A_229 = tpu.vector_load %arg11[%swap3A_227, %swap3A_228] {strides = array<i32>} : memref<2000x16xf32, #tpu.memory_space<vmem>>, vector<16xf32>,
        tpu.vector_store %arg11[%swap3A_227, %swap3A_228], %mul3A_226 {strides = array<i32>} : memref<2000x16xf32, #tpu.memory_space<vmem>>, vector<16xf32>,
        %mul3A_230 = arith.constant 16 : i32
        %mul3A_231 = arith.muli %scan3A_49, %mul3A_230 : i32
        %add3A_232 = arith.constant 12 : i32
        %add3A_233 = arith.addi %mul3A_231, %add3A_232 : i32
        %get3A_234 = arith.index_cast %add3A_233 : i32 to index
        %get3A_235 = arith.constant 0 : index
        %get3A_236 = tpu.vector_load %arg11[%get3A_234, %get3A_235] {strides = array<i32>} : memref<2000x16xf32, #tpu.memory_space<vmem>>, vector<16xf32>,
        %broadcast_in_dim3A_237 = arith.constant 12 : i32
        %broadcast_in_dim3A_238 = vector.broadcast %broadcast_in_dim3A_237 : i32 to vector<16x1xi32>
        %gather3A_239 = vector.shape_cast %broadcast_in_dim3A_238 : vector<16x1xi32> to vector<16xi32>
        %gather3A_240 = tpu.dynamic_gather %get3A_52[%gather3A_239] in [0] : vector<16xf32>, vector<16xi32> -> vector<16xf32>
        %mul3A_241 = arith.mulf %get3A_236, %gather3A_240 : vector<16xf32>
        %swap3A_242 = arith.index_cast %add3A_233 : i32 to index
        %swap3A_243 = arith.constant 0 : index
        %swap3A_244 = tpu.vector_load %arg11[%swap3A_242, %swap3A_243] {strides = array<i32>} : memref<2000x16xf32, #tpu.memory_space<vmem>>, vector<16xf32>,
        tpu.vector_store %arg11[%swap3A_242, %swap3A_243], %mul3A_241 {strides = array<i32>} : memref<2000x16xf32, #tpu.memory_space<vmem>>, vector<16xf32>,
        %mul3A_245 = arith.constant 16 : i32
        %mul3A_246 = arith.muli %scan3A_49, %mul3A_245 : i32
        %add3A_247 = arith.constant 13 : i32
        %add3A_248 = arith.addi %mul3A_246, %add3A_247 : i32
        %get3A_249 = arith.index_cast %add3A_248 : i32 to index
        %get3A_250 = arith.constant 0 : index
        %get3A_251 = tpu.vector_load %arg11[%get3A_249, %get3A_250] {strides = array<i32>} : memref<2000x16xf32, #tpu.memory_space<vmem>>, vector<16xf32>,
        %broadcast_in_dim3A_252 = arith.constant 13 : i32
        %broadcast_in_dim3A_253 = vector.broadcast %broadcast_in_dim3A_252 : i32 to vector<16x1xi32>
        %gather3A_254 = vector.shape_cast %broadcast_in_dim3A_253 : vector<16x1xi32> to vector<16xi32>
        %gather3A_255 = tpu.dynamic_gather %get3A_52[%gather3A_254] in [0] : vector<16xf32>, vector<16xi32> -> vector<16xf32>
        %mul3A_256 = arith.mulf %get3A_251, %gather3A_255 : vector<16xf32>
        %swap3A_257 = arith.index_cast %add3A_248 : i32 to index
        %swap3A_258 = arith.constant 0 : index
        %swap3A_259 = tpu.vector_load %arg11[%swap3A_257, %swap3A_258] {strides = array<i32>} : memref<2000x16xf32, #tpu.memory_space<vmem>>, vector<16xf32>,
        tpu.vector_store %arg11[%swap3A_257, %swap3A_258], %mul3A_256 {strides = array<i32>} : memref<2000x16xf32, #tpu.memory_space<vmem>>, vector<16xf32>,
        %mul3A_260 = arith.constant 16 : i32
        %mul3A_261 = arith.muli %scan3A_49, %mul3A_260 : i32
        %add3A_262 = arith.constant 14 : i32
        %add3A_263 = arith.addi %mul3A_261, %add3A_262 : i32
        %get3A_264 = arith.index_cast %add3A_263 : i32 to index
        %get3A_265 = arith.constant 0 : index
        %get3A_266 = tpu.vector_load %arg11[%get3A_264, %get3A_265] {strides = array<i32>} : memref<2000x16xf32, #tpu.memory_space<vmem>>, vector<16xf32>,
        %broadcast_in_dim3A_267 = arith.constant 14 : i32
        %broadcast_in_dim3A_268 = vector.broadcast %broadcast_in_dim3A_267 : i32 to vector<16x1xi32>
        %gather3A_269 = vector.shape_cast %broadcast_in_dim3A_268 : vector<16x1xi32> to vector<16xi32>
        %gather3A_270 = tpu.dynamic_gather %get3A_52[%gather3A_269] in [0] : vector<16xf32>, vector<16xi32> -> vector<16xf32>
        %mul3A_271 = arith.mulf %get3A_266, %gather3A_270 : vector<16xf32>
        %swap3A_272 = arith.index_cast %add3A_263 : i32 to index
        %swap3A_273 = arith.constant 0 : index
        %swap3A_274 = tpu.vector_load %arg11[%swap3A_272, %swap3A_273] {strides = array<i32>} : memref<2000x16xf32, #tpu.memory_space<vmem>>, vector<16xf32>,
        tpu.vector_store %arg11[%swap3A_272, %swap3A_273], %mul3A_271 {strides = array<i32>} : memref<2000x16xf32, #tpu.memory_space<vmem>>, vector<16xf32>,
        %mul3A_275 = arith.constant 16 : i32
        %mul3A_276 = arith.muli %scan3A_49, %mul3A_275 : i32
        %add3A_277 = arith.constant 15 : i32
        %add3A_278 = arith.addi %mul3A_276, %add3A_277 : i32
        %get3A_279 = arith.index_cast %add3A_278 : i32 to index
        %get3A_280 = arith.constant 0 : index
        %get3A_281 = tpu.vector_load %arg11[%get3A_279, %get3A_280] {strides = array<i32>} : memref<2000x16xf32, #tpu.memory_space<vmem>>, vector<16xf32>,
        %broadcast_in_dim3A_282 = arith.constant 15 : i32
        %broadcast_in_dim3A_283 = vector.broadcast %broadcast_in_dim3A_282 : i32 to vector<16x1xi32>
        %gather3A_284 = vector.shape_cast %broadcast_in_dim3A_283 : vector<16x1xi32> to vector<16xi32>
        %gather3A_285 = tpu.dynamic_gather %get3A_52[%gather3A_284] in [0] : vector<16xf32>, vector<16xi32> -> vector<16xf32>
        %mul3A_286 = arith.mulf %get3A_281, %gather3A_285 : vector<16xf32>
        %swap3A_287 = arith.index_cast %add3A_278 : i32 to index
        %swap3A_288 = arith.constant 0 : index
        %swap3A_289 = tpu.vector_load %arg11[%swap3A_287, %swap3A_288] {strides = array<i32>} : memref<2000x16xf32, #tpu.memory_space<vmem>>, vector<16xf32>,
        tpu.vector_store %arg11[%swap3A_287, %swap3A_288], %mul3A_286 {strides = array<i32>} : memref<2000x16xf32, #tpu.memory_space<vmem>>, vector<16xf32>,
      }
      %scan3A_37 = arith.constant 125 : i32
      "tpu.region"() ({
        %run_scoped3A = tpu.sem_alloc : memref<!tpu.dma_semaphore, #tpu.memory_space<semaphore_mem>>
        %dma_start3A_49 = arith.constant 0 : i32
        %dma_start3A_50 = arith.constant 0 : i32
        %dma_start3A_51 = tpu.memref_slice %arg17[%dma_start3A_49, %dma_start3A_50] : memref<10240x16xf32, #tpu.memory_space<vmem_shared>> -> memref<10240x16xf32, #tpu.memory_space<vmem_shared>>
        tpu.enqueue_indirect_dma source(%arg11 : memref<2000x16xf32, #tpu.memory_space<vmem>>) target(%dma_start3A_51 : memref<10240x16xf32, #tpu.memory_space<vmem_shared>>) offsets(%arg9 : memref<2000xi32, #tpu.memory_space<vmem>>) semaphore(%run_scoped3A : memref<!tpu.dma_semaphore, #tpu.memory_space<semaphore_mem>>) {add = true}
        %dma_wait3A_52 = arith.constant 0 : i32
        %dma_wait3A_53 = arith.constant 0 : i32
        %dma_wait3A_54 = tpu.memref_slice %arg17[%dma_wait3A_52, %dma_wait3A_53] : memref<10240x16xf32, #tpu.memory_space<vmem_shared>> -> memref<10240x16xf32, #tpu.memory_space<vmem_shared>>
        tpu.wait_indirect_dma semaphore(%run_scoped3A : memref<!tpu.dma_semaphore, #tpu.memory_space<semaphore_mem>>) src(%arg11 : memref<2000x16xf32, #tpu.memory_space<vmem>>) dst(%dma_wait3A_54 : memref<10240x16xf32, #tpu.memory_space<vmem_shared>>)
        tpu.yield
      }) : () -> ()
      %lt3A = arith.constant 4 : i32
      %lt3A_38 = arith.cmpi slt, %scan3A_19, %lt3A : i32
      %convert_element_type3A = arith.extui %lt3A_38 : i1 to i32
      %cond3A = arith.constant 0 : i32
      %cond3A_39 = arith.cmpi ne, %convert_element_type3A, %cond3A : i32
      scf.if %cond3A_39 {
        %add3A_49 = arith.constant 2 : i32
        %add3A_50 = arith.addi %mul3A_21, %add3A_49 : i32
        %mul3A_51 = arith.constant 2000 : i32
        %mul3A_52 = arith.muli %add3A_50, %mul3A_51 : i32
        %add3A_53 = arith.addi %mul3A_2, %mul3A_52 : i32
        "tpu.region"() ({
          %run_scoped3A = tpu.sem_alloc : memref<!tpu.dma_semaphore, #tpu.memory_space<semaphore_mem>>
          %dma_start3A_57 = tpu.memref_slice %arg3[%add3A_53] : memref<640000xi32, #tpu.memory_space<hbm>> -> memref<2000xi32, #tpu.memory_space<hbm>>
          %dma_start3A_58 = tpu.memref_slice %arg3[%add3A_53] : memref<640000xi32, #tpu.memory_space<hbm>> -> memref<2000xi32, #tpu.memory_space<hbm>>
          tpu.enqueue_dma source(%dma_start3A_58 : memref<2000xi32, #tpu.memory_space<hbm>>) target(%arg8 : memref<2000xi32, #tpu.memory_space<vmem>>) target_semaphore(%run_scoped3A : memref<!tpu.dma_semaphore, #tpu.memory_space<semaphore_mem>>)
          %dma_wait3A_59 = tpu.memref_slice %arg3[%add3A_53] : memref<640000xi32, #tpu.memory_space<hbm>> -> memref<2000xi32, #tpu.memory_space<hbm>>
          %dma_wait3A_60 = tpu.memref_slice %arg3[%add3A_53] : memref<640000xi32, #tpu.memory_space<hbm>> -> memref<2000xi32, #tpu.memory_space<hbm>>
          tpu.wait_dma2 semaphore(%run_scoped3A : memref<!tpu.dma_semaphore, #tpu.memory_space<semaphore_mem>>) src(%dma_wait3A_60 : memref<2000xi32, #tpu.memory_space<hbm>>) dst(%arg8 : memref<2000xi32, #tpu.memory_space<vmem>>)
          tpu.yield
        }) : () -> ()
        "tpu.region"() ({
          %run_scoped3A = tpu.sem_alloc : memref<!tpu.dma_semaphore, #tpu.memory_space<semaphore_mem>>
          %dma_start3A_57 = tpu.memref_slice %arg4[%add3A_53] : memref<640000xi32, #tpu.memory_space<hbm>> -> memref<2000xi32, #tpu.memory_space<hbm>>
          %dma_start3A_58 = tpu.memref_slice %arg4[%add3A_53] : memref<640000xi32, #tpu.memory_space<hbm>> -> memref<2000xi32, #tpu.memory_space<hbm>>
          tpu.enqueue_dma source(%dma_start3A_58 : memref<2000xi32, #tpu.memory_space<hbm>>) target(%arg9 : memref<2000xi32, #tpu.memory_space<vmem>>) target_semaphore(%run_scoped3A : memref<!tpu.dma_semaphore, #tpu.memory_space<semaphore_mem>>)
          %dma_wait3A_59 = tpu.memref_slice %arg4[%add3A_53] : memref<640000xi32, #tpu.memory_space<hbm>> -> memref<2000xi32, #tpu.memory_space<hbm>>
          %dma_wait3A_60 = tpu.memref_slice %arg4[%add3A_53] : memref<640000xi32, #tpu.memory_space<hbm>> -> memref<2000xi32, #tpu.memory_space<hbm>>
          tpu.wait_dma2 semaphore(%run_scoped3A : memref<!tpu.dma_semaphore, #tpu.memory_space<semaphore_mem>>) src(%dma_wait3A_60 : memref<2000xi32, #tpu.memory_space<hbm>>) dst(%arg9 : memref<2000xi32, #tpu.memory_space<vmem>>)
          tpu.yield
        }) : () -> ()
        "tpu.region"() ({
          %run_scoped3A = tpu.sem_alloc : memref<!tpu.dma_semaphore, #tpu.memory_space<semaphore_mem>>
          %dma_start3A_57 = tpu.memref_slice %arg5[%add3A_53] : memref<640000xf32, #tpu.memory_space<hbm>> -> memref<2000xf32, #tpu.memory_space<hbm>>
          %dma_start3A_58 = tpu.memref_slice %arg5[%add3A_53] : memref<640000xf32, #tpu.memory_space<hbm>> -> memref<2000xf32, #tpu.memory_space<hbm>>
          tpu.enqueue_dma source(%dma_start3A_58 : memref<2000xf32, #tpu.memory_space<hbm>>) target(%arg10 : memref<2000xf32, #tpu.memory_space<vmem>>) target_semaphore(%run_scoped3A : memref<!tpu.dma_semaphore, #tpu.memory_space<semaphore_mem>>)
          %dma_wait3A_59 = tpu.memref_slice %arg5[%add3A_53] : memref<640000xf32, #tpu.memory_space<hbm>> -> memref<2000xf32, #tpu.memory_space<hbm>>
          %dma_wait3A_60 = tpu.memref_slice %arg5[%add3A_53] : memref<640000xf32, #tpu.memory_space<hbm>> -> memref<2000xf32, #tpu.memory_space<hbm>>
          tpu.wait_dma2 semaphore(%run_scoped3A : memref<!tpu.dma_semaphore, #tpu.memory_space<semaphore_mem>>) src(%dma_wait3A_60 : memref<2000xf32, #tpu.memory_space<hbm>>) dst(%arg10 : memref<2000xf32, #tpu.memory_space<vmem>>)
          tpu.yield
        }) : () -> ()
        %dma_start3A_54 = arith.constant 0 : i32
        %dma_start3A_55 = arith.constant 0 : i32
        %dma_start3A_56 = tpu.memref_slice %arg2[%dma_start3A_54, %dma_start3A_55] : memref<10000x16xf32, #tpu.memory_space<hbm>> -> memref<10000x16xf32, #tpu.memory_space<hbm>>
        tpu.enqueue_indirect_dma source(%dma_start3A_56 : memref<10000x16xf32, #tpu.memory_space<hbm>>) target(%arg11 : memref<2000x16xf32, #tpu.memory_space<vmem>>) offsets(%arg8 : memref<2000xi32, #tpu.memory_space<vmem>>) semaphore(%arg18 : memref<!tpu.dma_semaphore, #tpu.memory_space<semaphore_mem>>)
      } else {
      }
      %dma_wait3A_40 = arith.constant 0 : i32
      %dma_wait3A_41 = arith.constant 0 : i32
      %dma_wait3A_42 = tpu.memref_slice %arg2[%dma_wait3A_40, %dma_wait3A_41] : memref<10000x16xf32, #tpu.memory_space<hbm>> -> memref<10000x16xf32, #tpu.memory_space<hbm>>
      tpu.wait_indirect_dma semaphore(%arg19 : memref<!tpu.dma_semaphore, #tpu.memory_space<semaphore_mem>>) src(%dma_wait3A_42 : memref<10000x16xf32, #tpu.memory_space<hbm>>) dst(%arg15 : memref<2000x16xf32, #tpu.memory_space<vmem>>)
      %scan3A_43 = arith.constant 0 : i32
      %scan3A_44 = arith.constant 0 : i32
      %scan3A_45 = arith.constant 125 : i32
      %scan3A_46 = arith.addi %scan3A_44, %scan3A_45 : i32
      %scan3A_47 = arith.constant 1 : i32
      scf.for %scan3A_49 = %scan3A_44 to %scan3A_46 step %scan3A_47  : i32 {
        %mul3A_50 = arith.constant 16 : i32
        %mul3A_51 = arith.muli %scan3A_49, %mul3A_50 : i32
        %get3A = arith.index_cast %mul3A_51 : i32 to index
        %get3A_52 = tpu.vector_load %arg14[%get3A] {strides = array<i32>} : memref<2000xf32, #tpu.memory_space<vmem>>, vector<16xf32>,
        %mul3A_53 = arith.constant 16 : i32
        %mul3A_54 = arith.muli %scan3A_49, %mul3A_53 : i32
        %add3A_55 = arith.constant 0 : i32
        %add3A_56 = arith.addi %mul3A_54, %add3A_55 : i32
        %get3A_57 = arith.index_cast %add3A_56 : i32 to index
        %get3A_58 = arith.constant 0 : index
        %get3A_59 = tpu.vector_load %arg15[%get3A_57, %get3A_58] {strides = array<i32>} : memref<2000x16xf32, #tpu.memory_space<vmem>>, vector<16xf32>,
        %broadcast_in_dim3A = arith.constant 0 : i32
        %broadcast_in_dim3A_60 = vector.broadcast %broadcast_in_dim3A : i32 to vector<16x1xi32>
        %gather3A = vector.shape_cast %broadcast_in_dim3A_60 : vector<16x1xi32> to vector<16xi32>
        %gather3A_61 = tpu.dynamic_gather %get3A_52[%gather3A] in [0] : vector<16xf32>, vector<16xi32> -> vector<16xf32>
        %mul3A_62 = arith.mulf %get3A_59, %gather3A_61 : vector<16xf32>
        %swap3A = arith.index_cast %add3A_56 : i32 to index
        %swap3A_63 = arith.constant 0 : index
        %swap3A_64 = tpu.vector_load %arg15[%swap3A, %swap3A_63] {strides = array<i32>} : memref<2000x16xf32, #tpu.memory_space<vmem>>, vector<16xf32>,
        tpu.vector_store %arg15[%swap3A, %swap3A_63], %mul3A_62 {strides = array<i32>} : memref<2000x16xf32, #tpu.memory_space<vmem>>, vector<16xf32>,
        %mul3A_65 = arith.constant 16 : i32
        %mul3A_66 = arith.muli %scan3A_49, %mul3A_65 : i32
        %add3A_67 = arith.constant 1 : i32
        %add3A_68 = arith.addi %mul3A_66, %add3A_67 : i32
        %get3A_69 = arith.index_cast %add3A_68 : i32 to index
        %get3A_70 = arith.constant 0 : index
        %get3A_71 = tpu.vector_load %arg15[%get3A_69, %get3A_70] {strides = array<i32>} : memref<2000x16xf32, #tpu.memory_space<vmem>>, vector<16xf32>,
        %broadcast_in_dim3A_72 = arith.constant 1 : i32
        %broadcast_in_dim3A_73 = vector.broadcast %broadcast_in_dim3A_72 : i32 to vector<16x1xi32>
        %gather3A_74 = vector.shape_cast %broadcast_in_dim3A_73 : vector<16x1xi32> to vector<16xi32>
        %gather3A_75 = tpu.dynamic_gather %get3A_52[%gather3A_74] in [0] : vector<16xf32>, vector<16xi32> -> vector<16xf32>
        %mul3A_76 = arith.mulf %get3A_71, %gather3A_75 : vector<16xf32>
        %swap3A_77 = arith.index_cast %add3A_68 : i32 to index
        %swap3A_78 = arith.constant 0 : index
        %swap3A_79 = tpu.vector_load %arg15[%swap3A_77, %swap3A_78] {strides = array<i32>} : memref<2000x16xf32, #tpu.memory_space<vmem>>, vector<16xf32>,
        tpu.vector_store %arg15[%swap3A_77, %swap3A_78], %mul3A_76 {strides = array<i32>} : memref<2000x16xf32, #tpu.memory_space<vmem>>, vector<16xf32>,
        %mul3A_80 = arith.constant 16 : i32
        %mul3A_81 = arith.muli %scan3A_49, %mul3A_80 : i32
        %add3A_82 = arith.constant 2 : i32
        %add3A_83 = arith.addi %mul3A_81, %add3A_82 : i32
        %get3A_84 = arith.index_cast %add3A_83 : i32 to index
        %get3A_85 = arith.constant 0 : index
        %get3A_86 = tpu.vector_load %arg15[%get3A_84, %get3A_85] {strides = array<i32>} : memref<2000x16xf32, #tpu.memory_space<vmem>>, vector<16xf32>,
        %broadcast_in_dim3A_87 = arith.constant 2 : i32
        %broadcast_in_dim3A_88 = vector.broadcast %broadcast_in_dim3A_87 : i32 to vector<16x1xi32>
        %gather3A_89 = vector.shape_cast %broadcast_in_dim3A_88 : vector<16x1xi32> to vector<16xi32>
        %gather3A_90 = tpu.dynamic_gather %get3A_52[%gather3A_89] in [0] : vector<16xf32>, vector<16xi32> -> vector<16xf32>
        %mul3A_91 = arith.mulf %get3A_86, %gather3A_90 : vector<16xf32>
        %swap3A_92 = arith.index_cast %add3A_83 : i32 to index
        %swap3A_93 = arith.constant 0 : index
        %swap3A_94 = tpu.vector_load %arg15[%swap3A_92, %swap3A_93] {strides = array<i32>} : memref<2000x16xf32, #tpu.memory_space<vmem>>, vector<16xf32>,
        tpu.vector_store %arg15[%swap3A_92, %swap3A_93], %mul3A_91 {strides = array<i32>} : memref<2000x16xf32, #tpu.memory_space<vmem>>, vector<16xf32>,
        %mul3A_95 = arith.constant 16 : i32
        %mul3A_96 = arith.muli %scan3A_49, %mul3A_95 : i32
        %add3A_97 = arith.constant 3 : i32
        %add3A_98 = arith.addi %mul3A_96, %add3A_97 : i32
        %get3A_99 = arith.index_cast %add3A_98 : i32 to index
        %get3A_100 = arith.constant 0 : index
        %get3A_101 = tpu.vector_load %arg15[%get3A_99, %get3A_100] {strides = array<i32>} : memref<2000x16xf32, #tpu.memory_space<vmem>>, vector<16xf32>,
        %broadcast_in_dim3A_102 = arith.constant 3 : i32
        %broadcast_in_dim3A_103 = vector.broadcast %broadcast_in_dim3A_102 : i32 to vector<16x1xi32>
        %gather3A_104 = vector.shape_cast %broadcast_in_dim3A_103 : vector<16x1xi32> to vector<16xi32>
        %gather3A_105 = tpu.dynamic_gather %get3A_52[%gather3A_104] in [0] : vector<16xf32>, vector<16xi32> -> vector<16xf32>
        %mul3A_106 = arith.mulf %get3A_101, %gather3A_105 : vector<16xf32>
        %swap3A_107 = arith.index_cast %add3A_98 : i32 to index
        %swap3A_108 = arith.constant 0 : index
        %swap3A_109 = tpu.vector_load %arg15[%swap3A_107, %swap3A_108] {strides = array<i32>} : memref<2000x16xf32, #tpu.memory_space<vmem>>, vector<16xf32>,
        tpu.vector_store %arg15[%swap3A_107, %swap3A_108], %mul3A_106 {strides = array<i32>} : memref<2000x16xf32, #tpu.memory_space<vmem>>, vector<16xf32>,
        %mul3A_110 = arith.constant 16 : i32
        %mul3A_111 = arith.muli %scan3A_49, %mul3A_110 : i32
        %add3A_112 = arith.constant 4 : i32
        %add3A_113 = arith.addi %mul3A_111, %add3A_112 : i32
        %get3A_114 = arith.index_cast %add3A_113 : i32 to index
        %get3A_115 = arith.constant 0 : index
        %get3A_116 = tpu.vector_load %arg15[%get3A_114, %get3A_115] {strides = array<i32>} : memref<2000x16xf32, #tpu.memory_space<vmem>>, vector<16xf32>,
        %broadcast_in_dim3A_117 = arith.constant 4 : i32
        %broadcast_in_dim3A_118 = vector.broadcast %broadcast_in_dim3A_117 : i32 to vector<16x1xi32>
        %gather3A_119 = vector.shape_cast %broadcast_in_dim3A_118 : vector<16x1xi32> to vector<16xi32>
        %gather3A_120 = tpu.dynamic_gather %get3A_52[%gather3A_119] in [0] : vector<16xf32>, vector<16xi32> -> vector<16xf32>
        %mul3A_121 = arith.mulf %get3A_116, %gather3A_120 : vector<16xf32>
        %swap3A_122 = arith.index_cast %add3A_113 : i32 to index
        %swap3A_123 = arith.constant 0 : index
        %swap3A_124 = tpu.vector_load %arg15[%swap3A_122, %swap3A_123] {strides = array<i32>} : memref<2000x16xf32, #tpu.memory_space<vmem>>, vector<16xf32>,
        tpu.vector_store %arg15[%swap3A_122, %swap3A_123], %mul3A_121 {strides = array<i32>} : memref<2000x16xf32, #tpu.memory_space<vmem>>, vector<16xf32>,
        %mul3A_125 = arith.constant 16 : i32
        %mul3A_126 = arith.muli %scan3A_49, %mul3A_125 : i32
        %add3A_127 = arith.constant 5 : i32
        %add3A_128 = arith.addi %mul3A_126, %add3A_127 : i32
        %get3A_129 = arith.index_cast %add3A_128 : i32 to index
        %get3A_130 = arith.constant 0 : index
        %get3A_131 = tpu.vector_load %arg15[%get3A_129, %get3A_130] {strides = array<i32>} : memref<2000x16xf32, #tpu.memory_space<vmem>>, vector<16xf32>,
        %broadcast_in_dim3A_132 = arith.constant 5 : i32
        %broadcast_in_dim3A_133 = vector.broadcast %broadcast_in_dim3A_132 : i32 to vector<16x1xi32>
        %gather3A_134 = vector.shape_cast %broadcast_in_dim3A_133 : vector<16x1xi32> to vector<16xi32>
        %gather3A_135 = tpu.dynamic_gather %get3A_52[%gather3A_134] in [0] : vector<16xf32>, vector<16xi32> -> vector<16xf32>
        %mul3A_136 = arith.mulf %get3A_131, %gather3A_135 : vector<16xf32>
        %swap3A_137 = arith.index_cast %add3A_128 : i32 to index
        %swap3A_138 = arith.constant 0 : index
        %swap3A_139 = tpu.vector_load %arg15[%swap3A_137, %swap3A_138] {strides = array<i32>} : memref<2000x16xf32, #tpu.memory_space<vmem>>, vector<16xf32>,
        tpu.vector_store %arg15[%swap3A_137, %swap3A_138], %mul3A_136 {strides = array<i32>} : memref<2000x16xf32, #tpu.memory_space<vmem>>, vector<16xf32>,
        %mul3A_140 = arith.constant 16 : i32
        %mul3A_141 = arith.muli %scan3A_49, %mul3A_140 : i32
        %add3A_142 = arith.constant 6 : i32
        %add3A_143 = arith.addi %mul3A_141, %add3A_142 : i32
        %get3A_144 = arith.index_cast %add3A_143 : i32 to index
        %get3A_145 = arith.constant 0 : index
        %get3A_146 = tpu.vector_load %arg15[%get3A_144, %get3A_145] {strides = array<i32>} : memref<2000x16xf32, #tpu.memory_space<vmem>>, vector<16xf32>,
        %broadcast_in_dim3A_147 = arith.constant 6 : i32
        %broadcast_in_dim3A_148 = vector.broadcast %broadcast_in_dim3A_147 : i32 to vector<16x1xi32>
        %gather3A_149 = vector.shape_cast %broadcast_in_dim3A_148 : vector<16x1xi32> to vector<16xi32>
        %gather3A_150 = tpu.dynamic_gather %get3A_52[%gather3A_149] in [0] : vector<16xf32>, vector<16xi32> -> vector<16xf32>
        %mul3A_151 = arith.mulf %get3A_146, %gather3A_150 : vector<16xf32>
        %swap3A_152 = arith.index_cast %add3A_143 : i32 to index
        %swap3A_153 = arith.constant 0 : index
        %swap3A_154 = tpu.vector_load %arg15[%swap3A_152, %swap3A_153] {strides = array<i32>} : memref<2000x16xf32, #tpu.memory_space<vmem>>, vector<16xf32>,
        tpu.vector_store %arg15[%swap3A_152, %swap3A_153], %mul3A_151 {strides = array<i32>} : memref<2000x16xf32, #tpu.memory_space<vmem>>, vector<16xf32>,
        %mul3A_155 = arith.constant 16 : i32
        %mul3A_156 = arith.muli %scan3A_49, %mul3A_155 : i32
        %add3A_157 = arith.constant 7 : i32
        %add3A_158 = arith.addi %mul3A_156, %add3A_157 : i32
        %get3A_159 = arith.index_cast %add3A_158 : i32 to index
        %get3A_160 = arith.constant 0 : index
        %get3A_161 = tpu.vector_load %arg15[%get3A_159, %get3A_160] {strides = array<i32>} : memref<2000x16xf32, #tpu.memory_space<vmem>>, vector<16xf32>,
        %broadcast_in_dim3A_162 = arith.constant 7 : i32
        %broadcast_in_dim3A_163 = vector.broadcast %broadcast_in_dim3A_162 : i32 to vector<16x1xi32>
        %gather3A_164 = vector.shape_cast %broadcast_in_dim3A_163 : vector<16x1xi32> to vector<16xi32>
        %gather3A_165 = tpu.dynamic_gather %get3A_52[%gather3A_164] in [0] : vector<16xf32>, vector<16xi32> -> vector<16xf32>
        %mul3A_166 = arith.mulf %get3A_161, %gather3A_165 : vector<16xf32>
        %swap3A_167 = arith.index_cast %add3A_158 : i32 to index
        %swap3A_168 = arith.constant 0 : index
        %swap3A_169 = tpu.vector_load %arg15[%swap3A_167, %swap3A_168] {strides = array<i32>} : memref<2000x16xf32, #tpu.memory_space<vmem>>, vector<16xf32>,
        tpu.vector_store %arg15[%swap3A_167, %swap3A_168], %mul3A_166 {strides = array<i32>} : memref<2000x16xf32, #tpu.memory_space<vmem>>, vector<16xf32>,
        %mul3A_170 = arith.constant 16 : i32
        %mul3A_171 = arith.muli %scan3A_49, %mul3A_170 : i32
        %add3A_172 = arith.constant 8 : i32
        %add3A_173 = arith.addi %mul3A_171, %add3A_172 : i32
        %get3A_174 = arith.index_cast %add3A_173 : i32 to index
        %get3A_175 = arith.constant 0 : index
        %get3A_176 = tpu.vector_load %arg15[%get3A_174, %get3A_175] {strides = array<i32>} : memref<2000x16xf32, #tpu.memory_space<vmem>>, vector<16xf32>,
        %broadcast_in_dim3A_177 = arith.constant 8 : i32
        %broadcast_in_dim3A_178 = vector.broadcast %broadcast_in_dim3A_177 : i32 to vector<16x1xi32>
        %gather3A_179 = vector.shape_cast %broadcast_in_dim3A_178 : vector<16x1xi32> to vector<16xi32>
        %gather3A_180 = tpu.dynamic_gather %get3A_52[%gather3A_179] in [0] : vector<16xf32>, vector<16xi32> -> vector<16xf32>
        %mul3A_181 = arith.mulf %get3A_176, %gather3A_180 : vector<16xf32>
        %swap3A_182 = arith.index_cast %add3A_173 : i32 to index
        %swap3A_183 = arith.constant 0 : index
        %swap3A_184 = tpu.vector_load %arg15[%swap3A_182, %swap3A_183] {strides = array<i32>} : memref<2000x16xf32, #tpu.memory_space<vmem>>, vector<16xf32>,
        tpu.vector_store %arg15[%swap3A_182, %swap3A_183], %mul3A_181 {strides = array<i32>} : memref<2000x16xf32, #tpu.memory_space<vmem>>, vector<16xf32>,
        %mul3A_185 = arith.constant 16 : i32
        %mul3A_186 = arith.muli %scan3A_49, %mul3A_185 : i32
        %add3A_187 = arith.constant 9 : i32
        %add3A_188 = arith.addi %mul3A_186, %add3A_187 : i32
        %get3A_189 = arith.index_cast %add3A_188 : i32 to index
        %get3A_190 = arith.constant 0 : index
        %get3A_191 = tpu.vector_load %arg15[%get3A_189, %get3A_190] {strides = array<i32>} : memref<2000x16xf32, #tpu.memory_space<vmem>>, vector<16xf32>,
        %broadcast_in_dim3A_192 = arith.constant 9 : i32
        %broadcast_in_dim3A_193 = vector.broadcast %broadcast_in_dim3A_192 : i32 to vector<16x1xi32>
        %gather3A_194 = vector.shape_cast %broadcast_in_dim3A_193 : vector<16x1xi32> to vector<16xi32>
        %gather3A_195 = tpu.dynamic_gather %get3A_52[%gather3A_194] in [0] : vector<16xf32>, vector<16xi32> -> vector<16xf32>
        %mul3A_196 = arith.mulf %get3A_191, %gather3A_195 : vector<16xf32>
        %swap3A_197 = arith.index_cast %add3A_188 : i32 to index
        %swap3A_198 = arith.constant 0 : index
        %swap3A_199 = tpu.vector_load %arg15[%swap3A_197, %swap3A_198] {strides = array<i32>} : memref<2000x16xf32, #tpu.memory_space<vmem>>, vector<16xf32>,
        tpu.vector_store %arg15[%swap3A_197, %swap3A_198], %mul3A_196 {strides = array<i32>} : memref<2000x16xf32, #tpu.memory_space<vmem>>, vector<16xf32>,
        %mul3A_200 = arith.constant 16 : i32
        %mul3A_201 = arith.muli %scan3A_49, %mul3A_200 : i32
        %add3A_202 = arith.constant 10 : i32
        %add3A_203 = arith.addi %mul3A_201, %add3A_202 : i32
        %get3A_204 = arith.index_cast %add3A_203 : i32 to index
        %get3A_205 = arith.constant 0 : index
        %get3A_206 = tpu.vector_load %arg15[%get3A_204, %get3A_205] {strides = array<i32>} : memref<2000x16xf32, #tpu.memory_space<vmem>>, vector<16xf32>,
        %broadcast_in_dim3A_207 = arith.constant 10 : i32
        %broadcast_in_dim3A_208 = vector.broadcast %broadcast_in_dim3A_207 : i32 to vector<16x1xi32>
        %gather3A_209 = vector.shape_cast %broadcast_in_dim3A_208 : vector<16x1xi32> to vector<16xi32>
        %gather3A_210 = tpu.dynamic_gather %get3A_52[%gather3A_209] in [0] : vector<16xf32>, vector<16xi32> -> vector<16xf32>
        %mul3A_211 = arith.mulf %get3A_206, %gather3A_210 : vector<16xf32>
        %swap3A_212 = arith.index_cast %add3A_203 : i32 to index
        %swap3A_213 = arith.constant 0 : index
        %swap3A_214 = tpu.vector_load %arg15[%swap3A_212, %swap3A_213] {strides = array<i32>} : memref<2000x16xf32, #tpu.memory_space<vmem>>, vector<16xf32>,
        tpu.vector_store %arg15[%swap3A_212, %swap3A_213], %mul3A_211 {strides = array<i32>} : memref<2000x16xf32, #tpu.memory_space<vmem>>, vector<16xf32>,
        %mul3A_215 = arith.constant 16 : i32
        %mul3A_216 = arith.muli %scan3A_49, %mul3A_215 : i32
        %add3A_217 = arith.constant 11 : i32
        %add3A_218 = arith.addi %mul3A_216, %add3A_217 : i32
        %get3A_219 = arith.index_cast %add3A_218 : i32 to index
        %get3A_220 = arith.constant 0 : index
        %get3A_221 = tpu.vector_load %arg15[%get3A_219, %get3A_220] {strides = array<i32>} : memref<2000x16xf32, #tpu.memory_space<vmem>>, vector<16xf32>,
        %broadcast_in_dim3A_222 = arith.constant 11 : i32
        %broadcast_in_dim3A_223 = vector.broadcast %broadcast_in_dim3A_222 : i32 to vector<16x1xi32>
        %gather3A_224 = vector.shape_cast %broadcast_in_dim3A_223 : vector<16x1xi32> to vector<16xi32>
        %gather3A_225 = tpu.dynamic_gather %get3A_52[%gather3A_224] in [0] : vector<16xf32>, vector<16xi32> -> vector<16xf32>
        %mul3A_226 = arith.mulf %get3A_221, %gather3A_225 : vector<16xf32>
        %swap3A_227 = arith.index_cast %add3A_218 : i32 to index
        %swap3A_228 = arith.constant 0 : index
        %swap3A_229 = tpu.vector_load %arg15[%swap3A_227, %swap3A_228] {strides = array<i32>} : memref<2000x16xf32, #tpu.memory_space<vmem>>, vector<16xf32>,
        tpu.vector_store %arg15[%swap3A_227, %swap3A_228], %mul3A_226 {strides = array<i32>} : memref<2000x16xf32, #tpu.memory_space<vmem>>, vector<16xf32>,
        %mul3A_230 = arith.constant 16 : i32
        %mul3A_231 = arith.muli %scan3A_49, %mul3A_230 : i32
        %add3A_232 = arith.constant 12 : i32
        %add3A_233 = arith.addi %mul3A_231, %add3A_232 : i32
        %get3A_234 = arith.index_cast %add3A_233 : i32 to index
        %get3A_235 = arith.constant 0 : index
        %get3A_236 = tpu.vector_load %arg15[%get3A_234, %get3A_235] {strides = array<i32>} : memref<2000x16xf32, #tpu.memory_space<vmem>>, vector<16xf32>,
        %broadcast_in_dim3A_237 = arith.constant 12 : i32
        %broadcast_in_dim3A_238 = vector.broadcast %broadcast_in_dim3A_237 : i32 to vector<16x1xi32>
        %gather3A_239 = vector.shape_cast %broadcast_in_dim3A_238 : vector<16x1xi32> to vector<16xi32>
        %gather3A_240 = tpu.dynamic_gather %get3A_52[%gather3A_239] in [0] : vector<16xf32>, vector<16xi32> -> vector<16xf32>
        %mul3A_241 = arith.mulf %get3A_236, %gather3A_240 : vector<16xf32>
        %swap3A_242 = arith.index_cast %add3A_233 : i32 to index
        %swap3A_243 = arith.constant 0 : index
        %swap3A_244 = tpu.vector_load %arg15[%swap3A_242, %swap3A_243] {strides = array<i32>} : memref<2000x16xf32, #tpu.memory_space<vmem>>, vector<16xf32>,
        tpu.vector_store %arg15[%swap3A_242, %swap3A_243], %mul3A_241 {strides = array<i32>} : memref<2000x16xf32, #tpu.memory_space<vmem>>, vector<16xf32>,
        %mul3A_245 = arith.constant 16 : i32
        %mul3A_246 = arith.muli %scan3A_49, %mul3A_245 : i32
        %add3A_247 = arith.constant 13 : i32
        %add3A_248 = arith.addi %mul3A_246, %add3A_247 : i32
        %get3A_249 = arith.index_cast %add3A_248 : i32 to index
        %get3A_250 = arith.constant 0 : index
        %get3A_251 = tpu.vector_load %arg15[%get3A_249, %get3A_250] {strides = array<i32>} : memref<2000x16xf32, #tpu.memory_space<vmem>>, vector<16xf32>,
        %broadcast_in_dim3A_252 = arith.constant 13 : i32
        %broadcast_in_dim3A_253 = vector.broadcast %broadcast_in_dim3A_252 : i32 to vector<16x1xi32>
        %gather3A_254 = vector.shape_cast %broadcast_in_dim3A_253 : vector<16x1xi32> to vector<16xi32>
        %gather3A_255 = tpu.dynamic_gather %get3A_52[%gather3A_254] in [0] : vector<16xf32>, vector<16xi32> -> vector<16xf32>
        %mul3A_256 = arith.mulf %get3A_251, %gather3A_255 : vector<16xf32>
        %swap3A_257 = arith.index_cast %add3A_248 : i32 to index
        %swap3A_258 = arith.constant 0 : index
        %swap3A_259 = tpu.vector_load %arg15[%swap3A_257, %swap3A_258] {strides = array<i32>} : memref<2000x16xf32, #tpu.memory_space<vmem>>, vector<16xf32>,
        tpu.vector_store %arg15[%swap3A_257, %swap3A_258], %mul3A_256 {strides = array<i32>} : memref<2000x16xf32, #tpu.memory_space<vmem>>, vector<16xf32>,
        %mul3A_260 = arith.constant 16 : i32
        %mul3A_261 = arith.muli %scan3A_49, %mul3A_260 : i32
        %add3A_262 = arith.constant 14 : i32
        %add3A_263 = arith.addi %mul3A_261, %add3A_262 : i32
        %get3A_264 = arith.index_cast %add3A_263 : i32 to index
        %get3A_265 = arith.constant 0 : index
        %get3A_266 = tpu.vector_load %arg15[%get3A_264, %get3A_265] {strides = array<i32>} : memref<2000x16xf32, #tpu.memory_space<vmem>>, vector<16xf32>,
        %broadcast_in_dim3A_267 = arith.constant 14 : i32
        %broadcast_in_dim3A_268 = vector.broadcast %broadcast_in_dim3A_267 : i32 to vector<16x1xi32>
        %gather3A_269 = vector.shape_cast %broadcast_in_dim3A_268 : vector<16x1xi32> to vector<16xi32>
        %gather3A_270 = tpu.dynamic_gather %get3A_52[%gather3A_269] in [0] : vector<16xf32>, vector<16xi32> -> vector<16xf32>
        %mul3A_271 = arith.mulf %get3A_266, %gather3A_270 : vector<16xf32>
        %swap3A_272 = arith.index_cast %add3A_263 : i32 to index
        %swap3A_273 = arith.constant 0 : index
        %swap3A_274 = tpu.vector_load %arg15[%swap3A_272, %swap3A_273] {strides = array<i32>} : memref<2000x16xf32, #tpu.memory_space<vmem>>, vector<16xf32>,
        tpu.vector_store %arg15[%swap3A_272, %swap3A_273], %mul3A_271 {strides = array<i32>} : memref<2000x16xf32, #tpu.memory_space<vmem>>, vector<16xf32>,
        %mul3A_275 = arith.constant 16 : i32
        %mul3A_276 = arith.muli %scan3A_49, %mul3A_275 : i32
        %add3A_277 = arith.constant 15 : i32
        %add3A_278 = arith.addi %mul3A_276, %add3A_277 : i32
        %get3A_279 = arith.index_cast %add3A_278 : i32 to index
        %get3A_280 = arith.constant 0 : index
        %get3A_281 = tpu.vector_load %arg15[%get3A_279, %get3A_280] {strides = array<i32>} : memref<2000x16xf32, #tpu.memory_space<vmem>>, vector<16xf32>,
        %broadcast_in_dim3A_282 = arith.constant 15 : i32
        %broadcast_in_dim3A_283 = vector.broadcast %broadcast_in_dim3A_282 : i32 to vector<16x1xi32>
        %gather3A_284 = vector.shape_cast %broadcast_in_dim3A_283 : vector<16x1xi32> to vector<16xi32>
        %gather3A_285 = tpu.dynamic_gather %get3A_52[%gather3A_284] in [0] : vector<16xf32>, vector<16xi32> -> vector<16xf32>
        %mul3A_286 = arith.mulf %get3A_281, %gather3A_285 : vector<16xf32>
        %swap3A_287 = arith.index_cast %add3A_278 : i32 to index
        %swap3A_288 = arith.constant 0 : index
        %swap3A_289 = tpu.vector_load %arg15[%swap3A_287, %swap3A_288] {strides = array<i32>} : memref<2000x16xf32, #tpu.memory_space<vmem>>, vector<16xf32>,
        tpu.vector_store %arg15[%swap3A_287, %swap3A_288], %mul3A_286 {strides = array<i32>} : memref<2000x16xf32, #tpu.memory_space<vmem>>, vector<16xf32>,
      }
      %scan3A_48 = arith.constant 125 : i32
      "tpu.region"() ({
        %run_scoped3A = tpu.sem_alloc : memref<!tpu.dma_semaphore, #tpu.memory_space<semaphore_mem>>
        %dma_start3A_49 = arith.constant 0 : i32
        %dma_start3A_50 = arith.constant 0 : i32
        %dma_start3A_51 = tpu.memref_slice %arg17[%dma_start3A_49, %dma_start3A_50] : memref<10240x16xf32, #tpu.memory_space<vmem_shared>> -> memref<10240x16xf32, #tpu.memory_space<vmem_shared>>
        tpu.enqueue_indirect_dma source(%arg15 : memref<2000x16xf32, #tpu.memory_space<vmem>>) target(%dma_start3A_51 : memref<10240x16xf32, #tpu.memory_space<vmem_shared>>) offsets(%arg13 : memref<2000xi32, #tpu.memory_space<vmem>>) semaphore(%run_scoped3A : memref<!tpu.dma_semaphore, #tpu.memory_space<semaphore_mem>>) {add = true}
        %dma_wait3A_52 = arith.constant 0 : i32
        %dma_wait3A_53 = arith.constant 0 : i32
        %dma_wait3A_54 = tpu.memref_slice %arg17[%dma_wait3A_52, %dma_wait3A_53] : memref<10240x16xf32, #tpu.memory_space<vmem_shared>> -> memref<10240x16xf32, #tpu.memory_space<vmem_shared>>
        tpu.wait_indirect_dma semaphore(%run_scoped3A : memref<!tpu.dma_semaphore, #tpu.memory_space<semaphore_mem>>) src(%arg15 : memref<2000x16xf32, #tpu.memory_space<vmem>>) dst(%dma_wait3A_54 : memref<10240x16xf32, #tpu.memory_space<vmem_shared>>)
        tpu.yield
      }) : () -> ()
    }
    %scan3A_13 = arith.constant 5 : i32
    %barrier3A_14 = arith.constant 0 : index
    tpu.barrier barrier_id(%barrier3A_14)
    %mul3A_15 = arith.constant 640 : i32
    %mul3A_16 = arith.muli %arg1, %mul3A_15 : i32
    "tpu.region"() ({
      %run_scoped3A = tpu.sem_alloc : memref<!tpu.dma_semaphore, #tpu.memory_space<semaphore_mem>>
      %dma_start3A_19 = arith.constant 0 : i32
      %dma_start3A_20 = tpu.memref_slice %arg17[%mul3A_16, %dma_start3A_19] : memref<10240x16xf32, #tpu.memory_space<vmem_shared>> -> memref<640x16xf32, #tpu.memory_space<vmem_shared>>
      %dma_start3A_21 = arith.constant 0 : i32
      %dma_start3A_22 = tpu.memref_slice %arg17[%mul3A_16, %dma_start3A_21] : memref<10240x16xf32, #tpu.memory_space<vmem_shared>> -> memref<640x16xf32, #tpu.memory_space<vmem_shared>>
      tpu.enqueue_dma source(%dma_start3A_22 : memref<640x16xf32, #tpu.memory_space<vmem_shared>>) target(%arg16 : memref<640x16xf32, #tpu.memory_space<vmem>>) target_semaphore(%run_scoped3A : memref<!tpu.dma_semaphore, #tpu.memory_space<semaphore_mem>>)
      %dma_wait3A = arith.constant 0 : i32
      %dma_wait3A_23 = tpu.memref_slice %arg17[%mul3A_16, %dma_wait3A] : memref<10240x16xf32, #tpu.memory_space<vmem_shared>> -> memref<640x16xf32, #tpu.memory_space<vmem_shared>>
      %dma_wait3A_24 = arith.constant 0 : i32
      %dma_wait3A_25 = tpu.memref_slice %arg17[%mul3A_16, %dma_wait3A_24] : memref<10240x16xf32, #tpu.memory_space<vmem_shared>> -> memref<640x16xf32, #tpu.memory_space<vmem_shared>>
      tpu.wait_dma2 semaphore(%run_scoped3A : memref<!tpu.dma_semaphore, #tpu.memory_space<semaphore_mem>>) src(%dma_wait3A_25 : memref<640x16xf32, #tpu.memory_space<vmem_shared>>) dst(%arg16 : memref<640x16xf32, #tpu.memory_space<vmem>>)
      tpu.yield
    }) : () -> ()
    %mul3A_17 = arith.constant 640 : i32
    %mul3A_18 = arith.muli %arg1, %mul3A_17 : i32
    "tpu.region"() ({
      %run_scoped3A = tpu.sem_alloc : memref<!tpu.dma_semaphore, #tpu.memory_space<semaphore_mem>>
      %dma_start3A_19 = arith.constant 0 : i32
      %dma_start3A_20 = arith.constant 0 : i32
      %dma_start3A_21 = tpu.memref_slice %arg7[%arg0, %dma_start3A_19, %dma_start3A_20] : memref<2x10240x16xf32, #tpu.memory_space<hbm>> -> memref<1x10240x16xf32, #tpu.memory_space<hbm>>
      %dma_start3A_22 = tpu.memref_squeeze %dma_start3A_21 : memref<1x10240x16xf32, #tpu.memory_space<hbm>> -> memref<10240x16xf32, #tpu.memory_space<hbm>>
      %dma_start3A_23 = arith.constant 0 : i32
      %dma_start3A_24 = tpu.memref_slice %dma_start3A_22[%mul3A_18, %dma_start3A_23] : memref<10240x16xf32, #tpu.memory_space<hbm>> -> memref<640x16xf32, #tpu.memory_space<hbm>>
      %dma_start3A_25 = arith.constant 0 : i32
      %dma_start3A_26 = arith.constant 0 : i32
      %dma_start3A_27 = tpu.memref_slice %arg7[%arg0, %dma_start3A_25, %dma_start3A_26] : memref<2x10240x16xf32, #tpu.memory_space<hbm>> -> memref<1x10240x16xf32, #tpu.memory_space<hbm>>
      %dma_start3A_28 = tpu.memref_squeeze %dma_start3A_27 : memref<1x10240x16xf32, #tpu.memory_space<hbm>> -> memref<10240x16xf32, #tpu.memory_space<hbm>>
      %dma_start3A_29 = arith.constant 0 : i32
      %dma_start3A_30 = tpu.memref_slice %dma_start3A_28[%mul3A_18, %dma_start3A_29] : memref<10240x16xf32, #tpu.memory_space<hbm>> -> memref<640x16xf32, #tpu.memory_space<hbm>>
      tpu.enqueue_dma source(%arg16 : memref<640x16xf32, #tpu.memory_space<vmem>>) target(%dma_start3A_30 : memref<640x16xf32, #tpu.memory_space<hbm>>) target_semaphore(%run_scoped3A : memref<!tpu.dma_semaphore, #tpu.memory_space<semaphore_mem>>)
      %dma_wait3A = arith.constant 0 : i32
      %dma_wait3A_31 = arith.constant 0 : i32
      %dma_wait3A_32 = tpu.memref_slice %arg7[%arg0, %dma_wait3A, %dma_wait3A_31] : memref<2x10240x16xf32, #tpu.memory_space<hbm>> -> memref<1x10240x16xf32, #tpu.memory_space<hbm>>
      %dma_wait3A_33 = tpu.memref_squeeze %dma_wait3A_32 : memref<1x10240x16xf32, #tpu.memory_space<hbm>> -> memref<10240x16xf32, #tpu.memory_space<hbm>>
      %dma_wait3A_34 = arith.constant 0 : i32
      %dma_wait3A_35 = tpu.memref_slice %dma_wait3A_33[%mul3A_18, %dma_wait3A_34] : memref<10240x16xf32, #tpu.memory_space<hbm>> -> memref<640x16xf32, #tpu.memory_space<hbm>>
      %dma_wait3A_36 = arith.constant 0 : i32
      %dma_wait3A_37 = arith.constant 0 : i32
      %dma_wait3A_38 = tpu.memref_slice %arg7[%arg0, %dma_wait3A_36, %dma_wait3A_37] : memref<2x10240x16xf32, #tpu.memory_space<hbm>> -> memref<1x10240x16xf32, #tpu.memory_space<hbm>>
      %dma_wait3A_39 = tpu.memref_squeeze %dma_wait3A_38 : memref<1x10240x16xf32, #tpu.memory_space<hbm>> -> memref<10240x16xf32, #tpu.memory_space<hbm>>
      %dma_wait3A_40 = arith.constant 0 : i32
      %dma_wait3A_41 = tpu.memref_slice %dma_wait3A_39[%mul3A_18, %dma_wait3A_40] : memref<10240x16xf32, #tpu.memory_space<hbm>> -> memref<640x16xf32, #tpu.memory_space<hbm>>
      tpu.wait_dma2 semaphore(%run_scoped3A : memref<!tpu.dma_semaphore, #tpu.memory_space<semaphore_mem>>) src(%arg16 : memref<640x16xf32, #tpu.memory_space<vmem>>) dst(%dma_wait3A_41 : memref<640x16xf32, #tpu.memory_space<hbm>>)
      tpu.yield
    }) : () -> ()
    return
  }
}

#map = affine_map<(d0, d1) -> (0, 0)>
#map1 = affine_map<(d0, d1) -> (0)>
module attributes {stable_mosaic.version = 14 : i64} {
  func.func @_reg_gather_body(%arg0: i32, %arg1: i32, %arg2: memref<10000x16xf32, #tpu.memory_space<hbm>>, %arg3: memref<10000x16xf32, #tpu.memory_space<hbm>>, %arg4: memref<640000xi32, #tpu.memory_space<hbm>>, %arg5: memref<640000xi32, #tpu.memory_space<hbm>>, %arg6: memref<640000x16xf32, #tpu.memory_space<hbm>>, %arg7: memref<1000xi32, #tpu.memory_space<vmem>>, %arg8: memref<1000xi32, #tpu.memory_space<vmem>>, %arg9: memref<1000x16xf32, #tpu.memory_space<vmem>>, %arg10: memref<1000x16xf32, #tpu.memory_space<vmem>>, %arg11: memref<1000xi32, #tpu.memory_space<vmem>>, %arg12: memref<1000xi32, #tpu.memory_space<vmem>>, %arg13: memref<1000x16xf32, #tpu.memory_space<vmem>>, %arg14: memref<1000x16xf32, #tpu.memory_space<vmem>>, %arg15: memref<!tpu.dma_semaphore, #tpu.memory_space<semaphore_mem>>, %arg16: memref<!tpu.dma_semaphore, #tpu.memory_space<semaphore_mem>>, %arg17: memref<!tpu.dma_semaphore, #tpu.memory_space<semaphore_mem>>, %arg18: memref<!tpu.dma_semaphore, #tpu.memory_space<semaphore_mem>>) attributes {dimension_semantics = [#tpu.dimension_semantics<core_parallel>, #tpu.dimension_semantics<subcore_parallel>], iteration_bounds = array<i64: 2, 16>, scalar_prefetch = 0 : i64, scratch_operands = 12 : i64, tpu.core_type = #tpu.core_type<sc_vector_subcore>, window_params = [{transform_indices = #map}, {transform_indices = #map}, {transform_indices = #map1}, {transform_indices = #map1}, {transform_indices = #map}]} {
    %mul3A = arith.constant 2 : i32
    %mul3A_0 = arith.muli %arg1, %mul3A : i32
    %add3A = arith.addi %mul3A_0, %arg0 : i32
    %mul3A_1 = arith.constant 20000 : i32
    %mul3A_2 = arith.muli %add3A, %mul3A_1 : i32
    %add3A_3 = arith.constant 0 : i32
    %add3A_4 = arith.addi %mul3A_2, %add3A_3 : i32
    "tpu.region"() ({
      %run_scoped3A = tpu.sem_alloc : memref<!tpu.dma_semaphore, #tpu.memory_space<semaphore_mem>>
      %dma_start3A_15 = tpu.memref_slice %arg4[%add3A_4] : memref<640000xi32, #tpu.memory_space<hbm>> -> memref<1000xi32, #tpu.memory_space<hbm>>
      %dma_start3A_16 = tpu.memref_slice %arg4[%add3A_4] : memref<640000xi32, #tpu.memory_space<hbm>> -> memref<1000xi32, #tpu.memory_space<hbm>>
      tpu.enqueue_dma source(%dma_start3A_16 : memref<1000xi32, #tpu.memory_space<hbm>>) target(%arg7 : memref<1000xi32, #tpu.memory_space<vmem>>) target_semaphore(%run_scoped3A : memref<!tpu.dma_semaphore, #tpu.memory_space<semaphore_mem>>)
      %dma_wait3A = tpu.memref_slice %arg4[%add3A_4] : memref<640000xi32, #tpu.memory_space<hbm>> -> memref<1000xi32, #tpu.memory_space<hbm>>
      %dma_wait3A_17 = tpu.memref_slice %arg4[%add3A_4] : memref<640000xi32, #tpu.memory_space<hbm>> -> memref<1000xi32, #tpu.memory_space<hbm>>
      tpu.wait_dma2 semaphore(%run_scoped3A : memref<!tpu.dma_semaphore, #tpu.memory_space<semaphore_mem>>) src(%dma_wait3A_17 : memref<1000xi32, #tpu.memory_space<hbm>>) dst(%arg7 : memref<1000xi32, #tpu.memory_space<vmem>>)
      tpu.yield
    }) : () -> ()
    "tpu.region"() ({
      %run_scoped3A = tpu.sem_alloc : memref<!tpu.dma_semaphore, #tpu.memory_space<semaphore_mem>>
      %dma_start3A_15 = tpu.memref_slice %arg5[%add3A_4] : memref<640000xi32, #tpu.memory_space<hbm>> -> memref<1000xi32, #tpu.memory_space<hbm>>
      %dma_start3A_16 = tpu.memref_slice %arg5[%add3A_4] : memref<640000xi32, #tpu.memory_space<hbm>> -> memref<1000xi32, #tpu.memory_space<hbm>>
      tpu.enqueue_dma source(%dma_start3A_16 : memref<1000xi32, #tpu.memory_space<hbm>>) target(%arg8 : memref<1000xi32, #tpu.memory_space<vmem>>) target_semaphore(%run_scoped3A : memref<!tpu.dma_semaphore, #tpu.memory_space<semaphore_mem>>)
      %dma_wait3A = tpu.memref_slice %arg5[%add3A_4] : memref<640000xi32, #tpu.memory_space<hbm>> -> memref<1000xi32, #tpu.memory_space<hbm>>
      %dma_wait3A_17 = tpu.memref_slice %arg5[%add3A_4] : memref<640000xi32, #tpu.memory_space<hbm>> -> memref<1000xi32, #tpu.memory_space<hbm>>
      tpu.wait_dma2 semaphore(%run_scoped3A : memref<!tpu.dma_semaphore, #tpu.memory_space<semaphore_mem>>) src(%dma_wait3A_17 : memref<1000xi32, #tpu.memory_space<hbm>>) dst(%arg8 : memref<1000xi32, #tpu.memory_space<vmem>>)
      tpu.yield
    }) : () -> ()
    %dma_start3A = arith.constant 0 : i32
    %dma_start3A_5 = arith.constant 0 : i32
    %dma_start3A_6 = tpu.memref_slice %arg2[%dma_start3A, %dma_start3A_5] : memref<10000x16xf32, #tpu.memory_space<hbm>> -> memref<10000x16xf32, #tpu.memory_space<hbm>>
    tpu.enqueue_indirect_dma source(%dma_start3A_6 : memref<10000x16xf32, #tpu.memory_space<hbm>>) target(%arg9 : memref<1000x16xf32, #tpu.memory_space<vmem>>) offsets(%arg7 : memref<1000xi32, #tpu.memory_space<vmem>>) semaphore(%arg15 : memref<!tpu.dma_semaphore, #tpu.memory_space<semaphore_mem>>)
    %dma_start3A_7 = arith.constant 0 : i32
    %dma_start3A_8 = arith.constant 0 : i32
    %dma_start3A_9 = tpu.memref_slice %arg3[%dma_start3A_7, %dma_start3A_8] : memref<10000x16xf32, #tpu.memory_space<hbm>> -> memref<10000x16xf32, #tpu.memory_space<hbm>>
    tpu.enqueue_indirect_dma source(%dma_start3A_9 : memref<10000x16xf32, #tpu.memory_space<hbm>>) target(%arg10 : memref<1000x16xf32, #tpu.memory_space<vmem>>) offsets(%arg8 : memref<1000xi32, #tpu.memory_space<vmem>>) semaphore(%arg16 : memref<!tpu.dma_semaphore, #tpu.memory_space<semaphore_mem>>)
    %scan3A = arith.constant 0 : i32
    %scan3A_10 = arith.constant 0 : i32
    %scan3A_11 = arith.constant 10 : i32
    %scan3A_12 = arith.addi %scan3A_10, %scan3A_11 : i32
    %scan3A_13 = arith.constant 1 : i32
    scf.for %scan3A_15 = %scan3A_10 to %scan3A_12 step %scan3A_13  : i32 {
      %mul3A_16 = arith.constant 2 : i32
      %mul3A_17 = arith.muli %mul3A_16, %scan3A_15 : i32
      %add3A_18 = arith.constant 1 : i32
      %add3A_19 = arith.addi %mul3A_17, %add3A_18 : i32
      %mul3A_20 = arith.constant 1000 : i32
      %mul3A_21 = arith.muli %add3A_19, %mul3A_20 : i32
      %add3A_22 = arith.addi %mul3A_2, %mul3A_21 : i32
      "tpu.region"() ({
        %run_scoped3A = tpu.sem_alloc : memref<!tpu.dma_semaphore, #tpu.memory_space<semaphore_mem>>
        %dma_start3A_60 = tpu.memref_slice %arg4[%add3A_22] : memref<640000xi32, #tpu.memory_space<hbm>> -> memref<1000xi32, #tpu.memory_space<hbm>>
        %dma_start3A_61 = tpu.memref_slice %arg4[%add3A_22] : memref<640000xi32, #tpu.memory_space<hbm>> -> memref<1000xi32, #tpu.memory_space<hbm>>
        tpu.enqueue_dma source(%dma_start3A_61 : memref<1000xi32, #tpu.memory_space<hbm>>) target(%arg11 : memref<1000xi32, #tpu.memory_space<vmem>>) target_semaphore(%run_scoped3A : memref<!tpu.dma_semaphore, #tpu.memory_space<semaphore_mem>>)
        %dma_wait3A_62 = tpu.memref_slice %arg4[%add3A_22] : memref<640000xi32, #tpu.memory_space<hbm>> -> memref<1000xi32, #tpu.memory_space<hbm>>
        %dma_wait3A_63 = tpu.memref_slice %arg4[%add3A_22] : memref<640000xi32, #tpu.memory_space<hbm>> -> memref<1000xi32, #tpu.memory_space<hbm>>
        tpu.wait_dma2 semaphore(%run_scoped3A : memref<!tpu.dma_semaphore, #tpu.memory_space<semaphore_mem>>) src(%dma_wait3A_63 : memref<1000xi32, #tpu.memory_space<hbm>>) dst(%arg11 : memref<1000xi32, #tpu.memory_space<vmem>>)
        tpu.yield
      }) : () -> ()
      "tpu.region"() ({
        %run_scoped3A = tpu.sem_alloc : memref<!tpu.dma_semaphore, #tpu.memory_space<semaphore_mem>>
        %dma_start3A_60 = tpu.memref_slice %arg5[%add3A_22] : memref<640000xi32, #tpu.memory_space<hbm>> -> memref<1000xi32, #tpu.memory_space<hbm>>
        %dma_start3A_61 = tpu.memref_slice %arg5[%add3A_22] : memref<640000xi32, #tpu.memory_space<hbm>> -> memref<1000xi32, #tpu.memory_space<hbm>>
        tpu.enqueue_dma source(%dma_start3A_61 : memref<1000xi32, #tpu.memory_space<hbm>>) target(%arg12 : memref<1000xi32, #tpu.memory_space<vmem>>) target_semaphore(%run_scoped3A : memref<!tpu.dma_semaphore, #tpu.memory_space<semaphore_mem>>)
        %dma_wait3A_62 = tpu.memref_slice %arg5[%add3A_22] : memref<640000xi32, #tpu.memory_space<hbm>> -> memref<1000xi32, #tpu.memory_space<hbm>>
        %dma_wait3A_63 = tpu.memref_slice %arg5[%add3A_22] : memref<640000xi32, #tpu.memory_space<hbm>> -> memref<1000xi32, #tpu.memory_space<hbm>>
        tpu.wait_dma2 semaphore(%run_scoped3A : memref<!tpu.dma_semaphore, #tpu.memory_space<semaphore_mem>>) src(%dma_wait3A_63 : memref<1000xi32, #tpu.memory_space<hbm>>) dst(%arg12 : memref<1000xi32, #tpu.memory_space<vmem>>)
        tpu.yield
      }) : () -> ()
      %dma_start3A_23 = arith.constant 0 : i32
      %dma_start3A_24 = arith.constant 0 : i32
      %dma_start3A_25 = tpu.memref_slice %arg2[%dma_start3A_23, %dma_start3A_24] : memref<10000x16xf32, #tpu.memory_space<hbm>> -> memref<10000x16xf32, #tpu.memory_space<hbm>>
      tpu.enqueue_indirect_dma source(%dma_start3A_25 : memref<10000x16xf32, #tpu.memory_space<hbm>>) target(%arg13 : memref<1000x16xf32, #tpu.memory_space<vmem>>) offsets(%arg11 : memref<1000xi32, #tpu.memory_space<vmem>>) semaphore(%arg17 : memref<!tpu.dma_semaphore, #tpu.memory_space<semaphore_mem>>)
      %dma_start3A_26 = arith.constant 0 : i32
      %dma_start3A_27 = arith.constant 0 : i32
      %dma_start3A_28 = tpu.memref_slice %arg3[%dma_start3A_26, %dma_start3A_27] : memref<10000x16xf32, #tpu.memory_space<hbm>> -> memref<10000x16xf32, #tpu.memory_space<hbm>>
      tpu.enqueue_indirect_dma source(%dma_start3A_28 : memref<10000x16xf32, #tpu.memory_space<hbm>>) target(%arg14 : memref<1000x16xf32, #tpu.memory_space<vmem>>) offsets(%arg12 : memref<1000xi32, #tpu.memory_space<vmem>>) semaphore(%arg18 : memref<!tpu.dma_semaphore, #tpu.memory_space<semaphore_mem>>)
      %dma_wait3A = arith.constant 0 : i32
      %dma_wait3A_29 = arith.constant 0 : i32
      %dma_wait3A_30 = tpu.memref_slice %arg2[%dma_wait3A, %dma_wait3A_29] : memref<10000x16xf32, #tpu.memory_space<hbm>> -> memref<10000x16xf32, #tpu.memory_space<hbm>>
      tpu.wait_indirect_dma semaphore(%arg15 : memref<!tpu.dma_semaphore, #tpu.memory_space<semaphore_mem>>) src(%dma_wait3A_30 : memref<10000x16xf32, #tpu.memory_space<hbm>>) dst(%arg9 : memref<1000x16xf32, #tpu.memory_space<vmem>>)
      %dma_wait3A_31 = arith.constant 0 : i32
      %dma_wait3A_32 = arith.constant 0 : i32
      %dma_wait3A_33 = tpu.memref_slice %arg2[%dma_wait3A_31, %dma_wait3A_32] : memref<10000x16xf32, #tpu.memory_space<hbm>> -> memref<10000x16xf32, #tpu.memory_space<hbm>>
      tpu.wait_indirect_dma semaphore(%arg16 : memref<!tpu.dma_semaphore, #tpu.memory_space<semaphore_mem>>) src(%dma_wait3A_33 : memref<10000x16xf32, #tpu.memory_space<hbm>>) dst(%arg10 : memref<1000x16xf32, #tpu.memory_space<vmem>>)
      %scan3A_34 = arith.constant 0 : i32
      %scan3A_35 = arith.constant 0 : i32
      %scan3A_36 = arith.constant 1000 : i32
      %scan3A_37 = arith.addi %scan3A_35, %scan3A_36 : i32
      %scan3A_38 = arith.constant 8 : i32
      scf.for %scan3A_60 = %scan3A_35 to %scan3A_37 step %scan3A_38  : i32 {
        %get3A = arith.index_cast %scan3A_60 : i32 to index
        %get3A_61 = arith.constant 0 : index
        %get3A_62 = tpu.vector_load %arg9[%get3A, %get3A_61] {strides = array<i32>} : memref<1000x16xf32, #tpu.memory_space<vmem>>, vector<16xf32>,
        %get3A_63 = arith.index_cast %scan3A_60 : i32 to index
        %get3A_64 = arith.constant 0 : index
        %get3A_65 = tpu.vector_load %arg10[%get3A_63, %get3A_64] {strides = array<i32>} : memref<1000x16xf32, #tpu.memory_space<vmem>>, vector<16xf32>,
        %add3A_66 = arith.addf %get3A_62, %get3A_65 : vector<16xf32>
        %swap3A = arith.index_cast %scan3A_60 : i32 to index
        %swap3A_67 = arith.constant 0 : index
        %swap3A_68 = tpu.vector_load %arg9[%swap3A, %swap3A_67] {strides = array<i32>} : memref<1000x16xf32, #tpu.memory_space<vmem>>, vector<16xf32>,
        tpu.vector_store %arg9[%swap3A, %swap3A_67], %add3A_66 {strides = array<i32>} : memref<1000x16xf32, #tpu.memory_space<vmem>>, vector<16xf32>,
        %scan3A_69 = arith.constant 1 : i32
        %scan3A_70 = arith.addi %scan3A_60, %scan3A_69 : i32
        %get3A_71 = arith.index_cast %scan3A_70 : i32 to index
        %get3A_72 = arith.constant 0 : index
        %get3A_73 = tpu.vector_load %arg9[%get3A_71, %get3A_72] {strides = array<i32>} : memref<1000x16xf32, #tpu.memory_space<vmem>>, vector<16xf32>,
        %get3A_74 = arith.index_cast %scan3A_70 : i32 to index
        %get3A_75 = arith.constant 0 : index
        %get3A_76 = tpu.vector_load %arg10[%get3A_74, %get3A_75] {strides = array<i32>} : memref<1000x16xf32, #tpu.memory_space<vmem>>, vector<16xf32>,
        %add3A_77 = arith.addf %get3A_73, %get3A_76 : vector<16xf32>
        %swap3A_78 = arith.index_cast %scan3A_70 : i32 to index
        %swap3A_79 = arith.constant 0 : index
        %swap3A_80 = tpu.vector_load %arg9[%swap3A_78, %swap3A_79] {strides = array<i32>} : memref<1000x16xf32, #tpu.memory_space<vmem>>, vector<16xf32>,
        tpu.vector_store %arg9[%swap3A_78, %swap3A_79], %add3A_77 {strides = array<i32>} : memref<1000x16xf32, #tpu.memory_space<vmem>>, vector<16xf32>,
        %scan3A_81 = arith.constant 2 : i32
        %scan3A_82 = arith.addi %scan3A_60, %scan3A_81 : i32
        %get3A_83 = arith.index_cast %scan3A_82 : i32 to index
        %get3A_84 = arith.constant 0 : index
        %get3A_85 = tpu.vector_load %arg9[%get3A_83, %get3A_84] {strides = array<i32>} : memref<1000x16xf32, #tpu.memory_space<vmem>>, vector<16xf32>,
        %get3A_86 = arith.index_cast %scan3A_82 : i32 to index
        %get3A_87 = arith.constant 0 : index
        %get3A_88 = tpu.vector_load %arg10[%get3A_86, %get3A_87] {strides = array<i32>} : memref<1000x16xf32, #tpu.memory_space<vmem>>, vector<16xf32>,
        %add3A_89 = arith.addf %get3A_85, %get3A_88 : vector<16xf32>
        %swap3A_90 = arith.index_cast %scan3A_82 : i32 to index
        %swap3A_91 = arith.constant 0 : index
        %swap3A_92 = tpu.vector_load %arg9[%swap3A_90, %swap3A_91] {strides = array<i32>} : memref<1000x16xf32, #tpu.memory_space<vmem>>, vector<16xf32>,
        tpu.vector_store %arg9[%swap3A_90, %swap3A_91], %add3A_89 {strides = array<i32>} : memref<1000x16xf32, #tpu.memory_space<vmem>>, vector<16xf32>,
        %scan3A_93 = arith.constant 3 : i32
        %scan3A_94 = arith.addi %scan3A_60, %scan3A_93 : i32
        %get3A_95 = arith.index_cast %scan3A_94 : i32 to index
        %get3A_96 = arith.constant 0 : index
        %get3A_97 = tpu.vector_load %arg9[%get3A_95, %get3A_96] {strides = array<i32>} : memref<1000x16xf32, #tpu.memory_space<vmem>>, vector<16xf32>,
        %get3A_98 = arith.index_cast %scan3A_94 : i32 to index
        %get3A_99 = arith.constant 0 : index
        %get3A_100 = tpu.vector_load %arg10[%get3A_98, %get3A_99] {strides = array<i32>} : memref<1000x16xf32, #tpu.memory_space<vmem>>, vector<16xf32>,
        %add3A_101 = arith.addf %get3A_97, %get3A_100 : vector<16xf32>
        %swap3A_102 = arith.index_cast %scan3A_94 : i32 to index
        %swap3A_103 = arith.constant 0 : index
        %swap3A_104 = tpu.vector_load %arg9[%swap3A_102, %swap3A_103] {strides = array<i32>} : memref<1000x16xf32, #tpu.memory_space<vmem>>, vector<16xf32>,
        tpu.vector_store %arg9[%swap3A_102, %swap3A_103], %add3A_101 {strides = array<i32>} : memref<1000x16xf32, #tpu.memory_space<vmem>>, vector<16xf32>,
        %scan3A_105 = arith.constant 4 : i32
        %scan3A_106 = arith.addi %scan3A_60, %scan3A_105 : i32
        %get3A_107 = arith.index_cast %scan3A_106 : i32 to index
        %get3A_108 = arith.constant 0 : index
        %get3A_109 = tpu.vector_load %arg9[%get3A_107, %get3A_108] {strides = array<i32>} : memref<1000x16xf32, #tpu.memory_space<vmem>>, vector<16xf32>,
        %get3A_110 = arith.index_cast %scan3A_106 : i32 to index
        %get3A_111 = arith.constant 0 : index
        %get3A_112 = tpu.vector_load %arg10[%get3A_110, %get3A_111] {strides = array<i32>} : memref<1000x16xf32, #tpu.memory_space<vmem>>, vector<16xf32>,
        %add3A_113 = arith.addf %get3A_109, %get3A_112 : vector<16xf32>
        %swap3A_114 = arith.index_cast %scan3A_106 : i32 to index
        %swap3A_115 = arith.constant 0 : index
        %swap3A_116 = tpu.vector_load %arg9[%swap3A_114, %swap3A_115] {strides = array<i32>} : memref<1000x16xf32, #tpu.memory_space<vmem>>, vector<16xf32>,
        tpu.vector_store %arg9[%swap3A_114, %swap3A_115], %add3A_113 {strides = array<i32>} : memref<1000x16xf32, #tpu.memory_space<vmem>>, vector<16xf32>,
        %scan3A_117 = arith.constant 5 : i32
        %scan3A_118 = arith.addi %scan3A_60, %scan3A_117 : i32
        %get3A_119 = arith.index_cast %scan3A_118 : i32 to index
        %get3A_120 = arith.constant 0 : index
        %get3A_121 = tpu.vector_load %arg9[%get3A_119, %get3A_120] {strides = array<i32>} : memref<1000x16xf32, #tpu.memory_space<vmem>>, vector<16xf32>,
        %get3A_122 = arith.index_cast %scan3A_118 : i32 to index
        %get3A_123 = arith.constant 0 : index
        %get3A_124 = tpu.vector_load %arg10[%get3A_122, %get3A_123] {strides = array<i32>} : memref<1000x16xf32, #tpu.memory_space<vmem>>, vector<16xf32>,
        %add3A_125 = arith.addf %get3A_121, %get3A_124 : vector<16xf32>
        %swap3A_126 = arith.index_cast %scan3A_118 : i32 to index
        %swap3A_127 = arith.constant 0 : index
        %swap3A_128 = tpu.vector_load %arg9[%swap3A_126, %swap3A_127] {strides = array<i32>} : memref<1000x16xf32, #tpu.memory_space<vmem>>, vector<16xf32>,
        tpu.vector_store %arg9[%swap3A_126, %swap3A_127], %add3A_125 {strides = array<i32>} : memref<1000x16xf32, #tpu.memory_space<vmem>>, vector<16xf32>,
        %scan3A_129 = arith.constant 6 : i32
        %scan3A_130 = arith.addi %scan3A_60, %scan3A_129 : i32
        %get3A_131 = arith.index_cast %scan3A_130 : i32 to index
        %get3A_132 = arith.constant 0 : index
        %get3A_133 = tpu.vector_load %arg9[%get3A_131, %get3A_132] {strides = array<i32>} : memref<1000x16xf32, #tpu.memory_space<vmem>>, vector<16xf32>,
        %get3A_134 = arith.index_cast %scan3A_130 : i32 to index
        %get3A_135 = arith.constant 0 : index
        %get3A_136 = tpu.vector_load %arg10[%get3A_134, %get3A_135] {strides = array<i32>} : memref<1000x16xf32, #tpu.memory_space<vmem>>, vector<16xf32>,
        %add3A_137 = arith.addf %get3A_133, %get3A_136 : vector<16xf32>
        %swap3A_138 = arith.index_cast %scan3A_130 : i32 to index
        %swap3A_139 = arith.constant 0 : index
        %swap3A_140 = tpu.vector_load %arg9[%swap3A_138, %swap3A_139] {strides = array<i32>} : memref<1000x16xf32, #tpu.memory_space<vmem>>, vector<16xf32>,
        tpu.vector_store %arg9[%swap3A_138, %swap3A_139], %add3A_137 {strides = array<i32>} : memref<1000x16xf32, #tpu.memory_space<vmem>>, vector<16xf32>,
        %scan3A_141 = arith.constant 7 : i32
        %scan3A_142 = arith.addi %scan3A_60, %scan3A_141 : i32
        %get3A_143 = arith.index_cast %scan3A_142 : i32 to index
        %get3A_144 = arith.constant 0 : index
        %get3A_145 = tpu.vector_load %arg9[%get3A_143, %get3A_144] {strides = array<i32>} : memref<1000x16xf32, #tpu.memory_space<vmem>>, vector<16xf32>,
        %get3A_146 = arith.index_cast %scan3A_142 : i32 to index
        %get3A_147 = arith.constant 0 : index
        %get3A_148 = tpu.vector_load %arg10[%get3A_146, %get3A_147] {strides = array<i32>} : memref<1000x16xf32, #tpu.memory_space<vmem>>, vector<16xf32>,
        %add3A_149 = arith.addf %get3A_145, %get3A_148 : vector<16xf32>
        %swap3A_150 = arith.index_cast %scan3A_142 : i32 to index
        %swap3A_151 = arith.constant 0 : index
        %swap3A_152 = tpu.vector_load %arg9[%swap3A_150, %swap3A_151] {strides = array<i32>} : memref<1000x16xf32, #tpu.memory_space<vmem>>, vector<16xf32>,
        tpu.vector_store %arg9[%swap3A_150, %swap3A_151], %add3A_149 {strides = array<i32>} : memref<1000x16xf32, #tpu.memory_space<vmem>>, vector<16xf32>,
      }
      %scan3A_39 = arith.constant 1000 : i32
      %mul3A_40 = arith.constant 1000 : i32
      %mul3A_41 = arith.muli %mul3A_17, %mul3A_40 : i32
      %add3A_42 = arith.addi %mul3A_2, %mul3A_41 : i32
      "tpu.region"() ({
        %run_scoped3A = tpu.sem_alloc : memref<!tpu.dma_semaphore, #tpu.memory_space<semaphore_mem>>
        %dma_start3A_60 = arith.constant 0 : i32
        %dma_start3A_61 = tpu.memref_slice %arg6[%add3A_42, %dma_start3A_60] : memref<640000x16xf32, #tpu.memory_space<hbm>> -> memref<1000x16xf32, #tpu.memory_space<hbm>>
        %dma_start3A_62 = arith.constant 0 : i32
        %dma_start3A_63 = tpu.memref_slice %arg6[%add3A_42, %dma_start3A_62] : memref<640000x16xf32, #tpu.memory_space<hbm>> -> memref<1000x16xf32, #tpu.memory_space<hbm>>
        tpu.enqueue_dma source(%arg9 : memref<1000x16xf32, #tpu.memory_space<vmem>>) target(%dma_start3A_63 : memref<1000x16xf32, #tpu.memory_space<hbm>>) target_semaphore(%run_scoped3A : memref<!tpu.dma_semaphore, #tpu.memory_space<semaphore_mem>>)
        %dma_wait3A_64 = arith.constant 0 : i32
        %dma_wait3A_65 = tpu.memref_slice %arg6[%add3A_42, %dma_wait3A_64] : memref<640000x16xf32, #tpu.memory_space<hbm>> -> memref<1000x16xf32, #tpu.memory_space<hbm>>
        %dma_wait3A_66 = arith.constant 0 : i32
        %dma_wait3A_67 = tpu.memref_slice %arg6[%add3A_42, %dma_wait3A_66] : memref<640000x16xf32, #tpu.memory_space<hbm>> -> memref<1000x16xf32, #tpu.memory_space<hbm>>
        tpu.wait_dma2 semaphore(%run_scoped3A : memref<!tpu.dma_semaphore, #tpu.memory_space<semaphore_mem>>) src(%arg9 : memref<1000x16xf32, #tpu.memory_space<vmem>>) dst(%dma_wait3A_67 : memref<1000x16xf32, #tpu.memory_space<hbm>>)
        tpu.yield
      }) : () -> ()
      %lt3A = arith.constant 9 : i32
      %lt3A_43 = arith.cmpi slt, %scan3A_15, %lt3A : i32
      %convert_element_type3A = arith.extui %lt3A_43 : i1 to i32
      %cond3A = arith.constant 0 : i32
      %cond3A_44 = arith.cmpi ne, %convert_element_type3A, %cond3A : i32
      scf.if %cond3A_44 {
        %add3A_60 = arith.constant 2 : i32
        %add3A_61 = arith.addi %mul3A_17, %add3A_60 : i32
        %mul3A_62 = arith.constant 1000 : i32
        %mul3A_63 = arith.muli %add3A_61, %mul3A_62 : i32
        %add3A_64 = arith.addi %mul3A_2, %mul3A_63 : i32
        "tpu.region"() ({
          %run_scoped3A = tpu.sem_alloc : memref<!tpu.dma_semaphore, #tpu.memory_space<semaphore_mem>>
          %dma_start3A_71 = tpu.memref_slice %arg4[%add3A_64] : memref<640000xi32, #tpu.memory_space<hbm>> -> memref<1000xi32, #tpu.memory_space<hbm>>
          %dma_start3A_72 = tpu.memref_slice %arg4[%add3A_64] : memref<640000xi32, #tpu.memory_space<hbm>> -> memref<1000xi32, #tpu.memory_space<hbm>>
          tpu.enqueue_dma source(%dma_start3A_72 : memref<1000xi32, #tpu.memory_space<hbm>>) target(%arg7 : memref<1000xi32, #tpu.memory_space<vmem>>) target_semaphore(%run_scoped3A : memref<!tpu.dma_semaphore, #tpu.memory_space<semaphore_mem>>)
          %dma_wait3A_73 = tpu.memref_slice %arg4[%add3A_64] : memref<640000xi32, #tpu.memory_space<hbm>> -> memref<1000xi32, #tpu.memory_space<hbm>>
          %dma_wait3A_74 = tpu.memref_slice %arg4[%add3A_64] : memref<640000xi32, #tpu.memory_space<hbm>> -> memref<1000xi32, #tpu.memory_space<hbm>>
          tpu.wait_dma2 semaphore(%run_scoped3A : memref<!tpu.dma_semaphore, #tpu.memory_space<semaphore_mem>>) src(%dma_wait3A_74 : memref<1000xi32, #tpu.memory_space<hbm>>) dst(%arg7 : memref<1000xi32, #tpu.memory_space<vmem>>)
          tpu.yield
        }) : () -> ()
        "tpu.region"() ({
          %run_scoped3A = tpu.sem_alloc : memref<!tpu.dma_semaphore, #tpu.memory_space<semaphore_mem>>
          %dma_start3A_71 = tpu.memref_slice %arg5[%add3A_64] : memref<640000xi32, #tpu.memory_space<hbm>> -> memref<1000xi32, #tpu.memory_space<hbm>>
          %dma_start3A_72 = tpu.memref_slice %arg5[%add3A_64] : memref<640000xi32, #tpu.memory_space<hbm>> -> memref<1000xi32, #tpu.memory_space<hbm>>
          tpu.enqueue_dma source(%dma_start3A_72 : memref<1000xi32, #tpu.memory_space<hbm>>) target(%arg8 : memref<1000xi32, #tpu.memory_space<vmem>>) target_semaphore(%run_scoped3A : memref<!tpu.dma_semaphore, #tpu.memory_space<semaphore_mem>>)
          %dma_wait3A_73 = tpu.memref_slice %arg5[%add3A_64] : memref<640000xi32, #tpu.memory_space<hbm>> -> memref<1000xi32, #tpu.memory_space<hbm>>
          %dma_wait3A_74 = tpu.memref_slice %arg5[%add3A_64] : memref<640000xi32, #tpu.memory_space<hbm>> -> memref<1000xi32, #tpu.memory_space<hbm>>
          tpu.wait_dma2 semaphore(%run_scoped3A : memref<!tpu.dma_semaphore, #tpu.memory_space<semaphore_mem>>) src(%dma_wait3A_74 : memref<1000xi32, #tpu.memory_space<hbm>>) dst(%arg8 : memref<1000xi32, #tpu.memory_space<vmem>>)
          tpu.yield
        }) : () -> ()
        %dma_start3A_65 = arith.constant 0 : i32
        %dma_start3A_66 = arith.constant 0 : i32
        %dma_start3A_67 = tpu.memref_slice %arg2[%dma_start3A_65, %dma_start3A_66] : memref<10000x16xf32, #tpu.memory_space<hbm>> -> memref<10000x16xf32, #tpu.memory_space<hbm>>
        tpu.enqueue_indirect_dma source(%dma_start3A_67 : memref<10000x16xf32, #tpu.memory_space<hbm>>) target(%arg9 : memref<1000x16xf32, #tpu.memory_space<vmem>>) offsets(%arg7 : memref<1000xi32, #tpu.memory_space<vmem>>) semaphore(%arg15 : memref<!tpu.dma_semaphore, #tpu.memory_space<semaphore_mem>>)
        %dma_start3A_68 = arith.constant 0 : i32
        %dma_start3A_69 = arith.constant 0 : i32
        %dma_start3A_70 = tpu.memref_slice %arg3[%dma_start3A_68, %dma_start3A_69] : memref<10000x16xf32, #tpu.memory_space<hbm>> -> memref<10000x16xf32, #tpu.memory_space<hbm>>
        tpu.enqueue_indirect_dma source(%dma_start3A_70 : memref<10000x16xf32, #tpu.memory_space<hbm>>) target(%arg10 : memref<1000x16xf32, #tpu.memory_space<vmem>>) offsets(%arg8 : memref<1000xi32, #tpu.memory_space<vmem>>) semaphore(%arg16 : memref<!tpu.dma_semaphore, #tpu.memory_space<semaphore_mem>>)
      } else {
      }
      %dma_wait3A_45 = arith.constant 0 : i32
      %dma_wait3A_46 = arith.constant 0 : i32
      %dma_wait3A_47 = tpu.memref_slice %arg2[%dma_wait3A_45, %dma_wait3A_46] : memref<10000x16xf32, #tpu.memory_space<hbm>> -> memref<10000x16xf32, #tpu.memory_space<hbm>>
      tpu.wait_indirect_dma semaphore(%arg17 : memref<!tpu.dma_semaphore, #tpu.memory_space<semaphore_mem>>) src(%dma_wait3A_47 : memref<10000x16xf32, #tpu.memory_space<hbm>>) dst(%arg13 : memref<1000x16xf32, #tpu.memory_space<vmem>>)
      %dma_wait3A_48 = arith.constant 0 : i32
      %dma_wait3A_49 = arith.constant 0 : i32
      %dma_wait3A_50 = tpu.memref_slice %arg2[%dma_wait3A_48, %dma_wait3A_49] : memref<10000x16xf32, #tpu.memory_space<hbm>> -> memref<10000x16xf32, #tpu.memory_space<hbm>>
      tpu.wait_indirect_dma semaphore(%arg18 : memref<!tpu.dma_semaphore, #tpu.memory_space<semaphore_mem>>) src(%dma_wait3A_50 : memref<10000x16xf32, #tpu.memory_space<hbm>>) dst(%arg14 : memref<1000x16xf32, #tpu.memory_space<vmem>>)
      %scan3A_51 = arith.constant 0 : i32
      %scan3A_52 = arith.constant 0 : i32
      %scan3A_53 = arith.constant 1000 : i32
      %scan3A_54 = arith.addi %scan3A_52, %scan3A_53 : i32
      %scan3A_55 = arith.constant 8 : i32
      scf.for %scan3A_60 = %scan3A_52 to %scan3A_54 step %scan3A_55  : i32 {
        %get3A = arith.index_cast %scan3A_60 : i32 to index
        %get3A_61 = arith.constant 0 : index
        %get3A_62 = tpu.vector_load %arg13[%get3A, %get3A_61] {strides = array<i32>} : memref<1000x16xf32, #tpu.memory_space<vmem>>, vector<16xf32>,
        %get3A_63 = arith.index_cast %scan3A_60 : i32 to index
        %get3A_64 = arith.constant 0 : index
        %get3A_65 = tpu.vector_load %arg14[%get3A_63, %get3A_64] {strides = array<i32>} : memref<1000x16xf32, #tpu.memory_space<vmem>>, vector<16xf32>,
        %add3A_66 = arith.addf %get3A_62, %get3A_65 : vector<16xf32>
        %swap3A = arith.index_cast %scan3A_60 : i32 to index
        %swap3A_67 = arith.constant 0 : index
        %swap3A_68 = tpu.vector_load %arg13[%swap3A, %swap3A_67] {strides = array<i32>} : memref<1000x16xf32, #tpu.memory_space<vmem>>, vector<16xf32>,
        tpu.vector_store %arg13[%swap3A, %swap3A_67], %add3A_66 {strides = array<i32>} : memref<1000x16xf32, #tpu.memory_space<vmem>>, vector<16xf32>,
        %scan3A_69 = arith.constant 1 : i32
        %scan3A_70 = arith.addi %scan3A_60, %scan3A_69 : i32
        %get3A_71 = arith.index_cast %scan3A_70 : i32 to index
        %get3A_72 = arith.constant 0 : index
        %get3A_73 = tpu.vector_load %arg13[%get3A_71, %get3A_72] {strides = array<i32>} : memref<1000x16xf32, #tpu.memory_space<vmem>>, vector<16xf32>,
        %get3A_74 = arith.index_cast %scan3A_70 : i32 to index
        %get3A_75 = arith.constant 0 : index
        %get3A_76 = tpu.vector_load %arg14[%get3A_74, %get3A_75] {strides = array<i32>} : memref<1000x16xf32, #tpu.memory_space<vmem>>, vector<16xf32>,
        %add3A_77 = arith.addf %get3A_73, %get3A_76 : vector<16xf32>
        %swap3A_78 = arith.index_cast %scan3A_70 : i32 to index
        %swap3A_79 = arith.constant 0 : index
        %swap3A_80 = tpu.vector_load %arg13[%swap3A_78, %swap3A_79] {strides = array<i32>} : memref<1000x16xf32, #tpu.memory_space<vmem>>, vector<16xf32>,
        tpu.vector_store %arg13[%swap3A_78, %swap3A_79], %add3A_77 {strides = array<i32>} : memref<1000x16xf32, #tpu.memory_space<vmem>>, vector<16xf32>,
        %scan3A_81 = arith.constant 2 : i32
        %scan3A_82 = arith.addi %scan3A_60, %scan3A_81 : i32
        %get3A_83 = arith.index_cast %scan3A_82 : i32 to index
        %get3A_84 = arith.constant 0 : index
        %get3A_85 = tpu.vector_load %arg13[%get3A_83, %get3A_84] {strides = array<i32>} : memref<1000x16xf32, #tpu.memory_space<vmem>>, vector<16xf32>,
        %get3A_86 = arith.index_cast %scan3A_82 : i32 to index
        %get3A_87 = arith.constant 0 : index
        %get3A_88 = tpu.vector_load %arg14[%get3A_86, %get3A_87] {strides = array<i32>} : memref<1000x16xf32, #tpu.memory_space<vmem>>, vector<16xf32>,
        %add3A_89 = arith.addf %get3A_85, %get3A_88 : vector<16xf32>
        %swap3A_90 = arith.index_cast %scan3A_82 : i32 to index
        %swap3A_91 = arith.constant 0 : index
        %swap3A_92 = tpu.vector_load %arg13[%swap3A_90, %swap3A_91] {strides = array<i32>} : memref<1000x16xf32, #tpu.memory_space<vmem>>, vector<16xf32>,
        tpu.vector_store %arg13[%swap3A_90, %swap3A_91], %add3A_89 {strides = array<i32>} : memref<1000x16xf32, #tpu.memory_space<vmem>>, vector<16xf32>,
        %scan3A_93 = arith.constant 3 : i32
        %scan3A_94 = arith.addi %scan3A_60, %scan3A_93 : i32
        %get3A_95 = arith.index_cast %scan3A_94 : i32 to index
        %get3A_96 = arith.constant 0 : index
        %get3A_97 = tpu.vector_load %arg13[%get3A_95, %get3A_96] {strides = array<i32>} : memref<1000x16xf32, #tpu.memory_space<vmem>>, vector<16xf32>,
        %get3A_98 = arith.index_cast %scan3A_94 : i32 to index
        %get3A_99 = arith.constant 0 : index
        %get3A_100 = tpu.vector_load %arg14[%get3A_98, %get3A_99] {strides = array<i32>} : memref<1000x16xf32, #tpu.memory_space<vmem>>, vector<16xf32>,
        %add3A_101 = arith.addf %get3A_97, %get3A_100 : vector<16xf32>
        %swap3A_102 = arith.index_cast %scan3A_94 : i32 to index
        %swap3A_103 = arith.constant 0 : index
        %swap3A_104 = tpu.vector_load %arg13[%swap3A_102, %swap3A_103] {strides = array<i32>} : memref<1000x16xf32, #tpu.memory_space<vmem>>, vector<16xf32>,
        tpu.vector_store %arg13[%swap3A_102, %swap3A_103], %add3A_101 {strides = array<i32>} : memref<1000x16xf32, #tpu.memory_space<vmem>>, vector<16xf32>,
        %scan3A_105 = arith.constant 4 : i32
        %scan3A_106 = arith.addi %scan3A_60, %scan3A_105 : i32
        %get3A_107 = arith.index_cast %scan3A_106 : i32 to index
        %get3A_108 = arith.constant 0 : index
        %get3A_109 = tpu.vector_load %arg13[%get3A_107, %get3A_108] {strides = array<i32>} : memref<1000x16xf32, #tpu.memory_space<vmem>>, vector<16xf32>,
        %get3A_110 = arith.index_cast %scan3A_106 : i32 to index
        %get3A_111 = arith.constant 0 : index
        %get3A_112 = tpu.vector_load %arg14[%get3A_110, %get3A_111] {strides = array<i32>} : memref<1000x16xf32, #tpu.memory_space<vmem>>, vector<16xf32>,
        %add3A_113 = arith.addf %get3A_109, %get3A_112 : vector<16xf32>
        %swap3A_114 = arith.index_cast %scan3A_106 : i32 to index
        %swap3A_115 = arith.constant 0 : index
        %swap3A_116 = tpu.vector_load %arg13[%swap3A_114, %swap3A_115] {strides = array<i32>} : memref<1000x16xf32, #tpu.memory_space<vmem>>, vector<16xf32>,
        tpu.vector_store %arg13[%swap3A_114, %swap3A_115], %add3A_113 {strides = array<i32>} : memref<1000x16xf32, #tpu.memory_space<vmem>>, vector<16xf32>,
        %scan3A_117 = arith.constant 5 : i32
        %scan3A_118 = arith.addi %scan3A_60, %scan3A_117 : i32
        %get3A_119 = arith.index_cast %scan3A_118 : i32 to index
        %get3A_120 = arith.constant 0 : index
        %get3A_121 = tpu.vector_load %arg13[%get3A_119, %get3A_120] {strides = array<i32>} : memref<1000x16xf32, #tpu.memory_space<vmem>>, vector<16xf32>,
        %get3A_122 = arith.index_cast %scan3A_118 : i32 to index
        %get3A_123 = arith.constant 0 : index
        %get3A_124 = tpu.vector_load %arg14[%get3A_122, %get3A_123] {strides = array<i32>} : memref<1000x16xf32, #tpu.memory_space<vmem>>, vector<16xf32>,
        %add3A_125 = arith.addf %get3A_121, %get3A_124 : vector<16xf32>
        %swap3A_126 = arith.index_cast %scan3A_118 : i32 to index
        %swap3A_127 = arith.constant 0 : index
        %swap3A_128 = tpu.vector_load %arg13[%swap3A_126, %swap3A_127] {strides = array<i32>} : memref<1000x16xf32, #tpu.memory_space<vmem>>, vector<16xf32>,
        tpu.vector_store %arg13[%swap3A_126, %swap3A_127], %add3A_125 {strides = array<i32>} : memref<1000x16xf32, #tpu.memory_space<vmem>>, vector<16xf32>,
        %scan3A_129 = arith.constant 6 : i32
        %scan3A_130 = arith.addi %scan3A_60, %scan3A_129 : i32
        %get3A_131 = arith.index_cast %scan3A_130 : i32 to index
        %get3A_132 = arith.constant 0 : index
        %get3A_133 = tpu.vector_load %arg13[%get3A_131, %get3A_132] {strides = array<i32>} : memref<1000x16xf32, #tpu.memory_space<vmem>>, vector<16xf32>,
        %get3A_134 = arith.index_cast %scan3A_130 : i32 to index
        %get3A_135 = arith.constant 0 : index
        %get3A_136 = tpu.vector_load %arg14[%get3A_134, %get3A_135] {strides = array<i32>} : memref<1000x16xf32, #tpu.memory_space<vmem>>, vector<16xf32>,
        %add3A_137 = arith.addf %get3A_133, %get3A_136 : vector<16xf32>
        %swap3A_138 = arith.index_cast %scan3A_130 : i32 to index
        %swap3A_139 = arith.constant 0 : index
        %swap3A_140 = tpu.vector_load %arg13[%swap3A_138, %swap3A_139] {strides = array<i32>} : memref<1000x16xf32, #tpu.memory_space<vmem>>, vector<16xf32>,
        tpu.vector_store %arg13[%swap3A_138, %swap3A_139], %add3A_137 {strides = array<i32>} : memref<1000x16xf32, #tpu.memory_space<vmem>>, vector<16xf32>,
        %scan3A_141 = arith.constant 7 : i32
        %scan3A_142 = arith.addi %scan3A_60, %scan3A_141 : i32
        %get3A_143 = arith.index_cast %scan3A_142 : i32 to index
        %get3A_144 = arith.constant 0 : index
        %get3A_145 = tpu.vector_load %arg13[%get3A_143, %get3A_144] {strides = array<i32>} : memref<1000x16xf32, #tpu.memory_space<vmem>>, vector<16xf32>,
        %get3A_146 = arith.index_cast %scan3A_142 : i32 to index
        %get3A_147 = arith.constant 0 : index
        %get3A_148 = tpu.vector_load %arg14[%get3A_146, %get3A_147] {strides = array<i32>} : memref<1000x16xf32, #tpu.memory_space<vmem>>, vector<16xf32>,
        %add3A_149 = arith.addf %get3A_145, %get3A_148 : vector<16xf32>
        %swap3A_150 = arith.index_cast %scan3A_142 : i32 to index
        %swap3A_151 = arith.constant 0 : index
        %swap3A_152 = tpu.vector_load %arg13[%swap3A_150, %swap3A_151] {strides = array<i32>} : memref<1000x16xf32, #tpu.memory_space<vmem>>, vector<16xf32>,
        tpu.vector_store %arg13[%swap3A_150, %swap3A_151], %add3A_149 {strides = array<i32>} : memref<1000x16xf32, #tpu.memory_space<vmem>>, vector<16xf32>,
      }
      %scan3A_56 = arith.constant 1000 : i32
      %mul3A_57 = arith.constant 1000 : i32
      %mul3A_58 = arith.muli %add3A_19, %mul3A_57 : i32
      %add3A_59 = arith.addi %mul3A_2, %mul3A_58 : i32
      "tpu.region"() ({
        %run_scoped3A = tpu.sem_alloc : memref<!tpu.dma_semaphore, #tpu.memory_space<semaphore_mem>>
        %dma_start3A_60 = arith.constant 0 : i32
        %dma_start3A_61 = tpu.memref_slice %arg6[%add3A_59, %dma_start3A_60] : memref<640000x16xf32, #tpu.memory_space<hbm>> -> memref<1000x16xf32, #tpu.memory_space<hbm>>
        %dma_start3A_62 = arith.constant 0 : i32
        %dma_start3A_63 = tpu.memref_slice %arg6[%add3A_59, %dma_start3A_62] : memref<640000x16xf32, #tpu.memory_space<hbm>> -> memref<1000x16xf32, #tpu.memory_space<hbm>>
        tpu.enqueue_dma source(%arg13 : memref<1000x16xf32, #tpu.memory_space<vmem>>) target(%dma_start3A_63 : memref<1000x16xf32, #tpu.memory_space<hbm>>) target_semaphore(%run_scoped3A : memref<!tpu.dma_semaphore, #tpu.memory_space<semaphore_mem>>)
        %dma_wait3A_64 = arith.constant 0 : i32
        %dma_wait3A_65 = tpu.memref_slice %arg6[%add3A_59, %dma_wait3A_64] : memref<640000x16xf32, #tpu.memory_space<hbm>> -> memref<1000x16xf32, #tpu.memory_space<hbm>>
        %dma_wait3A_66 = arith.constant 0 : i32
        %dma_wait3A_67 = tpu.memref_slice %arg6[%add3A_59, %dma_wait3A_66] : memref<640000x16xf32, #tpu.memory_space<hbm>> -> memref<1000x16xf32, #tpu.memory_space<hbm>>
        tpu.wait_dma2 semaphore(%run_scoped3A : memref<!tpu.dma_semaphore, #tpu.memory_space<semaphore_mem>>) src(%arg13 : memref<1000x16xf32, #tpu.memory_space<vmem>>) dst(%dma_wait3A_67 : memref<1000x16xf32, #tpu.memory_space<hbm>>)
        tpu.yield
      }) : () -> ()
    }
    %scan3A_14 = arith.constant 10 : i32
    return
  }
}

#map = affine_map<(d0, d1) -> (0, 0)>
#map1 = affine_map<(d0, d1) -> (0)>
#map2 = affine_map<(d0, d1) -> (0, 0, 0)>
module attributes {stable_mosaic.version = 14 : i64} {
  func.func @_conv_body(%arg0: i32, %arg1: i32, %arg2: memref<10000x16xf32, #tpu.memory_space<hbm>>, %arg3: memref<640000xi32, #tpu.memory_space<hbm>>, %arg4: memref<640000xi32, #tpu.memory_space<hbm>>, %arg5: memref<640000xf32, #tpu.memory_space<hbm>>, %arg6: memref<640x16xf32, #tpu.memory_space<hbm>>, %arg7: memref<2x10240x16xf32, #tpu.memory_space<hbm>>, %arg8: memref<2000xi32, #tpu.memory_space<vmem>>, %arg9: memref<2000xi32, #tpu.memory_space<vmem>>, %arg10: memref<2000xf32, #tpu.memory_space<vmem>>, %arg11: memref<2000x16xf32, #tpu.memory_space<vmem>>, %arg12: memref<2000xi32, #tpu.memory_space<vmem>>, %arg13: memref<2000xi32, #tpu.memory_space<vmem>>, %arg14: memref<2000xf32, #tpu.memory_space<vmem>>, %arg15: memref<2000x16xf32, #tpu.memory_space<vmem>>, %arg16: memref<640x16xf32, #tpu.memory_space<vmem>>, %arg17: memref<10240x16xf32, #tpu.memory_space<vmem_shared>>, %arg18: memref<!tpu.dma_semaphore, #tpu.memory_space<semaphore_mem>>, %arg19: memref<!tpu.dma_semaphore, #tpu.memory_space<semaphore_mem>>) attributes {dimension_semantics = [#tpu.dimension_semantics<core_parallel>, #tpu.dimension_semantics<subcore_parallel>], iteration_bounds = array<i64: 2, 16>, scalar_prefetch = 0 : i64, scratch_operands = 12 : i64, tpu.core_type = #tpu.core_type<sc_vector_subcore>, window_params = [{transform_indices = #map}, {transform_indices = #map1}, {transform_indices = #map1}, {transform_indices = #map1}, {transform_indices = #map}, {transform_indices = #map2}]} {
    %mul3A = arith.constant 2 : i32
    %mul3A_0 = arith.muli %arg1, %mul3A : i32
    %add3A = arith.addi %mul3A_0, %arg0 : i32
    %mul3A_1 = arith.constant 20000 : i32
    %mul3A_2 = arith.muli %add3A, %mul3A_1 : i32
    %mul3A_3 = arith.constant 640 : i32
    %mul3A_4 = arith.muli %arg1, %mul3A_3 : i32
    "tpu.region"() ({
      %run_scoped3A = tpu.sem_alloc : memref<!tpu.dma_semaphore, #tpu.memory_space<semaphore_mem>>
      %dma_start3A_19 = arith.constant 0 : i32
      %dma_start3A_20 = tpu.memref_slice %arg17[%mul3A_4, %dma_start3A_19] : memref<10240x16xf32, #tpu.memory_space<vmem_shared>> -> memref<640x16xf32, #tpu.memory_space<vmem_shared>>
      tpu.enqueue_dma source(%arg6 : memref<640x16xf32, #tpu.memory_space<hbm>>) target(%dma_start3A_20 : memref<640x16xf32, #tpu.memory_space<vmem_shared>>) target_semaphore(%run_scoped3A : memref<!tpu.dma_semaphore, #tpu.memory_space<semaphore_mem>>)
      %dma_wait3A = arith.constant 0 : i32
      %dma_wait3A_21 = tpu.memref_slice %arg17[%mul3A_4, %dma_wait3A] : memref<10240x16xf32, #tpu.memory_space<vmem_shared>> -> memref<640x16xf32, #tpu.memory_space<vmem_shared>>
      tpu.wait_dma2 semaphore(%run_scoped3A : memref<!tpu.dma_semaphore, #tpu.memory_space<semaphore_mem>>) src(%arg6 : memref<640x16xf32, #tpu.memory_space<hbm>>) dst(%dma_wait3A_21 : memref<640x16xf32, #tpu.memory_space<vmem_shared>>)
      tpu.yield
    }) : () -> ()
    %barrier3A = arith.constant 0 : index
    tpu.barrier barrier_id(%barrier3A)
    %add3A_5 = arith.constant 0 : i32
    %add3A_6 = arith.addi %mul3A_2, %add3A_5 : i32
    "tpu.region"() ({
      %run_scoped3A = tpu.sem_alloc : memref<!tpu.dma_semaphore, #tpu.memory_space<semaphore_mem>>
      %dma_start3A_19 = tpu.memref_slice %arg3[%add3A_6] : memref<640000xi32, #tpu.memory_space<hbm>> -> memref<2000xi32, #tpu.memory_space<hbm>>
      %dma_start3A_20 = tpu.memref_slice %arg3[%add3A_6] : memref<640000xi32, #tpu.memory_space<hbm>> -> memref<2000xi32, #tpu.memory_space<hbm>>
      tpu.enqueue_dma source(%dma_start3A_20 : memref<2000xi32, #tpu.memory_space<hbm>>) target(%arg8 : memref<2000xi32, #tpu.memory_space<vmem>>) target_semaphore(%run_scoped3A : memref<!tpu.dma_semaphore, #tpu.memory_space<semaphore_mem>>)
      %dma_wait3A = tpu.memref_slice %arg3[%add3A_6] : memref<640000xi32, #tpu.memory_space<hbm>> -> memref<2000xi32, #tpu.memory_space<hbm>>
      %dma_wait3A_21 = tpu.memref_slice %arg3[%add3A_6] : memref<640000xi32, #tpu.memory_space<hbm>> -> memref<2000xi32, #tpu.memory_space<hbm>>
      tpu.wait_dma2 semaphore(%run_scoped3A : memref<!tpu.dma_semaphore, #tpu.memory_space<semaphore_mem>>) src(%dma_wait3A_21 : memref<2000xi32, #tpu.memory_space<hbm>>) dst(%arg8 : memref<2000xi32, #tpu.memory_space<vmem>>)
      tpu.yield
    }) : () -> ()
    "tpu.region"() ({
      %run_scoped3A = tpu.sem_alloc : memref<!tpu.dma_semaphore, #tpu.memory_space<semaphore_mem>>
      %dma_start3A_19 = tpu.memref_slice %arg4[%add3A_6] : memref<640000xi32, #tpu.memory_space<hbm>> -> memref<2000xi32, #tpu.memory_space<hbm>>
      %dma_start3A_20 = tpu.memref_slice %arg4[%add3A_6] : memref<640000xi32, #tpu.memory_space<hbm>> -> memref<2000xi32, #tpu.memory_space<hbm>>
      tpu.enqueue_dma source(%dma_start3A_20 : memref<2000xi32, #tpu.memory_space<hbm>>) target(%arg9 : memref<2000xi32, #tpu.memory_space<vmem>>) target_semaphore(%run_scoped3A : memref<!tpu.dma_semaphore, #tpu.memory_space<semaphore_mem>>)
      %dma_wait3A = tpu.memref_slice %arg4[%add3A_6] : memref<640000xi32, #tpu.memory_space<hbm>> -> memref<2000xi32, #tpu.memory_space<hbm>>
      %dma_wait3A_21 = tpu.memref_slice %arg4[%add3A_6] : memref<640000xi32, #tpu.memory_space<hbm>> -> memref<2000xi32, #tpu.memory_space<hbm>>
      tpu.wait_dma2 semaphore(%run_scoped3A : memref<!tpu.dma_semaphore, #tpu.memory_space<semaphore_mem>>) src(%dma_wait3A_21 : memref<2000xi32, #tpu.memory_space<hbm>>) dst(%arg9 : memref<2000xi32, #tpu.memory_space<vmem>>)
      tpu.yield
    }) : () -> ()
    "tpu.region"() ({
      %run_scoped3A = tpu.sem_alloc : memref<!tpu.dma_semaphore, #tpu.memory_space<semaphore_mem>>
      %dma_start3A_19 = tpu.memref_slice %arg5[%add3A_6] : memref<640000xf32, #tpu.memory_space<hbm>> -> memref<2000xf32, #tpu.memory_space<hbm>>
      %dma_start3A_20 = tpu.memref_slice %arg5[%add3A_6] : memref<640000xf32, #tpu.memory_space<hbm>> -> memref<2000xf32, #tpu.memory_space<hbm>>
      tpu.enqueue_dma source(%dma_start3A_20 : memref<2000xf32, #tpu.memory_space<hbm>>) target(%arg10 : memref<2000xf32, #tpu.memory_space<vmem>>) target_semaphore(%run_scoped3A : memref<!tpu.dma_semaphore, #tpu.memory_space<semaphore_mem>>)
      %dma_wait3A = tpu.memref_slice %arg5[%add3A_6] : memref<640000xf32, #tpu.memory_space<hbm>> -> memref<2000xf32, #tpu.memory_space<hbm>>
      %dma_wait3A_21 = tpu.memref_slice %arg5[%add3A_6] : memref<640000xf32, #tpu.memory_space<hbm>> -> memref<2000xf32, #tpu.memory_space<hbm>>
      tpu.wait_dma2 semaphore(%run_scoped3A : memref<!tpu.dma_semaphore, #tpu.memory_space<semaphore_mem>>) src(%dma_wait3A_21 : memref<2000xf32, #tpu.memory_space<hbm>>) dst(%arg10 : memref<2000xf32, #tpu.memory_space<vmem>>)
      tpu.yield
    }) : () -> ()
    %dma_start3A = arith.constant 0 : i32
    %dma_start3A_7 = arith.constant 0 : i32
    %dma_start3A_8 = tpu.memref_slice %arg2[%dma_start3A, %dma_start3A_7] : memref<10000x16xf32, #tpu.memory_space<hbm>> -> memref<10000x16xf32, #tpu.memory_space<hbm>>
    tpu.enqueue_indirect_dma source(%dma_start3A_8 : memref<10000x16xf32, #tpu.memory_space<hbm>>) target(%arg11 : memref<2000x16xf32, #tpu.memory_space<vmem>>) offsets(%arg8 : memref<2000xi32, #tpu.memory_space<vmem>>) semaphore(%arg18 : memref<!tpu.dma_semaphore, #tpu.memory_space<semaphore_mem>>)
    %scan3A = arith.constant 0 : i32
    %scan3A_9 = arith.constant 0 : i32
    %scan3A_10 = arith.constant 5 : i32
    %scan3A_11 = arith.addi %scan3A_9, %scan3A_10 : i32
    %scan3A_12 = arith.constant 1 : i32
    scf.for %scan3A_19 = %scan3A_9 to %scan3A_11 step %scan3A_12  : i32 {
      %mul3A_20 = arith.constant 2 : i32
      %mul3A_21 = arith.muli %mul3A_20, %scan3A_19 : i32
      %add3A_22 = arith.constant 1 : i32
      %add3A_23 = arith.addi %mul3A_21, %add3A_22 : i32
      %mul3A_24 = arith.constant 2000 : i32
      %mul3A_25 = arith.muli %add3A_23, %mul3A_24 : i32
      %add3A_26 = arith.addi %mul3A_2, %mul3A_25 : i32
      "tpu.region"() ({
        %run_scoped3A = tpu.sem_alloc : memref<!tpu.dma_semaphore, #tpu.memory_space<semaphore_mem>>
        %dma_start3A_49 = tpu.memref_slice %arg3[%add3A_26] : memref<640000xi32, #tpu.memory_space<hbm>> -> memref<2000xi32, #tpu.memory_space<hbm>>
        %dma_start3A_50 = tpu.memref_slice %arg3[%add3A_26] : memref<640000xi32, #tpu.memory_space<hbm>> -> memref<2000xi32, #tpu.memory_space<hbm>>
        tpu.enqueue_dma source(%dma_start3A_50 : memref<2000xi32, #tpu.memory_space<hbm>>) target(%arg12 : memref<2000xi32, #tpu.memory_space<vmem>>) target_semaphore(%run_scoped3A : memref<!tpu.dma_semaphore, #tpu.memory_space<semaphore_mem>>)
        %dma_wait3A_51 = tpu.memref_slice %arg3[%add3A_26] : memref<640000xi32, #tpu.memory_space<hbm>> -> memref<2000xi32, #tpu.memory_space<hbm>>
        %dma_wait3A_52 = tpu.memref_slice %arg3[%add3A_26] : memref<640000xi32, #tpu.memory_space<hbm>> -> memref<2000xi32, #tpu.memory_space<hbm>>
        tpu.wait_dma2 semaphore(%run_scoped3A : memref<!tpu.dma_semaphore, #tpu.memory_space<semaphore_mem>>) src(%dma_wait3A_52 : memref<2000xi32, #tpu.memory_space<hbm>>) dst(%arg12 : memref<2000xi32, #tpu.memory_space<vmem>>)
        tpu.yield
      }) : () -> ()
      "tpu.region"() ({
        %run_scoped3A = tpu.sem_alloc : memref<!tpu.dma_semaphore, #tpu.memory_space<semaphore_mem>>
        %dma_start3A_49 = tpu.memref_slice %arg4[%add3A_26] : memref<640000xi32, #tpu.memory_space<hbm>> -> memref<2000xi32, #tpu.memory_space<hbm>>
        %dma_start3A_50 = tpu.memref_slice %arg4[%add3A_26] : memref<640000xi32, #tpu.memory_space<hbm>> -> memref<2000xi32, #tpu.memory_space<hbm>>
        tpu.enqueue_dma source(%dma_start3A_50 : memref<2000xi32, #tpu.memory_space<hbm>>) target(%arg13 : memref<2000xi32, #tpu.memory_space<vmem>>) target_semaphore(%run_scoped3A : memref<!tpu.dma_semaphore, #tpu.memory_space<semaphore_mem>>)
        %dma_wait3A_51 = tpu.memref_slice %arg4[%add3A_26] : memref<640000xi32, #tpu.memory_space<hbm>> -> memref<2000xi32, #tpu.memory_space<hbm>>
        %dma_wait3A_52 = tpu.memref_slice %arg4[%add3A_26] : memref<640000xi32, #tpu.memory_space<hbm>> -> memref<2000xi32, #tpu.memory_space<hbm>>
        tpu.wait_dma2 semaphore(%run_scoped3A : memref<!tpu.dma_semaphore, #tpu.memory_space<semaphore_mem>>) src(%dma_wait3A_52 : memref<2000xi32, #tpu.memory_space<hbm>>) dst(%arg13 : memref<2000xi32, #tpu.memory_space<vmem>>)
        tpu.yield
      }) : () -> ()
      "tpu.region"() ({
        %run_scoped3A = tpu.sem_alloc : memref<!tpu.dma_semaphore, #tpu.memory_space<semaphore_mem>>
        %dma_start3A_49 = tpu.memref_slice %arg5[%add3A_26] : memref<640000xf32, #tpu.memory_space<hbm>> -> memref<2000xf32, #tpu.memory_space<hbm>>
        %dma_start3A_50 = tpu.memref_slice %arg5[%add3A_26] : memref<640000xf32, #tpu.memory_space<hbm>> -> memref<2000xf32, #tpu.memory_space<hbm>>
        tpu.enqueue_dma source(%dma_start3A_50 : memref<2000xf32, #tpu.memory_space<hbm>>) target(%arg14 : memref<2000xf32, #tpu.memory_space<vmem>>) target_semaphore(%run_scoped3A : memref<!tpu.dma_semaphore, #tpu.memory_space<semaphore_mem>>)
        %dma_wait3A_51 = tpu.memref_slice %arg5[%add3A_26] : memref<640000xf32, #tpu.memory_space<hbm>> -> memref<2000xf32, #tpu.memory_space<hbm>>
        %dma_wait3A_52 = tpu.memref_slice %arg5[%add3A_26] : memref<640000xf32, #tpu.memory_space<hbm>> -> memref<2000xf32, #tpu.memory_space<hbm>>
        tpu.wait_dma2 semaphore(%run_scoped3A : memref<!tpu.dma_semaphore, #tpu.memory_space<semaphore_mem>>) src(%dma_wait3A_52 : memref<2000xf32, #tpu.memory_space<hbm>>) dst(%arg14 : memref<2000xf32, #tpu.memory_space<vmem>>)
        tpu.yield
      }) : () -> ()
      %dma_start3A_27 = arith.constant 0 : i32
      %dma_start3A_28 = arith.constant 0 : i32
      %dma_start3A_29 = tpu.memref_slice %arg2[%dma_start3A_27, %dma_start3A_28] : memref<10000x16xf32, #tpu.memory_space<hbm>> -> memref<10000x16xf32, #tpu.memory_space<hbm>>
      tpu.enqueue_indirect_dma source(%dma_start3A_29 : memref<10000x16xf32, #tpu.memory_space<hbm>>) target(%arg15 : memref<2000x16xf32, #tpu.memory_space<vmem>>) offsets(%arg12 : memref<2000xi32, #tpu.memory_space<vmem>>) semaphore(%arg19 : memref<!tpu.dma_semaphore, #tpu.memory_space<semaphore_mem>>)
      %dma_wait3A = arith.constant 0 : i32
      %dma_wait3A_30 = arith.constant 0 : i32
      %dma_wait3A_31 = tpu.memref_slice %arg2[%dma_wait3A, %dma_wait3A_30] : memref<10000x16xf32, #tpu.memory_space<hbm>> -> memref<10000x16xf32, #tpu.memory_space<hbm>>
      tpu.wait_indirect_dma semaphore(%arg18 : memref<!tpu.dma_semaphore, #tpu.memory_space<semaphore_mem>>) src(%dma_wait3A_31 : memref<10000x16xf32, #tpu.memory_space<hbm>>) dst(%arg11 : memref<2000x16xf32, #tpu.memory_space<vmem>>)
      %scan3A_32 = arith.constant 0 : i32
      %scan3A_33 = arith.constant 0 : i32
      %scan3A_34 = arith.constant 125 : i32
      %scan3A_35 = arith.addi %scan3A_33, %scan3A_34 : i32
      %scan3A_36 = arith.constant 1 : i32
      scf.for %scan3A_49 = %scan3A_33 to %scan3A_35 step %scan3A_36  : i32 {
        %mul3A_50 = arith.constant 16 : i32
        %mul3A_51 = arith.muli %scan3A_49, %mul3A_50 : i32
        %get3A = arith.index_cast %mul3A_51 : i32 to index
        %get3A_52 = tpu.vector_load %arg10[%get3A] {strides = array<i32>} : memref<2000xf32, #tpu.memory_space<vmem>>, vector<16xf32>,
        %mul3A_53 = arith.constant 16 : i32
        %mul3A_54 = arith.muli %scan3A_49, %mul3A_53 : i32
        %add3A_55 = arith.constant 0 : i32
        %add3A_56 = arith.addi %mul3A_54, %add3A_55 : i32
        %get3A_57 = arith.index_cast %add3A_56 : i32 to index
        %get3A_58 = arith.constant 0 : index
        %get3A_59 = tpu.vector_load %arg11[%get3A_57, %get3A_58] {strides = array<i32>} : memref<2000x16xf32, #tpu.memory_space<vmem>>, vector<16xf32>,
        %broadcast_in_dim3A = arith.constant 0 : i32
        %broadcast_in_dim3A_60 = vector.broadcast %broadcast_in_dim3A : i32 to vector<16x1xi32>
        %gather3A = vector.shape_cast %broadcast_in_dim3A_60 : vector<16x1xi32> to vector<16xi32>
        %gather3A_61 = tpu.dynamic_gather %get3A_52[%gather3A] in [0] : vector<16xf32>, vector<16xi32> -> vector<16xf32>
        %mul3A_62 = arith.mulf %get3A_59, %gather3A_61 : vector<16xf32>
        %swap3A = arith.index_cast %add3A_56 : i32 to index
        %swap3A_63 = arith.constant 0 : index
        %swap3A_64 = tpu.vector_load %arg11[%swap3A, %swap3A_63] {strides = array<i32>} : memref<2000x16xf32, #tpu.memory_space<vmem>>, vector<16xf32>,
        tpu.vector_store %arg11[%swap3A, %swap3A_63], %mul3A_62 {strides = array<i32>} : memref<2000x16xf32, #tpu.memory_space<vmem>>, vector<16xf32>,
        %mul3A_65 = arith.constant 16 : i32
        %mul3A_66 = arith.muli %scan3A_49, %mul3A_65 : i32
        %add3A_67 = arith.constant 1 : i32
        %add3A_68 = arith.addi %mul3A_66, %add3A_67 : i32
        %get3A_69 = arith.index_cast %add3A_68 : i32 to index
        %get3A_70 = arith.constant 0 : index
        %get3A_71 = tpu.vector_load %arg11[%get3A_69, %get3A_70] {strides = array<i32>} : memref<2000x16xf32, #tpu.memory_space<vmem>>, vector<16xf32>,
        %broadcast_in_dim3A_72 = arith.constant 1 : i32
        %broadcast_in_dim3A_73 = vector.broadcast %broadcast_in_dim3A_72 : i32 to vector<16x1xi32>
        %gather3A_74 = vector.shape_cast %broadcast_in_dim3A_73 : vector<16x1xi32> to vector<16xi32>
        %gather3A_75 = tpu.dynamic_gather %get3A_52[%gather3A_74] in [0] : vector<16xf32>, vector<16xi32> -> vector<16xf32>
        %mul3A_76 = arith.mulf %get3A_71, %gather3A_75 : vector<16xf32>
        %swap3A_77 = arith.index_cast %add3A_68 : i32 to index
        %swap3A_78 = arith.constant 0 : index
        %swap3A_79 = tpu.vector_load %arg11[%swap3A_77, %swap3A_78] {strides = array<i32>} : memref<2000x16xf32, #tpu.memory_space<vmem>>, vector<16xf32>,
        tpu.vector_store %arg11[%swap3A_77, %swap3A_78], %mul3A_76 {strides = array<i32>} : memref<2000x16xf32, #tpu.memory_space<vmem>>, vector<16xf32>,
        %mul3A_80 = arith.constant 16 : i32
        %mul3A_81 = arith.muli %scan3A_49, %mul3A_80 : i32
        %add3A_82 = arith.constant 2 : i32
        %add3A_83 = arith.addi %mul3A_81, %add3A_82 : i32
        %get3A_84 = arith.index_cast %add3A_83 : i32 to index
        %get3A_85 = arith.constant 0 : index
        %get3A_86 = tpu.vector_load %arg11[%get3A_84, %get3A_85] {strides = array<i32>} : memref<2000x16xf32, #tpu.memory_space<vmem>>, vector<16xf32>,
        %broadcast_in_dim3A_87 = arith.constant 2 : i32
        %broadcast_in_dim3A_88 = vector.broadcast %broadcast_in_dim3A_87 : i32 to vector<16x1xi32>
        %gather3A_89 = vector.shape_cast %broadcast_in_dim3A_88 : vector<16x1xi32> to vector<16xi32>
        %gather3A_90 = tpu.dynamic_gather %get3A_52[%gather3A_89] in [0] : vector<16xf32>, vector<16xi32> -> vector<16xf32>
        %mul3A_91 = arith.mulf %get3A_86, %gather3A_90 : vector<16xf32>
        %swap3A_92 = arith.index_cast %add3A_83 : i32 to index
        %swap3A_93 = arith.constant 0 : index
        %swap3A_94 = tpu.vector_load %arg11[%swap3A_92, %swap3A_93] {strides = array<i32>} : memref<2000x16xf32, #tpu.memory_space<vmem>>, vector<16xf32>,
        tpu.vector_store %arg11[%swap3A_92, %swap3A_93], %mul3A_91 {strides = array<i32>} : memref<2000x16xf32, #tpu.memory_space<vmem>>, vector<16xf32>,
        %mul3A_95 = arith.constant 16 : i32
        %mul3A_96 = arith.muli %scan3A_49, %mul3A_95 : i32
        %add3A_97 = arith.constant 3 : i32
        %add3A_98 = arith.addi %mul3A_96, %add3A_97 : i32
        %get3A_99 = arith.index_cast %add3A_98 : i32 to index
        %get3A_100 = arith.constant 0 : index
        %get3A_101 = tpu.vector_load %arg11[%get3A_99, %get3A_100] {strides = array<i32>} : memref<2000x16xf32, #tpu.memory_space<vmem>>, vector<16xf32>,
        %broadcast_in_dim3A_102 = arith.constant 3 : i32
        %broadcast_in_dim3A_103 = vector.broadcast %broadcast_in_dim3A_102 : i32 to vector<16x1xi32>
        %gather3A_104 = vector.shape_cast %broadcast_in_dim3A_103 : vector<16x1xi32> to vector<16xi32>
        %gather3A_105 = tpu.dynamic_gather %get3A_52[%gather3A_104] in [0] : vector<16xf32>, vector<16xi32> -> vector<16xf32>
        %mul3A_106 = arith.mulf %get3A_101, %gather3A_105 : vector<16xf32>
        %swap3A_107 = arith.index_cast %add3A_98 : i32 to index
        %swap3A_108 = arith.constant 0 : index
        %swap3A_109 = tpu.vector_load %arg11[%swap3A_107, %swap3A_108] {strides = array<i32>} : memref<2000x16xf32, #tpu.memory_space<vmem>>, vector<16xf32>,
        tpu.vector_store %arg11[%swap3A_107, %swap3A_108], %mul3A_106 {strides = array<i32>} : memref<2000x16xf32, #tpu.memory_space<vmem>>, vector<16xf32>,
        %mul3A_110 = arith.constant 16 : i32
        %mul3A_111 = arith.muli %scan3A_49, %mul3A_110 : i32
        %add3A_112 = arith.constant 4 : i32
        %add3A_113 = arith.addi %mul3A_111, %add3A_112 : i32
        %get3A_114 = arith.index_cast %add3A_113 : i32 to index
        %get3A_115 = arith.constant 0 : index
        %get3A_116 = tpu.vector_load %arg11[%get3A_114, %get3A_115] {strides = array<i32>} : memref<2000x16xf32, #tpu.memory_space<vmem>>, vector<16xf32>,
        %broadcast_in_dim3A_117 = arith.constant 4 : i32
        %broadcast_in_dim3A_118 = vector.broadcast %broadcast_in_dim3A_117 : i32 to vector<16x1xi32>
        %gather3A_119 = vector.shape_cast %broadcast_in_dim3A_118 : vector<16x1xi32> to vector<16xi32>
        %gather3A_120 = tpu.dynamic_gather %get3A_52[%gather3A_119] in [0] : vector<16xf32>, vector<16xi32> -> vector<16xf32>
        %mul3A_121 = arith.mulf %get3A_116, %gather3A_120 : vector<16xf32>
        %swap3A_122 = arith.index_cast %add3A_113 : i32 to index
        %swap3A_123 = arith.constant 0 : index
        %swap3A_124 = tpu.vector_load %arg11[%swap3A_122, %swap3A_123] {strides = array<i32>} : memref<2000x16xf32, #tpu.memory_space<vmem>>, vector<16xf32>,
        tpu.vector_store %arg11[%swap3A_122, %swap3A_123], %mul3A_121 {strides = array<i32>} : memref<2000x16xf32, #tpu.memory_space<vmem>>, vector<16xf32>,
        %mul3A_125 = arith.constant 16 : i32
        %mul3A_126 = arith.muli %scan3A_49, %mul3A_125 : i32
        %add3A_127 = arith.constant 5 : i32
        %add3A_128 = arith.addi %mul3A_126, %add3A_127 : i32
        %get3A_129 = arith.index_cast %add3A_128 : i32 to index
        %get3A_130 = arith.constant 0 : index
        %get3A_131 = tpu.vector_load %arg11[%get3A_129, %get3A_130] {strides = array<i32>} : memref<2000x16xf32, #tpu.memory_space<vmem>>, vector<16xf32>,
        %broadcast_in_dim3A_132 = arith.constant 5 : i32
        %broadcast_in_dim3A_133 = vector.broadcast %broadcast_in_dim3A_132 : i32 to vector<16x1xi32>
        %gather3A_134 = vector.shape_cast %broadcast_in_dim3A_133 : vector<16x1xi32> to vector<16xi32>
        %gather3A_135 = tpu.dynamic_gather %get3A_52[%gather3A_134] in [0] : vector<16xf32>, vector<16xi32> -> vector<16xf32>
        %mul3A_136 = arith.mulf %get3A_131, %gather3A_135 : vector<16xf32>
        %swap3A_137 = arith.index_cast %add3A_128 : i32 to index
        %swap3A_138 = arith.constant 0 : index
        %swap3A_139 = tpu.vector_load %arg11[%swap3A_137, %swap3A_138] {strides = array<i32>} : memref<2000x16xf32, #tpu.memory_space<vmem>>, vector<16xf32>,
        tpu.vector_store %arg11[%swap3A_137, %swap3A_138], %mul3A_136 {strides = array<i32>} : memref<2000x16xf32, #tpu.memory_space<vmem>>, vector<16xf32>,
        %mul3A_140 = arith.constant 16 : i32
        %mul3A_141 = arith.muli %scan3A_49, %mul3A_140 : i32
        %add3A_142 = arith.constant 6 : i32
        %add3A_143 = arith.addi %mul3A_141, %add3A_142 : i32
        %get3A_144 = arith.index_cast %add3A_143 : i32 to index
        %get3A_145 = arith.constant 0 : index
        %get3A_146 = tpu.vector_load %arg11[%get3A_144, %get3A_145] {strides = array<i32>} : memref<2000x16xf32, #tpu.memory_space<vmem>>, vector<16xf32>,
        %broadcast_in_dim3A_147 = arith.constant 6 : i32
        %broadcast_in_dim3A_148 = vector.broadcast %broadcast_in_dim3A_147 : i32 to vector<16x1xi32>
        %gather3A_149 = vector.shape_cast %broadcast_in_dim3A_148 : vector<16x1xi32> to vector<16xi32>
        %gather3A_150 = tpu.dynamic_gather %get3A_52[%gather3A_149] in [0] : vector<16xf32>, vector<16xi32> -> vector<16xf32>
        %mul3A_151 = arith.mulf %get3A_146, %gather3A_150 : vector<16xf32>
        %swap3A_152 = arith.index_cast %add3A_143 : i32 to index
        %swap3A_153 = arith.constant 0 : index
        %swap3A_154 = tpu.vector_load %arg11[%swap3A_152, %swap3A_153] {strides = array<i32>} : memref<2000x16xf32, #tpu.memory_space<vmem>>, vector<16xf32>,
        tpu.vector_store %arg11[%swap3A_152, %swap3A_153], %mul3A_151 {strides = array<i32>} : memref<2000x16xf32, #tpu.memory_space<vmem>>, vector<16xf32>,
        %mul3A_155 = arith.constant 16 : i32
        %mul3A_156 = arith.muli %scan3A_49, %mul3A_155 : i32
        %add3A_157 = arith.constant 7 : i32
        %add3A_158 = arith.addi %mul3A_156, %add3A_157 : i32
        %get3A_159 = arith.index_cast %add3A_158 : i32 to index
        %get3A_160 = arith.constant 0 : index
        %get3A_161 = tpu.vector_load %arg11[%get3A_159, %get3A_160] {strides = array<i32>} : memref<2000x16xf32, #tpu.memory_space<vmem>>, vector<16xf32>,
        %broadcast_in_dim3A_162 = arith.constant 7 : i32
        %broadcast_in_dim3A_163 = vector.broadcast %broadcast_in_dim3A_162 : i32 to vector<16x1xi32>
        %gather3A_164 = vector.shape_cast %broadcast_in_dim3A_163 : vector<16x1xi32> to vector<16xi32>
        %gather3A_165 = tpu.dynamic_gather %get3A_52[%gather3A_164] in [0] : vector<16xf32>, vector<16xi32> -> vector<16xf32>
        %mul3A_166 = arith.mulf %get3A_161, %gather3A_165 : vector<16xf32>
        %swap3A_167 = arith.index_cast %add3A_158 : i32 to index
        %swap3A_168 = arith.constant 0 : index
        %swap3A_169 = tpu.vector_load %arg11[%swap3A_167, %swap3A_168] {strides = array<i32>} : memref<2000x16xf32, #tpu.memory_space<vmem>>, vector<16xf32>,
        tpu.vector_store %arg11[%swap3A_167, %swap3A_168], %mul3A_166 {strides = array<i32>} : memref<2000x16xf32, #tpu.memory_space<vmem>>, vector<16xf32>,
        %mul3A_170 = arith.constant 16 : i32
        %mul3A_171 = arith.muli %scan3A_49, %mul3A_170 : i32
        %add3A_172 = arith.constant 8 : i32
        %add3A_173 = arith.addi %mul3A_171, %add3A_172 : i32
        %get3A_174 = arith.index_cast %add3A_173 : i32 to index
        %get3A_175 = arith.constant 0 : index
        %get3A_176 = tpu.vector_load %arg11[%get3A_174, %get3A_175] {strides = array<i32>} : memref<2000x16xf32, #tpu.memory_space<vmem>>, vector<16xf32>,
        %broadcast_in_dim3A_177 = arith.constant 8 : i32
        %broadcast_in_dim3A_178 = vector.broadcast %broadcast_in_dim3A_177 : i32 to vector<16x1xi32>
        %gather3A_179 = vector.shape_cast %broadcast_in_dim3A_178 : vector<16x1xi32> to vector<16xi32>
        %gather3A_180 = tpu.dynamic_gather %get3A_52[%gather3A_179] in [0] : vector<16xf32>, vector<16xi32> -> vector<16xf32>
        %mul3A_181 = arith.mulf %get3A_176, %gather3A_180 : vector<16xf32>
        %swap3A_182 = arith.index_cast %add3A_173 : i32 to index
        %swap3A_183 = arith.constant 0 : index
        %swap3A_184 = tpu.vector_load %arg11[%swap3A_182, %swap3A_183] {strides = array<i32>} : memref<2000x16xf32, #tpu.memory_space<vmem>>, vector<16xf32>,
        tpu.vector_store %arg11[%swap3A_182, %swap3A_183], %mul3A_181 {strides = array<i32>} : memref<2000x16xf32, #tpu.memory_space<vmem>>, vector<16xf32>,
        %mul3A_185 = arith.constant 16 : i32
        %mul3A_186 = arith.muli %scan3A_49, %mul3A_185 : i32
        %add3A_187 = arith.constant 9 : i32
        %add3A_188 = arith.addi %mul3A_186, %add3A_187 : i32
        %get3A_189 = arith.index_cast %add3A_188 : i32 to index
        %get3A_190 = arith.constant 0 : index
        %get3A_191 = tpu.vector_load %arg11[%get3A_189, %get3A_190] {strides = array<i32>} : memref<2000x16xf32, #tpu.memory_space<vmem>>, vector<16xf32>,
        %broadcast_in_dim3A_192 = arith.constant 9 : i32
        %broadcast_in_dim3A_193 = vector.broadcast %broadcast_in_dim3A_192 : i32 to vector<16x1xi32>
        %gather3A_194 = vector.shape_cast %broadcast_in_dim3A_193 : vector<16x1xi32> to vector<16xi32>
        %gather3A_195 = tpu.dynamic_gather %get3A_52[%gather3A_194] in [0] : vector<16xf32>, vector<16xi32> -> vector<16xf32>
        %mul3A_196 = arith.mulf %get3A_191, %gather3A_195 : vector<16xf32>
        %swap3A_197 = arith.index_cast %add3A_188 : i32 to index
        %swap3A_198 = arith.constant 0 : index
        %swap3A_199 = tpu.vector_load %arg11[%swap3A_197, %swap3A_198] {strides = array<i32>} : memref<2000x16xf32, #tpu.memory_space<vmem>>, vector<16xf32>,
        tpu.vector_store %arg11[%swap3A_197, %swap3A_198], %mul3A_196 {strides = array<i32>} : memref<2000x16xf32, #tpu.memory_space<vmem>>, vector<16xf32>,
        %mul3A_200 = arith.constant 16 : i32
        %mul3A_201 = arith.muli %scan3A_49, %mul3A_200 : i32
        %add3A_202 = arith.constant 10 : i32
        %add3A_203 = arith.addi %mul3A_201, %add3A_202 : i32
        %get3A_204 = arith.index_cast %add3A_203 : i32 to index
        %get3A_205 = arith.constant 0 : index
        %get3A_206 = tpu.vector_load %arg11[%get3A_204, %get3A_205] {strides = array<i32>} : memref<2000x16xf32, #tpu.memory_space<vmem>>, vector<16xf32>,
        %broadcast_in_dim3A_207 = arith.constant 10 : i32
        %broadcast_in_dim3A_208 = vector.broadcast %broadcast_in_dim3A_207 : i32 to vector<16x1xi32>
        %gather3A_209 = vector.shape_cast %broadcast_in_dim3A_208 : vector<16x1xi32> to vector<16xi32>
        %gather3A_210 = tpu.dynamic_gather %get3A_52[%gather3A_209] in [0] : vector<16xf32>, vector<16xi32> -> vector<16xf32>
        %mul3A_211 = arith.mulf %get3A_206, %gather3A_210 : vector<16xf32>
        %swap3A_212 = arith.index_cast %add3A_203 : i32 to index
        %swap3A_213 = arith.constant 0 : index
        %swap3A_214 = tpu.vector_load %arg11[%swap3A_212, %swap3A_213] {strides = array<i32>} : memref<2000x16xf32, #tpu.memory_space<vmem>>, vector<16xf32>,
        tpu.vector_store %arg11[%swap3A_212, %swap3A_213], %mul3A_211 {strides = array<i32>} : memref<2000x16xf32, #tpu.memory_space<vmem>>, vector<16xf32>,
        %mul3A_215 = arith.constant 16 : i32
        %mul3A_216 = arith.muli %scan3A_49, %mul3A_215 : i32
        %add3A_217 = arith.constant 11 : i32
        %add3A_218 = arith.addi %mul3A_216, %add3A_217 : i32
        %get3A_219 = arith.index_cast %add3A_218 : i32 to index
        %get3A_220 = arith.constant 0 : index
        %get3A_221 = tpu.vector_load %arg11[%get3A_219, %get3A_220] {strides = array<i32>} : memref<2000x16xf32, #tpu.memory_space<vmem>>, vector<16xf32>,
        %broadcast_in_dim3A_222 = arith.constant 11 : i32
        %broadcast_in_dim3A_223 = vector.broadcast %broadcast_in_dim3A_222 : i32 to vector<16x1xi32>
        %gather3A_224 = vector.shape_cast %broadcast_in_dim3A_223 : vector<16x1xi32> to vector<16xi32>
        %gather3A_225 = tpu.dynamic_gather %get3A_52[%gather3A_224] in [0] : vector<16xf32>, vector<16xi32> -> vector<16xf32>
        %mul3A_226 = arith.mulf %get3A_221, %gather3A_225 : vector<16xf32>
        %swap3A_227 = arith.index_cast %add3A_218 : i32 to index
        %swap3A_228 = arith.constant 0 : index
        %swap3A_229 = tpu.vector_load %arg11[%swap3A_227, %swap3A_228] {strides = array<i32>} : memref<2000x16xf32, #tpu.memory_space<vmem>>, vector<16xf32>,
        tpu.vector_store %arg11[%swap3A_227, %swap3A_228], %mul3A_226 {strides = array<i32>} : memref<2000x16xf32, #tpu.memory_space<vmem>>, vector<16xf32>,
        %mul3A_230 = arith.constant 16 : i32
        %mul3A_231 = arith.muli %scan3A_49, %mul3A_230 : i32
        %add3A_232 = arith.constant 12 : i32
        %add3A_233 = arith.addi %mul3A_231, %add3A_232 : i32
        %get3A_234 = arith.index_cast %add3A_233 : i32 to index
        %get3A_235 = arith.constant 0 : index
        %get3A_236 = tpu.vector_load %arg11[%get3A_234, %get3A_235] {strides = array<i32>} : memref<2000x16xf32, #tpu.memory_space<vmem>>, vector<16xf32>,
        %broadcast_in_dim3A_237 = arith.constant 12 : i32
        %broadcast_in_dim3A_238 = vector.broadcast %broadcast_in_dim3A_237 : i32 to vector<16x1xi32>
        %gather3A_239 = vector.shape_cast %broadcast_in_dim3A_238 : vector<16x1xi32> to vector<16xi32>
        %gather3A_240 = tpu.dynamic_gather %get3A_52[%gather3A_239] in [0] : vector<16xf32>, vector<16xi32> -> vector<16xf32>
        %mul3A_241 = arith.mulf %get3A_236, %gather3A_240 : vector<16xf32>
        %swap3A_242 = arith.index_cast %add3A_233 : i32 to index
        %swap3A_243 = arith.constant 0 : index
        %swap3A_244 = tpu.vector_load %arg11[%swap3A_242, %swap3A_243] {strides = array<i32>} : memref<2000x16xf32, #tpu.memory_space<vmem>>, vector<16xf32>,
        tpu.vector_store %arg11[%swap3A_242, %swap3A_243], %mul3A_241 {strides = array<i32>} : memref<2000x16xf32, #tpu.memory_space<vmem>>, vector<16xf32>,
        %mul3A_245 = arith.constant 16 : i32
        %mul3A_246 = arith.muli %scan3A_49, %mul3A_245 : i32
        %add3A_247 = arith.constant 13 : i32
        %add3A_248 = arith.addi %mul3A_246, %add3A_247 : i32
        %get3A_249 = arith.index_cast %add3A_248 : i32 to index
        %get3A_250 = arith.constant 0 : index
        %get3A_251 = tpu.vector_load %arg11[%get3A_249, %get3A_250] {strides = array<i32>} : memref<2000x16xf32, #tpu.memory_space<vmem>>, vector<16xf32>,
        %broadcast_in_dim3A_252 = arith.constant 13 : i32
        %broadcast_in_dim3A_253 = vector.broadcast %broadcast_in_dim3A_252 : i32 to vector<16x1xi32>
        %gather3A_254 = vector.shape_cast %broadcast_in_dim3A_253 : vector<16x1xi32> to vector<16xi32>
        %gather3A_255 = tpu.dynamic_gather %get3A_52[%gather3A_254] in [0] : vector<16xf32>, vector<16xi32> -> vector<16xf32>
        %mul3A_256 = arith.mulf %get3A_251, %gather3A_255 : vector<16xf32>
        %swap3A_257 = arith.index_cast %add3A_248 : i32 to index
        %swap3A_258 = arith.constant 0 : index
        %swap3A_259 = tpu.vector_load %arg11[%swap3A_257, %swap3A_258] {strides = array<i32>} : memref<2000x16xf32, #tpu.memory_space<vmem>>, vector<16xf32>,
        tpu.vector_store %arg11[%swap3A_257, %swap3A_258], %mul3A_256 {strides = array<i32>} : memref<2000x16xf32, #tpu.memory_space<vmem>>, vector<16xf32>,
        %mul3A_260 = arith.constant 16 : i32
        %mul3A_261 = arith.muli %scan3A_49, %mul3A_260 : i32
        %add3A_262 = arith.constant 14 : i32
        %add3A_263 = arith.addi %mul3A_261, %add3A_262 : i32
        %get3A_264 = arith.index_cast %add3A_263 : i32 to index
        %get3A_265 = arith.constant 0 : index
        %get3A_266 = tpu.vector_load %arg11[%get3A_264, %get3A_265] {strides = array<i32>} : memref<2000x16xf32, #tpu.memory_space<vmem>>, vector<16xf32>,
        %broadcast_in_dim3A_267 = arith.constant 14 : i32
        %broadcast_in_dim3A_268 = vector.broadcast %broadcast_in_dim3A_267 : i32 to vector<16x1xi32>
        %gather3A_269 = vector.shape_cast %broadcast_in_dim3A_268 : vector<16x1xi32> to vector<16xi32>
        %gather3A_270 = tpu.dynamic_gather %get3A_52[%gather3A_269] in [0] : vector<16xf32>, vector<16xi32> -> vector<16xf32>
        %mul3A_271 = arith.mulf %get3A_266, %gather3A_270 : vector<16xf32>
        %swap3A_272 = arith.index_cast %add3A_263 : i32 to index
        %swap3A_273 = arith.constant 0 : index
        %swap3A_274 = tpu.vector_load %arg11[%swap3A_272, %swap3A_273] {strides = array<i32>} : memref<2000x16xf32, #tpu.memory_space<vmem>>, vector<16xf32>,
        tpu.vector_store %arg11[%swap3A_272, %swap3A_273], %mul3A_271 {strides = array<i32>} : memref<2000x16xf32, #tpu.memory_space<vmem>>, vector<16xf32>,
        %mul3A_275 = arith.constant 16 : i32
        %mul3A_276 = arith.muli %scan3A_49, %mul3A_275 : i32
        %add3A_277 = arith.constant 15 : i32
        %add3A_278 = arith.addi %mul3A_276, %add3A_277 : i32
        %get3A_279 = arith.index_cast %add3A_278 : i32 to index
        %get3A_280 = arith.constant 0 : index
        %get3A_281 = tpu.vector_load %arg11[%get3A_279, %get3A_280] {strides = array<i32>} : memref<2000x16xf32, #tpu.memory_space<vmem>>, vector<16xf32>,
        %broadcast_in_dim3A_282 = arith.constant 15 : i32
        %broadcast_in_dim3A_283 = vector.broadcast %broadcast_in_dim3A_282 : i32 to vector<16x1xi32>
        %gather3A_284 = vector.shape_cast %broadcast_in_dim3A_283 : vector<16x1xi32> to vector<16xi32>
        %gather3A_285 = tpu.dynamic_gather %get3A_52[%gather3A_284] in [0] : vector<16xf32>, vector<16xi32> -> vector<16xf32>
        %mul3A_286 = arith.mulf %get3A_281, %gather3A_285 : vector<16xf32>
        %swap3A_287 = arith.index_cast %add3A_278 : i32 to index
        %swap3A_288 = arith.constant 0 : index
        %swap3A_289 = tpu.vector_load %arg11[%swap3A_287, %swap3A_288] {strides = array<i32>} : memref<2000x16xf32, #tpu.memory_space<vmem>>, vector<16xf32>,
        tpu.vector_store %arg11[%swap3A_287, %swap3A_288], %mul3A_286 {strides = array<i32>} : memref<2000x16xf32, #tpu.memory_space<vmem>>, vector<16xf32>,
      }
      %scan3A_37 = arith.constant 125 : i32
      "tpu.region"() ({
        %run_scoped3A = tpu.sem_alloc : memref<!tpu.dma_semaphore, #tpu.memory_space<semaphore_mem>>
        %dma_start3A_49 = arith.constant 0 : i32
        %dma_start3A_50 = arith.constant 0 : i32
        %dma_start3A_51 = tpu.memref_slice %arg17[%dma_start3A_49, %dma_start3A_50] : memref<10240x16xf32, #tpu.memory_space<vmem_shared>> -> memref<10240x16xf32, #tpu.memory_space<vmem_shared>>
        tpu.enqueue_indirect_dma source(%arg11 : memref<2000x16xf32, #tpu.memory_space<vmem>>) target(%dma_start3A_51 : memref<10240x16xf32, #tpu.memory_space<vmem_shared>>) offsets(%arg9 : memref<2000xi32, #tpu.memory_space<vmem>>) semaphore(%run_scoped3A : memref<!tpu.dma_semaphore, #tpu.memory_space<semaphore_mem>>) {add = true}
        %dma_wait3A_52 = arith.constant 0 : i32
        %dma_wait3A_53 = arith.constant 0 : i32
        %dma_wait3A_54 = tpu.memref_slice %arg17[%dma_wait3A_52, %dma_wait3A_53] : memref<10240x16xf32, #tpu.memory_space<vmem_shared>> -> memref<10240x16xf32, #tpu.memory_space<vmem_shared>>
        tpu.wait_indirect_dma semaphore(%run_scoped3A : memref<!tpu.dma_semaphore, #tpu.memory_space<semaphore_mem>>) src(%arg11 : memref<2000x16xf32, #tpu.memory_space<vmem>>) dst(%dma_wait3A_54 : memref<10240x16xf32, #tpu.memory_space<vmem_shared>>)
        tpu.yield
      }) : () -> ()
      %lt3A = arith.constant 4 : i32
      %lt3A_38 = arith.cmpi slt, %scan3A_19, %lt3A : i32
      %convert_element_type3A = arith.extui %lt3A_38 : i1 to i32
      %cond3A = arith.constant 0 : i32
      %cond3A_39 = arith.cmpi ne, %convert_element_type3A, %cond3A : i32
      scf.if %cond3A_39 {
        %add3A_49 = arith.constant 2 : i32
        %add3A_50 = arith.addi %mul3A_21, %add3A_49 : i32
        %mul3A_51 = arith.constant 2000 : i32
        %mul3A_52 = arith.muli %add3A_50, %mul3A_51 : i32
        %add3A_53 = arith.addi %mul3A_2, %mul3A_52 : i32
        "tpu.region"() ({
          %run_scoped3A = tpu.sem_alloc : memref<!tpu.dma_semaphore, #tpu.memory_space<semaphore_mem>>
          %dma_start3A_57 = tpu.memref_slice %arg3[%add3A_53] : memref<640000xi32, #tpu.memory_space<hbm>> -> memref<2000xi32, #tpu.memory_space<hbm>>
          %dma_start3A_58 = tpu.memref_slice %arg3[%add3A_53] : memref<640000xi32, #tpu.memory_space<hbm>> -> memref<2000xi32, #tpu.memory_space<hbm>>
          tpu.enqueue_dma source(%dma_start3A_58 : memref<2000xi32, #tpu.memory_space<hbm>>) target(%arg8 : memref<2000xi32, #tpu.memory_space<vmem>>) target_semaphore(%run_scoped3A : memref<!tpu.dma_semaphore, #tpu.memory_space<semaphore_mem>>)
          %dma_wait3A_59 = tpu.memref_slice %arg3[%add3A_53] : memref<640000xi32, #tpu.memory_space<hbm>> -> memref<2000xi32, #tpu.memory_space<hbm>>
          %dma_wait3A_60 = tpu.memref_slice %arg3[%add3A_53] : memref<640000xi32, #tpu.memory_space<hbm>> -> memref<2000xi32, #tpu.memory_space<hbm>>
          tpu.wait_dma2 semaphore(%run_scoped3A : memref<!tpu.dma_semaphore, #tpu.memory_space<semaphore_mem>>) src(%dma_wait3A_60 : memref<2000xi32, #tpu.memory_space<hbm>>) dst(%arg8 : memref<2000xi32, #tpu.memory_space<vmem>>)
          tpu.yield
        }) : () -> ()
        "tpu.region"() ({
          %run_scoped3A = tpu.sem_alloc : memref<!tpu.dma_semaphore, #tpu.memory_space<semaphore_mem>>
          %dma_start3A_57 = tpu.memref_slice %arg4[%add3A_53] : memref<640000xi32, #tpu.memory_space<hbm>> -> memref<2000xi32, #tpu.memory_space<hbm>>
          %dma_start3A_58 = tpu.memref_slice %arg4[%add3A_53] : memref<640000xi32, #tpu.memory_space<hbm>> -> memref<2000xi32, #tpu.memory_space<hbm>>
          tpu.enqueue_dma source(%dma_start3A_58 : memref<2000xi32, #tpu.memory_space<hbm>>) target(%arg9 : memref<2000xi32, #tpu.memory_space<vmem>>) target_semaphore(%run_scoped3A : memref<!tpu.dma_semaphore, #tpu.memory_space<semaphore_mem>>)
          %dma_wait3A_59 = tpu.memref_slice %arg4[%add3A_53] : memref<640000xi32, #tpu.memory_space<hbm>> -> memref<2000xi32, #tpu.memory_space<hbm>>
          %dma_wait3A_60 = tpu.memref_slice %arg4[%add3A_53] : memref<640000xi32, #tpu.memory_space<hbm>> -> memref<2000xi32, #tpu.memory_space<hbm>>
          tpu.wait_dma2 semaphore(%run_scoped3A : memref<!tpu.dma_semaphore, #tpu.memory_space<semaphore_mem>>) src(%dma_wait3A_60 : memref<2000xi32, #tpu.memory_space<hbm>>) dst(%arg9 : memref<2000xi32, #tpu.memory_space<vmem>>)
          tpu.yield
        }) : () -> ()
        "tpu.region"() ({
          %run_scoped3A = tpu.sem_alloc : memref<!tpu.dma_semaphore, #tpu.memory_space<semaphore_mem>>
          %dma_start3A_57 = tpu.memref_slice %arg5[%add3A_53] : memref<640000xf32, #tpu.memory_space<hbm>> -> memref<2000xf32, #tpu.memory_space<hbm>>
          %dma_start3A_58 = tpu.memref_slice %arg5[%add3A_53] : memref<640000xf32, #tpu.memory_space<hbm>> -> memref<2000xf32, #tpu.memory_space<hbm>>
          tpu.enqueue_dma source(%dma_start3A_58 : memref<2000xf32, #tpu.memory_space<hbm>>) target(%arg10 : memref<2000xf32, #tpu.memory_space<vmem>>) target_semaphore(%run_scoped3A : memref<!tpu.dma_semaphore, #tpu.memory_space<semaphore_mem>>)
          %dma_wait3A_59 = tpu.memref_slice %arg5[%add3A_53] : memref<640000xf32, #tpu.memory_space<hbm>> -> memref<2000xf32, #tpu.memory_space<hbm>>
          %dma_wait3A_60 = tpu.memref_slice %arg5[%add3A_53] : memref<640000xf32, #tpu.memory_space<hbm>> -> memref<2000xf32, #tpu.memory_space<hbm>>
          tpu.wait_dma2 semaphore(%run_scoped3A : memref<!tpu.dma_semaphore, #tpu.memory_space<semaphore_mem>>) src(%dma_wait3A_60 : memref<2000xf32, #tpu.memory_space<hbm>>) dst(%arg10 : memref<2000xf32, #tpu.memory_space<vmem>>)
          tpu.yield
        }) : () -> ()
        %dma_start3A_54 = arith.constant 0 : i32
        %dma_start3A_55 = arith.constant 0 : i32
        %dma_start3A_56 = tpu.memref_slice %arg2[%dma_start3A_54, %dma_start3A_55] : memref<10000x16xf32, #tpu.memory_space<hbm>> -> memref<10000x16xf32, #tpu.memory_space<hbm>>
        tpu.enqueue_indirect_dma source(%dma_start3A_56 : memref<10000x16xf32, #tpu.memory_space<hbm>>) target(%arg11 : memref<2000x16xf32, #tpu.memory_space<vmem>>) offsets(%arg8 : memref<2000xi32, #tpu.memory_space<vmem>>) semaphore(%arg18 : memref<!tpu.dma_semaphore, #tpu.memory_space<semaphore_mem>>)
      } else {
      }
      %dma_wait3A_40 = arith.constant 0 : i32
      %dma_wait3A_41 = arith.constant 0 : i32
      %dma_wait3A_42 = tpu.memref_slice %arg2[%dma_wait3A_40, %dma_wait3A_41] : memref<10000x16xf32, #tpu.memory_space<hbm>> -> memref<10000x16xf32, #tpu.memory_space<hbm>>
      tpu.wait_indirect_dma semaphore(%arg19 : memref<!tpu.dma_semaphore, #tpu.memory_space<semaphore_mem>>) src(%dma_wait3A_42 : memref<10000x16xf32, #tpu.memory_space<hbm>>) dst(%arg15 : memref<2000x16xf32, #tpu.memory_space<vmem>>)
      %scan3A_43 = arith.constant 0 : i32
      %scan3A_44 = arith.constant 0 : i32
      %scan3A_45 = arith.constant 125 : i32
      %scan3A_46 = arith.addi %scan3A_44, %scan3A_45 : i32
      %scan3A_47 = arith.constant 1 : i32
      scf.for %scan3A_49 = %scan3A_44 to %scan3A_46 step %scan3A_47  : i32 {
        %mul3A_50 = arith.constant 16 : i32
        %mul3A_51 = arith.muli %scan3A_49, %mul3A_50 : i32
        %get3A = arith.index_cast %mul3A_51 : i32 to index
        %get3A_52 = tpu.vector_load %arg14[%get3A] {strides = array<i32>} : memref<2000xf32, #tpu.memory_space<vmem>>, vector<16xf32>,
        %mul3A_53 = arith.constant 16 : i32
        %mul3A_54 = arith.muli %scan3A_49, %mul3A_53 : i32
        %add3A_55 = arith.constant 0 : i32
        %add3A_56 = arith.addi %mul3A_54, %add3A_55 : i32
        %get3A_57 = arith.index_cast %add3A_56 : i32 to index
        %get3A_58 = arith.constant 0 : index
        %get3A_59 = tpu.vector_load %arg15[%get3A_57, %get3A_58] {strides = array<i32>} : memref<2000x16xf32, #tpu.memory_space<vmem>>, vector<16xf32>,
        %broadcast_in_dim3A = arith.constant 0 : i32
        %broadcast_in_dim3A_60 = vector.broadcast %broadcast_in_dim3A : i32 to vector<16x1xi32>
        %gather3A = vector.shape_cast %broadcast_in_dim3A_60 : vector<16x1xi32> to vector<16xi32>
        %gather3A_61 = tpu.dynamic_gather %get3A_52[%gather3A] in [0] : vector<16xf32>, vector<16xi32> -> vector<16xf32>
        %mul3A_62 = arith.mulf %get3A_59, %gather3A_61 : vector<16xf32>
        %swap3A = arith.index_cast %add3A_56 : i32 to index
        %swap3A_63 = arith.constant 0 : index
        %swap3A_64 = tpu.vector_load %arg15[%swap3A, %swap3A_63] {strides = array<i32>} : memref<2000x16xf32, #tpu.memory_space<vmem>>, vector<16xf32>,
        tpu.vector_store %arg15[%swap3A, %swap3A_63], %mul3A_62 {strides = array<i32>} : memref<2000x16xf32, #tpu.memory_space<vmem>>, vector<16xf32>,
        %mul3A_65 = arith.constant 16 : i32
        %mul3A_66 = arith.muli %scan3A_49, %mul3A_65 : i32
        %add3A_67 = arith.constant 1 : i32
        %add3A_68 = arith.addi %mul3A_66, %add3A_67 : i32
        %get3A_69 = arith.index_cast %add3A_68 : i32 to index
        %get3A_70 = arith.constant 0 : index
        %get3A_71 = tpu.vector_load %arg15[%get3A_69, %get3A_70] {strides = array<i32>} : memref<2000x16xf32, #tpu.memory_space<vmem>>, vector<16xf32>,
        %broadcast_in_dim3A_72 = arith.constant 1 : i32
        %broadcast_in_dim3A_73 = vector.broadcast %broadcast_in_dim3A_72 : i32 to vector<16x1xi32>
        %gather3A_74 = vector.shape_cast %broadcast_in_dim3A_73 : vector<16x1xi32> to vector<16xi32>
        %gather3A_75 = tpu.dynamic_gather %get3A_52[%gather3A_74] in [0] : vector<16xf32>, vector<16xi32> -> vector<16xf32>
        %mul3A_76 = arith.mulf %get3A_71, %gather3A_75 : vector<16xf32>
        %swap3A_77 = arith.index_cast %add3A_68 : i32 to index
        %swap3A_78 = arith.constant 0 : index
        %swap3A_79 = tpu.vector_load %arg15[%swap3A_77, %swap3A_78] {strides = array<i32>} : memref<2000x16xf32, #tpu.memory_space<vmem>>, vector<16xf32>,
        tpu.vector_store %arg15[%swap3A_77, %swap3A_78], %mul3A_76 {strides = array<i32>} : memref<2000x16xf32, #tpu.memory_space<vmem>>, vector<16xf32>,
        %mul3A_80 = arith.constant 16 : i32
        %mul3A_81 = arith.muli %scan3A_49, %mul3A_80 : i32
        %add3A_82 = arith.constant 2 : i32
        %add3A_83 = arith.addi %mul3A_81, %add3A_82 : i32
        %get3A_84 = arith.index_cast %add3A_83 : i32 to index
        %get3A_85 = arith.constant 0 : index
        %get3A_86 = tpu.vector_load %arg15[%get3A_84, %get3A_85] {strides = array<i32>} : memref<2000x16xf32, #tpu.memory_space<vmem>>, vector<16xf32>,
        %broadcast_in_dim3A_87 = arith.constant 2 : i32
        %broadcast_in_dim3A_88 = vector.broadcast %broadcast_in_dim3A_87 : i32 to vector<16x1xi32>
        %gather3A_89 = vector.shape_cast %broadcast_in_dim3A_88 : vector<16x1xi32> to vector<16xi32>
        %gather3A_90 = tpu.dynamic_gather %get3A_52[%gather3A_89] in [0] : vector<16xf32>, vector<16xi32> -> vector<16xf32>
        %mul3A_91 = arith.mulf %get3A_86, %gather3A_90 : vector<16xf32>
        %swap3A_92 = arith.index_cast %add3A_83 : i32 to index
        %swap3A_93 = arith.constant 0 : index
        %swap3A_94 = tpu.vector_load %arg15[%swap3A_92, %swap3A_93] {strides = array<i32>} : memref<2000x16xf32, #tpu.memory_space<vmem>>, vector<16xf32>,
        tpu.vector_store %arg15[%swap3A_92, %swap3A_93], %mul3A_91 {strides = array<i32>} : memref<2000x16xf32, #tpu.memory_space<vmem>>, vector<16xf32>,
        %mul3A_95 = arith.constant 16 : i32
        %mul3A_96 = arith.muli %scan3A_49, %mul3A_95 : i32
        %add3A_97 = arith.constant 3 : i32
        %add3A_98 = arith.addi %mul3A_96, %add3A_97 : i32
        %get3A_99 = arith.index_cast %add3A_98 : i32 to index
        %get3A_100 = arith.constant 0 : index
        %get3A_101 = tpu.vector_load %arg15[%get3A_99, %get3A_100] {strides = array<i32>} : memref<2000x16xf32, #tpu.memory_space<vmem>>, vector<16xf32>,
        %broadcast_in_dim3A_102 = arith.constant 3 : i32
        %broadcast_in_dim3A_103 = vector.broadcast %broadcast_in_dim3A_102 : i32 to vector<16x1xi32>
        %gather3A_104 = vector.shape_cast %broadcast_in_dim3A_103 : vector<16x1xi32> to vector<16xi32>
        %gather3A_105 = tpu.dynamic_gather %get3A_52[%gather3A_104] in [0] : vector<16xf32>, vector<16xi32> -> vector<16xf32>
        %mul3A_106 = arith.mulf %get3A_101, %gather3A_105 : vector<16xf32>
        %swap3A_107 = arith.index_cast %add3A_98 : i32 to index
        %swap3A_108 = arith.constant 0 : index
        %swap3A_109 = tpu.vector_load %arg15[%swap3A_107, %swap3A_108] {strides = array<i32>} : memref<2000x16xf32, #tpu.memory_space<vmem>>, vector<16xf32>,
        tpu.vector_store %arg15[%swap3A_107, %swap3A_108], %mul3A_106 {strides = array<i32>} : memref<2000x16xf32, #tpu.memory_space<vmem>>, vector<16xf32>,
        %mul3A_110 = arith.constant 16 : i32
        %mul3A_111 = arith.muli %scan3A_49, %mul3A_110 : i32
        %add3A_112 = arith.constant 4 : i32
        %add3A_113 = arith.addi %mul3A_111, %add3A_112 : i32
        %get3A_114 = arith.index_cast %add3A_113 : i32 to index
        %get3A_115 = arith.constant 0 : index
        %get3A_116 = tpu.vector_load %arg15[%get3A_114, %get3A_115] {strides = array<i32>} : memref<2000x16xf32, #tpu.memory_space<vmem>>, vector<16xf32>,
        %broadcast_in_dim3A_117 = arith.constant 4 : i32
        %broadcast_in_dim3A_118 = vector.broadcast %broadcast_in_dim3A_117 : i32 to vector<16x1xi32>
        %gather3A_119 = vector.shape_cast %broadcast_in_dim3A_118 : vector<16x1xi32> to vector<16xi32>
        %gather3A_120 = tpu.dynamic_gather %get3A_52[%gather3A_119] in [0] : vector<16xf32>, vector<16xi32> -> vector<16xf32>
        %mul3A_121 = arith.mulf %get3A_116, %gather3A_120 : vector<16xf32>
        %swap3A_122 = arith.index_cast %add3A_113 : i32 to index
        %swap3A_123 = arith.constant 0 : index
        %swap3A_124 = tpu.vector_load %arg15[%swap3A_122, %swap3A_123] {strides = array<i32>} : memref<2000x16xf32, #tpu.memory_space<vmem>>, vector<16xf32>,
        tpu.vector_store %arg15[%swap3A_122, %swap3A_123], %mul3A_121 {strides = array<i32>} : memref<2000x16xf32, #tpu.memory_space<vmem>>, vector<16xf32>,
        %mul3A_125 = arith.constant 16 : i32
        %mul3A_126 = arith.muli %scan3A_49, %mul3A_125 : i32
        %add3A_127 = arith.constant 5 : i32
        %add3A_128 = arith.addi %mul3A_126, %add3A_127 : i32
        %get3A_129 = arith.index_cast %add3A_128 : i32 to index
        %get3A_130 = arith.constant 0 : index
        %get3A_131 = tpu.vector_load %arg15[%get3A_129, %get3A_130] {strides = array<i32>} : memref<2000x16xf32, #tpu.memory_space<vmem>>, vector<16xf32>,
        %broadcast_in_dim3A_132 = arith.constant 5 : i32
        %broadcast_in_dim3A_133 = vector.broadcast %broadcast_in_dim3A_132 : i32 to vector<16x1xi32>
        %gather3A_134 = vector.shape_cast %broadcast_in_dim3A_133 : vector<16x1xi32> to vector<16xi32>
        %gather3A_135 = tpu.dynamic_gather %get3A_52[%gather3A_134] in [0] : vector<16xf32>, vector<16xi32> -> vector<16xf32>
        %mul3A_136 = arith.mulf %get3A_131, %gather3A_135 : vector<16xf32>
        %swap3A_137 = arith.index_cast %add3A_128 : i32 to index
        %swap3A_138 = arith.constant 0 : index
        %swap3A_139 = tpu.vector_load %arg15[%swap3A_137, %swap3A_138] {strides = array<i32>} : memref<2000x16xf32, #tpu.memory_space<vmem>>, vector<16xf32>,
        tpu.vector_store %arg15[%swap3A_137, %swap3A_138], %mul3A_136 {strides = array<i32>} : memref<2000x16xf32, #tpu.memory_space<vmem>>, vector<16xf32>,
        %mul3A_140 = arith.constant 16 : i32
        %mul3A_141 = arith.muli %scan3A_49, %mul3A_140 : i32
        %add3A_142 = arith.constant 6 : i32
        %add3A_143 = arith.addi %mul3A_141, %add3A_142 : i32
        %get3A_144 = arith.index_cast %add3A_143 : i32 to index
        %get3A_145 = arith.constant 0 : index
        %get3A_146 = tpu.vector_load %arg15[%get3A_144, %get3A_145] {strides = array<i32>} : memref<2000x16xf32, #tpu.memory_space<vmem>>, vector<16xf32>,
        %broadcast_in_dim3A_147 = arith.constant 6 : i32
        %broadcast_in_dim3A_148 = vector.broadcast %broadcast_in_dim3A_147 : i32 to vector<16x1xi32>
        %gather3A_149 = vector.shape_cast %broadcast_in_dim3A_148 : vector<16x1xi32> to vector<16xi32>
        %gather3A_150 = tpu.dynamic_gather %get3A_52[%gather3A_149] in [0] : vector<16xf32>, vector<16xi32> -> vector<16xf32>
        %mul3A_151 = arith.mulf %get3A_146, %gather3A_150 : vector<16xf32>
        %swap3A_152 = arith.index_cast %add3A_143 : i32 to index
        %swap3A_153 = arith.constant 0 : index
        %swap3A_154 = tpu.vector_load %arg15[%swap3A_152, %swap3A_153] {strides = array<i32>} : memref<2000x16xf32, #tpu.memory_space<vmem>>, vector<16xf32>,
        tpu.vector_store %arg15[%swap3A_152, %swap3A_153], %mul3A_151 {strides = array<i32>} : memref<2000x16xf32, #tpu.memory_space<vmem>>, vector<16xf32>,
        %mul3A_155 = arith.constant 16 : i32
        %mul3A_156 = arith.muli %scan3A_49, %mul3A_155 : i32
        %add3A_157 = arith.constant 7 : i32
        %add3A_158 = arith.addi %mul3A_156, %add3A_157 : i32
        %get3A_159 = arith.index_cast %add3A_158 : i32 to index
        %get3A_160 = arith.constant 0 : index
        %get3A_161 = tpu.vector_load %arg15[%get3A_159, %get3A_160] {strides = array<i32>} : memref<2000x16xf32, #tpu.memory_space<vmem>>, vector<16xf32>,
        %broadcast_in_dim3A_162 = arith.constant 7 : i32
        %broadcast_in_dim3A_163 = vector.broadcast %broadcast_in_dim3A_162 : i32 to vector<16x1xi32>
        %gather3A_164 = vector.shape_cast %broadcast_in_dim3A_163 : vector<16x1xi32> to vector<16xi32>
        %gather3A_165 = tpu.dynamic_gather %get3A_52[%gather3A_164] in [0] : vector<16xf32>, vector<16xi32> -> vector<16xf32>
        %mul3A_166 = arith.mulf %get3A_161, %gather3A_165 : vector<16xf32>
        %swap3A_167 = arith.index_cast %add3A_158 : i32 to index
        %swap3A_168 = arith.constant 0 : index
        %swap3A_169 = tpu.vector_load %arg15[%swap3A_167, %swap3A_168] {strides = array<i32>} : memref<2000x16xf32, #tpu.memory_space<vmem>>, vector<16xf32>,
        tpu.vector_store %arg15[%swap3A_167, %swap3A_168], %mul3A_166 {strides = array<i32>} : memref<2000x16xf32, #tpu.memory_space<vmem>>, vector<16xf32>,
        %mul3A_170 = arith.constant 16 : i32
        %mul3A_171 = arith.muli %scan3A_49, %mul3A_170 : i32
        %add3A_172 = arith.constant 8 : i32
        %add3A_173 = arith.addi %mul3A_171, %add3A_172 : i32
        %get3A_174 = arith.index_cast %add3A_173 : i32 to index
        %get3A_175 = arith.constant 0 : index
        %get3A_176 = tpu.vector_load %arg15[%get3A_174, %get3A_175] {strides = array<i32>} : memref<2000x16xf32, #tpu.memory_space<vmem>>, vector<16xf32>,
        %broadcast_in_dim3A_177 = arith.constant 8 : i32
        %broadcast_in_dim3A_178 = vector.broadcast %broadcast_in_dim3A_177 : i32 to vector<16x1xi32>
        %gather3A_179 = vector.shape_cast %broadcast_in_dim3A_178 : vector<16x1xi32> to vector<16xi32>
        %gather3A_180 = tpu.dynamic_gather %get3A_52[%gather3A_179] in [0] : vector<16xf32>, vector<16xi32> -> vector<16xf32>
        %mul3A_181 = arith.mulf %get3A_176, %gather3A_180 : vector<16xf32>
        %swap3A_182 = arith.index_cast %add3A_173 : i32 to index
        %swap3A_183 = arith.constant 0 : index
        %swap3A_184 = tpu.vector_load %arg15[%swap3A_182, %swap3A_183] {strides = array<i32>} : memref<2000x16xf32, #tpu.memory_space<vmem>>, vector<16xf32>,
        tpu.vector_store %arg15[%swap3A_182, %swap3A_183], %mul3A_181 {strides = array<i32>} : memref<2000x16xf32, #tpu.memory_space<vmem>>, vector<16xf32>,
        %mul3A_185 = arith.constant 16 : i32
        %mul3A_186 = arith.muli %scan3A_49, %mul3A_185 : i32
        %add3A_187 = arith.constant 9 : i32
        %add3A_188 = arith.addi %mul3A_186, %add3A_187 : i32
        %get3A_189 = arith.index_cast %add3A_188 : i32 to index
        %get3A_190 = arith.constant 0 : index
        %get3A_191 = tpu.vector_load %arg15[%get3A_189, %get3A_190] {strides = array<i32>} : memref<2000x16xf32, #tpu.memory_space<vmem>>, vector<16xf32>,
        %broadcast_in_dim3A_192 = arith.constant 9 : i32
        %broadcast_in_dim3A_193 = vector.broadcast %broadcast_in_dim3A_192 : i32 to vector<16x1xi32>
        %gather3A_194 = vector.shape_cast %broadcast_in_dim3A_193 : vector<16x1xi32> to vector<16xi32>
        %gather3A_195 = tpu.dynamic_gather %get3A_52[%gather3A_194] in [0] : vector<16xf32>, vector<16xi32> -> vector<16xf32>
        %mul3A_196 = arith.mulf %get3A_191, %gather3A_195 : vector<16xf32>
        %swap3A_197 = arith.index_cast %add3A_188 : i32 to index
        %swap3A_198 = arith.constant 0 : index
        %swap3A_199 = tpu.vector_load %arg15[%swap3A_197, %swap3A_198] {strides = array<i32>} : memref<2000x16xf32, #tpu.memory_space<vmem>>, vector<16xf32>,
        tpu.vector_store %arg15[%swap3A_197, %swap3A_198], %mul3A_196 {strides = array<i32>} : memref<2000x16xf32, #tpu.memory_space<vmem>>, vector<16xf32>,
        %mul3A_200 = arith.constant 16 : i32
        %mul3A_201 = arith.muli %scan3A_49, %mul3A_200 : i32
        %add3A_202 = arith.constant 10 : i32
        %add3A_203 = arith.addi %mul3A_201, %add3A_202 : i32
        %get3A_204 = arith.index_cast %add3A_203 : i32 to index
        %get3A_205 = arith.constant 0 : index
        %get3A_206 = tpu.vector_load %arg15[%get3A_204, %get3A_205] {strides = array<i32>} : memref<2000x16xf32, #tpu.memory_space<vmem>>, vector<16xf32>,
        %broadcast_in_dim3A_207 = arith.constant 10 : i32
        %broadcast_in_dim3A_208 = vector.broadcast %broadcast_in_dim3A_207 : i32 to vector<16x1xi32>
        %gather3A_209 = vector.shape_cast %broadcast_in_dim3A_208 : vector<16x1xi32> to vector<16xi32>
        %gather3A_210 = tpu.dynamic_gather %get3A_52[%gather3A_209] in [0] : vector<16xf32>, vector<16xi32> -> vector<16xf32>
        %mul3A_211 = arith.mulf %get3A_206, %gather3A_210 : vector<16xf32>
        %swap3A_212 = arith.index_cast %add3A_203 : i32 to index
        %swap3A_213 = arith.constant 0 : index
        %swap3A_214 = tpu.vector_load %arg15[%swap3A_212, %swap3A_213] {strides = array<i32>} : memref<2000x16xf32, #tpu.memory_space<vmem>>, vector<16xf32>,
        tpu.vector_store %arg15[%swap3A_212, %swap3A_213], %mul3A_211 {strides = array<i32>} : memref<2000x16xf32, #tpu.memory_space<vmem>>, vector<16xf32>,
        %mul3A_215 = arith.constant 16 : i32
        %mul3A_216 = arith.muli %scan3A_49, %mul3A_215 : i32
        %add3A_217 = arith.constant 11 : i32
        %add3A_218 = arith.addi %mul3A_216, %add3A_217 : i32
        %get3A_219 = arith.index_cast %add3A_218 : i32 to index
        %get3A_220 = arith.constant 0 : index
        %get3A_221 = tpu.vector_load %arg15[%get3A_219, %get3A_220] {strides = array<i32>} : memref<2000x16xf32, #tpu.memory_space<vmem>>, vector<16xf32>,
        %broadcast_in_dim3A_222 = arith.constant 11 : i32
        %broadcast_in_dim3A_223 = vector.broadcast %broadcast_in_dim3A_222 : i32 to vector<16x1xi32>
        %gather3A_224 = vector.shape_cast %broadcast_in_dim3A_223 : vector<16x1xi32> to vector<16xi32>
        %gather3A_225 = tpu.dynamic_gather %get3A_52[%gather3A_224] in [0] : vector<16xf32>, vector<16xi32> -> vector<16xf32>
        %mul3A_226 = arith.mulf %get3A_221, %gather3A_225 : vector<16xf32>
        %swap3A_227 = arith.index_cast %add3A_218 : i32 to index
        %swap3A_228 = arith.constant 0 : index
        %swap3A_229 = tpu.vector_load %arg15[%swap3A_227, %swap3A_228] {strides = array<i32>} : memref<2000x16xf32, #tpu.memory_space<vmem>>, vector<16xf32>,
        tpu.vector_store %arg15[%swap3A_227, %swap3A_228], %mul3A_226 {strides = array<i32>} : memref<2000x16xf32, #tpu.memory_space<vmem>>, vector<16xf32>,
        %mul3A_230 = arith.constant 16 : i32
        %mul3A_231 = arith.muli %scan3A_49, %mul3A_230 : i32
        %add3A_232 = arith.constant 12 : i32
        %add3A_233 = arith.addi %mul3A_231, %add3A_232 : i32
        %get3A_234 = arith.index_cast %add3A_233 : i32 to index
        %get3A_235 = arith.constant 0 : index
        %get3A_236 = tpu.vector_load %arg15[%get3A_234, %get3A_235] {strides = array<i32>} : memref<2000x16xf32, #tpu.memory_space<vmem>>, vector<16xf32>,
        %broadcast_in_dim3A_237 = arith.constant 12 : i32
        %broadcast_in_dim3A_238 = vector.broadcast %broadcast_in_dim3A_237 : i32 to vector<16x1xi32>
        %gather3A_239 = vector.shape_cast %broadcast_in_dim3A_238 : vector<16x1xi32> to vector<16xi32>
        %gather3A_240 = tpu.dynamic_gather %get3A_52[%gather3A_239] in [0] : vector<16xf32>, vector<16xi32> -> vector<16xf32>
        %mul3A_241 = arith.mulf %get3A_236, %gather3A_240 : vector<16xf32>
        %swap3A_242 = arith.index_cast %add3A_233 : i32 to index
        %swap3A_243 = arith.constant 0 : index
        %swap3A_244 = tpu.vector_load %arg15[%swap3A_242, %swap3A_243] {strides = array<i32>} : memref<2000x16xf32, #tpu.memory_space<vmem>>, vector<16xf32>,
        tpu.vector_store %arg15[%swap3A_242, %swap3A_243], %mul3A_241 {strides = array<i32>} : memref<2000x16xf32, #tpu.memory_space<vmem>>, vector<16xf32>,
        %mul3A_245 = arith.constant 16 : i32
        %mul3A_246 = arith.muli %scan3A_49, %mul3A_245 : i32
        %add3A_247 = arith.constant 13 : i32
        %add3A_248 = arith.addi %mul3A_246, %add3A_247 : i32
        %get3A_249 = arith.index_cast %add3A_248 : i32 to index
        %get3A_250 = arith.constant 0 : index
        %get3A_251 = tpu.vector_load %arg15[%get3A_249, %get3A_250] {strides = array<i32>} : memref<2000x16xf32, #tpu.memory_space<vmem>>, vector<16xf32>,
        %broadcast_in_dim3A_252 = arith.constant 13 : i32
        %broadcast_in_dim3A_253 = vector.broadcast %broadcast_in_dim3A_252 : i32 to vector<16x1xi32>
        %gather3A_254 = vector.shape_cast %broadcast_in_dim3A_253 : vector<16x1xi32> to vector<16xi32>
        %gather3A_255 = tpu.dynamic_gather %get3A_52[%gather3A_254] in [0] : vector<16xf32>, vector<16xi32> -> vector<16xf32>
        %mul3A_256 = arith.mulf %get3A_251, %gather3A_255 : vector<16xf32>
        %swap3A_257 = arith.index_cast %add3A_248 : i32 to index
        %swap3A_258 = arith.constant 0 : index
        %swap3A_259 = tpu.vector_load %arg15[%swap3A_257, %swap3A_258] {strides = array<i32>} : memref<2000x16xf32, #tpu.memory_space<vmem>>, vector<16xf32>,
        tpu.vector_store %arg15[%swap3A_257, %swap3A_258], %mul3A_256 {strides = array<i32>} : memref<2000x16xf32, #tpu.memory_space<vmem>>, vector<16xf32>,
        %mul3A_260 = arith.constant 16 : i32
        %mul3A_261 = arith.muli %scan3A_49, %mul3A_260 : i32
        %add3A_262 = arith.constant 14 : i32
        %add3A_263 = arith.addi %mul3A_261, %add3A_262 : i32
        %get3A_264 = arith.index_cast %add3A_263 : i32 to index
        %get3A_265 = arith.constant 0 : index
        %get3A_266 = tpu.vector_load %arg15[%get3A_264, %get3A_265] {strides = array<i32>} : memref<2000x16xf32, #tpu.memory_space<vmem>>, vector<16xf32>,
        %broadcast_in_dim3A_267 = arith.constant 14 : i32
        %broadcast_in_dim3A_268 = vector.broadcast %broadcast_in_dim3A_267 : i32 to vector<16x1xi32>
        %gather3A_269 = vector.shape_cast %broadcast_in_dim3A_268 : vector<16x1xi32> to vector<16xi32>
        %gather3A_270 = tpu.dynamic_gather %get3A_52[%gather3A_269] in [0] : vector<16xf32>, vector<16xi32> -> vector<16xf32>
        %mul3A_271 = arith.mulf %get3A_266, %gather3A_270 : vector<16xf32>
        %swap3A_272 = arith.index_cast %add3A_263 : i32 to index
        %swap3A_273 = arith.constant 0 : index
        %swap3A_274 = tpu.vector_load %arg15[%swap3A_272, %swap3A_273] {strides = array<i32>} : memref<2000x16xf32, #tpu.memory_space<vmem>>, vector<16xf32>,
        tpu.vector_store %arg15[%swap3A_272, %swap3A_273], %mul3A_271 {strides = array<i32>} : memref<2000x16xf32, #tpu.memory_space<vmem>>, vector<16xf32>,
        %mul3A_275 = arith.constant 16 : i32
        %mul3A_276 = arith.muli %scan3A_49, %mul3A_275 : i32
        %add3A_277 = arith.constant 15 : i32
        %add3A_278 = arith.addi %mul3A_276, %add3A_277 : i32
        %get3A_279 = arith.index_cast %add3A_278 : i32 to index
        %get3A_280 = arith.constant 0 : index
        %get3A_281 = tpu.vector_load %arg15[%get3A_279, %get3A_280] {strides = array<i32>} : memref<2000x16xf32, #tpu.memory_space<vmem>>, vector<16xf32>,
        %broadcast_in_dim3A_282 = arith.constant 15 : i32
        %broadcast_in_dim3A_283 = vector.broadcast %broadcast_in_dim3A_282 : i32 to vector<16x1xi32>
        %gather3A_284 = vector.shape_cast %broadcast_in_dim3A_283 : vector<16x1xi32> to vector<16xi32>
        %gather3A_285 = tpu.dynamic_gather %get3A_52[%gather3A_284] in [0] : vector<16xf32>, vector<16xi32> -> vector<16xf32>
        %mul3A_286 = arith.mulf %get3A_281, %gather3A_285 : vector<16xf32>
        %swap3A_287 = arith.index_cast %add3A_278 : i32 to index
        %swap3A_288 = arith.constant 0 : index
        %swap3A_289 = tpu.vector_load %arg15[%swap3A_287, %swap3A_288] {strides = array<i32>} : memref<2000x16xf32, #tpu.memory_space<vmem>>, vector<16xf32>,
        tpu.vector_store %arg15[%swap3A_287, %swap3A_288], %mul3A_286 {strides = array<i32>} : memref<2000x16xf32, #tpu.memory_space<vmem>>, vector<16xf32>,
      }
      %scan3A_48 = arith.constant 125 : i32
      "tpu.region"() ({
        %run_scoped3A = tpu.sem_alloc : memref<!tpu.dma_semaphore, #tpu.memory_space<semaphore_mem>>
        %dma_start3A_49 = arith.constant 0 : i32
        %dma_start3A_50 = arith.constant 0 : i32
        %dma_start3A_51 = tpu.memref_slice %arg17[%dma_start3A_49, %dma_start3A_50] : memref<10240x16xf32, #tpu.memory_space<vmem_shared>> -> memref<10240x16xf32, #tpu.memory_space<vmem_shared>>
        tpu.enqueue_indirect_dma source(%arg15 : memref<2000x16xf32, #tpu.memory_space<vmem>>) target(%dma_start3A_51 : memref<10240x16xf32, #tpu.memory_space<vmem_shared>>) offsets(%arg13 : memref<2000xi32, #tpu.memory_space<vmem>>) semaphore(%run_scoped3A : memref<!tpu.dma_semaphore, #tpu.memory_space<semaphore_mem>>) {add = true}
        %dma_wait3A_52 = arith.constant 0 : i32
        %dma_wait3A_53 = arith.constant 0 : i32
        %dma_wait3A_54 = tpu.memref_slice %arg17[%dma_wait3A_52, %dma_wait3A_53] : memref<10240x16xf32, #tpu.memory_space<vmem_shared>> -> memref<10240x16xf32, #tpu.memory_space<vmem_shared>>
        tpu.wait_indirect_dma semaphore(%run_scoped3A : memref<!tpu.dma_semaphore, #tpu.memory_space<semaphore_mem>>) src(%arg15 : memref<2000x16xf32, #tpu.memory_space<vmem>>) dst(%dma_wait3A_54 : memref<10240x16xf32, #tpu.memory_space<vmem_shared>>)
        tpu.yield
      }) : () -> ()
    }
    %scan3A_13 = arith.constant 5 : i32
    %barrier3A_14 = arith.constant 0 : index
    tpu.barrier barrier_id(%barrier3A_14)
    %mul3A_15 = arith.constant 640 : i32
    %mul3A_16 = arith.muli %arg1, %mul3A_15 : i32
    "tpu.region"() ({
      %run_scoped3A = tpu.sem_alloc : memref<!tpu.dma_semaphore, #tpu.memory_space<semaphore_mem>>
      %dma_start3A_19 = arith.constant 0 : i32
      %dma_start3A_20 = tpu.memref_slice %arg17[%mul3A_16, %dma_start3A_19] : memref<10240x16xf32, #tpu.memory_space<vmem_shared>> -> memref<640x16xf32, #tpu.memory_space<vmem_shared>>
      %dma_start3A_21 = arith.constant 0 : i32
      %dma_start3A_22 = tpu.memref_slice %arg17[%mul3A_16, %dma_start3A_21] : memref<10240x16xf32, #tpu.memory_space<vmem_shared>> -> memref<640x16xf32, #tpu.memory_space<vmem_shared>>
      tpu.enqueue_dma source(%dma_start3A_22 : memref<640x16xf32, #tpu.memory_space<vmem_shared>>) target(%arg16 : memref<640x16xf32, #tpu.memory_space<vmem>>) target_semaphore(%run_scoped3A : memref<!tpu.dma_semaphore, #tpu.memory_space<semaphore_mem>>)
      %dma_wait3A = arith.constant 0 : i32
      %dma_wait3A_23 = tpu.memref_slice %arg17[%mul3A_16, %dma_wait3A] : memref<10240x16xf32, #tpu.memory_space<vmem_shared>> -> memref<640x16xf32, #tpu.memory_space<vmem_shared>>
      %dma_wait3A_24 = arith.constant 0 : i32
      %dma_wait3A_25 = tpu.memref_slice %arg17[%mul3A_16, %dma_wait3A_24] : memref<10240x16xf32, #tpu.memory_space<vmem_shared>> -> memref<640x16xf32, #tpu.memory_space<vmem_shared>>
      tpu.wait_dma2 semaphore(%run_scoped3A : memref<!tpu.dma_semaphore, #tpu.memory_space<semaphore_mem>>) src(%dma_wait3A_25 : memref<640x16xf32, #tpu.memory_space<vmem_shared>>) dst(%arg16 : memref<640x16xf32, #tpu.memory_space<vmem>>)
      tpu.yield
    }) : () -> ()
    %mul3A_17 = arith.constant 640 : i32
    %mul3A_18 = arith.muli %arg1, %mul3A_17 : i32
    "tpu.region"() ({
      %run_scoped3A = tpu.sem_alloc : memref<!tpu.dma_semaphore, #tpu.memory_space<semaphore_mem>>
      %dma_start3A_19 = arith.constant 0 : i32
      %dma_start3A_20 = arith.constant 0 : i32
      %dma_start3A_21 = tpu.memref_slice %arg7[%arg0, %dma_start3A_19, %dma_start3A_20] : memref<2x10240x16xf32, #tpu.memory_space<hbm>> -> memref<1x10240x16xf32, #tpu.memory_space<hbm>>
      %dma_start3A_22 = tpu.memref_squeeze %dma_start3A_21 : memref<1x10240x16xf32, #tpu.memory_space<hbm>> -> memref<10240x16xf32, #tpu.memory_space<hbm>>
      %dma_start3A_23 = arith.constant 0 : i32
      %dma_start3A_24 = tpu.memref_slice %dma_start3A_22[%mul3A_18, %dma_start3A_23] : memref<10240x16xf32, #tpu.memory_space<hbm>> -> memref<640x16xf32, #tpu.memory_space<hbm>>
      %dma_start3A_25 = arith.constant 0 : i32
      %dma_start3A_26 = arith.constant 0 : i32
      %dma_start3A_27 = tpu.memref_slice %arg7[%arg0, %dma_start3A_25, %dma_start3A_26] : memref<2x10240x16xf32, #tpu.memory_space<hbm>> -> memref<1x10240x16xf32, #tpu.memory_space<hbm>>
      %dma_start3A_28 = tpu.memref_squeeze %dma_start3A_27 : memref<1x10240x16xf32, #tpu.memory_space<hbm>> -> memref<10240x16xf32, #tpu.memory_space<hbm>>
      %dma_start3A_29 = arith.constant 0 : i32
      %dma_start3A_30 = tpu.memref_slice %dma_start3A_28[%mul3A_18, %dma_start3A_29] : memref<10240x16xf32, #tpu.memory_space<hbm>> -> memref<640x16xf32, #tpu.memory_space<hbm>>
      tpu.enqueue_dma source(%arg16 : memref<640x16xf32, #tpu.memory_space<vmem>>) target(%dma_start3A_30 : memref<640x16xf32, #tpu.memory_space<hbm>>) target_semaphore(%run_scoped3A : memref<!tpu.dma_semaphore, #tpu.memory_space<semaphore_mem>>)
      %dma_wait3A = arith.constant 0 : i32
      %dma_wait3A_31 = arith.constant 0 : i32
      %dma_wait3A_32 = tpu.memref_slice %arg7[%arg0, %dma_wait3A, %dma_wait3A_31] : memref<2x10240x16xf32, #tpu.memory_space<hbm>> -> memref<1x10240x16xf32, #tpu.memory_space<hbm>>
      %dma_wait3A_33 = tpu.memref_squeeze %dma_wait3A_32 : memref<1x10240x16xf32, #tpu.memory_space<hbm>> -> memref<10240x16xf32, #tpu.memory_space<hbm>>
      %dma_wait3A_34 = arith.constant 0 : i32
      %dma_wait3A_35 = tpu.memref_slice %dma_wait3A_33[%mul3A_18, %dma_wait3A_34] : memref<10240x16xf32, #tpu.memory_space<hbm>> -> memref<640x16xf32, #tpu.memory_space<hbm>>
      %dma_wait3A_36 = arith.constant 0 : i32
      %dma_wait3A_37 = arith.constant 0 : i32
      %dma_wait3A_38 = tpu.memref_slice %arg7[%arg0, %dma_wait3A_36, %dma_wait3A_37] : memref<2x10240x16xf32, #tpu.memory_space<hbm>> -> memref<1x10240x16xf32, #tpu.memory_space<hbm>>
      %dma_wait3A_39 = tpu.memref_squeeze %dma_wait3A_38 : memref<1x10240x16xf32, #tpu.memory_space<hbm>> -> memref<10240x16xf32, #tpu.memory_space<hbm>>
      %dma_wait3A_40 = arith.constant 0 : i32
      %dma_wait3A_41 = tpu.memref_slice %dma_wait3A_39[%mul3A_18, %dma_wait3A_40] : memref<10240x16xf32, #tpu.memory_space<hbm>> -> memref<640x16xf32, #tpu.memory_space<hbm>>
      tpu.wait_dma2 semaphore(%run_scoped3A : memref<!tpu.dma_semaphore, #tpu.memory_space<semaphore_mem>>) src(%arg16 : memref<640x16xf32, #tpu.memory_space<vmem>>) dst(%dma_wait3A_41 : memref<640x16xf32, #tpu.memory_space<hbm>>)
      tpu.yield
    }) : () -> ()
    return
  }
}

#map = affine_map<(d0, d1) -> (0)>
#map1 = affine_map<(d0, d1) -> (0, 0)>
module attributes {stable_mosaic.version = 14 : i64} {
  func.func @_deg_body(%arg0: i32, %arg1: i32, %arg2: memref<640000xf32, #tpu.memory_space<hbm>>, %arg3: memref<640000xi32, #tpu.memory_space<hbm>>, %arg4: memref<640xf32, #tpu.memory_space<hbm>>, %arg5: memref<2x10240xf32, #tpu.memory_space<hbm>>, %arg6: memref<2000xi32, #tpu.memory_space<vmem>>, %arg7: memref<2000xf32, #tpu.memory_space<vmem>>, %arg8: memref<640xf32, #tpu.memory_space<vmem>>, %arg9: memref<10240xf32, #tpu.memory_space<vmem_shared>>) attributes {dimension_semantics = [#tpu.dimension_semantics<core_parallel>, #tpu.dimension_semantics<subcore_parallel>], iteration_bounds = array<i64: 2, 16>, scalar_prefetch = 0 : i64, scratch_operands = 4 : i64, tpu.core_type = #tpu.core_type<sc_vector_subcore>, window_params = [{transform_indices = #map}, {transform_indices = #map}, {transform_indices = #map}, {transform_indices = #map1}]} {
    %mul3A = arith.constant 2 : i32
    %mul3A_0 = arith.muli %arg1, %mul3A : i32
    %add3A = arith.addi %mul3A_0, %arg0 : i32
    %mul3A_1 = arith.constant 20000 : i32
    %mul3A_2 = arith.muli %add3A, %mul3A_1 : i32
    %mul3A_3 = arith.constant 640 : i32
    %mul3A_4 = arith.muli %arg1, %mul3A_3 : i32
    "tpu.region"() ({
      %run_scoped3A = tpu.sem_alloc : memref<!tpu.dma_semaphore, #tpu.memory_space<semaphore_mem>>
      %dma_start3A = tpu.memref_slice %arg9[%mul3A_4] : memref<10240xf32, #tpu.memory_space<vmem_shared>> -> memref<640xf32, #tpu.memory_space<vmem_shared>>
      tpu.enqueue_dma source(%arg4 : memref<640xf32, #tpu.memory_space<hbm>>) target(%dma_start3A : memref<640xf32, #tpu.memory_space<vmem_shared>>) target_semaphore(%run_scoped3A : memref<!tpu.dma_semaphore, #tpu.memory_space<semaphore_mem>>)
      %dma_wait3A = tpu.memref_slice %arg9[%mul3A_4] : memref<10240xf32, #tpu.memory_space<vmem_shared>> -> memref<640xf32, #tpu.memory_space<vmem_shared>>
      tpu.wait_dma2 semaphore(%run_scoped3A : memref<!tpu.dma_semaphore, #tpu.memory_space<semaphore_mem>>) src(%arg4 : memref<640xf32, #tpu.memory_space<hbm>>) dst(%dma_wait3A : memref<640xf32, #tpu.memory_space<vmem_shared>>)
      tpu.yield
    }) : () -> ()
    %barrier3A = arith.constant 0 : index
    tpu.barrier barrier_id(%barrier3A)
    %scan3A = arith.constant 0 : i32
    %scan3A_5 = arith.constant 0 : i32
    %scan3A_6 = arith.constant 10 : i32
    %scan3A_7 = arith.addi %scan3A_5, %scan3A_6 : i32
    %scan3A_8 = arith.constant 1 : i32
    scf.for %scan3A_15 = %scan3A_5 to %scan3A_7 step %scan3A_8  : i32 {
      %mul3A_16 = arith.constant 2000 : i32
      %mul3A_17 = arith.muli %scan3A_15, %mul3A_16 : i32
      %add3A_18 = arith.addi %mul3A_2, %mul3A_17 : i32
      "tpu.region"() ({
        %run_scoped3A = tpu.sem_alloc : memref<!tpu.dma_semaphore, #tpu.memory_space<semaphore_mem>>
        %dma_start3A = tpu.memref_slice %arg3[%add3A_18] : memref<640000xi32, #tpu.memory_space<hbm>> -> memref<2000xi32, #tpu.memory_space<hbm>>
        %dma_start3A_19 = tpu.memref_slice %arg3[%add3A_18] : memref<640000xi32, #tpu.memory_space<hbm>> -> memref<2000xi32, #tpu.memory_space<hbm>>
        tpu.enqueue_dma source(%dma_start3A_19 : memref<2000xi32, #tpu.memory_space<hbm>>) target(%arg6 : memref<2000xi32, #tpu.memory_space<vmem>>) target_semaphore(%run_scoped3A : memref<!tpu.dma_semaphore, #tpu.memory_space<semaphore_mem>>)
        %dma_wait3A = tpu.memref_slice %arg3[%add3A_18] : memref<640000xi32, #tpu.memory_space<hbm>> -> memref<2000xi32, #tpu.memory_space<hbm>>
        %dma_wait3A_20 = tpu.memref_slice %arg3[%add3A_18] : memref<640000xi32, #tpu.memory_space<hbm>> -> memref<2000xi32, #tpu.memory_space<hbm>>
        tpu.wait_dma2 semaphore(%run_scoped3A : memref<!tpu.dma_semaphore, #tpu.memory_space<semaphore_mem>>) src(%dma_wait3A_20 : memref<2000xi32, #tpu.memory_space<hbm>>) dst(%arg6 : memref<2000xi32, #tpu.memory_space<vmem>>)
        tpu.yield
      }) : () -> ()
      "tpu.region"() ({
        %run_scoped3A = tpu.sem_alloc : memref<!tpu.dma_semaphore, #tpu.memory_space<semaphore_mem>>
        %dma_start3A = tpu.memref_slice %arg2[%add3A_18] : memref<640000xf32, #tpu.memory_space<hbm>> -> memref<2000xf32, #tpu.memory_space<hbm>>
        %dma_start3A_19 = tpu.memref_slice %arg2[%add3A_18] : memref<640000xf32, #tpu.memory_space<hbm>> -> memref<2000xf32, #tpu.memory_space<hbm>>
        tpu.enqueue_dma source(%dma_start3A_19 : memref<2000xf32, #tpu.memory_space<hbm>>) target(%arg7 : memref<2000xf32, #tpu.memory_space<vmem>>) target_semaphore(%run_scoped3A : memref<!tpu.dma_semaphore, #tpu.memory_space<semaphore_mem>>)
        %dma_wait3A = tpu.memref_slice %arg2[%add3A_18] : memref<640000xf32, #tpu.memory_space<hbm>> -> memref<2000xf32, #tpu.memory_space<hbm>>
        %dma_wait3A_20 = tpu.memref_slice %arg2[%add3A_18] : memref<640000xf32, #tpu.memory_space<hbm>> -> memref<2000xf32, #tpu.memory_space<hbm>>
        tpu.wait_dma2 semaphore(%run_scoped3A : memref<!tpu.dma_semaphore, #tpu.memory_space<semaphore_mem>>) src(%dma_wait3A_20 : memref<2000xf32, #tpu.memory_space<hbm>>) dst(%arg7 : memref<2000xf32, #tpu.memory_space<vmem>>)
        tpu.yield
      }) : () -> ()
      "tpu.region"() ({
        %run_scoped3A = tpu.sem_alloc : memref<!tpu.dma_semaphore, #tpu.memory_space<semaphore_mem>>
        %dma_start3A = arith.constant 0 : i32
        %dma_start3A_19 = tpu.memref_slice %arg9[%dma_start3A] : memref<10240xf32, #tpu.memory_space<vmem_shared>> -> memref<10240xf32, #tpu.memory_space<vmem_shared>>
        tpu.enqueue_indirect_dma source(%arg7 : memref<2000xf32, #tpu.memory_space<vmem>>) target(%dma_start3A_19 : memref<10240xf32, #tpu.memory_space<vmem_shared>>) offsets(%arg6 : memref<2000xi32, #tpu.memory_space<vmem>>) semaphore(%run_scoped3A : memref<!tpu.dma_semaphore, #tpu.memory_space<semaphore_mem>>) {add = true}
        %dma_wait3A = arith.constant 0 : i32
        %dma_wait3A_20 = tpu.memref_slice %arg9[%dma_wait3A] : memref<10240xf32, #tpu.memory_space<vmem_shared>> -> memref<10240xf32, #tpu.memory_space<vmem_shared>>
        tpu.wait_indirect_dma semaphore(%run_scoped3A : memref<!tpu.dma_semaphore, #tpu.memory_space<semaphore_mem>>) src(%arg7 : memref<2000xf32, #tpu.memory_space<vmem>>) dst(%dma_wait3A_20 : memref<10240xf32, #tpu.memory_space<vmem_shared>>)
        tpu.yield
      }) : () -> ()
    }
    %scan3A_9 = arith.constant 10 : i32
    %barrier3A_10 = arith.constant 0 : index
    tpu.barrier barrier_id(%barrier3A_10)
    %mul3A_11 = arith.constant 640 : i32
    %mul3A_12 = arith.muli %arg1, %mul3A_11 : i32
    "tpu.region"() ({
      %run_scoped3A = tpu.sem_alloc : memref<!tpu.dma_semaphore, #tpu.memory_space<semaphore_mem>>
      %dma_start3A = tpu.memref_slice %arg9[%mul3A_12] : memref<10240xf32, #tpu.memory_space<vmem_shared>> -> memref<640xf32, #tpu.memory_space<vmem_shared>>
      %dma_start3A_15 = tpu.memref_slice %arg9[%mul3A_12] : memref<10240xf32, #tpu.memory_space<vmem_shared>> -> memref<640xf32, #tpu.memory_space<vmem_shared>>
      tpu.enqueue_dma source(%dma_start3A_15 : memref<640xf32, #tpu.memory_space<vmem_shared>>) target(%arg8 : memref<640xf32, #tpu.memory_space<vmem>>) target_semaphore(%run_scoped3A : memref<!tpu.dma_semaphore, #tpu.memory_space<semaphore_mem>>)
      %dma_wait3A = tpu.memref_slice %arg9[%mul3A_12] : memref<10240xf32, #tpu.memory_space<vmem_shared>> -> memref<640xf32, #tpu.memory_space<vmem_shared>>
      %dma_wait3A_16 = tpu.memref_slice %arg9[%mul3A_12] : memref<10240xf32, #tpu.memory_space<vmem_shared>> -> memref<640xf32, #tpu.memory_space<vmem_shared>>
      tpu.wait_dma2 semaphore(%run_scoped3A : memref<!tpu.dma_semaphore, #tpu.memory_space<semaphore_mem>>) src(%dma_wait3A_16 : memref<640xf32, #tpu.memory_space<vmem_shared>>) dst(%arg8 : memref<640xf32, #tpu.memory_space<vmem>>)
      tpu.yield
    }) : () -> ()
    %mul3A_13 = arith.constant 640 : i32
    %mul3A_14 = arith.muli %arg1, %mul3A_13 : i32
    "tpu.region"() ({
      %run_scoped3A = tpu.sem_alloc : memref<!tpu.dma_semaphore, #tpu.memory_space<semaphore_mem>>
      %dma_start3A = arith.constant 0 : i32
      %dma_start3A_15 = tpu.memref_slice %arg5[%arg0, %dma_start3A] : memref<2x10240xf32, #tpu.memory_space<hbm>> -> memref<1x10240xf32, #tpu.memory_space<hbm>>
      %dma_start3A_16 = tpu.memref_squeeze %dma_start3A_15 : memref<1x10240xf32, #tpu.memory_space<hbm>> -> memref<10240xf32, #tpu.memory_space<hbm>>
      %dma_start3A_17 = tpu.memref_slice %dma_start3A_16[%mul3A_14] : memref<10240xf32, #tpu.memory_space<hbm>> -> memref<640xf32, #tpu.memory_space<hbm>>
      %dma_start3A_18 = arith.constant 0 : i32
      %dma_start3A_19 = tpu.memref_slice %arg5[%arg0, %dma_start3A_18] : memref<2x10240xf32, #tpu.memory_space<hbm>> -> memref<1x10240xf32, #tpu.memory_space<hbm>>
      %dma_start3A_20 = tpu.memref_squeeze %dma_start3A_19 : memref<1x10240xf32, #tpu.memory_space<hbm>> -> memref<10240xf32, #tpu.memory_space<hbm>>
      %dma_start3A_21 = tpu.memref_slice %dma_start3A_20[%mul3A_14] : memref<10240xf32, #tpu.memory_space<hbm>> -> memref<640xf32, #tpu.memory_space<hbm>>
      tpu.enqueue_dma source(%arg8 : memref<640xf32, #tpu.memory_space<vmem>>) target(%dma_start3A_21 : memref<640xf32, #tpu.memory_space<hbm>>) target_semaphore(%run_scoped3A : memref<!tpu.dma_semaphore, #tpu.memory_space<semaphore_mem>>)
      %dma_wait3A = arith.constant 0 : i32
      %dma_wait3A_22 = tpu.memref_slice %arg5[%arg0, %dma_wait3A] : memref<2x10240xf32, #tpu.memory_space<hbm>> -> memref<1x10240xf32, #tpu.memory_space<hbm>>
      %dma_wait3A_23 = tpu.memref_squeeze %dma_wait3A_22 : memref<1x10240xf32, #tpu.memory_space<hbm>> -> memref<10240xf32, #tpu.memory_space<hbm>>
      %dma_wait3A_24 = tpu.memref_slice %dma_wait3A_23[%mul3A_14] : memref<10240xf32, #tpu.memory_space<hbm>> -> memref<640xf32, #tpu.memory_space<hbm>>
      %dma_wait3A_25 = arith.constant 0 : i32
      %dma_wait3A_26 = tpu.memref_slice %arg5[%arg0, %dma_wait3A_25] : memref<2x10240xf32, #tpu.memory_space<hbm>> -> memref<1x10240xf32, #tpu.memory_space<hbm>>
      %dma_wait3A_27 = tpu.memref_squeeze %dma_wait3A_26 : memref<1x10240xf32, #tpu.memory_space<hbm>> -> memref<10240xf32, #tpu.memory_space<hbm>>
      %dma_wait3A_28 = tpu.memref_slice %dma_wait3A_27[%mul3A_14] : memref<10240xf32, #tpu.memory_space<hbm>> -> memref<640xf32, #tpu.memory_space<hbm>>
      tpu.wait_dma2 semaphore(%run_scoped3A : memref<!tpu.dma_semaphore, #tpu.memory_space<semaphore_mem>>) src(%arg8 : memref<640xf32, #tpu.memory_space<vmem>>) dst(%dma_wait3A_28 : memref<640xf32, #tpu.memory_space<hbm>>)
      tpu.yield
    }) : () -> ()
    return
  }
}

module attributes {stable_mosaic.version = 14 : i64} {
  func.func @_node_pre_body(%arg0: memref<10000x7xf32, #tpu.memory_space<vmem>>, %arg1: memref<4x64xf32, #tpu.memory_space<vmem>>, %arg2: memref<64xf32, #tpu.memory_space<vmem>>, %arg3: memref<64xf32, #tpu.memory_space<vmem>>, %arg4: memref<64xf32, #tpu.memory_space<vmem>>, %arg5: memref<64x64xf32, #tpu.memory_space<vmem>>, %arg6: memref<64xf32, #tpu.memory_space<vmem>>, %arg7: memref<64xf32, #tpu.memory_space<vmem>>, %arg8: memref<64xf32, #tpu.memory_space<vmem>>, %arg9: memref<64x3xf32, #tpu.memory_space<vmem>>, %arg10: memref<3xf32, #tpu.memory_space<vmem>>, %arg11: memref<7x7xf32, #tpu.memory_space<vmem>>, %arg12: memref<10000x16xf32, #tpu.memory_space<vmem>>, %arg13: memref<10000x16xf32, #tpu.memory_space<vmem>>, %arg14: memref<10000x16xf32, #tpu.memory_space<vmem>>) attributes {dimension_semantics = [], scalar_prefetch = 0 : i64, scratch_operands = 0 : i64, tpu.core_type = #tpu.core_type<tc>} {
    %get3A = arith.constant 0 : index
    %get3A_0 = arith.constant 0 : index
    %get3A_1 = vector.load %arg0[%get3A, %get3A_0] : memref<10000x7xf32, #tpu.memory_space<vmem>>, vector<10000x7xf32>
    %get3A_2 = arith.constant 0 : index
    %get3A_3 = arith.constant 0 : index
    %get3A_4 = vector.load %arg1[%get3A_2, %get3A_3] : memref<4x64xf32, #tpu.memory_space<vmem>>, vector<4x64xf32>
    %get3A_5 = arith.constant 0 : index
    %get3A_6 = vector.load %arg2[%get3A_5] : memref<64xf32, #tpu.memory_space<vmem>>, vector<64xf32>
    %get3A_7 = arith.constant 0 : index
    %get3A_8 = vector.load %arg3[%get3A_7] : memref<64xf32, #tpu.memory_space<vmem>>, vector<64xf32>
    %get3A_9 = arith.constant 0 : index
    %get3A_10 = vector.load %arg4[%get3A_9] : memref<64xf32, #tpu.memory_space<vmem>>, vector<64xf32>
    %get3A_11 = arith.constant 0 : index
    %get3A_12 = arith.constant 0 : index
    %get3A_13 = vector.load %arg5[%get3A_11, %get3A_12] : memref<64x64xf32, #tpu.memory_space<vmem>>, vector<64x64xf32>
    %get3A_14 = arith.constant 0 : index
    %get3A_15 = vector.load %arg6[%get3A_14] : memref<64xf32, #tpu.memory_space<vmem>>, vector<64xf32>
    %get3A_16 = arith.constant 0 : index
    %get3A_17 = vector.load %arg7[%get3A_16] : memref<64xf32, #tpu.memory_space<vmem>>, vector<64xf32>
    %get3A_18 = arith.constant 0 : index
    %get3A_19 = vector.load %arg8[%get3A_18] : memref<64xf32, #tpu.memory_space<vmem>>, vector<64xf32>
    %get3A_20 = arith.constant 0 : index
    %get3A_21 = arith.constant 0 : index
    %get3A_22 = vector.load %arg9[%get3A_20, %get3A_21] : memref<64x3xf32, #tpu.memory_space<vmem>>, vector<64x3xf32>
    %get3A_23 = arith.constant 0 : index
    %get3A_24 = vector.load %arg10[%get3A_23] : memref<3xf32, #tpu.memory_space<vmem>>, vector<3xf32>
    %slice3A = vector.extract_strided_slice %get3A_1 {offsets = [0, 0], sizes = [10000, 4], strides = [1, 1]} : vector<10000x7xf32> to vector<10000x4xf32>
    %dot_general3A = arith.constant dense<0.000000e+00> : vector<10000x64xf32>
    %dot_general3A_25 = tpu.matmul %slice3A, %get3A_4, %dot_general3A {dimension_numbers = #tpu.dot_dimension_numbers<[1], [0], [0], [1], [0, 0, 1, 1], [], []>, transpose_lhs_hint = false} : vector<10000x4xf32>, vector<4x64xf32>, vector<10000x64xf32> -> vector<10000x64xf32>
    %broadcast_in_dim3A = vector.shape_cast %get3A_6 : vector<64xf32> to vector<1x64xf32>
    %add3A = vector.broadcast %broadcast_in_dim3A : vector<1x64xf32> to vector<10000x64xf32>
    %add3A_26 = arith.addf %dot_general3A_25, %add3A : vector<10000x64xf32>
    %reduce_sum3A = arith.constant dense<0.000000e+00> : vector<64xf32>
    %reduce_sum3A_27 = vector.multi_reduction <add>, %add3A_26, %reduce_sum3A [0] : vector<10000x64xf32> to vector<64xf32>
    %broadcast_in_dim3A_28 = vector.shape_cast %reduce_sum3A_27 : vector<64xf32> to vector<1x64xf32>
    %div3A = arith.constant 1.000000e+04 : f32
    %div3A_29 = vector.broadcast %div3A : f32 to vector<1x64xf32>
    %div3A_30 = arith.divf %broadcast_in_dim3A_28, %div3A_29 : vector<1x64xf32>
    %jit3A = arith.constant 0 : i32
    %reduce_sum3A_31 = arith.constant dense<0.000000e+00> : vector<64xf32>
    %reduce_sum3A_32 = vector.multi_reduction <add>, %add3A_26, %reduce_sum3A_31 [0] : vector<10000x64xf32> to vector<64xf32>
    %broadcast_in_dim3A_33 = vector.shape_cast %reduce_sum3A_32 : vector<64xf32> to vector<1x64xf32>
    %div3A_34 = arith.constant 1.000000e+04 : f32
    %div3A_35 = vector.broadcast %div3A_34 : f32 to vector<1x64xf32>
    %div3A_36 = arith.divf %broadcast_in_dim3A_33, %div3A_35 : vector<1x64xf32>
    %sub3A = vector.broadcast %div3A_36 : vector<1x64xf32> to vector<10000x64xf32>
    %sub3A_37 = arith.subf %add3A_26, %sub3A : vector<10000x64xf32>
    %square3A = arith.mulf %sub3A_37, %sub3A_37 : vector<10000x64xf32>
    %convert_element_type3A = arith.sitofp %jit3A : i32 to f32
    %sub3A_38 = arith.constant 1.000000e+04 : f32
    %sub3A_39 = arith.subf %sub3A_38, %convert_element_type3A : f32
    %reduce_sum3A_40 = arith.constant dense<0.000000e+00> : vector<64xf32>
    %reduce_sum3A_41 = vector.multi_reduction <add>, %square3A, %reduce_sum3A_40 [0] : vector<10000x64xf32> to vector<64xf32>
    %broadcast_in_dim3A_42 = vector.shape_cast %reduce_sum3A_41 : vector<64xf32> to vector<1x64xf32>
    %div3A_43 = vector.broadcast %sub3A_39 : f32 to vector<1x64xf32>
    %div3A_44 = arith.divf %broadcast_in_dim3A_42, %div3A_43 : vector<1x64xf32>
    %gt3A = arith.constant 0.000000e+00 : f32
    %gt3A_45 = arith.cmpf ogt, %sub3A_39, %gt3A : f32
    %jit3A_46 = arith.constant 0x7FC00000 : f32
    %broadcast_in_dim3A_47 = vector.broadcast %jit3A_46 : f32 to vector<1x64xf32>
    %select_n3A = arith.select %gt3A_45, %div3A_44, %broadcast_in_dim3A_47 : vector<1x64xf32>
    %sub3A_48 = vector.broadcast %div3A_30 : vector<1x64xf32> to vector<10000x64xf32>
    %sub3A_49 = arith.subf %add3A_26, %sub3A_48 : vector<10000x64xf32>
    %broadcast_in_dim3A_50 = vector.shape_cast %get3A_8 : vector<64xf32> to vector<1x64xf32>
    %mul3A = vector.broadcast %broadcast_in_dim3A_50 : vector<1x64xf32> to vector<10000x64xf32>
    %mul3A_51 = arith.mulf %mul3A, %sub3A_49 : vector<10000x64xf32>
    %add3A_52 = arith.constant 9.99999974E-6 : f32
    %add3A_53 = vector.broadcast %add3A_52 : f32 to vector<1x64xf32>
    %add3A_54 = arith.addf %select_n3A, %add3A_53 : vector<1x64xf32>
    %sqrt3A = math.sqrt %add3A_54 : vector<1x64xf32>
    %div3A_55 = vector.broadcast %sqrt3A : vector<1x64xf32> to vector<10000x64xf32>
    %div3A_56 = arith.divf %mul3A_51, %div3A_55 : vector<10000x64xf32>
    %broadcast_in_dim3A_57 = vector.shape_cast %get3A_10 : vector<64xf32> to vector<1x64xf32>
    %add3A_58 = vector.broadcast %broadcast_in_dim3A_57 : vector<1x64xf32> to vector<10000x64xf32>
    %add3A_59 = arith.addf %div3A_56, %add3A_58 : vector<10000x64xf32>
    %max3A = arith.constant 0.000000e+00 : f32
    %max3A_60 = vector.broadcast %max3A : f32 to vector<10000x64xf32>
    %max3A_61 = arith.maximumf %add3A_59, %max3A_60 : vector<10000x64xf32>
    %dot_general3A_62 = arith.constant dense<0.000000e+00> : vector<10000x64xf32>
    %dot_general3A_63 = tpu.matmul %max3A_61, %get3A_13, %dot_general3A_62 {dimension_numbers = #tpu.dot_dimension_numbers<[1], [0], [0], [1], [0, 0, 1, 1], [], []>, transpose_lhs_hint = false} : vector<10000x64xf32>, vector<64x64xf32>, vector<10000x64xf32> -> vector<10000x64xf32>
    %broadcast_in_dim3A_64 = vector.shape_cast %get3A_15 : vector<64xf32> to vector<1x64xf32>
    %add3A_65 = vector.broadcast %broadcast_in_dim3A_64 : vector<1x64xf32> to vector<10000x64xf32>
    %add3A_66 = arith.addf %dot_general3A_63, %add3A_65 : vector<10000x64xf32>
    %reduce_sum3A_67 = arith.constant dense<0.000000e+00> : vector<64xf32>
    %reduce_sum3A_68 = vector.multi_reduction <add>, %add3A_66, %reduce_sum3A_67 [0] : vector<10000x64xf32> to vector<64xf32>
    %broadcast_in_dim3A_69 = vector.shape_cast %reduce_sum3A_68 : vector<64xf32> to vector<1x64xf32>
    %div3A_70 = arith.constant 1.000000e+04 : f32
    %div3A_71 = vector.broadcast %div3A_70 : f32 to vector<1x64xf32>
    %div3A_72 = arith.divf %broadcast_in_dim3A_69, %div3A_71 : vector<1x64xf32>
    %jit3A_73 = arith.constant 0 : i32
    %reduce_sum3A_74 = arith.constant dense<0.000000e+00> : vector<64xf32>
    %reduce_sum3A_75 = vector.multi_reduction <add>, %add3A_66, %reduce_sum3A_74 [0] : vector<10000x64xf32> to vector<64xf32>
    %broadcast_in_dim3A_76 = vector.shape_cast %reduce_sum3A_75 : vector<64xf32> to vector<1x64xf32>
    %div3A_77 = arith.constant 1.000000e+04 : f32
    %div3A_78 = vector.broadcast %div3A_77 : f32 to vector<1x64xf32>
    %div3A_79 = arith.divf %broadcast_in_dim3A_76, %div3A_78 : vector<1x64xf32>
    %sub3A_80 = vector.broadcast %div3A_79 : vector<1x64xf32> to vector<10000x64xf32>
    %sub3A_81 = arith.subf %add3A_66, %sub3A_80 : vector<10000x64xf32>
    %square3A_82 = arith.mulf %sub3A_81, %sub3A_81 : vector<10000x64xf32>
    %convert_element_type3A_83 = arith.sitofp %jit3A_73 : i32 to f32
    %sub3A_84 = arith.constant 1.000000e+04 : f32
    %sub3A_85 = arith.subf %sub3A_84, %convert_element_type3A_83 : f32
    %reduce_sum3A_86 = arith.constant dense<0.000000e+00> : vector<64xf32>
    %reduce_sum3A_87 = vector.multi_reduction <add>, %square3A_82, %reduce_sum3A_86 [0] : vector<10000x64xf32> to vector<64xf32>
    %broadcast_in_dim3A_88 = vector.shape_cast %reduce_sum3A_87 : vector<64xf32> to vector<1x64xf32>
    %div3A_89 = vector.broadcast %sub3A_85 : f32 to vector<1x64xf32>
    %div3A_90 = arith.divf %broadcast_in_dim3A_88, %div3A_89 : vector<1x64xf32>
    %gt3A_91 = arith.constant 0.000000e+00 : f32
    %gt3A_92 = arith.cmpf ogt, %sub3A_85, %gt3A_91 : f32
    %jit3A_93 = arith.constant 0x7FC00000 : f32
    %broadcast_in_dim3A_94 = vector.broadcast %jit3A_93 : f32 to vector<1x64xf32>
    %select_n3A_95 = arith.select %gt3A_92, %div3A_90, %broadcast_in_dim3A_94 : vector<1x64xf32>
    %sub3A_96 = vector.broadcast %div3A_72 : vector<1x64xf32> to vector<10000x64xf32>
    %sub3A_97 = arith.subf %add3A_66, %sub3A_96 : vector<10000x64xf32>
    %broadcast_in_dim3A_98 = vector.shape_cast %get3A_17 : vector<64xf32> to vector<1x64xf32>
    %mul3A_99 = vector.broadcast %broadcast_in_dim3A_98 : vector<1x64xf32> to vector<10000x64xf32>
    %mul3A_100 = arith.mulf %mul3A_99, %sub3A_97 : vector<10000x64xf32>
    %add3A_101 = arith.constant 9.99999974E-6 : f32
    %add3A_102 = vector.broadcast %add3A_101 : f32 to vector<1x64xf32>
    %add3A_103 = arith.addf %select_n3A_95, %add3A_102 : vector<1x64xf32>
    %sqrt3A_104 = math.sqrt %add3A_103 : vector<1x64xf32>
    %div3A_105 = vector.broadcast %sqrt3A_104 : vector<1x64xf32> to vector<10000x64xf32>
    %div3A_106 = arith.divf %mul3A_100, %div3A_105 : vector<10000x64xf32>
    %broadcast_in_dim3A_107 = vector.shape_cast %get3A_19 : vector<64xf32> to vector<1x64xf32>
    %add3A_108 = vector.broadcast %broadcast_in_dim3A_107 : vector<1x64xf32> to vector<10000x64xf32>
    %add3A_109 = arith.addf %div3A_106, %add3A_108 : vector<10000x64xf32>
    %max3A_110 = arith.constant 0.000000e+00 : f32
    %max3A_111 = vector.broadcast %max3A_110 : f32 to vector<10000x64xf32>
    %max3A_112 = arith.maximumf %add3A_109, %max3A_111 : vector<10000x64xf32>
    %dot_general3A_113 = arith.constant dense<0.000000e+00> : vector<10000x3xf32>
    %dot_general3A_114 = tpu.matmul %max3A_112, %get3A_22, %dot_general3A_113 {dimension_numbers = #tpu.dot_dimension_numbers<[1], [0], [0], [1], [0, 0, 1, 1], [], []>, transpose_lhs_hint = false} : vector<10000x64xf32>, vector<64x3xf32>, vector<10000x3xf32> -> vector<10000x3xf32>
    %broadcast_in_dim3A_115 = vector.shape_cast %get3A_24 : vector<3xf32> to vector<1x3xf32>
    %add3A_116 = vector.broadcast %broadcast_in_dim3A_115 : vector<1x3xf32> to vector<10000x3xf32>
    %add3A_117 = arith.addf %dot_general3A_114, %add3A_116 : vector<10000x3xf32>
    %broadcast_in_dim3A_118 = arith.constant 0.000000e+00 : f32
    %broadcast_in_dim3A_119 = vector.broadcast %broadcast_in_dim3A_118 : f32 to vector<10000x13xf32>
    %slice3A_120 = vector.extract_strided_slice %get3A_1 {offsets = [0, 0], sizes = [10000, 3], strides = [1, 1]} : vector<10000x7xf32> to vector<10000x3xf32>
    %add3A_121 = arith.addf %slice3A_120, %add3A_117 : vector<10000x3xf32>
    %concatenate3A = tpu.concatenate %add3A_121, %broadcast_in_dim3A_119 in 1 : vector<10000x3xf32>, vector<10000x13xf32> -> vector<10000x16xf32>
    %swap3A = arith.constant 0 : index
    %swap3A_122 = arith.constant 0 : index
    %swap3A_123 = vector.load %arg12[%swap3A, %swap3A_122] : memref<10000x16xf32, #tpu.memory_space<vmem>>, vector<10000x16xf32>
    tpu.vector_store %arg12[%swap3A, %swap3A_122], %concatenate3A {strides = array<i32>} : memref<10000x16xf32, #tpu.memory_space<vmem>>, vector<10000x16xf32>,
    %slice3A_124 = vector.extract_strided_slice %get3A_1 {offsets = [0, 0], sizes = [10000, 3], strides = [1, 1]} : vector<10000x7xf32> to vector<10000x3xf32>
    %neg3A = arith.constant 0.000000e+00 : f32
    %neg3A_125 = vector.broadcast %neg3A : f32 to vector<10000x3xf32>
    %neg3A_126 = arith.subf %neg3A_125, %slice3A_124 : vector<10000x3xf32>
    %slice3A_127 = vector.extract_strided_slice %get3A_1 {offsets = [0, 3], sizes = [10000, 1], strides = [1, 1]} : vector<10000x7xf32> to vector<10000x1xf32>
    %broadcast_in_dim3A_128 = arith.constant 0.000000e+00 : f32
    %broadcast_in_dim3A_129 = vector.broadcast %broadcast_in_dim3A_128 : f32 to vector<10000x12xf32>
    %concatenate3A_130 = tpu.concatenate %neg3A_126, %slice3A_127, %broadcast_in_dim3A_129 in 1 : vector<10000x3xf32>, vector<10000x1xf32>, vector<10000x12xf32> -> vector<10000x16xf32>
    %swap3A_131 = arith.constant 0 : index
    %swap3A_132 = arith.constant 0 : index
    %swap3A_133 = vector.load %arg13[%swap3A_131, %swap3A_132] : memref<10000x16xf32, #tpu.memory_space<vmem>>, vector<10000x16xf32>
    tpu.vector_store %arg13[%swap3A_131, %swap3A_132], %concatenate3A_130 {strides = array<i32>} : memref<10000x16xf32, #tpu.memory_space<vmem>>, vector<10000x16xf32>,
    %get3A_134 = arith.constant 0 : index
    %get3A_135 = arith.constant 0 : index
    %get3A_136 = vector.load %arg11[%get3A_134, %get3A_135] : memref<7x7xf32, #tpu.memory_space<vmem>>, vector<7x7xf32>
    %dot_general3A_137 = arith.constant dense<0.000000e+00> : vector<10000x7xf32>
    %dot_general3A_138 = tpu.matmul %get3A_1, %get3A_136, %dot_general3A_137 {dimension_numbers = #tpu.dot_dimension_numbers<[1], [0], [0], [1], [0, 0, 1, 1], [], []>, transpose_lhs_hint = false} : vector<10000x7xf32>, vector<7x7xf32>, vector<10000x7xf32> -> vector<10000x7xf32>
    %broadcast_in_dim3A_139 = arith.constant 0.000000e+00 : f32
    %broadcast_in_dim3A_140 = vector.broadcast %broadcast_in_dim3A_139 : f32 to vector<10000x9xf32>
    %concatenate3A_141 = tpu.concatenate %dot_general3A_138, %broadcast_in_dim3A_140 in 1 : vector<10000x7xf32>, vector<10000x9xf32> -> vector<10000x16xf32>
    %swap3A_142 = arith.constant 0 : index
    %swap3A_143 = arith.constant 0 : index
    %swap3A_144 = vector.load %arg14[%swap3A_142, %swap3A_143] : memref<10000x16xf32, #tpu.memory_space<vmem>>, vector<10000x16xf32>
    tpu.vector_store %arg14[%swap3A_142, %swap3A_143], %concatenate3A_141 {strides = array<i32>} : memref<10000x16xf32, #tpu.memory_space<vmem>>, vector<10000x16xf32>,
    return
  }
}

module attributes {stable_mosaic.version = 14 : i64} {
  func.func @_gram_body(%arg0: i32, %arg1: memref<2000x128xf32, #tpu.memory_space<vmem>>, %arg2: memref<16x16xf32, #tpu.memory_space<vmem>>, %arg3: memref<1x128xf32, #tpu.memory_space<vmem>>, %arg4: memref<16x16xf32, #tpu.memory_space<vmem>>, %arg5: memref<1x128xf32, #tpu.memory_space<vmem>>) attributes {dimension_semantics = [#tpu.dimension_semantics<arbitrary>], iteration_bounds = array<i64: 40>, scalar_prefetch = 0 : i64, scratch_operands = 2 : i64, tpu.core_type = #tpu.core_type<tc>, window_params = [{transform_indices = @transform_0, window_bounds = array<i64: 2000, 128>}, {pipeline_mode = #tpu.pipeline_mode<synchronous>, transform_indices = @transform_1, window_bounds = array<i64: 16, 16>}, {pipeline_mode = #tpu.pipeline_mode<synchronous>, transform_indices = @transform_2, window_bounds = array<i64: 1, 128>}]} {
    %get3A = arith.constant 0 : index
    %get3A_0 = arith.constant 0 : index
    %get3A_1 = vector.load %arg1[%get3A, %get3A_0] : memref<2000x128xf32, #tpu.memory_space<vmem>>, vector<2000x128xf32>
    %slice3A = vector.extract_strided_slice %get3A_1 {offsets = [0, 0], sizes = [2000, 16], strides = [1, 1]} : vector<2000x128xf32> to vector<2000x16xf32>
    %slice3A_2 = vector.extract_strided_slice %get3A_1 {offsets = [0, 0], sizes = [2000, 16], strides = [1, 1]} : vector<2000x128xf32> to vector<2000x16xf32>
    %dot_general3A = arith.constant dense<0.000000e+00> : vector<16x16xf32>
    %dot_general3A_3 = tpu.matmul %slice3A, %slice3A_2, %dot_general3A {dimension_numbers = #tpu.dot_dimension_numbers<[0], [0], [1], [1], [0, 1, 1, 1], [], []>, transpose_lhs_hint = false} : vector<2000x16xf32>, vector<2000x16xf32>, vector<16x16xf32> -> vector<16x16xf32>
    %add3A = arith.constant 0.000000e+00 : f32
    %add3A_4 = vector.broadcast %add3A : f32 to vector<16x16xf32>
    %add3A_5 = arith.addf %add3A_4, %dot_general3A_3 : vector<16x16xf32>
    %slice3A_6 = vector.extract_strided_slice %get3A_1 {offsets = [0, 16], sizes = [2000, 16], strides = [1, 1]} : vector<2000x128xf32> to vector<2000x16xf32>
    %slice3A_7 = vector.extract_strided_slice %get3A_1 {offsets = [0, 16], sizes = [2000, 16], strides = [1, 1]} : vector<2000x128xf32> to vector<2000x16xf32>
    %dot_general3A_8 = arith.constant dense<0.000000e+00> : vector<16x16xf32>
    %dot_general3A_9 = tpu.matmul %slice3A_6, %slice3A_7, %dot_general3A_8 {dimension_numbers = #tpu.dot_dimension_numbers<[0], [0], [1], [1], [0, 1, 1, 1], [], []>, transpose_lhs_hint = false} : vector<2000x16xf32>, vector<2000x16xf32>, vector<16x16xf32> -> vector<16x16xf32>
    %add3A_10 = arith.addf %add3A_5, %dot_general3A_9 : vector<16x16xf32>
    %slice3A_11 = vector.extract_strided_slice %get3A_1 {offsets = [0, 32], sizes = [2000, 16], strides = [1, 1]} : vector<2000x128xf32> to vector<2000x16xf32>
    %slice3A_12 = vector.extract_strided_slice %get3A_1 {offsets = [0, 32], sizes = [2000, 16], strides = [1, 1]} : vector<2000x128xf32> to vector<2000x16xf32>
    %dot_general3A_13 = arith.constant dense<0.000000e+00> : vector<16x16xf32>
    %dot_general3A_14 = tpu.matmul %slice3A_11, %slice3A_12, %dot_general3A_13 {dimension_numbers = #tpu.dot_dimension_numbers<[0], [0], [1], [1], [0, 1, 1, 1], [], []>, transpose_lhs_hint = false} : vector<2000x16xf32>, vector<2000x16xf32>, vector<16x16xf32> -> vector<16x16xf32>
    %add3A_15 = arith.addf %add3A_10, %dot_general3A_14 : vector<16x16xf32>
    %slice3A_16 = vector.extract_strided_slice %get3A_1 {offsets = [0, 48], sizes = [2000, 16], strides = [1, 1]} : vector<2000x128xf32> to vector<2000x16xf32>
    %slice3A_17 = vector.extract_strided_slice %get3A_1 {offsets = [0, 48], sizes = [2000, 16], strides = [1, 1]} : vector<2000x128xf32> to vector<2000x16xf32>
    %dot_general3A_18 = arith.constant dense<0.000000e+00> : vector<16x16xf32>
    %dot_general3A_19 = tpu.matmul %slice3A_16, %slice3A_17, %dot_general3A_18 {dimension_numbers = #tpu.dot_dimension_numbers<[0], [0], [1], [1], [0, 1, 1, 1], [], []>, transpose_lhs_hint = false} : vector<2000x16xf32>, vector<2000x16xf32>, vector<16x16xf32> -> vector<16x16xf32>
    %add3A_20 = arith.addf %add3A_15, %dot_general3A_19 : vector<16x16xf32>
    %slice3A_21 = vector.extract_strided_slice %get3A_1 {offsets = [0, 64], sizes = [2000, 16], strides = [1, 1]} : vector<2000x128xf32> to vector<2000x16xf32>
    %slice3A_22 = vector.extract_strided_slice %get3A_1 {offsets = [0, 64], sizes = [2000, 16], strides = [1, 1]} : vector<2000x128xf32> to vector<2000x16xf32>
    %dot_general3A_23 = arith.constant dense<0.000000e+00> : vector<16x16xf32>
    %dot_general3A_24 = tpu.matmul %slice3A_21, %slice3A_22, %dot_general3A_23 {dimension_numbers = #tpu.dot_dimension_numbers<[0], [0], [1], [1], [0, 1, 1, 1], [], []>, transpose_lhs_hint = false} : vector<2000x16xf32>, vector<2000x16xf32>, vector<16x16xf32> -> vector<16x16xf32>
    %add3A_25 = arith.addf %add3A_20, %dot_general3A_24 : vector<16x16xf32>
    %slice3A_26 = vector.extract_strided_slice %get3A_1 {offsets = [0, 80], sizes = [2000, 16], strides = [1, 1]} : vector<2000x128xf32> to vector<2000x16xf32>
    %slice3A_27 = vector.extract_strided_slice %get3A_1 {offsets = [0, 80], sizes = [2000, 16], strides = [1, 1]} : vector<2000x128xf32> to vector<2000x16xf32>
    %dot_general3A_28 = arith.constant dense<0.000000e+00> : vector<16x16xf32>
    %dot_general3A_29 = tpu.matmul %slice3A_26, %slice3A_27, %dot_general3A_28 {dimension_numbers = #tpu.dot_dimension_numbers<[0], [0], [1], [1], [0, 1, 1, 1], [], []>, transpose_lhs_hint = false} : vector<2000x16xf32>, vector<2000x16xf32>, vector<16x16xf32> -> vector<16x16xf32>
    %add3A_30 = arith.addf %add3A_25, %dot_general3A_29 : vector<16x16xf32>
    %slice3A_31 = vector.extract_strided_slice %get3A_1 {offsets = [0, 96], sizes = [2000, 16], strides = [1, 1]} : vector<2000x128xf32> to vector<2000x16xf32>
    %slice3A_32 = vector.extract_strided_slice %get3A_1 {offsets = [0, 96], sizes = [2000, 16], strides = [1, 1]} : vector<2000x128xf32> to vector<2000x16xf32>
    %dot_general3A_33 = arith.constant dense<0.000000e+00> : vector<16x16xf32>
    %dot_general3A_34 = tpu.matmul %slice3A_31, %slice3A_32, %dot_general3A_33 {dimension_numbers = #tpu.dot_dimension_numbers<[0], [0], [1], [1], [0, 1, 1, 1], [], []>, transpose_lhs_hint = false} : vector<2000x16xf32>, vector<2000x16xf32>, vector<16x16xf32> -> vector<16x16xf32>
    %add3A_35 = arith.addf %add3A_30, %dot_general3A_34 : vector<16x16xf32>
    %slice3A_36 = vector.extract_strided_slice %get3A_1 {offsets = [0, 112], sizes = [2000, 16], strides = [1, 1]} : vector<2000x128xf32> to vector<2000x16xf32>
    %slice3A_37 = vector.extract_strided_slice %get3A_1 {offsets = [0, 112], sizes = [2000, 16], strides = [1, 1]} : vector<2000x128xf32> to vector<2000x16xf32>
    %dot_general3A_38 = arith.constant dense<0.000000e+00> : vector<16x16xf32>
    %dot_general3A_39 = tpu.matmul %slice3A_36, %slice3A_37, %dot_general3A_38 {dimension_numbers = #tpu.dot_dimension_numbers<[0], [0], [1], [1], [0, 1, 1, 1], [], []>, transpose_lhs_hint = false} : vector<2000x16xf32>, vector<2000x16xf32>, vector<16x16xf32> -> vector<16x16xf32>
    %add3A_40 = arith.addf %add3A_35, %dot_general3A_39 : vector<16x16xf32>
    %reduce_sum3A = arith.constant dense<0.000000e+00> : vector<128xf32>
    %reduce_sum3A_41 = vector.multi_reduction <add>, %get3A_1, %reduce_sum3A [0] : vector<2000x128xf32> to vector<128xf32>
    %broadcast_in_dim3A = vector.shape_cast %reduce_sum3A_41 : vector<128xf32> to vector<1x128xf32>
    %eq3A = arith.constant 0 : i32
    %eq3A_42 = arith.cmpi eq, %arg0, %eq3A : i32
    %convert_element_type3A = arith.extui %eq3A_42 : i1 to i32
    %cond3A = arith.constant 0 : i32
    %cond3A_43 = arith.cmpi ne, %convert_element_type3A, %cond3A : i32
    scf.if %cond3A_43 {
      %broadcast_in_dim3A_62 = arith.constant 0.000000e+00 : f32
      %broadcast_in_dim3A_63 = vector.broadcast %broadcast_in_dim3A_62 : f32 to vector<16x16xf32>
      %swap3A_64 = arith.constant 0 : index
      %swap3A_65 = arith.constant 0 : index
      %swap3A_66 = vector.load %arg4[%swap3A_64, %swap3A_65] : memref<16x16xf32, #tpu.memory_space<vmem>>, vector<16x16xf32>
      tpu.vector_store %arg4[%swap3A_64, %swap3A_65], %broadcast_in_dim3A_63 {strides = array<i32>} : memref<16x16xf32, #tpu.memory_space<vmem>>, vector<16x16xf32>,
      %broadcast_in_dim3A_67 = arith.constant 0.000000e+00 : f32
      %broadcast_in_dim3A_68 = vector.broadcast %broadcast_in_dim3A_67 : f32 to vector<1x128xf32>
      %swap3A_69 = arith.constant 0 : index
      %swap3A_70 = arith.constant 0 : index
      %swap3A_71 = vector.load %arg5[%swap3A_69, %swap3A_70] : memref<1x128xf32, #tpu.memory_space<vmem>>, vector<1x128xf32>
      tpu.vector_store %arg5[%swap3A_69, %swap3A_70], %broadcast_in_dim3A_68 {strides = array<i32>} : memref<1x128xf32, #tpu.memory_space<vmem>>, vector<1x128xf32>,
    } else {
    }
    %get3A_44 = arith.constant 0 : index
    %get3A_45 = arith.constant 0 : index
    %get3A_46 = vector.load %arg4[%get3A_44, %get3A_45] : memref<16x16xf32, #tpu.memory_space<vmem>>, vector<16x16xf32>
    %add3A_47 = arith.addf %get3A_46, %add3A_40 : vector<16x16xf32>
    %swap3A = arith.constant 0 : index
    %swap3A_48 = arith.constant 0 : index
    %swap3A_49 = vector.load %arg4[%swap3A, %swap3A_48] : memref<16x16xf32, #tpu.memory_space<vmem>>, vector<16x16xf32>
    tpu.vector_store %arg4[%swap3A, %swap3A_48], %add3A_47 {strides = array<i32>} : memref<16x16xf32, #tpu.memory_space<vmem>>, vector<16x16xf32>,
    %get3A_50 = arith.constant 0 : index
    %get3A_51 = arith.constant 0 : index
    %get3A_52 = vector.load %arg5[%get3A_50, %get3A_51] : memref<1x128xf32, #tpu.memory_space<vmem>>, vector<1x128xf32>
    %add3A_53 = arith.addf %get3A_52, %broadcast_in_dim3A : vector<1x128xf32>
    %swap3A_54 = arith.constant 0 : index
    %swap3A_55 = arith.constant 0 : index
    %swap3A_56 = vector.load %arg5[%swap3A_54, %swap3A_55] : memref<1x128xf32, #tpu.memory_space<vmem>>, vector<1x128xf32>
    tpu.vector_store %arg5[%swap3A_54, %swap3A_55], %add3A_53 {strides = array<i32>} : memref<1x128xf32, #tpu.memory_space<vmem>>, vector<1x128xf32>,
    %eq3A_57 = arith.constant 39 : i32
    %eq3A_58 = arith.cmpi eq, %arg0, %eq3A_57 : i32
    %convert_element_type3A_59 = arith.extui %eq3A_58 : i1 to i32
    %cond3A_60 = arith.constant 0 : i32
    %cond3A_61 = arith.cmpi ne, %convert_element_type3A_59, %cond3A_60 : i32
    scf.if %cond3A_61 {
      %get3A_62 = arith.constant 0 : index
      %get3A_63 = arith.constant 0 : index
      %get3A_64 = vector.load %arg4[%get3A_62, %get3A_63] : memref<16x16xf32, #tpu.memory_space<vmem>>, vector<16x16xf32>
      %swap3A_65 = arith.constant 0 : index
      %swap3A_66 = arith.constant 0 : index
      %swap3A_67 = vector.load %arg2[%swap3A_65, %swap3A_66] : memref<16x16xf32, #tpu.memory_space<vmem>>, vector<16x16xf32>
      tpu.vector_store %arg2[%swap3A_65, %swap3A_66], %get3A_64 {strides = array<i32>} : memref<16x16xf32, #tpu.memory_space<vmem>>, vector<16x16xf32>,
      %get3A_68 = arith.constant 0 : index
      %get3A_69 = arith.constant 0 : index
      %get3A_70 = vector.load %arg5[%get3A_68, %get3A_69] : memref<1x128xf32, #tpu.memory_space<vmem>>, vector<1x128xf32>
      %swap3A_71 = arith.constant 0 : index
      %swap3A_72 = arith.constant 0 : index
      %swap3A_73 = vector.load %arg3[%swap3A_71, %swap3A_72] : memref<1x128xf32, #tpu.memory_space<vmem>>, vector<1x128xf32>
      tpu.vector_store %arg3[%swap3A_71, %swap3A_72], %get3A_70 {strides = array<i32>} : memref<1x128xf32, #tpu.memory_space<vmem>>, vector<1x128xf32>,
    } else {
    }
    return
  }
  func.func @transform_0(%arg0: i32) -> (i32, i32) {
    %c0_i32 = arith.constant 0 : i32
    %c0_i32_0 = arith.constant 0 : i32
    return %arg0, %c0_i32 : i32, i32
  }
  func.func @transform_1(%arg0: i32) -> (i32, i32) {
    %c0_i32 = arith.constant 0 : i32
    %c0_i32_0 = arith.constant 0 : i32
    %c0_i32_1 = arith.constant 0 : i32
    return %c0_i32, %c0_i32_0 : i32, i32
  }
  func.func @transform_2(%arg0: i32) -> (i32, i32) {
    %c0_i32 = arith.constant 0 : i32
    %c0_i32_0 = arith.constant 0 : i32
    %c0_i32_1 = arith.constant 0 : i32
    return %c0_i32, %c0_i32_0 : i32, i32
  }
}

module attributes {stable_mosaic.version = 14 : i64} {
  func.func @_epass2_body(%arg0: i32, %arg1: memref<1000x128xf32, #tpu.memory_space<vmem>>, %arg2: memref<128x512xf32, #tpu.memory_space<vmem>>, %arg3: memref<1x512xf32, #tpu.memory_space<vmem>>, %arg4: memref<2x512xf32, #tpu.memory_space<vmem>>, %arg5: memref<64x64xf32, #tpu.memory_space<vmem>>, %arg6: memref<1x512xf32, #tpu.memory_space<vmem>>, %arg7: memref<64x64xf32, #tpu.memory_space<vmem>>, %arg8: memref<1x512xf32, #tpu.memory_space<vmem>>) attributes {dimension_semantics = [#tpu.dimension_semantics<arbitrary>], iteration_bounds = array<i64: 80>, scalar_prefetch = 0 : i64, scratch_operands = 2 : i64, tpu.core_type = #tpu.core_type<tc>, window_params = [{transform_indices = @transform_0, window_bounds = array<i64: 1000, 128>}, {pipeline_mode = #tpu.pipeline_mode<synchronous>, transform_indices = @transform_1, window_bounds = array<i64: 128, 512>}, {pipeline_mode = #tpu.pipeline_mode<synchronous>, transform_indices = @transform_2, window_bounds = array<i64: 1, 512>}, {pipeline_mode = #tpu.pipeline_mode<synchronous>, transform_indices = @transform_3, window_bounds = array<i64: 2, 512>}, {pipeline_mode = #tpu.pipeline_mode<synchronous>, transform_indices = @transform_4, window_bounds = array<i64: 64, 64>}, {pipeline_mode = #tpu.pipeline_mode<synchronous>, transform_indices = @transform_5, window_bounds = array<i64: 1, 512>}]} {
    %get3A = arith.constant 0 : index
    %get3A_0 = arith.constant 0 : index
    %get3A_1 = vector.load %arg1[%get3A, %get3A_0] : memref<1000x128xf32, #tpu.memory_space<vmem>>, vector<1000x128xf32>
    %get3A_2 = arith.constant 0 : index
    %get3A_3 = arith.constant 0 : index
    %get3A_4 = vector.load %arg2[%get3A_2, %get3A_3] : memref<128x512xf32, #tpu.memory_space<vmem>>, vector<128x512xf32>
    %dot_general3A = arith.constant dense<0.000000e+00> : vector<1000x512xf32>
    %dot_general3A_5 = tpu.matmul %get3A_1, %get3A_4, %dot_general3A {dimension_numbers = #tpu.dot_dimension_numbers<[1], [0], [0], [1], [0, 0, 1, 1], [], []>, transpose_lhs_hint = false} : vector<1000x128xf32>, vector<128x512xf32>, vector<1000x512xf32> -> vector<1000x512xf32>
    %get3A_6 = arith.constant 0 : index
    %get3A_7 = arith.constant 0 : index
    %get3A_8 = vector.load %arg3[%get3A_6, %get3A_7] : memref<1x512xf32, #tpu.memory_space<vmem>>, vector<1x512xf32>
    %add3A = vector.broadcast %get3A_8 : vector<1x512xf32> to vector<1000x512xf32>
    %add3A_9 = arith.addf %dot_general3A_5, %add3A : vector<1000x512xf32>
    %get3A_10 = arith.constant 0 : index
    %get3A_11 = arith.constant 0 : index
    %get3A_12 = vector.load %arg4[%get3A_10, %get3A_11] : memref<2x512xf32, #tpu.memory_space<vmem>>, vector<1x512xf32>
    %mul3A = vector.broadcast %get3A_12 : vector<1x512xf32> to vector<1000x512xf32>
    %mul3A_13 = arith.mulf %add3A_9, %mul3A : vector<1000x512xf32>
    %get3A_14 = arith.constant 1 : index
    %get3A_15 = arith.constant 0 : index
    %get3A_16 = vector.load %arg4[%get3A_14, %get3A_15] : memref<2x512xf32, #tpu.memory_space<vmem>>, vector<1x512xf32>
    %add3A_17 = vector.broadcast %get3A_16 : vector<1x512xf32> to vector<1000x512xf32>
    %add3A_18 = arith.addf %mul3A_13, %add3A_17 : vector<1000x512xf32>
    %max3A = arith.constant 0.000000e+00 : f32
    %max3A_19 = vector.broadcast %max3A : f32 to vector<1000x512xf32>
    %max3A_20 = arith.maximumf %add3A_18, %max3A_19 : vector<1000x512xf32>
    %slice3A = vector.extract_strided_slice %max3A_20 {offsets = [0, 0], sizes = [1000, 64], strides = [1, 1]} : vector<1000x512xf32> to vector<1000x64xf32>
    %slice3A_21 = vector.extract_strided_slice %max3A_20 {offsets = [0, 0], sizes = [1000, 64], strides = [1, 1]} : vector<1000x512xf32> to vector<1000x64xf32>
    %dot_general3A_22 = arith.constant dense<0.000000e+00> : vector<64x64xf32>
    %dot_general3A_23 = tpu.matmul %slice3A, %slice3A_21, %dot_general3A_22 {dimension_numbers = #tpu.dot_dimension_numbers<[0], [0], [1], [1], [0, 1, 1, 1], [], []>, transpose_lhs_hint = false} : vector<1000x64xf32>, vector<1000x64xf32>, vector<64x64xf32> -> vector<64x64xf32>
    %add3A_24 = arith.constant 0.000000e+00 : f32
    %add3A_25 = vector.broadcast %add3A_24 : f32 to vector<64x64xf32>
    %add3A_26 = arith.addf %add3A_25, %dot_general3A_23 : vector<64x64xf32>
    %slice3A_27 = vector.extract_strided_slice %max3A_20 {offsets = [0, 64], sizes = [1000, 64], strides = [1, 1]} : vector<1000x512xf32> to vector<1000x64xf32>
    %slice3A_28 = vector.extract_strided_slice %max3A_20 {offsets = [0, 64], sizes = [1000, 64], strides = [1, 1]} : vector<1000x512xf32> to vector<1000x64xf32>
    %dot_general3A_29 = arith.constant dense<0.000000e+00> : vector<64x64xf32>
    %dot_general3A_30 = tpu.matmul %slice3A_27, %slice3A_28, %dot_general3A_29 {dimension_numbers = #tpu.dot_dimension_numbers<[0], [0], [1], [1], [0, 1, 1, 1], [], []>, transpose_lhs_hint = false} : vector<1000x64xf32>, vector<1000x64xf32>, vector<64x64xf32> -> vector<64x64xf32>
    %add3A_31 = arith.addf %add3A_26, %dot_general3A_30 : vector<64x64xf32>
    %slice3A_32 = vector.extract_strided_slice %max3A_20 {offsets = [0, 128], sizes = [1000, 64], strides = [1, 1]} : vector<1000x512xf32> to vector<1000x64xf32>
    %slice3A_33 = vector.extract_strided_slice %max3A_20 {offsets = [0, 128], sizes = [1000, 64], strides = [1, 1]} : vector<1000x512xf32> to vector<1000x64xf32>
    %dot_general3A_34 = arith.constant dense<0.000000e+00> : vector<64x64xf32>
    %dot_general3A_35 = tpu.matmul %slice3A_32, %slice3A_33, %dot_general3A_34 {dimension_numbers = #tpu.dot_dimension_numbers<[0], [0], [1], [1], [0, 1, 1, 1], [], []>, transpose_lhs_hint = false} : vector<1000x64xf32>, vector<1000x64xf32>, vector<64x64xf32> -> vector<64x64xf32>
    %add3A_36 = arith.addf %add3A_31, %dot_general3A_35 : vector<64x64xf32>
    %slice3A_37 = vector.extract_strided_slice %max3A_20 {offsets = [0, 192], sizes = [1000, 64], strides = [1, 1]} : vector<1000x512xf32> to vector<1000x64xf32>
    %slice3A_38 = vector.extract_strided_slice %max3A_20 {offsets = [0, 192], sizes = [1000, 64], strides = [1, 1]} : vector<1000x512xf32> to vector<1000x64xf32>
    %dot_general3A_39 = arith.constant dense<0.000000e+00> : vector<64x64xf32>
    %dot_general3A_40 = tpu.matmul %slice3A_37, %slice3A_38, %dot_general3A_39 {dimension_numbers = #tpu.dot_dimension_numbers<[0], [0], [1], [1], [0, 1, 1, 1], [], []>, transpose_lhs_hint = false} : vector<1000x64xf32>, vector<1000x64xf32>, vector<64x64xf32> -> vector<64x64xf32>
    %add3A_41 = arith.addf %add3A_36, %dot_general3A_40 : vector<64x64xf32>
    %slice3A_42 = vector.extract_strided_slice %max3A_20 {offsets = [0, 256], sizes = [1000, 64], strides = [1, 1]} : vector<1000x512xf32> to vector<1000x64xf32>
    %slice3A_43 = vector.extract_strided_slice %max3A_20 {offsets = [0, 256], sizes = [1000, 64], strides = [1, 1]} : vector<1000x512xf32> to vector<1000x64xf32>
    %dot_general3A_44 = arith.constant dense<0.000000e+00> : vector<64x64xf32>
    %dot_general3A_45 = tpu.matmul %slice3A_42, %slice3A_43, %dot_general3A_44 {dimension_numbers = #tpu.dot_dimension_numbers<[0], [0], [1], [1], [0, 1, 1, 1], [], []>, transpose_lhs_hint = false} : vector<1000x64xf32>, vector<1000x64xf32>, vector<64x64xf32> -> vector<64x64xf32>
    %add3A_46 = arith.addf %add3A_41, %dot_general3A_45 : vector<64x64xf32>
    %slice3A_47 = vector.extract_strided_slice %max3A_20 {offsets = [0, 320], sizes = [1000, 64], strides = [1, 1]} : vector<1000x512xf32> to vector<1000x64xf32>
    %slice3A_48 = vector.extract_strided_slice %max3A_20 {offsets = [0, 320], sizes = [1000, 64], strides = [1, 1]} : vector<1000x512xf32> to vector<1000x64xf32>
    %dot_general3A_49 = arith.constant dense<0.000000e+00> : vector<64x64xf32>
    %dot_general3A_50 = tpu.matmul %slice3A_47, %slice3A_48, %dot_general3A_49 {dimension_numbers = #tpu.dot_dimension_numbers<[0], [0], [1], [1], [0, 1, 1, 1], [], []>, transpose_lhs_hint = false} : vector<1000x64xf32>, vector<1000x64xf32>, vector<64x64xf32> -> vector<64x64xf32>
    %add3A_51 = arith.addf %add3A_46, %dot_general3A_50 : vector<64x64xf32>
    %slice3A_52 = vector.extract_strided_slice %max3A_20 {offsets = [0, 384], sizes = [1000, 64], strides = [1, 1]} : vector<1000x512xf32> to vector<1000x64xf32>
    %slice3A_53 = vector.extract_strided_slice %max3A_20 {offsets = [0, 384], sizes = [1000, 64], strides = [1, 1]} : vector<1000x512xf32> to vector<1000x64xf32>
    %dot_general3A_54 = arith.constant dense<0.000000e+00> : vector<64x64xf32>
    %dot_general3A_55 = tpu.matmul %slice3A_52, %slice3A_53, %dot_general3A_54 {dimension_numbers = #tpu.dot_dimension_numbers<[0], [0], [1], [1], [0, 1, 1, 1], [], []>, transpose_lhs_hint = false} : vector<1000x64xf32>, vector<1000x64xf32>, vector<64x64xf32> -> vector<64x64xf32>
    %add3A_56 = arith.addf %add3A_51, %dot_general3A_55 : vector<64x64xf32>
    %slice3A_57 = vector.extract_strided_slice %max3A_20 {offsets = [0, 448], sizes = [1000, 64], strides = [1, 1]} : vector<1000x512xf32> to vector<1000x64xf32>
    %slice3A_58 = vector.extract_strided_slice %max3A_20 {offsets = [0, 448], sizes = [1000, 64], strides = [1, 1]} : vector<1000x512xf32> to vector<1000x64xf32>
    %dot_general3A_59 = arith.constant dense<0.000000e+00> : vector<64x64xf32>
    %dot_general3A_60 = tpu.matmul %slice3A_57, %slice3A_58, %dot_general3A_59 {dimension_numbers = #tpu.dot_dimension_numbers<[0], [0], [1], [1], [0, 1, 1, 1], [], []>, transpose_lhs_hint = false} : vector<1000x64xf32>, vector<1000x64xf32>, vector<64x64xf32> -> vector<64x64xf32>
    %add3A_61 = arith.addf %add3A_56, %dot_general3A_60 : vector<64x64xf32>
    %reduce_sum3A = arith.constant dense<0.000000e+00> : vector<512xf32>
    %reduce_sum3A_62 = vector.multi_reduction <add>, %max3A_20, %reduce_sum3A [0] : vector<1000x512xf32> to vector<512xf32>
    %broadcast_in_dim3A = vector.shape_cast %reduce_sum3A_62 : vector<512xf32> to vector<1x512xf32>
    %eq3A = arith.constant 0 : i32
    %eq3A_63 = arith.cmpi eq, %arg0, %eq3A : i32
    %convert_element_type3A = arith.extui %eq3A_63 : i1 to i32
    %cond3A = arith.constant 0 : i32
    %cond3A_64 = arith.cmpi ne, %convert_element_type3A, %cond3A : i32
    scf.if %cond3A_64 {
      %broadcast_in_dim3A_83 = arith.constant 0.000000e+00 : f32
      %broadcast_in_dim3A_84 = vector.broadcast %broadcast_in_dim3A_83 : f32 to vector<64x64xf32>
      %swap3A_85 = arith.constant 0 : index
      %swap3A_86 = arith.constant 0 : index
      %swap3A_87 = vector.load %arg7[%swap3A_85, %swap3A_86] : memref<64x64xf32, #tpu.memory_space<vmem>>, vector<64x64xf32>
      tpu.vector_store %arg7[%swap3A_85, %swap3A_86], %broadcast_in_dim3A_84 {strides = array<i32>} : memref<64x64xf32, #tpu.memory_space<vmem>>, vector<64x64xf32>,
      %broadcast_in_dim3A_88 = arith.constant 0.000000e+00 : f32
      %broadcast_in_dim3A_89 = vector.broadcast %broadcast_in_dim3A_88 : f32 to vector<1x512xf32>
      %swap3A_90 = arith.constant 0 : index
      %swap3A_91 = arith.constant 0 : index
      %swap3A_92 = vector.load %arg8[%swap3A_90, %swap3A_91] : memref<1x512xf32, #tpu.memory_space<vmem>>, vector<1x512xf32>
      tpu.vector_store %arg8[%swap3A_90, %swap3A_91], %broadcast_in_dim3A_89 {strides = array<i32>} : memref<1x512xf32, #tpu.memory_space<vmem>>, vector<1x512xf32>,
    } else {
    }
    %get3A_65 = arith.constant 0 : index
    %get3A_66 = arith.constant 0 : index
    %get3A_67 = vector.load %arg7[%get3A_65, %get3A_66] : memref<64x64xf32, #tpu.memory_space<vmem>>, vector<64x64xf32>
    %add3A_68 = arith.addf %get3A_67, %add3A_61 : vector<64x64xf32>
    %swap3A = arith.constant 0 : index
    %swap3A_69 = arith.constant 0 : index
    %swap3A_70 = vector.load %arg7[%swap3A, %swap3A_69] : memref<64x64xf32, #tpu.memory_space<vmem>>, vector<64x64xf32>
    tpu.vector_store %arg7[%swap3A, %swap3A_69], %add3A_68 {strides = array<i32>} : memref<64x64xf32, #tpu.memory_space<vmem>>, vector<64x64xf32>,
    %get3A_71 = arith.constant 0 : index
    %get3A_72 = arith.constant 0 : index
    %get3A_73 = vector.load %arg8[%get3A_71, %get3A_72] : memref<1x512xf32, #tpu.memory_space<vmem>>, vector<1x512xf32>
    %add3A_74 = arith.addf %get3A_73, %broadcast_in_dim3A : vector<1x512xf32>
    %swap3A_75 = arith.constant 0 : index
    %swap3A_76 = arith.constant 0 : index
    %swap3A_77 = vector.load %arg8[%swap3A_75, %swap3A_76] : memref<1x512xf32, #tpu.memory_space<vmem>>, vector<1x512xf32>
    tpu.vector_store %arg8[%swap3A_75, %swap3A_76], %add3A_74 {strides = array<i32>} : memref<1x512xf32, #tpu.memory_space<vmem>>, vector<1x512xf32>,
    %eq3A_78 = arith.constant 79 : i32
    %eq3A_79 = arith.cmpi eq, %arg0, %eq3A_78 : i32
    %convert_element_type3A_80 = arith.extui %eq3A_79 : i1 to i32
    %cond3A_81 = arith.constant 0 : i32
    %cond3A_82 = arith.cmpi ne, %convert_element_type3A_80, %cond3A_81 : i32
    scf.if %cond3A_82 {
      %get3A_83 = arith.constant 0 : index
      %get3A_84 = arith.constant 0 : index
      %get3A_85 = vector.load %arg7[%get3A_83, %get3A_84] : memref<64x64xf32, #tpu.memory_space<vmem>>, vector<64x64xf32>
      %swap3A_86 = arith.constant 0 : index
      %swap3A_87 = arith.constant 0 : index
      %swap3A_88 = vector.load %arg5[%swap3A_86, %swap3A_87] : memref<64x64xf32, #tpu.memory_space<vmem>>, vector<64x64xf32>
      tpu.vector_store %arg5[%swap3A_86, %swap3A_87], %get3A_85 {strides = array<i32>} : memref<64x64xf32, #tpu.memory_space<vmem>>, vector<64x64xf32>,
      %get3A_89 = arith.constant 0 : index
      %get3A_90 = arith.constant 0 : index
      %get3A_91 = vector.load %arg8[%get3A_89, %get3A_90] : memref<1x512xf32, #tpu.memory_space<vmem>>, vector<1x512xf32>
      %swap3A_92 = arith.constant 0 : index
      %swap3A_93 = arith.constant 0 : index
      %swap3A_94 = vector.load %arg6[%swap3A_92, %swap3A_93] : memref<1x512xf32, #tpu.memory_space<vmem>>, vector<1x512xf32>
      tpu.vector_store %arg6[%swap3A_92, %swap3A_93], %get3A_91 {strides = array<i32>} : memref<1x512xf32, #tpu.memory_space<vmem>>, vector<1x512xf32>,
    } else {
    }
    return
  }
  func.func @transform_0(%arg0: i32) -> (i32, i32) {
    %c0_i32 = arith.constant 0 : i32
    %c0_i32_0 = arith.constant 0 : i32
    return %arg0, %c0_i32 : i32, i32
  }
  func.func @transform_1(%arg0: i32) -> (i32, i32) {
    %c0_i32 = arith.constant 0 : i32
    %c0_i32_0 = arith.constant 0 : i32
    %c0_i32_1 = arith.constant 0 : i32
    return %c0_i32, %c0_i32_0 : i32, i32
  }
  func.func @transform_2(%arg0: i32) -> (i32, i32) {
    %c0_i32 = arith.constant 0 : i32
    %c0_i32_0 = arith.constant 0 : i32
    %c0_i32_1 = arith.constant 0 : i32
    return %c0_i32, %c0_i32_0 : i32, i32
  }
  func.func @transform_3(%arg0: i32) -> (i32, i32) {
    %c0_i32 = arith.constant 0 : i32
    %c0_i32_0 = arith.constant 0 : i32
    %c0_i32_1 = arith.constant 0 : i32
    return %c0_i32, %c0_i32_0 : i32, i32
  }
  func.func @transform_4(%arg0: i32) -> (i32, i32) {
    %c0_i32 = arith.constant 0 : i32
    %c0_i32_0 = arith.constant 0 : i32
    %c0_i32_1 = arith.constant 0 : i32
    return %c0_i32, %c0_i32_0 : i32, i32
  }
  func.func @transform_5(%arg0: i32) -> (i32, i32) {
    %c0_i32 = arith.constant 0 : i32
    %c0_i32_0 = arith.constant 0 : i32
    %c0_i32_1 = arith.constant 0 : i32
    return %c0_i32, %c0_i32_0 : i32, i32
  }
}

module attributes {stable_mosaic.version = 14 : i64} {
  func.func @_epass3_body(%arg0: i32, %arg1: memref<640x128xf32, #tpu.memory_space<vmem>>, %arg2: memref<128x512xf32, #tpu.memory_space<vmem>>, %arg3: memref<1x512xf32, #tpu.memory_space<vmem>>, %arg4: memref<2x512xf32, #tpu.memory_space<vmem>>, %arg5: memref<512x512xf32, #tpu.memory_space<vmem>>, %arg6: memref<1x512xf32, #tpu.memory_space<vmem>>, %arg7: memref<2x512xf32, #tpu.memory_space<vmem>>, %arg8: memref<512x8xf32, #tpu.memory_space<vmem>>, %arg9: memref<1x8xf32, #tpu.memory_space<vmem>>, %arg10: memref<640x8xf32, #tpu.memory_space<vmem>>) attributes {dimension_semantics = [#tpu.dimension_semantics<arbitrary>], iteration_bounds = array<i64: 125>, scalar_prefetch = 0 : i64, scratch_operands = 0 : i64, tpu.core_type = #tpu.core_type<tc>, window_params = [{transform_indices = @transform_0, window_bounds = array<i64: 640, 128>}, {pipeline_mode = #tpu.pipeline_mode<synchronous>, transform_indices = @transform_1, window_bounds = array<i64: 128, 512>}, {pipeline_mode = #tpu.pipeline_mode<synchronous>, transform_indices = @transform_2, window_bounds = array<i64: 1, 512>}, {pipeline_mode = #tpu.pipeline_mode<synchronous>, transform_indices = @transform_3, window_bounds = array<i64: 2, 512>}, {pipeline_mode = #tpu.pipeline_mode<synchronous>, transform_indices = @transform_4, window_bounds = array<i64: 512, 512>}, {pipeline_mode = #tpu.pipeline_mode<synchronous>, transform_indices = @transform_5, window_bounds = array<i64: 1, 512>}, {pipeline_mode = #tpu.pipeline_mode<synchronous>, transform_indices = @transform_6, window_bounds = array<i64: 2, 512>}, {pipeline_mode = #tpu.pipeline_mode<synchronous>, transform_indices = @transform_7, window_bounds = array<i64: 512, 8>}, {pipeline_mode = #tpu.pipeline_mode<synchronous>, transform_indices = @transform_8, window_bounds = array<i64: 1, 8>}, {transform_indices = @transform_9, window_bounds = array<i64: 640, 8>}]} {
    %get3A = arith.constant 0 : index
    %get3A_0 = arith.constant 0 : index
    %get3A_1 = vector.load %arg1[%get3A, %get3A_0] : memref<640x128xf32, #tpu.memory_space<vmem>>, vector<640x128xf32>
    %get3A_2 = arith.constant 0 : index
    %get3A_3 = arith.constant 0 : index
    %get3A_4 = vector.load %arg2[%get3A_2, %get3A_3] : memref<128x512xf32, #tpu.memory_space<vmem>>, vector<128x512xf32>
    %dot_general3A = arith.constant dense<0.000000e+00> : vector<640x512xf32>
    %dot_general3A_5 = tpu.matmul %get3A_1, %get3A_4, %dot_general3A {dimension_numbers = #tpu.dot_dimension_numbers<[1], [0], [0], [1], [0, 0, 1, 1], [], []>, transpose_lhs_hint = false} : vector<640x128xf32>, vector<128x512xf32>, vector<640x512xf32> -> vector<640x512xf32>
    %get3A_6 = arith.constant 0 : index
    %get3A_7 = arith.constant 0 : index
    %get3A_8 = vector.load %arg3[%get3A_6, %get3A_7] : memref<1x512xf32, #tpu.memory_space<vmem>>, vector<1x512xf32>
    %add3A = vector.broadcast %get3A_8 : vector<1x512xf32> to vector<640x512xf32>
    %add3A_9 = arith.addf %dot_general3A_5, %add3A : vector<640x512xf32>
    %get3A_10 = arith.constant 0 : index
    %get3A_11 = arith.constant 0 : index
    %get3A_12 = vector.load %arg4[%get3A_10, %get3A_11] : memref<2x512xf32, #tpu.memory_space<vmem>>, vector<1x512xf32>
    %mul3A = vector.broadcast %get3A_12 : vector<1x512xf32> to vector<640x512xf32>
    %mul3A_13 = arith.mulf %add3A_9, %mul3A : vector<640x512xf32>
    %get3A_14 = arith.constant 1 : index
    %get3A_15 = arith.constant 0 : index
    %get3A_16 = vector.load %arg4[%get3A_14, %get3A_15] : memref<2x512xf32, #tpu.memory_space<vmem>>, vector<1x512xf32>
    %add3A_17 = vector.broadcast %get3A_16 : vector<1x512xf32> to vector<640x512xf32>
    %add3A_18 = arith.addf %mul3A_13, %add3A_17 : vector<640x512xf32>
    %max3A = arith.constant 0.000000e+00 : f32
    %max3A_19 = vector.broadcast %max3A : f32 to vector<640x512xf32>
    %max3A_20 = arith.maximumf %add3A_18, %max3A_19 : vector<640x512xf32>
    %get3A_21 = arith.constant 0 : index
    %get3A_22 = arith.constant 0 : index
    %get3A_23 = vector.load %arg5[%get3A_21, %get3A_22] : memref<512x512xf32, #tpu.memory_space<vmem>>, vector<512x512xf32>
    %dot_general3A_24 = arith.constant dense<0.000000e+00> : vector<640x512xf32>
    %dot_general3A_25 = tpu.matmul %max3A_20, %get3A_23, %dot_general3A_24 {dimension_numbers = #tpu.dot_dimension_numbers<[1], [0], [0], [1], [0, 0, 1, 1], [], []>, transpose_lhs_hint = false} : vector<640x512xf32>, vector<512x512xf32>, vector<640x512xf32> -> vector<640x512xf32>
    %get3A_26 = arith.constant 0 : index
    %get3A_27 = arith.constant 0 : index
    %get3A_28 = vector.load %arg6[%get3A_26, %get3A_27] : memref<1x512xf32, #tpu.memory_space<vmem>>, vector<1x512xf32>
    %add3A_29 = vector.broadcast %get3A_28 : vector<1x512xf32> to vector<640x512xf32>
    %add3A_30 = arith.addf %dot_general3A_25, %add3A_29 : vector<640x512xf32>
    %get3A_31 = arith.constant 0 : index
    %get3A_32 = arith.constant 0 : index
    %get3A_33 = vector.load %arg7[%get3A_31, %get3A_32] : memref<2x512xf32, #tpu.memory_space<vmem>>, vector<1x512xf32>
    %mul3A_34 = vector.broadcast %get3A_33 : vector<1x512xf32> to vector<640x512xf32>
    %mul3A_35 = arith.mulf %add3A_30, %mul3A_34 : vector<640x512xf32>
    %get3A_36 = arith.constant 1 : index
    %get3A_37 = arith.constant 0 : index
    %get3A_38 = vector.load %arg7[%get3A_36, %get3A_37] : memref<2x512xf32, #tpu.memory_space<vmem>>, vector<1x512xf32>
    %add3A_39 = vector.broadcast %get3A_38 : vector<1x512xf32> to vector<640x512xf32>
    %add3A_40 = arith.addf %mul3A_35, %add3A_39 : vector<640x512xf32>
    %max3A_41 = arith.constant 0.000000e+00 : f32
    %max3A_42 = vector.broadcast %max3A_41 : f32 to vector<640x512xf32>
    %max3A_43 = arith.maximumf %add3A_40, %max3A_42 : vector<640x512xf32>
    %get3A_44 = arith.constant 0 : index
    %get3A_45 = arith.constant 0 : index
    %get3A_46 = vector.load %arg8[%get3A_44, %get3A_45] : memref<512x8xf32, #tpu.memory_space<vmem>>, vector<512x8xf32>
    %dot_general3A_47 = arith.constant dense<0.000000e+00> : vector<640x8xf32>
    %dot_general3A_48 = tpu.matmul %max3A_43, %get3A_46, %dot_general3A_47 {dimension_numbers = #tpu.dot_dimension_numbers<[1], [0], [0], [1], [0, 0, 1, 1], [], []>, transpose_lhs_hint = false} : vector<640x512xf32>, vector<512x8xf32>, vector<640x8xf32> -> vector<640x8xf32>
    %get3A_49 = arith.constant 0 : index
    %get3A_50 = arith.constant 0 : index
    %get3A_51 = vector.load %arg9[%get3A_49, %get3A_50] : memref<1x8xf32, #tpu.memory_space<vmem>>, vector<1x8xf32>
    %add3A_52 = vector.broadcast %get3A_51 : vector<1x8xf32> to vector<640x8xf32>
    %add3A_53 = arith.addf %dot_general3A_48, %add3A_52 : vector<640x8xf32>
    %max3A_54 = arith.constant 0.000000e+00 : f32
    %max3A_55 = vector.broadcast %max3A_54 : f32 to vector<640x8xf32>
    %max3A_56 = arith.maximumf %add3A_53, %max3A_55 : vector<640x8xf32>
    %swap3A = arith.constant 0 : index
    %swap3A_57 = arith.constant 0 : index
    %swap3A_58 = vector.load %arg10[%swap3A, %swap3A_57] : memref<640x8xf32, #tpu.memory_space<vmem>>, vector<640x8xf32>
    tpu.vector_store %arg10[%swap3A, %swap3A_57], %max3A_56 {strides = array<i32>} : memref<640x8xf32, #tpu.memory_space<vmem>>, vector<640x8xf32>,
    return
  }
  func.func @transform_0(%arg0: i32) -> (i32, i32) {
    %c0_i32 = arith.constant 0 : i32
    %c0_i32_0 = arith.constant 0 : i32
    return %arg0, %c0_i32 : i32, i32
  }
  func.func @transform_1(%arg0: i32) -> (i32, i32) {
    %c0_i32 = arith.constant 0 : i32
    %c0_i32_0 = arith.constant 0 : i32
    %c0_i32_1 = arith.constant 0 : i32
    return %c0_i32, %c0_i32_0 : i32, i32
  }
  func.func @transform_2(%arg0: i32) -> (i32, i32) {
    %c0_i32 = arith.constant 0 : i32
    %c0_i32_0 = arith.constant 0 : i32
    %c0_i32_1 = arith.constant 0 : i32
    return %c0_i32, %c0_i32_0 : i32, i32
  }
  func.func @transform_3(%arg0: i32) -> (i32, i32) {
    %c0_i32 = arith.constant 0 : i32
    %c0_i32_0 = arith.constant 0 : i32
    %c0_i32_1 = arith.constant 0 : i32
    return %c0_i32, %c0_i32_0 : i32, i32
  }
  func.func @transform_4(%arg0: i32) -> (i32, i32) {
    %c0_i32 = arith.constant 0 : i32
    %c0_i32_0 = arith.constant 0 : i32
    %c0_i32_1 = arith.constant 0 : i32
    return %c0_i32, %c0_i32_0 : i32, i32
  }
  func.func @transform_5(%arg0: i32) -> (i32, i32) {
    %c0_i32 = arith.constant 0 : i32
    %c0_i32_0 = arith.constant 0 : i32
    %c0_i32_1 = arith.constant 0 : i32
    return %c0_i32, %c0_i32_0 : i32, i32
  }
  func.func @transform_6(%arg0: i32) -> (i32, i32) {
    %c0_i32 = arith.constant 0 : i32
    %c0_i32_0 = arith.constant 0 : i32
    %c0_i32_1 = arith.constant 0 : i32
    return %c0_i32, %c0_i32_0 : i32, i32
  }
  func.func @transform_7(%arg0: i32) -> (i32, i32) {
    %c0_i32 = arith.constant 0 : i32
    %c0_i32_0 = arith.constant 0 : i32
    %c0_i32_1 = arith.constant 0 : i32
    return %c0_i32, %c0_i32_0 : i32, i32
  }
  func.func @transform_8(%arg0: i32) -> (i32, i32) {
    %c0_i32 = arith.constant 0 : i32
    %c0_i32_0 = arith.constant 0 : i32
    %c0_i32_1 = arith.constant 0 : i32
    return %c0_i32, %c0_i32_0 : i32, i32
  }
  func.func @transform_9(%arg0: i32) -> (i32, i32) {
    %c0_i32 = arith.constant 0 : i32
    %c0_i32_0 = arith.constant 0 : i32
    return %arg0, %c0_i32 : i32, i32
  }
}

module attributes {stable_mosaic.version = 14 : i64} {
  func.func @_mid1_body(%arg0: memref<2x10240x1xf32, #tpu.memory_space<vmem>>, %arg1: memref<10000x16xf32, #tpu.memory_space<vmem>>, %arg2: memref<10000x1xf32, #tpu.memory_space<vmem>>, %arg3: memref<10000x16xf32, #tpu.memory_space<vmem>>) attributes {dimension_semantics = [], scalar_prefetch = 0 : i64, scratch_operands = 0 : i64, tpu.core_type = #tpu.core_type<tc>} {
    %get3A = arith.constant 0 : index
    %get3A_0 = arith.constant 0 : index
    %get3A_1 = arith.constant 0 : index
    %get3A_2 = vector.load %arg0[%get3A, %get3A_0, %get3A_1] : memref<2x10240x1xf32, #tpu.memory_space<vmem>>, vector<1x10000x1xf32>
    %get3A_3 = vector.shape_cast %get3A_2 : vector<1x10000x1xf32> to vector<10000x1xf32>
    %add3A = arith.constant 1.000000e+00 : f32
    %add3A_4 = vector.broadcast %add3A : f32 to vector<10000x1xf32>
    %add3A_5 = arith.addf %add3A_4, %get3A_3 : vector<10000x1xf32>
    %get3A_6 = arith.constant 1 : index
    %get3A_7 = arith.constant 0 : index
    %get3A_8 = arith.constant 0 : index
    %get3A_9 = vector.load %arg0[%get3A_6, %get3A_7, %get3A_8] : memref<2x10240x1xf32, #tpu.memory_space<vmem>>, vector<1x10000x1xf32>
    %get3A_10 = vector.shape_cast %get3A_9 : vector<1x10000x1xf32> to vector<10000x1xf32>
    %add3A_11 = arith.addf %add3A_5, %get3A_10 : vector<10000x1xf32>
    %rsqrt3A = math.rsqrt %add3A_11 : vector<10000x1xf32>
    %swap3A = arith.constant 0 : index
    %swap3A_12 = arith.constant 0 : index
    %swap3A_13 = vector.load %arg2[%swap3A, %swap3A_12] : memref<10000x1xf32, #tpu.memory_space<vmem>>, vector<10000x1xf32>
    tpu.vector_store %arg2[%swap3A, %swap3A_12], %rsqrt3A {strides = array<i32>} : memref<10000x1xf32, #tpu.memory_space<vmem>>, vector<10000x1xf32>,
    %get3A_14 = arith.constant 0 : index
    %get3A_15 = arith.constant 0 : index
    %get3A_16 = vector.load %arg1[%get3A_14, %get3A_15] : memref<10000x16xf32, #tpu.memory_space<vmem>>, vector<10000x16xf32>
    %mul3A = vector.broadcast %rsqrt3A : vector<10000x1xf32> to vector<10000x16xf32>
    %mul3A_17 = arith.mulf %mul3A, %get3A_16 : vector<10000x16xf32>
    %swap3A_18 = arith.constant 0 : index
    %swap3A_19 = arith.constant 0 : index
    %swap3A_20 = vector.load %arg3[%swap3A_18, %swap3A_19] : memref<10000x16xf32, #tpu.memory_space<vmem>>, vector<10000x16xf32>
    tpu.vector_store %arg3[%swap3A_18, %swap3A_19], %mul3A_17 {strides = array<i32>} : memref<10000x16xf32, #tpu.memory_space<vmem>>, vector<10000x16xf32>,
    return
  }
}

module attributes {stable_mosaic.version = 14 : i64} {
  func.func @_mid2_body(%arg0: memref<2x10240x16xf32, #tpu.memory_space<vmem>>, %arg1: memref<10000x16xf32, #tpu.memory_space<vmem>>, %arg2: memref<10000x1xf32, #tpu.memory_space<vmem>>, %arg3: memref<1x7xf32, #tpu.memory_space<vmem>>, %arg4: memref<7x64xf32, #tpu.memory_space<vmem>>, %arg5: memref<1x64xf32, #tpu.memory_space<vmem>>, %arg6: memref<1x64xf32, #tpu.memory_space<vmem>>, %arg7: memref<1x64xf32, #tpu.memory_space<vmem>>, %arg8: memref<64x64xf32, #tpu.memory_space<vmem>>, %arg9: memref<1x64xf32, #tpu.memory_space<vmem>>, %arg10: memref<1x64xf32, #tpu.memory_space<vmem>>, %arg11: memref<1x64xf32, #tpu.memory_space<vmem>>, %arg12: memref<64x16xf32, #tpu.memory_space<vmem>>, %arg13: memref<1x16xf32, #tpu.memory_space<vmem>>, %arg14: memref<1x7xf32, #tpu.memory_space<vmem>>, %arg15: memref<1x7xf32, #tpu.memory_space<vmem>>, %arg16: memref<1x16xf32, #tpu.memory_space<vmem>>, %arg17: memref<1x16xf32, #tpu.memory_space<vmem>>, %arg18: memref<16x16xf32, #tpu.memory_space<vmem>>, %arg19: memref<10000x16xf32, #tpu.memory_space<vmem>>) attributes {dimension_semantics = [], scalar_prefetch = 0 : i64, scratch_operands = 0 : i64, tpu.core_type = #tpu.core_type<tc>} {
    %get3A = arith.constant 0 : index
    %get3A_0 = arith.constant 0 : index
    %get3A_1 = vector.load %arg2[%get3A, %get3A_0] : memref<10000x1xf32, #tpu.memory_space<vmem>>, vector<10000x1xf32>
    %get3A_2 = arith.constant 0 : index
    %get3A_3 = arith.constant 0 : index
    %get3A_4 = arith.constant 0 : index
    %get3A_5 = vector.load %arg0[%get3A_2, %get3A_3, %get3A_4] : memref<2x10240x16xf32, #tpu.memory_space<vmem>>, vector<1x10000x16xf32>
    %get3A_6 = vector.shape_cast %get3A_5 : vector<1x10000x16xf32> to vector<10000x16xf32>
    %get3A_7 = arith.constant 1 : index
    %get3A_8 = arith.constant 0 : index
    %get3A_9 = arith.constant 0 : index
    %get3A_10 = vector.load %arg0[%get3A_7, %get3A_8, %get3A_9] : memref<2x10240x16xf32, #tpu.memory_space<vmem>>, vector<1x10000x16xf32>
    %get3A_11 = vector.shape_cast %get3A_10 : vector<1x10000x16xf32> to vector<10000x16xf32>
    %add3A = arith.addf %get3A_6, %get3A_11 : vector<10000x16xf32>
    %get3A_12 = arith.constant 0 : index
    %get3A_13 = arith.constant 0 : index
    %get3A_14 = vector.load %arg1[%get3A_12, %get3A_13] : memref<10000x16xf32, #tpu.memory_space<vmem>>, vector<10000x16xf32>
    %add3A_15 = arith.addf %add3A, %get3A_14 : vector<10000x16xf32>
    %mul3A = vector.broadcast %get3A_1 : vector<10000x1xf32> to vector<10000x16xf32>
    %mul3A_16 = arith.mulf %mul3A, %add3A_15 : vector<10000x16xf32>
    %slice3A = vector.extract_strided_slice %mul3A_16 {offsets = [0, 0], sizes = [10000, 7], strides = [1, 1]} : vector<10000x16xf32> to vector<10000x7xf32>
    %get3A_17 = arith.constant 0 : index
    %get3A_18 = arith.constant 0 : index
    %get3A_19 = vector.load %arg3[%get3A_17, %get3A_18] : memref<1x7xf32, #tpu.memory_space<vmem>>, vector<1x7xf32>
    %add3A_20 = vector.broadcast %get3A_19 : vector<1x7xf32> to vector<10000x7xf32>
    %add3A_21 = arith.addf %slice3A, %add3A_20 : vector<10000x7xf32>
    %get3A_22 = arith.constant 0 : index
    %get3A_23 = arith.constant 0 : index
    %get3A_24 = vector.load %arg14[%get3A_22, %get3A_23] : memref<1x7xf32, #tpu.memory_space<vmem>>, vector<1x7xf32>
    %get3A_25 = arith.constant 0 : index
    %get3A_26 = arith.constant 0 : index
    %get3A_27 = vector.load %arg15[%get3A_25, %get3A_26] : memref<1x7xf32, #tpu.memory_space<vmem>>, vector<1x7xf32>
    %reduce_sum3A = arith.constant dense<0.000000e+00> : vector<7xf32>
    %reduce_sum3A_28 = vector.multi_reduction <add>, %add3A_21, %reduce_sum3A [0] : vector<10000x7xf32> to vector<7xf32>
    %broadcast_in_dim3A = vector.shape_cast %reduce_sum3A_28 : vector<7xf32> to vector<1x7xf32>
    %div3A = arith.constant 1.000000e+04 : f32
    %div3A_29 = vector.broadcast %div3A : f32 to vector<1x7xf32>
    %div3A_30 = arith.divf %broadcast_in_dim3A, %div3A_29 : vector<1x7xf32>
    %jit3A = arith.constant 0 : i32
    %reduce_sum3A_31 = arith.constant dense<0.000000e+00> : vector<7xf32>
    %reduce_sum3A_32 = vector.multi_reduction <add>, %add3A_21, %reduce_sum3A_31 [0] : vector<10000x7xf32> to vector<7xf32>
    %broadcast_in_dim3A_33 = vector.shape_cast %reduce_sum3A_32 : vector<7xf32> to vector<1x7xf32>
    %div3A_34 = arith.constant 1.000000e+04 : f32
    %div3A_35 = vector.broadcast %div3A_34 : f32 to vector<1x7xf32>
    %div3A_36 = arith.divf %broadcast_in_dim3A_33, %div3A_35 : vector<1x7xf32>
    %sub3A = vector.broadcast %div3A_36 : vector<1x7xf32> to vector<10000x7xf32>
    %sub3A_37 = arith.subf %add3A_21, %sub3A : vector<10000x7xf32>
    %square3A = arith.mulf %sub3A_37, %sub3A_37 : vector<10000x7xf32>
    %convert_element_type3A = arith.sitofp %jit3A : i32 to f32
    %sub3A_38 = arith.constant 1.000000e+04 : f32
    %sub3A_39 = arith.subf %sub3A_38, %convert_element_type3A : f32
    %reduce_sum3A_40 = arith.constant dense<0.000000e+00> : vector<7xf32>
    %reduce_sum3A_41 = vector.multi_reduction <add>, %square3A, %reduce_sum3A_40 [0] : vector<10000x7xf32> to vector<7xf32>
    %broadcast_in_dim3A_42 = vector.shape_cast %reduce_sum3A_41 : vector<7xf32> to vector<1x7xf32>
    %div3A_43 = vector.broadcast %sub3A_39 : f32 to vector<1x7xf32>
    %div3A_44 = arith.divf %broadcast_in_dim3A_42, %div3A_43 : vector<1x7xf32>
    %gt3A = arith.constant 0.000000e+00 : f32
    %gt3A_45 = arith.cmpf ogt, %sub3A_39, %gt3A : f32
    %jit3A_46 = arith.constant 0x7FC00000 : f32
    %broadcast_in_dim3A_47 = vector.broadcast %jit3A_46 : f32 to vector<1x7xf32>
    %select_n3A = arith.select %gt3A_45, %div3A_44, %broadcast_in_dim3A_47 : vector<1x7xf32>
    %sub3A_48 = vector.broadcast %div3A_30 : vector<1x7xf32> to vector<10000x7xf32>
    %sub3A_49 = arith.subf %add3A_21, %sub3A_48 : vector<10000x7xf32>
    %mul3A_50 = vector.broadcast %get3A_24 : vector<1x7xf32> to vector<10000x7xf32>
    %mul3A_51 = arith.mulf %mul3A_50, %sub3A_49 : vector<10000x7xf32>
    %add3A_52 = arith.constant 9.99999974E-6 : f32
    %add3A_53 = vector.broadcast %add3A_52 : f32 to vector<1x7xf32>
    %add3A_54 = arith.addf %select_n3A, %add3A_53 : vector<1x7xf32>
    %sqrt3A = math.sqrt %add3A_54 : vector<1x7xf32>
    %div3A_55 = vector.broadcast %sqrt3A : vector<1x7xf32> to vector<10000x7xf32>
    %div3A_56 = arith.divf %mul3A_51, %div3A_55 : vector<10000x7xf32>
    %add3A_57 = vector.broadcast %get3A_27 : vector<1x7xf32> to vector<10000x7xf32>
    %add3A_58 = arith.addf %div3A_56, %add3A_57 : vector<10000x7xf32>
    %get3A_59 = arith.constant 0 : index
    %get3A_60 = arith.constant 0 : index
    %get3A_61 = vector.load %arg4[%get3A_59, %get3A_60] : memref<7x64xf32, #tpu.memory_space<vmem>>, vector<7x64xf32>
    %get3A_62 = arith.constant 0 : index
    %get3A_63 = arith.constant 0 : index
    %get3A_64 = vector.load %arg5[%get3A_62, %get3A_63] : memref<1x64xf32, #tpu.memory_space<vmem>>, vector<1x64xf32>
    %get3A_65 = arith.constant 0 : index
    %get3A_66 = arith.constant 0 : index
    %get3A_67 = vector.load %arg6[%get3A_65, %get3A_66] : memref<1x64xf32, #tpu.memory_space<vmem>>, vector<1x64xf32>
    %get3A_68 = arith.constant 0 : index
    %get3A_69 = arith.constant 0 : index
    %get3A_70 = vector.load %arg7[%get3A_68, %get3A_69] : memref<1x64xf32, #tpu.memory_space<vmem>>, vector<1x64xf32>
    %get3A_71 = arith.constant 0 : index
    %get3A_72 = arith.constant 0 : index
    %get3A_73 = vector.load %arg8[%get3A_71, %get3A_72] : memref<64x64xf32, #tpu.memory_space<vmem>>, vector<64x64xf32>
    %get3A_74 = arith.constant 0 : index
    %get3A_75 = arith.constant 0 : index
    %get3A_76 = vector.load %arg9[%get3A_74, %get3A_75] : memref<1x64xf32, #tpu.memory_space<vmem>>, vector<1x64xf32>
    %get3A_77 = arith.constant 0 : index
    %get3A_78 = arith.constant 0 : index
    %get3A_79 = vector.load %arg10[%get3A_77, %get3A_78] : memref<1x64xf32, #tpu.memory_space<vmem>>, vector<1x64xf32>
    %get3A_80 = arith.constant 0 : index
    %get3A_81 = arith.constant 0 : index
    %get3A_82 = vector.load %arg11[%get3A_80, %get3A_81] : memref<1x64xf32, #tpu.memory_space<vmem>>, vector<1x64xf32>
    %get3A_83 = arith.constant 0 : index
    %get3A_84 = arith.constant 0 : index
    %get3A_85 = vector.load %arg12[%get3A_83, %get3A_84] : memref<64x16xf32, #tpu.memory_space<vmem>>, vector<64x16xf32>
    %get3A_86 = arith.constant 0 : index
    %get3A_87 = arith.constant 0 : index
    %get3A_88 = vector.load %arg13[%get3A_86, %get3A_87] : memref<1x16xf32, #tpu.memory_space<vmem>>, vector<1x16xf32>
    %dot_general3A = arith.constant dense<0.000000e+00> : vector<10000x64xf32>
    %dot_general3A_89 = tpu.matmul %add3A_58, %get3A_61, %dot_general3A {dimension_numbers = #tpu.dot_dimension_numbers<[1], [0], [0], [1], [0, 0, 1, 1], [], []>, transpose_lhs_hint = false} : vector<10000x7xf32>, vector<7x64xf32>, vector<10000x64xf32> -> vector<10000x64xf32>
    %add3A_90 = vector.broadcast %get3A_64 : vector<1x64xf32> to vector<10000x64xf32>
    %add3A_91 = arith.addf %dot_general3A_89, %add3A_90 : vector<10000x64xf32>
    %reduce_sum3A_92 = arith.constant dense<0.000000e+00> : vector<64xf32>
    %reduce_sum3A_93 = vector.multi_reduction <add>, %add3A_91, %reduce_sum3A_92 [0] : vector<10000x64xf32> to vector<64xf32>
    %broadcast_in_dim3A_94 = vector.shape_cast %reduce_sum3A_93 : vector<64xf32> to vector<1x64xf32>
    %div3A_95 = arith.constant 1.000000e+04 : f32
    %div3A_96 = vector.broadcast %div3A_95 : f32 to vector<1x64xf32>
    %div3A_97 = arith.divf %broadcast_in_dim3A_94, %div3A_96 : vector<1x64xf32>
    %jit3A_98 = arith.constant 0 : i32
    %reduce_sum3A_99 = arith.constant dense<0.000000e+00> : vector<64xf32>
    %reduce_sum3A_100 = vector.multi_reduction <add>, %add3A_91, %reduce_sum3A_99 [0] : vector<10000x64xf32> to vector<64xf32>
    %broadcast_in_dim3A_101 = vector.shape_cast %reduce_sum3A_100 : vector<64xf32> to vector<1x64xf32>
    %div3A_102 = arith.constant 1.000000e+04 : f32
    %div3A_103 = vector.broadcast %div3A_102 : f32 to vector<1x64xf32>
    %div3A_104 = arith.divf %broadcast_in_dim3A_101, %div3A_103 : vector<1x64xf32>
    %sub3A_105 = vector.broadcast %div3A_104 : vector<1x64xf32> to vector<10000x64xf32>
    %sub3A_106 = arith.subf %add3A_91, %sub3A_105 : vector<10000x64xf32>
    %square3A_107 = arith.mulf %sub3A_106, %sub3A_106 : vector<10000x64xf32>
    %convert_element_type3A_108 = arith.sitofp %jit3A_98 : i32 to f32
    %sub3A_109 = arith.constant 1.000000e+04 : f32
    %sub3A_110 = arith.subf %sub3A_109, %convert_element_type3A_108 : f32
    %reduce_sum3A_111 = arith.constant dense<0.000000e+00> : vector<64xf32>
    %reduce_sum3A_112 = vector.multi_reduction <add>, %square3A_107, %reduce_sum3A_111 [0] : vector<10000x64xf32> to vector<64xf32>
    %broadcast_in_dim3A_113 = vector.shape_cast %reduce_sum3A_112 : vector<64xf32> to vector<1x64xf32>
    %div3A_114 = vector.broadcast %sub3A_110 : f32 to vector<1x64xf32>
    %div3A_115 = arith.divf %broadcast_in_dim3A_113, %div3A_114 : vector<1x64xf32>
    %gt3A_116 = arith.constant 0.000000e+00 : f32
    %gt3A_117 = arith.cmpf ogt, %sub3A_110, %gt3A_116 : f32
    %jit3A_118 = arith.constant 0x7FC00000 : f32
    %broadcast_in_dim3A_119 = vector.broadcast %jit3A_118 : f32 to vector<1x64xf32>
    %select_n3A_120 = arith.select %gt3A_117, %div3A_115, %broadcast_in_dim3A_119 : vector<1x64xf32>
    %sub3A_121 = vector.broadcast %div3A_97 : vector<1x64xf32> to vector<10000x64xf32>
    %sub3A_122 = arith.subf %add3A_91, %sub3A_121 : vector<10000x64xf32>
    %mul3A_123 = vector.broadcast %get3A_67 : vector<1x64xf32> to vector<10000x64xf32>
    %mul3A_124 = arith.mulf %mul3A_123, %sub3A_122 : vector<10000x64xf32>
    %add3A_125 = arith.constant 9.99999974E-6 : f32
    %add3A_126 = vector.broadcast %add3A_125 : f32 to vector<1x64xf32>
    %add3A_127 = arith.addf %select_n3A_120, %add3A_126 : vector<1x64xf32>
    %sqrt3A_128 = math.sqrt %add3A_127 : vector<1x64xf32>
    %div3A_129 = vector.broadcast %sqrt3A_128 : vector<1x64xf32> to vector<10000x64xf32>
    %div3A_130 = arith.divf %mul3A_124, %div3A_129 : vector<10000x64xf32>
    %add3A_131 = vector.broadcast %get3A_70 : vector<1x64xf32> to vector<10000x64xf32>
    %add3A_132 = arith.addf %div3A_130, %add3A_131 : vector<10000x64xf32>
    %max3A = arith.constant 0.000000e+00 : f32
    %max3A_133 = vector.broadcast %max3A : f32 to vector<10000x64xf32>
    %max3A_134 = arith.maximumf %add3A_132, %max3A_133 : vector<10000x64xf32>
    %dot_general3A_135 = arith.constant dense<0.000000e+00> : vector<10000x64xf32>
    %dot_general3A_136 = tpu.matmul %max3A_134, %get3A_73, %dot_general3A_135 {dimension_numbers = #tpu.dot_dimension_numbers<[1], [0], [0], [1], [0, 0, 1, 1], [], []>, transpose_lhs_hint = false} : vector<10000x64xf32>, vector<64x64xf32>, vector<10000x64xf32> -> vector<10000x64xf32>
    %add3A_137 = vector.broadcast %get3A_76 : vector<1x64xf32> to vector<10000x64xf32>
    %add3A_138 = arith.addf %dot_general3A_136, %add3A_137 : vector<10000x64xf32>
    %reduce_sum3A_139 = arith.constant dense<0.000000e+00> : vector<64xf32>
    %reduce_sum3A_140 = vector.multi_reduction <add>, %add3A_138, %reduce_sum3A_139 [0] : vector<10000x64xf32> to vector<64xf32>
    %broadcast_in_dim3A_141 = vector.shape_cast %reduce_sum3A_140 : vector<64xf32> to vector<1x64xf32>
    %div3A_142 = arith.constant 1.000000e+04 : f32
    %div3A_143 = vector.broadcast %div3A_142 : f32 to vector<1x64xf32>
    %div3A_144 = arith.divf %broadcast_in_dim3A_141, %div3A_143 : vector<1x64xf32>
    %jit3A_145 = arith.constant 0 : i32
    %reduce_sum3A_146 = arith.constant dense<0.000000e+00> : vector<64xf32>
    %reduce_sum3A_147 = vector.multi_reduction <add>, %add3A_138, %reduce_sum3A_146 [0] : vector<10000x64xf32> to vector<64xf32>
    %broadcast_in_dim3A_148 = vector.shape_cast %reduce_sum3A_147 : vector<64xf32> to vector<1x64xf32>
    %div3A_149 = arith.constant 1.000000e+04 : f32
    %div3A_150 = vector.broadcast %div3A_149 : f32 to vector<1x64xf32>
    %div3A_151 = arith.divf %broadcast_in_dim3A_148, %div3A_150 : vector<1x64xf32>
    %sub3A_152 = vector.broadcast %div3A_151 : vector<1x64xf32> to vector<10000x64xf32>
    %sub3A_153 = arith.subf %add3A_138, %sub3A_152 : vector<10000x64xf32>
    %square3A_154 = arith.mulf %sub3A_153, %sub3A_153 : vector<10000x64xf32>
    %convert_element_type3A_155 = arith.sitofp %jit3A_145 : i32 to f32
    %sub3A_156 = arith.constant 1.000000e+04 : f32
    %sub3A_157 = arith.subf %sub3A_156, %convert_element_type3A_155 : f32
    %reduce_sum3A_158 = arith.constant dense<0.000000e+00> : vector<64xf32>
    %reduce_sum3A_159 = vector.multi_reduction <add>, %square3A_154, %reduce_sum3A_158 [0] : vector<10000x64xf32> to vector<64xf32>
    %broadcast_in_dim3A_160 = vector.shape_cast %reduce_sum3A_159 : vector<64xf32> to vector<1x64xf32>
    %div3A_161 = vector.broadcast %sub3A_157 : f32 to vector<1x64xf32>
    %div3A_162 = arith.divf %broadcast_in_dim3A_160, %div3A_161 : vector<1x64xf32>
    %gt3A_163 = arith.constant 0.000000e+00 : f32
    %gt3A_164 = arith.cmpf ogt, %sub3A_157, %gt3A_163 : f32
    %jit3A_165 = arith.constant 0x7FC00000 : f32
    %broadcast_in_dim3A_166 = vector.broadcast %jit3A_165 : f32 to vector<1x64xf32>
    %select_n3A_167 = arith.select %gt3A_164, %div3A_162, %broadcast_in_dim3A_166 : vector<1x64xf32>
    %sub3A_168 = vector.broadcast %div3A_144 : vector<1x64xf32> to vector<10000x64xf32>
    %sub3A_169 = arith.subf %add3A_138, %sub3A_168 : vector<10000x64xf32>
    %mul3A_170 = vector.broadcast %get3A_79 : vector<1x64xf32> to vector<10000x64xf32>
    %mul3A_171 = arith.mulf %mul3A_170, %sub3A_169 : vector<10000x64xf32>
    %add3A_172 = arith.constant 9.99999974E-6 : f32
    %add3A_173 = vector.broadcast %add3A_172 : f32 to vector<1x64xf32>
    %add3A_174 = arith.addf %select_n3A_167, %add3A_173 : vector<1x64xf32>
    %sqrt3A_175 = math.sqrt %add3A_174 : vector<1x64xf32>
    %div3A_176 = vector.broadcast %sqrt3A_175 : vector<1x64xf32> to vector<10000x64xf32>
    %div3A_177 = arith.divf %mul3A_171, %div3A_176 : vector<10000x64xf32>
    %add3A_178 = vector.broadcast %get3A_82 : vector<1x64xf32> to vector<10000x64xf32>
    %add3A_179 = arith.addf %div3A_177, %add3A_178 : vector<10000x64xf32>
    %max3A_180 = arith.constant 0.000000e+00 : f32
    %max3A_181 = vector.broadcast %max3A_180 : f32 to vector<10000x64xf32>
    %max3A_182 = arith.maximumf %add3A_179, %max3A_181 : vector<10000x64xf32>
    %dot_general3A_183 = arith.constant dense<0.000000e+00> : vector<10000x16xf32>
    %dot_general3A_184 = tpu.matmul %max3A_182, %get3A_85, %dot_general3A_183 {dimension_numbers = #tpu.dot_dimension_numbers<[1], [0], [0], [1], [0, 0, 1, 1], [], []>, transpose_lhs_hint = false} : vector<10000x64xf32>, vector<64x16xf32>, vector<10000x16xf32> -> vector<10000x16xf32>
    %add3A_185 = vector.broadcast %get3A_88 : vector<1x16xf32> to vector<10000x16xf32>
    %add3A_186 = arith.addf %dot_general3A_184, %add3A_185 : vector<10000x16xf32>
    %max3A_187 = arith.constant 0.000000e+00 : f32
    %max3A_188 = vector.broadcast %max3A_187 : f32 to vector<10000x16xf32>
    %max3A_189 = arith.maximumf %add3A_186, %max3A_188 : vector<10000x16xf32>
    %get3A_190 = arith.constant 0 : index
    %get3A_191 = arith.constant 0 : index
    %get3A_192 = vector.load %arg16[%get3A_190, %get3A_191] : memref<1x16xf32, #tpu.memory_space<vmem>>, vector<1x16xf32>
    %get3A_193 = arith.constant 0 : index
    %get3A_194 = arith.constant 0 : index
    %get3A_195 = vector.load %arg17[%get3A_193, %get3A_194] : memref<1x16xf32, #tpu.memory_space<vmem>>, vector<1x16xf32>
    %reduce_sum3A_196 = arith.constant dense<0.000000e+00> : vector<16xf32>
    %reduce_sum3A_197 = vector.multi_reduction <add>, %max3A_189, %reduce_sum3A_196 [0] : vector<10000x16xf32> to vector<16xf32>
    %broadcast_in_dim3A_198 = vector.shape_cast %reduce_sum3A_197 : vector<16xf32> to vector<1x16xf32>
    %div3A_199 = arith.constant 1.000000e+04 : f32
    %div3A_200 = vector.broadcast %div3A_199 : f32 to vector<1x16xf32>
    %div3A_201 = arith.divf %broadcast_in_dim3A_198, %div3A_200 : vector<1x16xf32>
    %jit3A_202 = arith.constant 0 : i32
    %reduce_sum3A_203 = arith.constant dense<0.000000e+00> : vector<16xf32>
    %reduce_sum3A_204 = vector.multi_reduction <add>, %max3A_189, %reduce_sum3A_203 [0] : vector<10000x16xf32> to vector<16xf32>
    %broadcast_in_dim3A_205 = vector.shape_cast %reduce_sum3A_204 : vector<16xf32> to vector<1x16xf32>
    %div3A_206 = arith.constant 1.000000e+04 : f32
    %div3A_207 = vector.broadcast %div3A_206 : f32 to vector<1x16xf32>
    %div3A_208 = arith.divf %broadcast_in_dim3A_205, %div3A_207 : vector<1x16xf32>
    %sub3A_209 = vector.broadcast %div3A_208 : vector<1x16xf32> to vector<10000x16xf32>
    %sub3A_210 = arith.subf %max3A_189, %sub3A_209 : vector<10000x16xf32>
    %square3A_211 = arith.mulf %sub3A_210, %sub3A_210 : vector<10000x16xf32>
    %convert_element_type3A_212 = arith.sitofp %jit3A_202 : i32 to f32
    %sub3A_213 = arith.constant 1.000000e+04 : f32
    %sub3A_214 = arith.subf %sub3A_213, %convert_element_type3A_212 : f32
    %reduce_sum3A_215 = arith.constant dense<0.000000e+00> : vector<16xf32>
    %reduce_sum3A_216 = vector.multi_reduction <add>, %square3A_211, %reduce_sum3A_215 [0] : vector<10000x16xf32> to vector<16xf32>
    %broadcast_in_dim3A_217 = vector.shape_cast %reduce_sum3A_216 : vector<16xf32> to vector<1x16xf32>
    %div3A_218 = vector.broadcast %sub3A_214 : f32 to vector<1x16xf32>
    %div3A_219 = arith.divf %broadcast_in_dim3A_217, %div3A_218 : vector<1x16xf32>
    %gt3A_220 = arith.constant 0.000000e+00 : f32
    %gt3A_221 = arith.cmpf ogt, %sub3A_214, %gt3A_220 : f32
    %jit3A_222 = arith.constant 0x7FC00000 : f32
    %broadcast_in_dim3A_223 = vector.broadcast %jit3A_222 : f32 to vector<1x16xf32>
    %select_n3A_224 = arith.select %gt3A_221, %div3A_219, %broadcast_in_dim3A_223 : vector<1x16xf32>
    %sub3A_225 = vector.broadcast %div3A_201 : vector<1x16xf32> to vector<10000x16xf32>
    %sub3A_226 = arith.subf %max3A_189, %sub3A_225 : vector<10000x16xf32>
    %mul3A_227 = vector.broadcast %get3A_192 : vector<1x16xf32> to vector<10000x16xf32>
    %mul3A_228 = arith.mulf %mul3A_227, %sub3A_226 : vector<10000x16xf32>
    %add3A_229 = arith.constant 9.99999974E-6 : f32
    %add3A_230 = vector.broadcast %add3A_229 : f32 to vector<1x16xf32>
    %add3A_231 = arith.addf %select_n3A_224, %add3A_230 : vector<1x16xf32>
    %sqrt3A_232 = math.sqrt %add3A_231 : vector<1x16xf32>
    %div3A_233 = vector.broadcast %sqrt3A_232 : vector<1x16xf32> to vector<10000x16xf32>
    %div3A_234 = arith.divf %mul3A_228, %div3A_233 : vector<10000x16xf32>
    %add3A_235 = vector.broadcast %get3A_195 : vector<1x16xf32> to vector<10000x16xf32>
    %add3A_236 = arith.addf %div3A_234, %add3A_235 : vector<10000x16xf32>
    %get3A_237 = arith.constant 0 : index
    %get3A_238 = arith.constant 0 : index
    %get3A_239 = vector.load %arg18[%get3A_237, %get3A_238] : memref<16x16xf32, #tpu.memory_space<vmem>>, vector<16x16xf32>
    %dot_general3A_240 = arith.constant dense<0.000000e+00> : vector<10000x16xf32>
    %dot_general3A_241 = tpu.matmul %add3A_236, %get3A_239, %dot_general3A_240 {dimension_numbers = #tpu.dot_dimension_numbers<[1], [0], [0], [1], [0, 0, 1, 1], [], []>, transpose_lhs_hint = false} : vector<10000x16xf32>, vector<16x16xf32>, vector<10000x16xf32> -> vector<10000x16xf32>
    %mul3A_242 = vector.broadcast %get3A_1 : vector<10000x1xf32> to vector<10000x16xf32>
    %mul3A_243 = arith.mulf %mul3A_242, %dot_general3A_241 : vector<10000x16xf32>
    %swap3A = arith.constant 0 : index
    %swap3A_244 = arith.constant 0 : index
    %swap3A_245 = vector.load %arg19[%swap3A, %swap3A_244] : memref<10000x16xf32, #tpu.memory_space<vmem>>, vector<10000x16xf32>
    tpu.vector_store %arg19[%swap3A, %swap3A_244], %mul3A_243 {strides = array<i32>} : memref<10000x16xf32, #tpu.memory_space<vmem>>, vector<10000x16xf32>,
    return
  }
}

module attributes {stable_mosaic.version = 14 : i64} {
  func.func @_final_body(%arg0: memref<2x10240x16xf32, #tpu.memory_space<vmem>>, %arg1: memref<10000x16xf32, #tpu.memory_space<vmem>>, %arg2: memref<10000x1xf32, #tpu.memory_space<vmem>>, %arg3: memref<1x16xf32, #tpu.memory_space<vmem>>, %arg4: memref<16x64xf32, #tpu.memory_space<vmem>>, %arg5: memref<1x64xf32, #tpu.memory_space<vmem>>, %arg6: memref<1x64xf32, #tpu.memory_space<vmem>>, %arg7: memref<1x64xf32, #tpu.memory_space<vmem>>, %arg8: memref<64x64xf32, #tpu.memory_space<vmem>>, %arg9: memref<1x64xf32, #tpu.memory_space<vmem>>, %arg10: memref<1x64xf32, #tpu.memory_space<vmem>>, %arg11: memref<1x64xf32, #tpu.memory_space<vmem>>, %arg12: memref<64x32xf32, #tpu.memory_space<vmem>>, %arg13: memref<1x32xf32, #tpu.memory_space<vmem>>, %arg14: memref<1x16xf32, #tpu.memory_space<vmem>>, %arg15: memref<1x16xf32, #tpu.memory_space<vmem>>, %arg16: memref<1x32xf32, #tpu.memory_space<vmem>>, %arg17: memref<1x32xf32, #tpu.memory_space<vmem>>, %arg18: memref<32x1xf32, #tpu.memory_space<vmem>>, %arg19: memref<1x1xf32, #tpu.memory_space<vmem>>, %arg20: memref<10000x1xf32, #tpu.memory_space<vmem>>) attributes {dimension_semantics = [], scalar_prefetch = 0 : i64, scratch_operands = 0 : i64, tpu.core_type = #tpu.core_type<tc>} {
    %get3A = arith.constant 0 : index
    %get3A_0 = arith.constant 0 : index
    %get3A_1 = vector.load %arg2[%get3A, %get3A_0] : memref<10000x1xf32, #tpu.memory_space<vmem>>, vector<10000x1xf32>
    %get3A_2 = arith.constant 0 : index
    %get3A_3 = arith.constant 0 : index
    %get3A_4 = arith.constant 0 : index
    %get3A_5 = vector.load %arg0[%get3A_2, %get3A_3, %get3A_4] : memref<2x10240x16xf32, #tpu.memory_space<vmem>>, vector<1x10000x16xf32>
    %get3A_6 = vector.shape_cast %get3A_5 : vector<1x10000x16xf32> to vector<10000x16xf32>
    %get3A_7 = arith.constant 1 : index
    %get3A_8 = arith.constant 0 : index
    %get3A_9 = arith.constant 0 : index
    %get3A_10 = vector.load %arg0[%get3A_7, %get3A_8, %get3A_9] : memref<2x10240x16xf32, #tpu.memory_space<vmem>>, vector<1x10000x16xf32>
    %get3A_11 = vector.shape_cast %get3A_10 : vector<1x10000x16xf32> to vector<10000x16xf32>
    %add3A = arith.addf %get3A_6, %get3A_11 : vector<10000x16xf32>
    %get3A_12 = arith.constant 0 : index
    %get3A_13 = arith.constant 0 : index
    %get3A_14 = vector.load %arg1[%get3A_12, %get3A_13] : memref<10000x16xf32, #tpu.memory_space<vmem>>, vector<10000x16xf32>
    %add3A_15 = arith.addf %add3A, %get3A_14 : vector<10000x16xf32>
    %mul3A = vector.broadcast %get3A_1 : vector<10000x1xf32> to vector<10000x16xf32>
    %mul3A_16 = arith.mulf %mul3A, %add3A_15 : vector<10000x16xf32>
    %get3A_17 = arith.constant 0 : index
    %get3A_18 = arith.constant 0 : index
    %get3A_19 = vector.load %arg3[%get3A_17, %get3A_18] : memref<1x16xf32, #tpu.memory_space<vmem>>, vector<1x16xf32>
    %add3A_20 = vector.broadcast %get3A_19 : vector<1x16xf32> to vector<10000x16xf32>
    %add3A_21 = arith.addf %mul3A_16, %add3A_20 : vector<10000x16xf32>
    %get3A_22 = arith.constant 0 : index
    %get3A_23 = arith.constant 0 : index
    %get3A_24 = vector.load %arg14[%get3A_22, %get3A_23] : memref<1x16xf32, #tpu.memory_space<vmem>>, vector<1x16xf32>
    %get3A_25 = arith.constant 0 : index
    %get3A_26 = arith.constant 0 : index
    %get3A_27 = vector.load %arg15[%get3A_25, %get3A_26] : memref<1x16xf32, #tpu.memory_space<vmem>>, vector<1x16xf32>
    %reduce_sum3A = arith.constant dense<0.000000e+00> : vector<16xf32>
    %reduce_sum3A_28 = vector.multi_reduction <add>, %add3A_21, %reduce_sum3A [0] : vector<10000x16xf32> to vector<16xf32>
    %broadcast_in_dim3A = vector.shape_cast %reduce_sum3A_28 : vector<16xf32> to vector<1x16xf32>
    %div3A = arith.constant 1.000000e+04 : f32
    %div3A_29 = vector.broadcast %div3A : f32 to vector<1x16xf32>
    %div3A_30 = arith.divf %broadcast_in_dim3A, %div3A_29 : vector<1x16xf32>
    %jit3A = arith.constant 0 : i32
    %reduce_sum3A_31 = arith.constant dense<0.000000e+00> : vector<16xf32>
    %reduce_sum3A_32 = vector.multi_reduction <add>, %add3A_21, %reduce_sum3A_31 [0] : vector<10000x16xf32> to vector<16xf32>
    %broadcast_in_dim3A_33 = vector.shape_cast %reduce_sum3A_32 : vector<16xf32> to vector<1x16xf32>
    %div3A_34 = arith.constant 1.000000e+04 : f32
    %div3A_35 = vector.broadcast %div3A_34 : f32 to vector<1x16xf32>
    %div3A_36 = arith.divf %broadcast_in_dim3A_33, %div3A_35 : vector<1x16xf32>
    %sub3A = vector.broadcast %div3A_36 : vector<1x16xf32> to vector<10000x16xf32>
    %sub3A_37 = arith.subf %add3A_21, %sub3A : vector<10000x16xf32>
    %square3A = arith.mulf %sub3A_37, %sub3A_37 : vector<10000x16xf32>
    %convert_element_type3A = arith.sitofp %jit3A : i32 to f32
    %sub3A_38 = arith.constant 1.000000e+04 : f32
    %sub3A_39 = arith.subf %sub3A_38, %convert_element_type3A : f32
    %reduce_sum3A_40 = arith.constant dense<0.000000e+00> : vector<16xf32>
    %reduce_sum3A_41 = vector.multi_reduction <add>, %square3A, %reduce_sum3A_40 [0] : vector<10000x16xf32> to vector<16xf32>
    %broadcast_in_dim3A_42 = vector.shape_cast %reduce_sum3A_41 : vector<16xf32> to vector<1x16xf32>
    %div3A_43 = vector.broadcast %sub3A_39 : f32 to vector<1x16xf32>
    %div3A_44 = arith.divf %broadcast_in_dim3A_42, %div3A_43 : vector<1x16xf32>
    %gt3A = arith.constant 0.000000e+00 : f32
    %gt3A_45 = arith.cmpf ogt, %sub3A_39, %gt3A : f32
    %jit3A_46 = arith.constant 0x7FC00000 : f32
    %broadcast_in_dim3A_47 = vector.broadcast %jit3A_46 : f32 to vector<1x16xf32>
    %select_n3A = arith.select %gt3A_45, %div3A_44, %broadcast_in_dim3A_47 : vector<1x16xf32>
    %sub3A_48 = vector.broadcast %div3A_30 : vector<1x16xf32> to vector<10000x16xf32>
    %sub3A_49 = arith.subf %add3A_21, %sub3A_48 : vector<10000x16xf32>
    %mul3A_50 = vector.broadcast %get3A_24 : vector<1x16xf32> to vector<10000x16xf32>
    %mul3A_51 = arith.mulf %mul3A_50, %sub3A_49 : vector<10000x16xf32>
    %add3A_52 = arith.constant 9.99999974E-6 : f32
    %add3A_53 = vector.broadcast %add3A_52 : f32 to vector<1x16xf32>
    %add3A_54 = arith.addf %select_n3A, %add3A_53 : vector<1x16xf32>
    %sqrt3A = math.sqrt %add3A_54 : vector<1x16xf32>
    %div3A_55 = vector.broadcast %sqrt3A : vector<1x16xf32> to vector<10000x16xf32>
    %div3A_56 = arith.divf %mul3A_51, %div3A_55 : vector<10000x16xf32>
    %add3A_57 = vector.broadcast %get3A_27 : vector<1x16xf32> to vector<10000x16xf32>
    %add3A_58 = arith.addf %div3A_56, %add3A_57 : vector<10000x16xf32>
    %get3A_59 = arith.constant 0 : index
    %get3A_60 = arith.constant 0 : index
    %get3A_61 = vector.load %arg4[%get3A_59, %get3A_60] : memref<16x64xf32, #tpu.memory_space<vmem>>, vector<16x64xf32>
    %get3A_62 = arith.constant 0 : index
    %get3A_63 = arith.constant 0 : index
    %get3A_64 = vector.load %arg5[%get3A_62, %get3A_63] : memref<1x64xf32, #tpu.memory_space<vmem>>, vector<1x64xf32>
    %get3A_65 = arith.constant 0 : index
    %get3A_66 = arith.constant 0 : index
    %get3A_67 = vector.load %arg6[%get3A_65, %get3A_66] : memref<1x64xf32, #tpu.memory_space<vmem>>, vector<1x64xf32>
    %get3A_68 = arith.constant 0 : index
    %get3A_69 = arith.constant 0 : index
    %get3A_70 = vector.load %arg7[%get3A_68, %get3A_69] : memref<1x64xf32, #tpu.memory_space<vmem>>, vector<1x64xf32>
    %get3A_71 = arith.constant 0 : index
    %get3A_72 = arith.constant 0 : index
    %get3A_73 = vector.load %arg8[%get3A_71, %get3A_72] : memref<64x64xf32, #tpu.memory_space<vmem>>, vector<64x64xf32>
    %get3A_74 = arith.constant 0 : index
    %get3A_75 = arith.constant 0 : index
    %get3A_76 = vector.load %arg9[%get3A_74, %get3A_75] : memref<1x64xf32, #tpu.memory_space<vmem>>, vector<1x64xf32>
    %get3A_77 = arith.constant 0 : index
    %get3A_78 = arith.constant 0 : index
    %get3A_79 = vector.load %arg10[%get3A_77, %get3A_78] : memref<1x64xf32, #tpu.memory_space<vmem>>, vector<1x64xf32>
    %get3A_80 = arith.constant 0 : index
    %get3A_81 = arith.constant 0 : index
    %get3A_82 = vector.load %arg11[%get3A_80, %get3A_81] : memref<1x64xf32, #tpu.memory_space<vmem>>, vector<1x64xf32>
    %get3A_83 = arith.constant 0 : index
    %get3A_84 = arith.constant 0 : index
    %get3A_85 = vector.load %arg12[%get3A_83, %get3A_84] : memref<64x32xf32, #tpu.memory_space<vmem>>, vector<64x32xf32>
    %get3A_86 = arith.constant 0 : index
    %get3A_87 = arith.constant 0 : index
    %get3A_88 = vector.load %arg13[%get3A_86, %get3A_87] : memref<1x32xf32, #tpu.memory_space<vmem>>, vector<1x32xf32>
    %dot_general3A = arith.constant dense<0.000000e+00> : vector<10000x64xf32>
    %dot_general3A_89 = tpu.matmul %add3A_58, %get3A_61, %dot_general3A {dimension_numbers = #tpu.dot_dimension_numbers<[1], [0], [0], [1], [0, 0, 1, 1], [], []>, transpose_lhs_hint = false} : vector<10000x16xf32>, vector<16x64xf32>, vector<10000x64xf32> -> vector<10000x64xf32>
    %add3A_90 = vector.broadcast %get3A_64 : vector<1x64xf32> to vector<10000x64xf32>
    %add3A_91 = arith.addf %dot_general3A_89, %add3A_90 : vector<10000x64xf32>
    %reduce_sum3A_92 = arith.constant dense<0.000000e+00> : vector<64xf32>
    %reduce_sum3A_93 = vector.multi_reduction <add>, %add3A_91, %reduce_sum3A_92 [0] : vector<10000x64xf32> to vector<64xf32>
    %broadcast_in_dim3A_94 = vector.shape_cast %reduce_sum3A_93 : vector<64xf32> to vector<1x64xf32>
    %div3A_95 = arith.constant 1.000000e+04 : f32
    %div3A_96 = vector.broadcast %div3A_95 : f32 to vector<1x64xf32>
    %div3A_97 = arith.divf %broadcast_in_dim3A_94, %div3A_96 : vector<1x64xf32>
    %jit3A_98 = arith.constant 0 : i32
    %reduce_sum3A_99 = arith.constant dense<0.000000e+00> : vector<64xf32>
    %reduce_sum3A_100 = vector.multi_reduction <add>, %add3A_91, %reduce_sum3A_99 [0] : vector<10000x64xf32> to vector<64xf32>
    %broadcast_in_dim3A_101 = vector.shape_cast %reduce_sum3A_100 : vector<64xf32> to vector<1x64xf32>
    %div3A_102 = arith.constant 1.000000e+04 : f32
    %div3A_103 = vector.broadcast %div3A_102 : f32 to vector<1x64xf32>
    %div3A_104 = arith.divf %broadcast_in_dim3A_101, %div3A_103 : vector<1x64xf32>
    %sub3A_105 = vector.broadcast %div3A_104 : vector<1x64xf32> to vector<10000x64xf32>
    %sub3A_106 = arith.subf %add3A_91, %sub3A_105 : vector<10000x64xf32>
    %square3A_107 = arith.mulf %sub3A_106, %sub3A_106 : vector<10000x64xf32>
    %convert_element_type3A_108 = arith.sitofp %jit3A_98 : i32 to f32
    %sub3A_109 = arith.constant 1.000000e+04 : f32
    %sub3A_110 = arith.subf %sub3A_109, %convert_element_type3A_108 : f32
    %reduce_sum3A_111 = arith.constant dense<0.000000e+00> : vector<64xf32>
    %reduce_sum3A_112 = vector.multi_reduction <add>, %square3A_107, %reduce_sum3A_111 [0] : vector<10000x64xf32> to vector<64xf32>
    %broadcast_in_dim3A_113 = vector.shape_cast %reduce_sum3A_112 : vector<64xf32> to vector<1x64xf32>
    %div3A_114 = vector.broadcast %sub3A_110 : f32 to vector<1x64xf32>
    %div3A_115 = arith.divf %broadcast_in_dim3A_113, %div3A_114 : vector<1x64xf32>
    %gt3A_116 = arith.constant 0.000000e+00 : f32
    %gt3A_117 = arith.cmpf ogt, %sub3A_110, %gt3A_116 : f32
    %jit3A_118 = arith.constant 0x7FC00000 : f32
    %broadcast_in_dim3A_119 = vector.broadcast %jit3A_118 : f32 to vector<1x64xf32>
    %select_n3A_120 = arith.select %gt3A_117, %div3A_115, %broadcast_in_dim3A_119 : vector<1x64xf32>
    %sub3A_121 = vector.broadcast %div3A_97 : vector<1x64xf32> to vector<10000x64xf32>
    %sub3A_122 = arith.subf %add3A_91, %sub3A_121 : vector<10000x64xf32>
    %mul3A_123 = vector.broadcast %get3A_67 : vector<1x64xf32> to vector<10000x64xf32>
    %mul3A_124 = arith.mulf %mul3A_123, %sub3A_122 : vector<10000x64xf32>
    %add3A_125 = arith.constant 9.99999974E-6 : f32
    %add3A_126 = vector.broadcast %add3A_125 : f32 to vector<1x64xf32>
    %add3A_127 = arith.addf %select_n3A_120, %add3A_126 : vector<1x64xf32>
    %sqrt3A_128 = math.sqrt %add3A_127 : vector<1x64xf32>
    %div3A_129 = vector.broadcast %sqrt3A_128 : vector<1x64xf32> to vector<10000x64xf32>
    %div3A_130 = arith.divf %mul3A_124, %div3A_129 : vector<10000x64xf32>
    %add3A_131 = vector.broadcast %get3A_70 : vector<1x64xf32> to vector<10000x64xf32>
    %add3A_132 = arith.addf %div3A_130, %add3A_131 : vector<10000x64xf32>
    %max3A = arith.constant 0.000000e+00 : f32
    %max3A_133 = vector.broadcast %max3A : f32 to vector<10000x64xf32>
    %max3A_134 = arith.maximumf %add3A_132, %max3A_133 : vector<10000x64xf32>
    %dot_general3A_135 = arith.constant dense<0.000000e+00> : vector<10000x64xf32>
    %dot_general3A_136 = tpu.matmul %max3A_134, %get3A_73, %dot_general3A_135 {dimension_numbers = #tpu.dot_dimension_numbers<[1], [0], [0], [1], [0, 0, 1, 1], [], []>, transpose_lhs_hint = false} : vector<10000x64xf32>, vector<64x64xf32>, vector<10000x64xf32> -> vector<10000x64xf32>
    %add3A_137 = vector.broadcast %get3A_76 : vector<1x64xf32> to vector<10000x64xf32>
    %add3A_138 = arith.addf %dot_general3A_136, %add3A_137 : vector<10000x64xf32>
    %reduce_sum3A_139 = arith.constant dense<0.000000e+00> : vector<64xf32>
    %reduce_sum3A_140 = vector.multi_reduction <add>, %add3A_138, %reduce_sum3A_139 [0] : vector<10000x64xf32> to vector<64xf32>
    %broadcast_in_dim3A_141 = vector.shape_cast %reduce_sum3A_140 : vector<64xf32> to vector<1x64xf32>
    %div3A_142 = arith.constant 1.000000e+04 : f32
    %div3A_143 = vector.broadcast %div3A_142 : f32 to vector<1x64xf32>
    %div3A_144 = arith.divf %broadcast_in_dim3A_141, %div3A_143 : vector<1x64xf32>
    %jit3A_145 = arith.constant 0 : i32
    %reduce_sum3A_146 = arith.constant dense<0.000000e+00> : vector<64xf32>
    %reduce_sum3A_147 = vector.multi_reduction <add>, %add3A_138, %reduce_sum3A_146 [0] : vector<10000x64xf32> to vector<64xf32>
    %broadcast_in_dim3A_148 = vector.shape_cast %reduce_sum3A_147 : vector<64xf32> to vector<1x64xf32>
    %div3A_149 = arith.constant 1.000000e+04 : f32
    %div3A_150 = vector.broadcast %div3A_149 : f32 to vector<1x64xf32>
    %div3A_151 = arith.divf %broadcast_in_dim3A_148, %div3A_150 : vector<1x64xf32>
    %sub3A_152 = vector.broadcast %div3A_151 : vector<1x64xf32> to vector<10000x64xf32>
    %sub3A_153 = arith.subf %add3A_138, %sub3A_152 : vector<10000x64xf32>
    %square3A_154 = arith.mulf %sub3A_153, %sub3A_153 : vector<10000x64xf32>
    %convert_element_type3A_155 = arith.sitofp %jit3A_145 : i32 to f32
    %sub3A_156 = arith.constant 1.000000e+04 : f32
    %sub3A_157 = arith.subf %sub3A_156, %convert_element_type3A_155 : f32
    %reduce_sum3A_158 = arith.constant dense<0.000000e+00> : vector<64xf32>
    %reduce_sum3A_159 = vector.multi_reduction <add>, %square3A_154, %reduce_sum3A_158 [0] : vector<10000x64xf32> to vector<64xf32>
    %broadcast_in_dim3A_160 = vector.shape_cast %reduce_sum3A_159 : vector<64xf32> to vector<1x64xf32>
    %div3A_161 = vector.broadcast %sub3A_157 : f32 to vector<1x64xf32>
    %div3A_162 = arith.divf %broadcast_in_dim3A_160, %div3A_161 : vector<1x64xf32>
    %gt3A_163 = arith.constant 0.000000e+00 : f32
    %gt3A_164 = arith.cmpf ogt, %sub3A_157, %gt3A_163 : f32
    %jit3A_165 = arith.constant 0x7FC00000 : f32
    %broadcast_in_dim3A_166 = vector.broadcast %jit3A_165 : f32 to vector<1x64xf32>
    %select_n3A_167 = arith.select %gt3A_164, %div3A_162, %broadcast_in_dim3A_166 : vector<1x64xf32>
    %sub3A_168 = vector.broadcast %div3A_144 : vector<1x64xf32> to vector<10000x64xf32>
    %sub3A_169 = arith.subf %add3A_138, %sub3A_168 : vector<10000x64xf32>
    %mul3A_170 = vector.broadcast %get3A_79 : vector<1x64xf32> to vector<10000x64xf32>
    %mul3A_171 = arith.mulf %mul3A_170, %sub3A_169 : vector<10000x64xf32>
    %add3A_172 = arith.constant 9.99999974E-6 : f32
    %add3A_173 = vector.broadcast %add3A_172 : f32 to vector<1x64xf32>
    %add3A_174 = arith.addf %select_n3A_167, %add3A_173 : vector<1x64xf32>
    %sqrt3A_175 = math.sqrt %add3A_174 : vector<1x64xf32>
    %div3A_176 = vector.broadcast %sqrt3A_175 : vector<1x64xf32> to vector<10000x64xf32>
    %div3A_177 = arith.divf %mul3A_171, %div3A_176 : vector<10000x64xf32>
    %add3A_178 = vector.broadcast %get3A_82 : vector<1x64xf32> to vector<10000x64xf32>
    %add3A_179 = arith.addf %div3A_177, %add3A_178 : vector<10000x64xf32>
    %max3A_180 = arith.constant 0.000000e+00 : f32
    %max3A_181 = vector.broadcast %max3A_180 : f32 to vector<10000x64xf32>
    %max3A_182 = arith.maximumf %add3A_179, %max3A_181 : vector<10000x64xf32>
    %dot_general3A_183 = arith.constant dense<0.000000e+00> : vector<10000x32xf32>
    %dot_general3A_184 = tpu.matmul %max3A_182, %get3A_85, %dot_general3A_183 {dimension_numbers = #tpu.dot_dimension_numbers<[1], [0], [0], [1], [0, 0, 1, 1], [], []>, transpose_lhs_hint = false} : vector<10000x64xf32>, vector<64x32xf32>, vector<10000x32xf32> -> vector<10000x32xf32>
    %add3A_185 = vector.broadcast %get3A_88 : vector<1x32xf32> to vector<10000x32xf32>
    %add3A_186 = arith.addf %dot_general3A_184, %add3A_185 : vector<10000x32xf32>
    %max3A_187 = arith.constant 0.000000e+00 : f32
    %max3A_188 = vector.broadcast %max3A_187 : f32 to vector<10000x32xf32>
    %max3A_189 = arith.maximumf %add3A_186, %max3A_188 : vector<10000x32xf32>
    %get3A_190 = arith.constant 0 : index
    %get3A_191 = arith.constant 0 : index
    %get3A_192 = vector.load %arg16[%get3A_190, %get3A_191] : memref<1x32xf32, #tpu.memory_space<vmem>>, vector<1x32xf32>
    %get3A_193 = arith.constant 0 : index
    %get3A_194 = arith.constant 0 : index
    %get3A_195 = vector.load %arg17[%get3A_193, %get3A_194] : memref<1x32xf32, #tpu.memory_space<vmem>>, vector<1x32xf32>
    %reduce_sum3A_196 = arith.constant dense<0.000000e+00> : vector<32xf32>
    %reduce_sum3A_197 = vector.multi_reduction <add>, %max3A_189, %reduce_sum3A_196 [0] : vector<10000x32xf32> to vector<32xf32>
    %broadcast_in_dim3A_198 = vector.shape_cast %reduce_sum3A_197 : vector<32xf32> to vector<1x32xf32>
    %div3A_199 = arith.constant 1.000000e+04 : f32
    %div3A_200 = vector.broadcast %div3A_199 : f32 to vector<1x32xf32>
    %div3A_201 = arith.divf %broadcast_in_dim3A_198, %div3A_200 : vector<1x32xf32>
    %jit3A_202 = arith.constant 0 : i32
    %reduce_sum3A_203 = arith.constant dense<0.000000e+00> : vector<32xf32>
    %reduce_sum3A_204 = vector.multi_reduction <add>, %max3A_189, %reduce_sum3A_203 [0] : vector<10000x32xf32> to vector<32xf32>
    %broadcast_in_dim3A_205 = vector.shape_cast %reduce_sum3A_204 : vector<32xf32> to vector<1x32xf32>
    %div3A_206 = arith.constant 1.000000e+04 : f32
    %div3A_207 = vector.broadcast %div3A_206 : f32 to vector<1x32xf32>
    %div3A_208 = arith.divf %broadcast_in_dim3A_205, %div3A_207 : vector<1x32xf32>
    %sub3A_209 = vector.broadcast %div3A_208 : vector<1x32xf32> to vector<10000x32xf32>
    %sub3A_210 = arith.subf %max3A_189, %sub3A_209 : vector<10000x32xf32>
    %square3A_211 = arith.mulf %sub3A_210, %sub3A_210 : vector<10000x32xf32>
    %convert_element_type3A_212 = arith.sitofp %jit3A_202 : i32 to f32
    %sub3A_213 = arith.constant 1.000000e+04 : f32
    %sub3A_214 = arith.subf %sub3A_213, %convert_element_type3A_212 : f32
    %reduce_sum3A_215 = arith.constant dense<0.000000e+00> : vector<32xf32>
    %reduce_sum3A_216 = vector.multi_reduction <add>, %square3A_211, %reduce_sum3A_215 [0] : vector<10000x32xf32> to vector<32xf32>
    %broadcast_in_dim3A_217 = vector.shape_cast %reduce_sum3A_216 : vector<32xf32> to vector<1x32xf32>
    %div3A_218 = vector.broadcast %sub3A_214 : f32 to vector<1x32xf32>
    %div3A_219 = arith.divf %broadcast_in_dim3A_217, %div3A_218 : vector<1x32xf32>
    %gt3A_220 = arith.constant 0.000000e+00 : f32
    %gt3A_221 = arith.cmpf ogt, %sub3A_214, %gt3A_220 : f32
    %jit3A_222 = arith.constant 0x7FC00000 : f32
    %broadcast_in_dim3A_223 = vector.broadcast %jit3A_222 : f32 to vector<1x32xf32>
    %select_n3A_224 = arith.select %gt3A_221, %div3A_219, %broadcast_in_dim3A_223 : vector<1x32xf32>
    %sub3A_225 = vector.broadcast %div3A_201 : vector<1x32xf32> to vector<10000x32xf32>
    %sub3A_226 = arith.subf %max3A_189, %sub3A_225 : vector<10000x32xf32>
    %mul3A_227 = vector.broadcast %get3A_192 : vector<1x32xf32> to vector<10000x32xf32>
    %mul3A_228 = arith.mulf %mul3A_227, %sub3A_226 : vector<10000x32xf32>
    %add3A_229 = arith.constant 9.99999974E-6 : f32
    %add3A_230 = vector.broadcast %add3A_229 : f32 to vector<1x32xf32>
    %add3A_231 = arith.addf %select_n3A_224, %add3A_230 : vector<1x32xf32>
    %sqrt3A_232 = math.sqrt %add3A_231 : vector<1x32xf32>
    %div3A_233 = vector.broadcast %sqrt3A_232 : vector<1x32xf32> to vector<10000x32xf32>
    %div3A_234 = arith.divf %mul3A_228, %div3A_233 : vector<10000x32xf32>
    %add3A_235 = vector.broadcast %get3A_195 : vector<1x32xf32> to vector<10000x32xf32>
    %add3A_236 = arith.addf %div3A_234, %add3A_235 : vector<10000x32xf32>
    %get3A_237 = arith.constant 0 : index
    %get3A_238 = arith.constant 0 : index
    %get3A_239 = vector.load %arg18[%get3A_237, %get3A_238] : memref<32x1xf32, #tpu.memory_space<vmem>>, vector<32x1xf32>
    %dot_general3A_240 = arith.constant dense<0.000000e+00> : vector<10000x1xf32>
    %dot_general3A_241 = tpu.matmul %add3A_236, %get3A_239, %dot_general3A_240 {dimension_numbers = #tpu.dot_dimension_numbers<[1], [0], [0], [1], [0, 0, 1, 1], [], []>, transpose_lhs_hint = false} : vector<10000x32xf32>, vector<32x1xf32>, vector<10000x1xf32> -> vector<10000x1xf32>
    %get3A_242 = arith.constant 0 : index
    %get3A_243 = arith.constant 0 : index
    %get3A_244 = vector.load %arg19[%get3A_242, %get3A_243] : memref<1x1xf32, #tpu.memory_space<vmem>>, vector<1x1xf32>
    %add3A_245 = vector.broadcast %get3A_244 : vector<1x1xf32> to vector<10000x1xf32>
    %add3A_246 = arith.addf %dot_general3A_241, %add3A_245 : vector<10000x1xf32>
    %logistic3A = arith.negf %add3A_246 : vector<10000x1xf32>
    %logistic3A_247 = math.exp %logistic3A : vector<10000x1xf32>
    %logistic3A_248 = arith.constant 1.000000e+00 : f32
    %logistic3A_249 = vector.broadcast %logistic3A_248 : f32 to vector<10000x1xf32>
    %logistic3A_250 = arith.addf %logistic3A_249, %logistic3A_247 : vector<10000x1xf32>
    %logistic3A_251 = arith.divf %logistic3A_249, %logistic3A_250 : vector<10000x1xf32>
    %swap3A = arith.constant 0 : index
    %swap3A_252 = arith.constant 0 : index
    %swap3A_253 = vector.load %arg20[%swap3A, %swap3A_252] : memref<10000x1xf32, #tpu.memory_space<vmem>>, vector<10000x1xf32>
    tpu.vector_store %arg20[%swap3A, %swap3A_252], %logistic3A_251 {strides = array<i32>} : memref<10000x1xf32, #tpu.memory_space<vmem>>, vector<10000x1xf32>,
    return
  }
}

</mosaic_0001>

<sc_bundles>
// kernel: kernel.13.cloned.1.call-start
scs
__scs_entry_jumppad:
0x0: {  	(pc) =	sbr.rel $0x88, $3  }
0x1: {  	(tag) =	ssettag $0x0;
	lr =	simm.s32 $0x1  }
0x2: {  	[smem:$0x3F69] =	sst lr;
	_ =	strace $0xD0000000  }
0x3: {  	_ = 	snop  }
0x4: {  	_ = 	snop  }
0x5: {  	_ = 	snop  }
0x6: {  	_ = 	snop  }
0x7: {  	_ = 	snop  }
__scs_overlays_trampoline_lowered:
0x8: {  	[smem:$0x3F78] =	sst s0  }
0x9: {  	[smem:$0x3F79] =	sst s1  }
0xa: {  	[smem:$0x3F7A] =	sst s2  }
0xb: {  	[smem:$0x3F7B] =	sst s3  }
0xc: {  	[smem:$0x3F7C] =	sst s4  }
0xd: {  	[smem:$0x3F7D] =	sst s5  }
0xe: {  	[smem:$0x3F7E] =	sst s6  }
0xf: {  	[smem:$0x3F7F] =	sst s7  }
0x10: {  	[smem:$0x3F80] =	sst s8  }
0x11: {  	[smem:$0x3F81] =	sst s9;
	s0 =	simm.s32 @!p0 $0x0  }
0x12: {  	s1 =	sld [smem:$0x3F67];
	s0 =	simm.s32 @p0 $0x1  }
0x13: {  	[smem:$0x3F82] =	sst s0;
	s0 =	simm.s32 @!p1 $0x0  }
0x14: {  	s2 =	sld [smem:$0x3F66];
	s0 =	simm.s32 @p1 $0x1  }
0x15: {  	[smem:$0x3F83] =	sst s0;
	s0 =	simm.s32 @!p2 $0x0  }
0x16: {  	s3 =	sld [smem:$0x3FDB];
	s0 =	simm.s32 @p2 $0x1  }
0x17: {  	s4 =	simm.s32 $0x1BF5;
	[smem:$0x3F85] =	sst s0  }
0x18: {  	s0 =	sld [smem:$0x3F68];
	_ =	swait.ge [sflag:s4], $0x0  }
0x19: {  	s7 =	sld [smem:$0x3F69]  }
0x1a: {  	s8 =	sadd.s32 $0xFFFFE003, lr  }
0x1b: {  	s9 =	sadd.s32 $0xFFFFFEF7, lr;
	s5 =	simm.s32 $0xFFFFFFFF;
	p2 =	slt.u32 s8, $0xFFFFF086  }
0x1c: {  	p1 =	slt.u32 s9, $0xF7A;
	s5 =	simm.s32 @!p2 $0x0  }
0x1d: {  	s5 =	simm.s32 @p1 $0x1;
	p0 =	seq.s32 s7, s2  }
0x1e: {  	s7 =	smul.u32 @!p0 $0xF7A, s2;
	p2 =	seq.s32 @!p0 s5, $0x0  }
0x1f: {  	s9 =	smul.u32 $0xF7A, s1;
	s8 =	simm.s32 @!p0 $0x1BF5;
	p2 =	por !p2, p0  }
0x20: {  	[sflag:s8] =	ssyncset.s32 @!p0 $0xFFFFF086;
	s6 =	sadd.s32 @!p0 s3, s7;
	s7 =	simm.s32 @!p0 $0x108  }
0x21: {  	s3 =	sadd.s32 s3, s9;
	s6 =	sadd.s32 @!p0 $0x88, s6;
	s7 =	simm.s32 @p2 $0x1082  }
0x22: {  	[simem:s7], [sflag:s8] =	dma.local @!p0 [hbm:s6], $0xF7A  }
0x23: {  	s9 =	sor.u32 $0xD0000000, s2;
	s6 =	simm.s32 $0x108;
	_ =	swait.ge @!p0 [sflag:s8], $0x0  }
0x24: {  	s3 =	sadd.s32 $0x88, s3;
	s6 =	simm.s32 @!p1 $0x1082;
	[sflag:s4] =	ssyncset.s32 $0xFFFFF086  }
0x25: {  	[simem:s6], [sflag:s4] =	dma.local [hbm:s3], $0xF7A  }
0x26: {  	[smem:$0x3F69] =	sst s1;
	(tag) =	ssettag s2;
	_ =	strace s9  }
0x27: {  	s1 =	sld [smem:$0x3F79]  }
0x28: {  	s2 =	sld [smem:$0x3F7A]  }
0x29: {  	s4 =	sld [smem:$0x3F7C]  }
0x2a: {  	p0 =	seq.s32 s5, $0x0;
	s5 =	sld [smem:$0x3F7D]  }
0x2b: {  	s6 =	sld [smem:$0x3F7E]  }
0x2c: {  	s7 =	sld [smem:$0x3F7F]  }
0x2d: {  	s3 =	simm.s32 $0x108;
	s8 =	sld [smem:$0x3F80]  }
0x2e: {  	s3 =	simm.s32 @!p0 $0x1082;
	s9 =	sld [smem:$0x3F81]  }
0x2f: {  	lr =	sadd.s32 s0, s3;
	s0 =	sld [smem:$0x3F78]  }
0x30: {  	s3 =	sld [smem:$0x3F7B]  }
0x31: {  	[smem:$0x3F84] =	sst s10  }
0x32: {  	s10 =	sld [smem:$0x3F82];
	_ =	sdelay $0x3  }
0x33: {  	p0 =	seq.s32 s10, $0x1;
	s10 =	sld [smem:$0x3F84];
	_ =	sdelay $0x3  }
0x34: {  	[smem:$0x3F84] =	sst s10  }
0x35: {  	s10 =	sld [smem:$0x3F83];
	_ =	sdelay $0x3  }
0x36: {  	p1 =	seq.s32 s10, $0x1;
	s10 =	sld [smem:$0x3F84];
	_ =	sdelay $0x3  }
0x37: {  	[smem:$0x3F84] =	sst s10  }
0x38: {  	s10 =	sld [smem:$0x3F85]  }
0x39: {  	_ = 	snop;
	(pc) =	sbr.ind lr, $3  }
0x3a: {  	_ = 	snop  }
0x3b: {  	_ = 	snop  }
0x3c: {  	p2 =	seq.s32 s10, $0x1;
	s10 =	sld [smem:$0x3F84]  }
0x3d: {  	_ =	shalt  }
0x3e: {  	_ =	shalt  }
0x3f: {  	_ =	shalt  }
0x40: {  	_ =	shalt  }
0x41: {  	_ =	shalt  }
0x42: {  	_ =	shalt  }
0x43: {  	_ =	shalt  }
0x44: {  	_ =	shalt  }
0x45: {  	_ =	shalt  }
0x46: {  	_ =	shalt  }
0x47: {  	_ =	shalt  }
0x48: {  	_ =	shalt  }
0x49: {  	_ =	shalt  }
0x4a: {  	_ =	shalt  }
0x4b: {  	_ =	shalt  }
0x4c: {  	_ =	shalt  }
0x4d: {  	_ =	shalt  }
0x4e: {  	_ =	shalt  }
0x4f: {  	_ =	shalt  }
0x50: {  	_ =	shalt  }
0x51: {  	_ =	shalt  }
0x52: {  	_ =	shalt  }
0x53: {  	_ =	shalt  }
0x54: {  	_ =	shalt  }
0x55: {  	_ =	shalt  }
0x56: {  	_ =	shalt  }
0x57: {  	_ =	shalt  }
0x58: {  	_ =	shalt  }
0x59: {  	_ =	shalt  }
0x5a: {  	_ =	shalt  }
0x5b: {  	_ =	shalt  }
0x5c: {  	_ =	shalt  }
0x5d: {  	_ =	shalt  }
0x5e: {  	_ =	shalt  }
0x5f: {  	_ =	shalt  }
0x60: {  	_ =	shalt  }
0x61: {  	_ =	shalt  }
0x62: {  	_ =	shalt  }
0x63: {  	_ =	shalt  }
0x64: {  	_ =	shalt  }
0x65: {  	_ =	shalt  }
0x66: {  	_ =	shalt  }
0x67: {  	_ =	shalt  }
0x68: {  	_ =	shalt  }
0x69: {  	_ =	shalt  }
0x6a: {  	_ =	shalt  }
0x6b: {  	_ =	shalt  }
0x6c: {  	_ =	shalt  }
0x6d: {  	_ =	shalt  }
0x6e: {  	_ =	shalt  }
0x6f: {  	_ =	shalt  }
0x70: {  	_ =	shalt  }
0x71: {  	_ =	shalt  }
0x72: {  	_ =	shalt  }
0x73: {  	_ =	shalt  }
0x74: {  	_ =	shalt  }
0x75: {  	_ =	shalt  }
0x76: {  	_ =	shalt  }
0x77: {  	_ =	shalt  }
0x78: {  	_ =	shalt  }
0x79: {  	_ =	shalt  }
0x7a: {  	_ =	shalt  }
0x7b: {  	_ =	shalt  }
0x7c: {  	_ =	shalt  }
0x7d: {  	_ =	shalt  }
0x7e: {  	_ =	shalt  }
0x7f: {  	_ =	shalt  }
0x80: {  	_ =	shalt  }
0x81: {  	_ =	shalt  }
0x82: {  	_ =	shalt  }
0x83: {  	_ =	shalt  }
0x84: {  	_ =	shalt  }
0x85: {  	_ =	shalt  }
0x86: {  	_ =	shalt  }
0x87: {  	_ =	shalt  }
.Lfunc_end0:
.L_simem_size_0:
called_computation_lowered:
.L_overlay_start_0:
0x88: {  	s2 =	sld [smem:$0x3FD9]  }
0x89: {  	s3 =	sld [smem:$0x3FFE];
	_ =	sdelay $0x1  }
0x8a: {  	s1 =	srdreg.scid  }
0x8b: {  	s0 =	sand.u32 $0x1, s1  }
0x8c: {  	s16 =	sshll.u32 s0, $0xA;
	s2 =	sadd.s32 s3, s2  }
0x8d: {  	s2 =	sadd.s32 s2, s16  }
0x8e: {  	[smem:$0x3F90] =	sst s2  }
0x8f: {  	_ = 	snop  }
0x90: {  	(tm) =	ssettm $0x1  }
0x91: {  	s17 =	sld [smem:$0x3FFB];
	_ =	sdelay $0x3  }
0x92: {  	_ =	strace s17  }
0x93: {  	s2 =	sld [smem:$0x3FFC];
	_ =	sdelay $0x3  }
0x94: {  	_ =	strace s2  }
0x95: {  	s2 =	sld [smem:$0x3FFD];
	_ =	sdelay $0x3  }
0x96: {  	_ =	strace s2  }
0x97: {  	_ =	strace $0x8FFFFFFF  }
0x98: {  	s18 =	sld [smem:$0x3FDB];
	_ =	sdelay $0x1  }
0x99: {  	s19 =	simm.s32 $_scs_section_size  }
0x9a: {  	s4 =	simm.s32 $_size__tile_overlayer_lowered;
	s5 =	simm.s32 $_tile_overlayer_lowered  }
0x9b: {  	s22 =	simm.s32 $0x1BFF;
	s21 =	sshll.u32 s5, $0x1;
	s2 =	sadd.s32 s19, s18  }
0x9c: {  	s6 =	simm.s32 $0x0;
	s20 =	sshll.u32 s4, $0x1;
	s4 =	sadd.s32 s21, s2  }
0x9d: {  	[timem:s6], [sflag:s22] =	dma.local [hbm:s4], s20  }
0x9e: {  	_ =	swait.ge [sflag:s22], s20  }
0x9f: {  	s3 =	ssub.s32 $0x0, s20;
	[sflag:s22] =	ssyncset.done $0x0  }
0xa0: {  	[sflag:s22] =	ssyncadd.s32 s3;
	_ =	sdelay $0x1  }
0xa1: {  	s23 =	simm.s32 $0x1B8B  }
0xa2: {  	_ =	swait.ge [sflag:s23], $0x1  }
0xa3: {  	[sflag:s23] =	ssyncset.done $0x0  }
0xa4: {  	s25 =	simm.s32 $0x1B8E;
	s24 =	sld [smem:$0x3FFE];
	[sflag:s23] =	ssyncadd.s32 $0xFFFFFFFF  }
0xa5: {  	s26 =	simm.s32 $execute0_lowered;
	[smem:$0x3FD2] =	sst s25  }
0xa6: {  	s4 =	sshll.u32 s26, $0x1;
	_ =	strace $0x80000046;
	[dreg:$0x1] =	wrdreg $0xFFFFFFFF  }
0xa7: {  	s28 =	simm.s32 $_size_execute0_lowered;
	s2 =	sadd.s32 s2, s4;
	[dreg:$0x0] =	wrdreg $0x0  }
0xa8: {  	s4 =	sshll.u32 s28, $0x1;
	[dreg:$0x2] =	wrdreg s2  }
0xa9: {  	[dreg:$0x3] =	wrdreg s4  }
0xaa: {  	[dreg:$0x4] =	wrdreg $0xC0  }
0xab: {  	_ =	task [dreg:s6], $0x5FFFF  }
0xac: {  	[dreg:$0x1] =	wrdreg $0xFFFFFFFF  }
0xad: {  	[dreg:$0x0] =	wrdreg $0x60  }
0xae: {  	[dreg:$0x2] =	wrdreg s24  }
0xaf: {  	[dreg:$0x3] =	wrdreg $0x9  }
0xb0: {  	_ =	task.clear_ibuf [dreg:s6], $0x4FFFF;
	_ =	strace $0x90000046  }
0xb1: {  	s29 =	simm.s32 $0x9;
	_ =	strace $0x80000048  }
0xb2: {  	_ =	swait.ge [sflag:s29], $0x1  }
0xb3: {  	[sflag:s29] =	ssyncadd.s32 $0xFFFFFFFF  }
0xb4: {  	_ =	strace $0x90000048  }
0xb5: {  	_ =	sfence  }
0xb6: {  	s30 =	sld [smem:$0x0];
	_ =	sdelay $0x2  }
0xb7: {  	s31 =	sshll.u32 s1, $0xD;
	s1 =	sshrl.u32 s1, $0x2  }
0xb8: {  	s3 =	sand.u32 $0x4000, s31;
	s1 =	sadd.s32 s1, s30  }
0xb9: {  	s0 =	sor.u32 s3, s0;
	s1 =	sshll.u32 s1, $0x11  }
0xba: {  	s0 =	sor.u32 s1, s0  }
0xbb: {  	s0 =	sadd.s32 $0x8F2B, s0  }
0xbc: {  	[sflag:s0] =	ssyncadd.remote.s32 $0x1  }
0xbd: {  	_ =	sfence.sel $0xFFFF  }
0xbe: {  	[dreg:$0x0] =	wrdreg $0xFFFFFFFF;
	(pc) =	sbr.abs _section_cstart, $3  }
0xbf: {  	[dreg:$0x1] =	wrdreg $0xFFFFFFFF  }
0xc0: {  	_ =	task.clear_ibuf [dreg:s6], $0x2FFFF;
	_ =	strace $0x9FFFFFFF  }
0xc1: {  	(tm) =	ssettm $0x7FFFFFFF  }
tec
execute0_lowered:
.L_overlay_start_1:
0x0: {  	(tag) =	ssettag $0x1  }
0x1: {  	s0 =	rddreg [dreg:$0x0];
	s2 =	simm.s32 $0x0;
	s1 =	srdreg.scid  }
0x2: {  	s3 =	stileid.u32;
	s14 =	simm.s32 $0x5;
	s15 =	simm.s32 $0x3E8  }
0x3: {  	s16 =	simm.s32 $0x7D0;
	s18 =	simm.s32 $0x84D0;
	s19 =	simm.s32 $0x88B8  }
0x4: {  	s20 =	simm.s32 $0x8CA0;
	s21 =	simm.s32 $0xCB20;
	s22 =	simm.s32 $0x1  }
0x5: {  	s23 =	simm.s32 $0x2;
	s24 =	simm.s32 $0x3;
	s25 =	simm.s32 $0x4  }
0x6: {  	s26 =	simm.s32 $0x0;
	[smem:$0x7FF] =	sst s2;
	s1 =	sand.u32 $0x1, s1  }
0x7: {  	s4 =	sshll.u32 s3, $0x1;
	s3 =	sadd.s32 $0x32A00, s0;
	s6 =	sadd.s32 $0x1A000, s0  }
0x8: {  	s7 =	sadd.s32 $0x6600, s0;
	s5 =	sor.u32 s1, s4;
	s1 =	ssub.s32 $0x2, s1  }
0x9: {  	s8 =	sadd.s32 $0x37A00, s0;
	s5 =	smul.u32 $0x4E20, s5;
	s9 =	sshrl.u32 s1, $0x1  }
0xa: {  	_ =	strace $0x80000047;
	s4 =	sadd.s32 $0x2DA00, s0;
	s30 =	ssub.s32 s1, s9  }
0xb: {  	s31 =	sshrl.u32 s5, $0x3;
	s11 =	sadd.s32 $0x3E8, s5;
	s12 =	sadd.s32 $0x7D0, s5  }
0xc: {  	s13 =	smax.u32 s30, $0x1;
	s9 =	sadd.s32 s6, s31;
	s10 =	sadd.s32 s7, s31  }
.LBB2_1:
0xd: {  	[tilespmem:s2], [sflag:$0x5] =	stream.linear.gather [hbm4b:s9+s2], $0x3E8, $0x38;
	[tilespmem:$0x109A0] =	vst v63  }
0xe: {  	_ =	swait.ge [sflag:s14], $0x3E8  }
0xf: {  	[sflag:s14] =	ssyncset.done $0x0  }
0x10: {  	[sflag:s14] =	ssyncadd.s32 $0xFFFFFC18  }
0x11: {  	[tilespmem:s15], [sflag:$0x5] =	stream.linear.gather [hbm4b:s10+s2], $0x3E8, $0x38;
	[tilespmem:$0x109A0] =	vst v63  }
0x12: {  	_ =	swait.ge [sflag:s14], $0x3E8  }
0x13: {  	[sflag:s14] =	ssyncset.done $0x0  }
0x14: {  	[sflag:s14] =	ssyncadd.s32 $0xFFFFFC18  }
0x15: {  	[tilespmem:s16], [sflag:$0x1] =	stream.indirect.gather [hbm4b:s3+s15], $0x10, s2, s15, $0xb8;
	[tilespmem:$0x109A0] =	vst v63  }
0x16: {  	s0 =	simm.s32 $0x4650;
	s28 =	simm.s32 $0x0  }
0x17: {  	[tilespmem:s0], [sflag:$0x2] =	stream.indirect.gather [hbm4b:s4+s15], $0x10, s15, s15, $0xb8;
	[tilespmem:$0x109A0] =	vst v63  }
.LBB2_2:
0x18: {  	s30 =	smul.u32 $0x7D0, s28;
	_ =	sdelay $0x1  }
0x19: {  	s29 =	sadd.s32 s30, s11  }
0x1a: {  	s0 =	sshrl.u32 s29, $0x3  }
0x1b: {  	s1 =	sadd.s32 s6, s0  }
0x1c: {  	[tilespmem:s18], [sflag:$0x5] =	stream.linear.gather [hbm4b:s1+s2], $0x3E8, $0x38;
	[tilespmem:$0x109A0] =	vst v63  }
0x1d: {  	_ =	swait.ge [sflag:s14], $0x3E8  }
0x1e: {  	[sflag:s14] =	ssyncset.done $0x0  }
0x1f: {  	s0 =	sadd.s32 s7, s0;
	[sflag:s14] =	ssyncadd.s32 $0xFFFFFC18  }
0x20: {  	[tilespmem:s19], [sflag:$0x5] =	stream.linear.gather [hbm4b:s0+s2], $0x3E8, $0x38;
	[tilespmem:$0x109A0] =	vst v63  }
0x21: {  	_ =	swait.ge [sflag:s14], $0x3E8  }
0x22: {  	[sflag:s14] =	ssyncset.done $0x0  }
0x23: {  	[sflag:s14] =	ssyncadd.s32 $0xFFFFFC18  }
0x24: {  	[tilespmem:s20], [sflag:$0x3] =	stream.indirect.gather [hbm4b:s3+s15], $0x10, s18, s15, $0xb8;
	[tilespmem:$0x109A0] =	vst v63  }
0x25: {  	_ = 	snop  }
0x26: {  	[tilespmem:s21], [sflag:$0x4] =	stream.indirect.gather [hbm4b:s4+s15], $0x10, s19, s15, $0xb8;
	[tilespmem:$0x109A0] =	vst v63  }
0x27: {  	_ =	swait.ge [sflag:s22], $0x3E80  }
0x28: {  	[sflag:s22] =	ssyncset.done $0x0  }
0x29: {  	[sflag:s22] =	ssyncadd.s32 $0xFFFFC180  }
0x2a: {  	_ =	swait.ge [sflag:s23], $0x3E80  }
0x2b: {  	[sflag:s23] =	ssyncset.done $0x0  }
0x2c: {  	s31 =	simm.s32 $0x810;
	[sflag:s23] =	ssyncadd.s32 $0xFFFFC180  }
0x2d: {  	s0 =	simm.s32 $0x4690;
	v0 =	vld [tilespmem:s31+$0xFFFFFFC0]  }
0x2e: {  	v1 =	vld [tilespmem:s0+$0xFFFFFFC0];
	_ =	sdelay $0x4  }
0x2f: {  	v0 =	vadd.f32 v1, v0;
	_ =	sdelay $0x1  }
0x30: {  	[tilespmem:s31+$0xFFFFFFC0] =	vst v0;
	v0 =	vld [tilespmem:s31+$0xFFFFFFD0]  }
0x31: {  	v1 =	vld [tilespmem:s0+$0xFFFFFFD0];
	_ =	sdelay $0x4  }
0x32: {  	v0 =	vadd.f32 v1, v0;
	_ =	sdelay $0x1  }
0x33: {  	[tilespmem:s31+$0xFFFFFFD0] =	vst v0;
	v0 =	vld [tilespmem:s31+$0xFFFFFFE0]  }
0x34: {  	v1 =	vld [tilespmem:s0+$0xFFFFFFE0];
	_ =	sdelay $0x4  }
0x35: {  	v0 =	vadd.f32 v1, v0;
	_ =	sdelay $0x1  }
0x36: {  	[tilespmem:s31+$0xFFFFFFE0] =	vst v0;
	v0 =	vld [tilespmem:s31+$0xFFFFFFF0]  }
0x37: {  	v1 =	vld [tilespmem:s0+$0xFFFFFFF0];
	_ =	sdelay $0x4  }
0x38: {  	v0 =	vadd.f32 v1, v0;
	_ =	sdelay $0x1  }
0x39: {  	[tilespmem:s31+$0xFFFFFFF0] =	vst v0;
	v0 =	vld [tilespmem:s31+$0x0]  }
0x3a: {  	v1 =	vld [tilespmem:s0+$0x0];
	_ =	sdelay $0x4  }
0x3b: {  	v0 =	vadd.f32 v1, v0;
	_ =	sdelay $0x1  }
0x3c: {  	[tilespmem:s31+$0x0] =	vst v0;
	v0 =	vld [tilespmem:s31+$0x10]  }
0x3d: {  	v1 =	vld [tilespmem:s0+$0x10];
	_ =	sdelay $0x4  }
0x3e: {  	v0 =	vadd.f32 v1, v0;
	_ =	sdelay $0x1  }
0x3f: {  	[tilespmem:s31+$0x10] =	vst v0;
	v0 =	vld [tilespmem:s31+$0x20]  }
0x40: {  	v1 =	vld [tilespmem:s0+$0x20];
	_ =	sdelay $0x4  }
0x41: {  	v0 =	vadd.f32 v1, v0;
	_ =	sdelay $0x1  }
0x42: {  	[tilespmem:s31+$0x20] =	vst v0;
	v0 =	vld [tilespmem:s31+$0x30]  }
0x43: {  	v1 =	vld [tilespmem:s0+$0x30];
	_ =	sdelay $0x4  }
0x44: {  	v0 =	vadd.f32 v1, v0  }
0x45: {  	s17 =	simm.s32 $0x890;
	s1 =	simm.s32 $0x0  }
.LBB2_3:
0x46: {  	v1 =	vld [tilespmem:s17+$0xFFFFFFC0];
	[tilespmem:s31+$0x30] =	vst v0;
	s0 =	sadd.s32 $0x80, s0;
	s31 =	smov.u32 s17  }
0x47: {  	s1 =	sadd.s32 $0x8, s1;
	v0 =	vld [tilespmem:s0+$0xFFFFFFC0]  }
0x48: {  	p0 =	slt.u32 s1, $0x3E0;
	_ =	sdelay $0x3  }
0x49: {  	v0 =	vadd.f32 v0, v1;
	_ =	sdelay $0x1  }
0x4a: {  	[tilespmem:s17+$0xFFFFFFC0] =	vst v0;
	v0 =	vld [tilespmem:s17+$0xFFFFFFD0]  }
0x4b: {  	v1 =	vld [tilespmem:s0+$0xFFFFFFD0];
	_ =	sdelay $0x4  }
0x4c: {  	v0 =	vadd.f32 v1, v0;
	_ =	sdelay $0x1  }
0x4d: {  	[tilespmem:s17+$0xFFFFFFD0] =	vst v0;
	v0 =	vld [tilespmem:s17+$0xFFFFFFE0]  }
0x4e: {  	v1 =	vld [tilespmem:s0+$0xFFFFFFE0];
	_ =	sdelay $0x4  }
0x4f: {  	v0 =	vadd.f32 v1, v0;
	_ =	sdelay $0x1  }
0x50: {  	[tilespmem:s17+$0xFFFFFFE0] =	vst v0;
	v0 =	vld [tilespmem:s17+$0xFFFFFFF0]  }
0x51: {  	v1 =	vld [tilespmem:s0+$0xFFFFFFF0];
	_ =	sdelay $0x4  }
0x52: {  	v0 =	vadd.f32 v1, v0;
	_ =	sdelay $0x1  }
0x53: {  	[tilespmem:s17+$0xFFFFFFF0] =	vst v0;
	v0 =	vld [tilespmem:s17+$0x0]  }
0x54: {  	v1 =	vld [tilespmem:s0+$0x0];
	_ =	sdelay $0x4  }
0x55: {  	v0 =	vadd.f32 v1, v0;
	_ =	sdelay $0x1  }
0x56: {  	[tilespmem:s17+$0x0] =	vst v0;
	v0 =	vld [tilespmem:s17+$0x10]  }
0x57: {  	v1 =	vld [tilespmem:s0+$0x10];
	_ =	sdelay $0x4  }
0x58: {  	v0 =	vadd.f32 v1, v0;
	_ =	sdelay $0x1  }
0x59: {  	[tilespmem:s17+$0x10] =	vst v0;
	v0 =	vld [tilespmem:s17+$0x20]  }
0x5a: {  	v1 =	vld [tilespmem:s0+$0x20];
	_ =	sdelay $0x4  }
0x5b: {  	v0 =	vadd.f32 v1, v0;
	_ =	sdelay $0x1  }
0x5c: {  	[tilespmem:s17+$0x20] =	vst v0;
	v0 =	vld [tilespmem:s17+$0x30]  }
0x5d: {  	v1 =	vld [tilespmem:s0+$0x30];
	_ =	sdelay $0x1  }
.Ltmp0:
0x5e: {  	(pc) =	sbr.rel @p0 .LBB2_3-.Ltmp0, $3  }
0x5f: {  	_ =	sdelay $0x1  }
0x60: {  	v0 =	vadd.f32 v1, v0  }
0x61: {  	s17 =	sadd.s32 $0x80, s17  }
0x62: {  	s0 =	sadd.s32 s5, s30  }
0x63: {  	s0 =	sshll.u32 s0, $0x1  }
0x64: {  	[tilespmem:s31+$0x30] =	vst v0;
	p0 =	seq.s32 s28, $0x9;
	s0 =	sadd.s32 s8, s0  }
0x65: {  	[hbm4b:s0+s2] =	stream.linear.scatter [tilespmem:s16], [sflag:$0x5], $0x3E80, $0x38;
	[tilespmem:$0x109A0] =	vst v63  }
0x66: {  	s0 =	sadd.s32 @!p0 s30, s12;
	_ =	swait.ge [sflag:s14], $0x3E80  }
0x67: {  	s0 =	sshrl.u32 @!p0 s0, $0x3;
	[sflag:s14] =	ssyncset.done $0x0  }
0x68: {  	s17 =	simm.s32 @!p0 $0x0;
	s1 =	sadd.s32 @!p0 s6, s0;
	[sflag:s14] =	ssyncadd.s32 $0xFFFFC180  }
0x69: {  	[tilespmem:s17], [sflag:$0x5] =	stream.linear.gather @!p0 [hbm4b:s1+s17], $0x3E8, $0x38;
	[tilespmem:$0x109A0] =	vst v63  }
0x6a: {  	s1 =	simm.s32 @!p0 $0x5  }
0x6b: {  	_ =	swait.ge @!p0 [sflag:s1], $0x3E8  }
0x6c: {  	[sflag:s1] =	ssyncset.done @!p0 $0x0  }
0x6d: {  	s30 =	simm.s32 @!p0 $0x3E8;
	s0 =	sadd.s32 @!p0 s7, s0;
	[sflag:s1] =	ssyncadd.s32 @!p0 $0xFFFFFC18  }
0x6e: {  	[tilespmem:s30], [sflag:$0x5] =	stream.linear.gather @!p0 [hbm4b:s0+s17], $0x3E8, $0x38;
	[tilespmem:$0x109A0] =	vst v63  }
0x6f: {  	_ =	swait.ge @!p0 [sflag:s1], $0x3E8  }
0x70: {  	[sflag:s1] =	ssyncset.done @!p0 $0x0  }
0x71: {  	s0 =	simm.s32 @!p0 $0x7D0;
	[sflag:s1] =	ssyncadd.s32 @!p0 $0xFFFFFC18  }
0x72: {  	[tilespmem:s0], [sflag:$0x1] =	stream.indirect.gather @!p0 [hbm4b:s3+s30], $0x10, s17, s30, $0xb8;
	[tilespmem:$0x109A0] =	vst v63  }
0x73: {  	s0 =	simm.s32 @!p0 $0x4650  }
0x74: {  	[tilespmem:s0], [sflag:$0x2] =	stream.indirect.gather @!p0 [hbm4b:s4+s30], $0x10, s30, s30, $0xb8;
	[tilespmem:$0x109A0] =	vst v63  }
0x75: {  	_ =	swait.ge [sflag:s24], $0x3E80  }
0x76: {  	[sflag:s24] =	ssyncset.done $0x0  }
0x77: {  	[sflag:s24] =	ssyncadd.s32 $0xFFFFC180  }
0x78: {  	_ =	swait.ge [sflag:s25], $0x3E80  }
0x79: {  	[sflag:s25] =	ssyncset.done $0x0  }
0x7a: {  	s30 =	simm.s32 $0x8CE0;
	[sflag:s25] =	ssyncadd.s32 $0xFFFFC180  }
0x7b: {  	s0 =	simm.s32 $0xCB60;
	v0 =	vld [tilespmem:s30+$0xFFFFFFC0]  }
0x7c: {  	v1 =	vld [tilespmem:s0+$0xFFFFFFC0];
	_ =	sdelay $0x4  }
0x7d: {  	v0 =	vadd.f32 v1, v0;
	_ =	sdelay $0x1  }
0x7e: {  	[tilespmem:s30+$0xFFFFFFC0] =	vst v0;
	v0 =	vld [tilespmem:s30+$0xFFFFFFD0]  }
0x7f: {  	v1 =	vld [tilespmem:s0+$0xFFFFFFD0];
	_ =	sdelay $0x4  }
0x80: {  	v0 =	vadd.f32 v1, v0;
	_ =	sdelay $0x1  }
0x81: {  	[tilespmem:s30+$0xFFFFFFD0] =	vst v0;
	v0 =	vld [tilespmem:s30+$0xFFFFFFE0]  }
0x82: {  	v1 =	vld [tilespmem:s0+$0xFFFFFFE0];
	_ =	sdelay $0x4  }
0x83: {  	v0 =	vadd.f32 v1, v0;
	_ =	sdelay $0x1  }
0x84: {  	[tilespmem:s30+$0xFFFFFFE0] =	vst v0;
	v0 =	vld [tilespmem:s30+$0xFFFFFFF0]  }
0x85: {  	v1 =	vld [tilespmem:s0+$0xFFFFFFF0];
	_ =	sdelay $0x4  }
0x86: {  	v0 =	vadd.f32 v1, v0;
	_ =	sdelay $0x1  }
0x87: {  	[tilespmem:s30+$0xFFFFFFF0] =	vst v0;
	v0 =	vld [tilespmem:s30+$0x0]  }
0x88: {  	v1 =	vld [tilespmem:s0+$0x0];
	_ =	sdelay $0x4  }
0x89: {  	v0 =	vadd.f32 v1, v0;
	_ =	sdelay $0x1  }
0x8a: {  	[tilespmem:s30+$0x0] =	vst v0;
	v0 =	vld [tilespmem:s30+$0x10]  }
0x8b: {  	v1 =	vld [tilespmem:s0+$0x10];
	_ =	sdelay $0x4  }
0x8c: {  	v0 =	vadd.f32 v1, v0;
	_ =	sdelay $0x1  }
0x8d: {  	[tilespmem:s30+$0x10] =	vst v0;
	v0 =	vld [tilespmem:s30+$0x20]  }
0x8e: {  	v1 =	vld [tilespmem:s0+$0x20];
	_ =	sdelay $0x4  }
0x8f: {  	v0 =	vadd.f32 v1, v0;
	_ =	sdelay $0x1  }
0x90: {  	[tilespmem:s30+$0x20] =	vst v0;
	v0 =	vld [tilespmem:s30+$0x30]  }
0x91: {  	v1 =	vld [tilespmem:s0+$0x30];
	_ =	sdelay $0x4  }
0x92: {  	v0 =	vadd.f32 v1, v0  }
0x93: {  	s1 =	simm.s32 $0x0;
	s17 =	simm.s32 $0x8D60  }
.LBB2_5:
0x94: {  	v1 =	vld [tilespmem:s17+$0xFFFFFFC0];
	[tilespmem:s30+$0x30] =	vst v0;
	s0 =	sadd.s32 $0x80, s0;
	s30 =	smov.u32 s17  }
0x95: {  	s1 =	sadd.s32 $0x8, s1;
	v0 =	vld [tilespmem:s0+$0xFFFFFFC0]  }
0x96: {  	p0 =	slt.u32 s1, $0x3E0;
	_ =	sdelay $0x3  }
0x97: {  	v0 =	vadd.f32 v0, v1;
	_ =	sdelay $0x1  }
0x98: {  	[tilespmem:s17+$0xFFFFFFC0] =	vst v0;
	v0 =	vld [tilespmem:s17+$0xFFFFFFD0]  }
0x99: {  	v1 =	vld [tilespmem:s0+$0xFFFFFFD0];
	_ =	sdelay $0x4  }
0x9a: {  	v0 =	vadd.f32 v1, v0;
	_ =	sdelay $0x1  }
0x9b: {  	[tilespmem:s17+$0xFFFFFFD0] =	vst v0;
	v0 =	vld [tilespmem:s17+$0xFFFFFFE0]  }
0x9c: {  	v1 =	vld [tilespmem:s0+$0xFFFFFFE0];
	_ =	sdelay $0x4  }
0x9d: {  	v0 =	vadd.f32 v1, v0;
	_ =	sdelay $0x1  }
0x9e: {  	[tilespmem:s17+$0xFFFFFFE0] =	vst v0;
	v0 =	vld [tilespmem:s17+$0xFFFFFFF0]  }
0x9f: {  	v1 =	vld [tilespmem:s0+$0xFFFFFFF0];
	_ =	sdelay $0x4  }
0xa0: {  	v0 =	vadd.f32 v1, v0;
	_ =	sdelay $0x1  }
0xa1: {  	[tilespmem:s17+$0xFFFFFFF0] =	vst v0;
	v0 =	vld [tilespmem:s17+$0x0]  }
0xa2: {  	v1 =	vld [tilespmem:s0+$0x0];
	_ =	sdelay $0x4  }
0xa3: {  	v0 =	vadd.f32 v1, v0;
	_ =	sdelay $0x1  }
0xa4: {  	[tilespmem:s17+$0x0] =	vst v0;
	v0 =	vld [tilespmem:s17+$0x10]  }
0xa5: {  	v1 =	vld [tilespmem:s0+$0x10];
	_ =	sdelay $0x4  }
0xa6: {  	v0 =	vadd.f32 v1, v0;
	_ =	sdelay $0x1  }
0xa7: {  	[tilespmem:s17+$0x10] =	vst v0;
	v0 =	vld [tilespmem:s17+$0x20]  }
0xa8: {  	v1 =	vld [tilespmem:s0+$0x20];
	_ =	sdelay $0x4  }
0xa9: {  	v0 =	vadd.f32 v1, v0;
	_ =	sdelay $0x1  }
0xaa: {  	[tilespmem:s17+$0x20] =	vst v0;
	v0 =	vld [tilespmem:s17+$0x30]  }
0xab: {  	v1 =	vld [tilespmem:s0+$0x30];
	_ =	sdelay $0x1  }
.Ltmp1:
0xac: {  	(pc) =	sbr.rel @p0 .LBB2_5-.Ltmp1, $3  }
0xad: {  	_ =	sdelay $0x1  }
0xae: {  	v0 =	vadd.f32 v1, v0  }
0xaf: {  	s17 =	sadd.s32 $0x80, s17  }
0xb0: {  	s0 =	sshll.u32 s29, $0x1;
	s28 =	sadd.s32 $0x1, s28  }
0xb1: {  	s0 =	sand.u32 $0x1FFFFFF0, s0;
	p0 =	sne.s32 s28, $0xA  }
.Ltmp2:
0xb2: {  	[tilespmem:s30+$0x30] =	vst v0;
	s0 =	sadd.s32 s8, s0;
	(pc) =	sbr.rel @p0 .LBB2_2-.Ltmp2, $4  }
0xb3: {  	[hbm4b:s0+s2] =	stream.linear.scatter [tilespmem:s20], [sflag:$0x5], $0x3E80, $0x38;
	[tilespmem:$0x109A0] =	vst v63  }
0xb4: {  	_ =	swait.ge [sflag:s14], $0x3E80  }
0xb5: {  	[sflag:s14] =	ssyncset.done $0x0  }
0xb6: {  	[sflag:s14] =	ssyncadd.s32 $0xFFFFC180  }
0xb7: {  	s26 =	sadd.s32 $0x1, s26  }
0xb8: {  	p0 =	sne.s32 s26, s13  }
.Ltmp3:
0xb9: {  	_ = 	snop;
	(pc) =	sbr.rel @p0 .LBB2_1-.Ltmp3, $1  }
0xba: {  	_ =	sdelay $0x3  }
0xbb: {  	_ =	sfence.sel $0x180000  }
0xbc: {  	[bflag:$0x0] =	sbarrier.arrive $0xFFFF  }
0xbd: {  	_ =	strace $0x90000047  }
0xbe: {  	s0 =	stileid.u32;
	[bflag:$0x2] =	sbarrier.arrive $0xFFFF  }
0xbf: {  	p0 =	sne.s32 s0, $0x0;
	s0 =	rddreg [dreg:$0x1]  }
0xc0: {  	s0 =	sadd.s32 @!p0 $0x100000, s0  }
0xc1: {  	[sflag:s0] =	ssyncadd.tile.s32 @!p0 $0x1;
	_ =	shalt  }
.Lfunc_end2:
_tile_overlayer_lowered:
.L_overlay_start_2:
0xc2: {  	(tag) =	ssettag $0x2  }
0xc3: {  	s0 =	rddreg [dreg:$0x0];
	s2 =	stileid.u32  }
0xc4: {  	s1 =	rddreg [dreg:$0x1];
	p0 =	sne.s32 s2, $0x0  }
0xc5: {  	s3 =	rddreg [dreg:$0x2];
	[bflag:$0x3] =	sbarrier.arrive $0xFFFF;
	s2 =	simm.s32 @!p0 $0x1C05  }
0xc6: {  	[timem:s3], [sflag:s2] =	dma.local @!p0 [hbm:s0], s1  }
0xc7: {  	s0 =	simm.s32 @!p0 $0x5  }
0xc8: {  	_ =	swait.ge @!p0 [sflag:s0], s1  }
0xc9: {  	s1 =	ssub.s32 @!p0 $0x0, s1;
	[sflag:s0] =	ssyncset.done @!p0 $0x0  }
0xca: {  	[sflag:s0] =	ssyncadd.s32 @!p0 s1  }
0xcb: {  	[bflag:$0x3] =	sbarrier.arrive $0xFFFF  }
0xcc: {  	_ =	shalt  }

// kernel: kernel.16.cloned.1.call-start
scs
__scs_entry_jumppad:
0x0: {  	(pc) =	sbr.rel $0x88, $3  }
0x1: {  	(tag) =	ssettag $0x0;
	lr =	simm.s32 $0x1  }
0x2: {  	[smem:$0x3F69] =	sst lr;
	_ =	strace $0xD0000000  }
0x3: {  	_ = 	snop  }
0x4: {  	_ = 	snop  }
0x5: {  	_ = 	snop  }
0x6: {  	_ = 	snop  }
0x7: {  	_ = 	snop  }
__scs_overlays_trampoline_lowered:
0x8: {  	[smem:$0x3F78] =	sst s0  }
0x9: {  	[smem:$0x3F79] =	sst s1  }
0xa: {  	[smem:$0x3F7A] =	sst s2  }
0xb: {  	[smem:$0x3F7B] =	sst s3  }
0xc: {  	[smem:$0x3F7C] =	sst s4  }
0xd: {  	[smem:$0x3F7D] =	sst s5  }
0xe: {  	[smem:$0x3F7E] =	sst s6  }
0xf: {  	[smem:$0x3F7F] =	sst s7  }
0x10: {  	[smem:$0x3F80] =	sst s8  }
0x11: {  	[smem:$0x3F81] =	sst s9;
	s0 =	simm.s32 @!p0 $0x0  }
0x12: {  	s1 =	sld [smem:$0x3F67];
	s0 =	simm.s32 @p0 $0x1  }
0x13: {  	[smem:$0x3F82] =	sst s0;
	s0 =	simm.s32 @!p1 $0x0  }
0x14: {  	s2 =	sld [smem:$0x3F66];
	s0 =	simm.s32 @p1 $0x1  }
0x15: {  	[smem:$0x3F83] =	sst s0;
	s0 =	simm.s32 @!p2 $0x0  }
0x16: {  	s3 =	sld [smem:$0x3FDB];
	s0 =	simm.s32 @p2 $0x1  }
0x17: {  	s4 =	simm.s32 $0x1BF5;
	[smem:$0x3F85] =	sst s0  }
0x18: {  	s0 =	sld [smem:$0x3F68];
	_ =	swait.ge [sflag:s4], $0x0  }
0x19: {  	s7 =	sld [smem:$0x3F69]  }
0x1a: {  	s8 =	sadd.s32 $0xFFFFE003, lr  }
0x1b: {  	s9 =	sadd.s32 $0xFFFFFEF7, lr;
	s5 =	simm.s32 $0xFFFFFFFF;
	p2 =	slt.u32 s8, $0xFFFFF086  }
0x1c: {  	p1 =	slt.u32 s9, $0xF7A;
	s5 =	simm.s32 @!p2 $0x0  }
0x1d: {  	s5 =	simm.s32 @p1 $0x1;
	p0 =	seq.s32 s7, s2  }
0x1e: {  	s7 =	smul.u32 @!p0 $0xF7A, s2;
	p2 =	seq.s32 @!p0 s5, $0x0  }
0x1f: {  	s9 =	smul.u32 $0xF7A, s1;
	s8 =	simm.s32 @!p0 $0x1BF5;
	p2 =	por !p2, p0  }
0x20: {  	[sflag:s8] =	ssyncset.s32 @!p0 $0xFFFFF086;
	s6 =	sadd.s32 @!p0 s3, s7;
	s7 =	simm.s32 @!p0 $0x108  }
0x21: {  	s3 =	sadd.s32 s3, s9;
	s6 =	sadd.s32 @!p0 $0x88, s6;
	s7 =	simm.s32 @p2 $0x1082  }
0x22: {  	[simem:s7], [sflag:s8] =	dma.local @!p0 [hbm:s6], $0xF7A  }
0x23: {  	s9 =	sor.u32 $0xD0000000, s2;
	s6 =	simm.s32 $0x108;
	_ =	swait.ge @!p0 [sflag:s8], $0x0  }
0x24: {  	s3 =	sadd.s32 $0x88, s3;
	s6 =	simm.s32 @!p1 $0x1082;
	[sflag:s4] =	ssyncset.s32 $0xFFFFF086  }
0x25: {  	[simem:s6], [sflag:s4] =	dma.local [hbm:s3], $0xF7A  }
0x26: {  	[smem:$0x3F69] =	sst s1;
	(tag) =	ssettag s2;
	_ =	strace s9  }
0x27: {  	s1 =	sld [smem:$0x3F79]  }
0x28: {  	s2 =	sld [smem:$0x3F7A]  }
0x29: {  	s4 =	sld [smem:$0x3F7C]  }
0x2a: {  	p0 =	seq.s32 s5, $0x0;
	s5 =	sld [smem:$0x3F7D]  }
0x2b: {  	s6 =	sld [smem:$0x3F7E]  }
0x2c: {  	s7 =	sld [smem:$0x3F7F]  }
0x2d: {  	s3 =	simm.s32 $0x108;
	s8 =	sld [smem:$0x3F80]  }
0x2e: {  	s3 =	simm.s32 @!p0 $0x1082;
	s9 =	sld [smem:$0x3F81]  }
0x2f: {  	lr =	sadd.s32 s0, s3;
	s0 =	sld [smem:$0x3F78]  }
0x30: {  	s3 =	sld [smem:$0x3F7B]  }
0x31: {  	[smem:$0x3F84] =	sst s10  }
0x32: {  	s10 =	sld [smem:$0x3F82];
	_ =	sdelay $0x3  }
0x33: {  	p0 =	seq.s32 s10, $0x1;
	s10 =	sld [smem:$0x3F84];
	_ =	sdelay $0x3  }
0x34: {  	[smem:$0x3F84] =	sst s10  }
0x35: {  	s10 =	sld [smem:$0x3F83];
	_ =	sdelay $0x3  }
0x36: {  	p1 =	seq.s32 s10, $0x1;
	s10 =	sld [smem:$0x3F84];
	_ =	sdelay $0x3  }
0x37: {  	[smem:$0x3F84] =	sst s10  }
0x38: {  	s10 =	sld [smem:$0x3F85]  }
0x39: {  	_ = 	snop;
	(pc) =	sbr.ind lr, $3  }
0x3a: {  	_ = 	snop  }
0x3b: {  	_ = 	snop  }
0x3c: {  	p2 =	seq.s32 s10, $0x1;
	s10 =	sld [smem:$0x3F84]  }
0x3d: {  	_ =	shalt  }
0x3e: {  	_ =	shalt  }
0x3f: {  	_ =	shalt  }
0x40: {  	_ =	shalt  }
0x41: {  	_ =	shalt  }
0x42: {  	_ =	shalt  }
0x43: {  	_ =	shalt  }
0x44: {  	_ =	shalt  }
0x45: {  	_ =	shalt  }
0x46: {  	_ =	shalt  }
0x47: {  	_ =	shalt  }
0x48: {  	_ =	shalt  }
0x49: {  	_ =	shalt  }
0x4a: {  	_ =	shalt  }
0x4b: {  	_ =	shalt  }
0x4c: {  	_ =	shalt  }
0x4d: {  	_ =	shalt  }
0x4e: {  	_ =	shalt  }
0x4f: {  	_ =	shalt  }
0x50: {  	_ =	shalt  }
0x51: {  	_ =	shalt  }
0x52: {  	_ =	shalt  }
0x53: {  	_ =	shalt  }
0x54: {  	_ =	shalt  }
0x55: {  	_ =	shalt  }
0x56: {  	_ =	shalt  }
0x57: {  	_ =	shalt  }
0x58: {  	_ =	shalt  }
0x59: {  	_ =	shalt  }
0x5a: {  	_ =	shalt  }
0x5b: {  	_ =	shalt  }
0x5c: {  	_ =	shalt  }
0x5d: {  	_ =	shalt  }
0x5e: {  	_ =	shalt  }
0x5f: {  	_ =	shalt  }
0x60: {  	_ =	shalt  }
0x61: {  	_ =	shalt  }
0x62: {  	_ =	shalt  }
0x63: {  	_ =	shalt  }
0x64: {  	_ =	shalt  }
0x65: {  	_ =	shalt  }
0x66: {  	_ =	shalt  }
0x67: {  	_ =	shalt  }
0x68: {  	_ =	shalt  }
0x69: {  	_ =	shalt  }
0x6a: {  	_ =	shalt  }
0x6b: {  	_ =	shalt  }
0x6c: {  	_ =	shalt  }
0x6d: {  	_ =	shalt  }
0x6e: {  	_ =	shalt  }
0x6f: {  	_ =	shalt  }
0x70: {  	_ =	shalt  }
0x71: {  	_ =	shalt  }
0x72: {  	_ =	shalt  }
0x73: {  	_ =	shalt  }
0x74: {  	_ =	shalt  }
0x75: {  	_ =	shalt  }
0x76: {  	_ =	shalt  }
0x77: {  	_ =	shalt  }
0x78: {  	_ =	shalt  }
0x79: {  	_ =	shalt  }
0x7a: {  	_ =	shalt  }
0x7b: {  	_ =	shalt  }
0x7c: {  	_ =	shalt  }
0x7d: {  	_ =	shalt  }
0x7e: {  	_ =	shalt  }
0x7f: {  	_ =	shalt  }
0x80: {  	_ =	shalt  }
0x81: {  	_ =	shalt  }
0x82: {  	_ =	shalt  }
0x83: {  	_ =	shalt  }
0x84: {  	_ =	shalt  }
0x85: {  	_ =	shalt  }
0x86: {  	_ =	shalt  }
0x87: {  	_ =	shalt  }
.Lfunc_end0:
.L_simem_size_0:
called_computation.1_lowered:
.L_overlay_start_0:
0x88: {  	s2 =	sld [smem:$0x3FD9]  }
0x89: {  	s3 =	sld [smem:$0x3FFE];
	_ =	sdelay $0x1  }
0x8a: {  	s1 =	srdreg.scid  }
0x8b: {  	s0 =	sand.u32 $0x1, s1  }
0x8c: {  	s17 =	sshll.u32 s0, $0xA;
	s2 =	sadd.s32 s3, s2  }
0x8d: {  	s2 =	sadd.s32 s2, s17  }
0x8e: {  	[smem:$0x3F90] =	sst s2  }
0x8f: {  	_ = 	snop  }
0x90: {  	s2 =	sld [smem:$0x3FD0];
	(tm) =	ssettm $0x1  }
0x91: {  	s18 =	sld [smem:$0x3FFB];
	_ =	sdelay $0x3  }
0x92: {  	_ =	strace s18  }
0x93: {  	s3 =	sld [smem:$0x3FFC];
	_ =	sdelay $0x3  }
0x94: {  	_ =	strace s3  }
0x95: {  	s3 =	sld [smem:$0x3FFD];
	_ =	sdelay $0x3  }
0x96: {  	_ =	strace s3  }
0x97: {  	_ =	strace $0x8FFFFFFF  }
0x98: {  	s19 =	sld [smem:$0x3FDB];
	_ =	sdelay $0x1  }
0x99: {  	s4 =	simm.s32 $_scs_section_size  }
0x9a: {  	s5 =	simm.s32 $_size__tile_overlayer_lowered;
	s6 =	simm.s32 $_tile_overlayer_lowered  }
0x9b: {  	s22 =	simm.s32 $0x1BFF;
	s21 =	sshll.u32 s6, $0x1;
	s3 =	sadd.s32 s4, s19  }
0x9c: {  	s7 =	simm.s32 $0x0;
	s20 =	sshll.u32 s5, $0x1;
	s5 =	sadd.s32 s21, s3  }
0x9d: {  	[timem:s7], [sflag:s22] =	dma.local [hbm:s5], s20  }
0x9e: {  	_ =	swait.ge [sflag:s22], s20  }
0x9f: {  	s4 =	ssub.s32 $0x0, s20;
	[sflag:s22] =	ssyncset.done $0x0  }
0xa0: {  	[sflag:s22] =	ssyncadd.s32 s4;
	_ =	sdelay $0x1  }
0xa1: {  	s23 =	simm.s32 $0x1B8B  }
0xa2: {  	_ =	swait.ge [sflag:s23], $0x1  }
0xa3: {  	[sflag:s23] =	ssyncset.done $0x0  }
0xa4: {  	s25 =	simm.s32 $0x1B8E;
	s24 =	sld [smem:$0x3FFE];
	[sflag:s23] =	ssyncadd.s32 $0xFFFFFFFF  }
0xa5: {  	s26 =	simm.s32 $execute0_lowered;
	[smem:$0x3FD2] =	sst s25  }
0xa6: {  	s5 =	sshll.u32 s26, $0x1;
	_ =	strace $0x80000049;
	[dreg:$0x1] =	wrdreg $0xFFFFFFFF  }
0xa7: {  	s28 =	simm.s32 $_size_execute0_lowered;
	s3 =	sadd.s32 s3, s5;
	[dreg:$0x0] =	wrdreg $0x0  }
0xa8: {  	s5 =	sshll.u32 s28, $0x1;
	[dreg:$0x2] =	wrdreg s3  }
0xa9: {  	[dreg:$0x3] =	wrdreg s5  }
0xaa: {  	[dreg:$0x4] =	wrdreg $0xC0  }
0xab: {  	_ =	task [dreg:s7], $0x5FFFF  }
0xac: {  	[dreg:$0x1] =	wrdreg $0xFFFFFFFF  }
0xad: {  	[dreg:$0x0] =	wrdreg $0x60  }
0xae: {  	[dreg:$0x2] =	wrdreg s24  }
0xaf: {  	[dreg:$0x3] =	wrdreg s2  }
0xb0: {  	[dreg:$0x4] =	wrdreg $0x12200  }
0xb1: {  	[dreg:$0x5] =	wrdreg $0x9  }
0xb2: {  	_ =	task.clear_ibuf [dreg:s7], $0x6FFFF;
	_ =	strace $0x90000049  }
0xb3: {  	s29 =	simm.s32 $0x9;
	_ =	strace $0x8000004B  }
0xb4: {  	_ =	swait.ge [sflag:s29], $0x1  }
0xb5: {  	[sflag:s29] =	ssyncadd.s32 $0xFFFFFFFF  }
0xb6: {  	_ =	strace $0x9000004B  }
0xb7: {  	_ =	sfence  }
0xb8: {  	s30 =	sld [smem:$0x0];
	_ =	sdelay $0x2  }
0xb9: {  	s31 =	sshll.u32 s1, $0xD;
	s1 =	sshrl.u32 s1, $0x2  }
0xba: {  	s3 =	sand.u32 $0x4000, s31;
	s1 =	sadd.s32 s1, s30  }
0xbb: {  	s0 =	sor.u32 s3, s0;
	s1 =	sshll.u32 s1, $0x11  }
0xbc: {  	s0 =	sor.u32 s1, s0  }
0xbd: {  	s0 =	sadd.s32 $0x8F2B, s0  }
0xbe: {  	[sflag:s0] =	ssyncadd.remote.s32 $0x1  }
0xbf: {  	_ =	sfence.sel $0xFFFF  }
0xc0: {  	[dreg:$0x0] =	wrdreg $0xFFFFFFFF;
	(pc) =	sbr.abs _section_cstart, $3  }
0xc1: {  	[dreg:$0x1] =	wrdreg $0xFFFFFFFF  }
0xc2: {  	_ =	task.clear_ibuf [dreg:s7], $0x2FFFF;
	_ =	strace $0x9FFFFFFF  }
0xc3: {  	(tm) =	ssettm $0x7FFFFFFF  }
tec
execute0_lowered:
.L_overlay_start_1:
0x0: {  	(tag) =	ssettag $0x1  }
0x1: {  	s5 =	rddreg [dreg:$0x0]  }
0x2: {  	s2 =	rddreg [dreg:$0x1];
	s1 =	srdreg.scid  }
0x3: {  	s0 =	stileid.u32;
	s3 =	rddreg [dreg:$0x2]  }
0x4: {  	s4 =	simm.s32 $0x0;
	s11 =	simm.s32 $0x1;
	s7 =	smul.u32 $0x9C40, s0  }
0x5: {  	s12 =	simm.s32 $0x7D0;
	s6 =	sand.u32 $0x1, s1;
	s9 =	smul.u32 $0x280, s0  }
0x6: {  	s13 =	simm.s32 $0xFA0;
	s1 =	rddreg [dreg:$0x3];
	s8 =	smul.u32 $0x4E20, s6  }
0x7: {  	[smem:$0x7FF] =	sst s4;
	s26 =	smul.u32 $0x500, s6;
	s6 =	ssub.s32 $0x2, s6  }
0x8: {  	s31 =	sshll.u32 s0, $0x6;
	_ =	strace $0x8000004A;
	s29 =	sshrl.u32 s6, $0x1  }
0x9: {  	s15 =	sshrl.u32 s9, $0x3;
	s7 =	sadd.s32 s8, s7;
	s28 =	sadd.s32 s26, s5  }
0xa: {  	s30 =	ssub.s32 s6, s29;
	s6 =	sor.u32 $0x1C01, s31;
	s7 =	sshrl.u32 s7, $0x3  }
0xb: {  	s14 =	sadd.s32 $0x41400, s28;
	s10 =	sadd.s32 s7, s5;
	s5 =	sadd.s32 s9, s3  }
0xc: {  	s7 =	smax.u32 s30, $0x1;
	s14 =	sadd.s32 s15, s14;
	s15 =	simm.s32 $0x0  }
0xd: {  	s8 =	sadd.s32 $0x2DA00, s10;
	s9 =	sadd.s32 $0x6600, s10;
	s10 =	sshrl.u32 s5, $0x3  }
.LBB2_1:
0xe: {  	[spmem:s10], [sflag:s6] =	dma.local [hbm:s2], $0x50  }
0xf: {  	_ =	swait.ge [sflag:s11], $0x50  }
0x10: {  	[sflag:s11] =	ssyncset.done $0x0  }
0x11: {  	[sflag:s11] =	ssyncadd.s32 $0xFFFFFFB0  }
0x12: {  	s16 =	sadd.s32 $0x0, s9;
	[bflag:$0x0] =	sbarrier.arrive $0xFFFF  }
0x13: {  	[tilespmem:s4], [sflag:$0x1] =	stream.linear.gather [hbm4b:s16+s4], $0x7D0, $0x38;
	[tilespmem:$0x14A0] =	vst v63  }
0x14: {  	_ =	swait.ge [sflag:s11], $0x7D0  }
0x15: {  	[sflag:s11] =	ssyncset.done $0x0  }
0x16: {  	s31 =	sadd.s32 $0x0, s8;
	[sflag:s11] =	ssyncadd.s32 $0xFFFFF830  }
0x17: {  	[tilespmem:s12], [sflag:$0x1] =	stream.linear.gather [hbm4b:s31+s4], $0x7D0, $0x38;
	[tilespmem:$0x14A0] =	vst v63  }
0x18: {  	_ =	swait.ge [sflag:s11], $0x7D0  }
0x19: {  	[sflag:s11] =	ssyncset.done $0x0  }
0x1a: {  	[sflag:s11] =	ssyncadd.s32 $0xFFFFF830  }
0x1b: {  	[spmem:s3] =	stream.indirect.scatter.add.f32 [tilespmem:s12], [sflag:$0x1], $0x1, s4, s12, $0xb8;
	[tilespmem:$0x14A0] =	vst v63  }
0x1c: {  	_ =	swait.ge [sflag:s11], $0x7D0  }
0x1d: {  	s17 =	simm.s32 $0x1F4;
	s16 =	simm.s32 $0xFA;
	[sflag:s11] =	ssyncset.done $0x0  }
.LBB2_2:
0x1e: {  	s18 =	sadd.s32 s16, s9  }
0x1f: {  	[sflag:s11] =	ssyncadd.s32 $0xFFFFF830;
	s19 =	smov.u32 s17;
	s20 =	sadd.s32 $0xFA, s17  }
0x20: {  	[tilespmem:s4], [sflag:$0x1] =	stream.linear.gather [hbm4b:s18+s4], $0x7D0, $0x38;
	[tilespmem:$0x14A0] =	vst v63  }
0x21: {  	p0 =	sne.s32 s17, $0x8CA;
	_ =	swait.ge [sflag:s11], $0x7D0  }
0x22: {  	[sflag:s11] =	ssyncset.done $0x0  }
0x23: {  	s17 =	sadd.s32 s16, s8;
	s16 =	smov.u32 s19;
	[sflag:s11] =	ssyncadd.s32 $0xFFFFF830  }
0x24: {  	[tilespmem:s12], [sflag:$0x1] =	stream.linear.gather [hbm4b:s17+s4], $0x7D0, $0x38;
	[tilespmem:$0x14A0] =	vst v63  }
0x25: {  	_ =	swait.ge [sflag:s11], $0x7D0  }
.Ltmp0:
0x26: {  	[sflag:s11] =	ssyncset.done $0x0;
	(pc) =	sbr.rel @p0 .LBB2_2-.Ltmp0, $4  }
0x27: {  	[sflag:s11] =	ssyncadd.s32 $0xFFFFF830  }
0x28: {  	[spmem:s3] =	stream.indirect.scatter.add.f32 [tilespmem:s12], [sflag:$0x1], $0x1, s4, s12, $0xb8;
	[tilespmem:$0x14A0] =	vst v63  }
0x29: {  	_ =	swait.ge [sflag:s11], $0x7D0  }
0x2a: {  	s17 =	smov.u32 s20;
	[sflag:s11] =	ssyncset.done $0x0  }
0x2b: {  	s17 =	sadd.s32 s16, s9;
	[sflag:s11] =	ssyncadd.s32 $0xFFFFF830  }
0x2c: {  	[tilespmem:s4], [sflag:$0x1] =	stream.linear.gather [hbm4b:s17+s4], $0x7D0, $0x38;
	[tilespmem:$0x14A0] =	vst v63  }
0x2d: {  	_ =	swait.ge [sflag:s11], $0x7D0  }
0x2e: {  	[sflag:s11] =	ssyncset.done $0x0  }
0x2f: {  	s31 =	sadd.s32 s16, s8;
	[sflag:s11] =	ssyncadd.s32 $0xFFFFF830  }
0x30: {  	[tilespmem:s12], [sflag:$0x1] =	stream.linear.gather [hbm4b:s31+s4], $0x7D0, $0x38;
	[tilespmem:$0x14A0] =	vst v63  }
0x31: {  	_ =	swait.ge [sflag:s11], $0x7D0  }
0x32: {  	[sflag:s11] =	ssyncset.done $0x0  }
0x33: {  	[sflag:s11] =	ssyncadd.s32 $0xFFFFF830  }
0x34: {  	[spmem:s3] =	stream.indirect.scatter.add.f32 [tilespmem:s12], [sflag:$0x1], $0x1, s4, s12, $0xb8;
	[tilespmem:$0x14A0] =	vst v63  }
0x35: {  	_ =	swait.ge [sflag:s11], $0x7D0  }
0x36: {  	[sflag:s11] =	ssyncset.done $0x0  }
0x37: {  	[sflag:s11] =	ssyncadd.s32 $0xFFFFF830  }
0x38: {  	[bflag:$0x0] =	sbarrier.arrive $0xFFFF  }
0x39: {  	[tilespmem:s13], [sflag:$0x1] =	stream.linear.gather [spmem:s5], $0x280, $0x38;
	[tilespmem:$0x14A0] =	vst v63  }
0x3a: {  	s15 =	sadd.s32 $0x1, s15;
	_ =	swait.ge [sflag:s11], $0x280  }
0x3b: {  	p0 =	sne.s32 s15, s7;
	[sflag:s11] =	ssyncset.done $0x0  }
.Ltmp1:
0x3c: {  	[sflag:s11] =	ssyncadd.s32 $0xFFFFFD80;
	(pc) =	sbr.rel @p0 .LBB2_1-.Ltmp1, $4  }
0x3d: {  	[hbm4b:s14+s4] =	stream.linear.scatter [tilespmem:s13], [sflag:$0x1], $0x280, $0x38;
	[tilespmem:$0x14A0] =	vst v63  }
0x3e: {  	_ =	swait.ge [sflag:s11], $0x280  }
0x3f: {  	[sflag:s11] =	ssyncset.done $0x0  }
0x40: {  	[sflag:s11] =	ssyncadd.s32 $0xFFFFFD80  }
0x41: {  	_ =	sfence.sel $0x180000  }
0x42: {  	[bflag:$0x0] =	sbarrier.arrive $0xFFFF  }
0x43: {  	p0 =	sne.s32 s0, $0x0;
	_ =	strace $0x9000004A  }
0x44: {  	s0 =	sadd.s32 @!p0 $0x100000, s1;
	[bflag:$0x2] =	sbarrier.arrive $0xFFFF  }
0x45: {  	[sflag:s0] =	ssyncadd.tile.s32 @!p0 $0x1;
	_ =	shalt  }
.Lfunc_end2:
_tile_overlayer_lowered:
.L_overlay_start_2:
0x46: {  	(tag) =	ssettag $0x2  }
0x47: {  	s0 =	rddreg [dreg:$0x0];
	s2 =	stileid.u32  }
0x48: {  	s1 =	rddreg [dreg:$0x1];
	p0 =	sne.s32 s2, $0x0  }
0x49: {  	s3 =	rddreg [dreg:$0x2];
	[bflag:$0x3] =	sbarrier.arrive $0xFFFF;
	s2 =	simm.s32 @!p0 $0x1C01  }
0x4a: {  	[timem:s3], [sflag:s2] =	dma.local @!p0 [hbm:s0], s1  }
0x4b: {  	s0 =	simm.s32 @!p0 $0x1  }
0x4c: {  	_ =	swait.ge @!p0 [sflag:s0], s1  }
0x4d: {  	s1 =	ssub.s32 @!p0 $0x0, s1;
	[sflag:s0] =	ssyncset.done @!p0 $0x0  }
0x4e: {  	[sflag:s0] =	ssyncadd.s32 @!p0 s1  }
0x4f: {  	[bflag:$0x3] =	sbarrier.arrive $0xFFFF  }
0x50: {  	_ =	shalt  }

// kernel: kernel.19.cloned.1.call-start
scs
__scs_entry_jumppad:
0x0: {  	(pc) =	sbr.rel $0x88, $3  }
0x1: {  	(tag) =	ssettag $0x0;
	lr =	simm.s32 $0x1  }
0x2: {  	[smem:$0x3F69] =	sst lr;
	_ =	strace $0xD0000000  }
0x3: {  	_ = 	snop  }
0x4: {  	_ = 	snop  }
0x5: {  	_ = 	snop  }
0x6: {  	_ = 	snop  }
0x7: {  	_ = 	snop  }
__scs_overlays_trampoline_lowered:
0x8: {  	[smem:$0x3F78] =	sst s0  }
0x9: {  	[smem:$0x3F79] =	sst s1  }
0xa: {  	[smem:$0x3F7A] =	sst s2  }
0xb: {  	[smem:$0x3F7B] =	sst s3  }
0xc: {  	[smem:$0x3F7C] =	sst s4  }
0xd: {  	[smem:$0x3F7D] =	sst s5  }
0xe: {  	[smem:$0x3F7E] =	sst s6  }
0xf: {  	[smem:$0x3F7F] =	sst s7  }
0x10: {  	[smem:$0x3F80] =	sst s8  }
0x11: {  	[smem:$0x3F81] =	sst s9;
	s0 =	simm.s32 @!p0 $0x0  }
0x12: {  	s1 =	sld [smem:$0x3F67];
	s0 =	simm.s32 @p0 $0x1  }
0x13: {  	[smem:$0x3F82] =	sst s0;
	s0 =	simm.s32 @!p1 $0x0  }
0x14: {  	s2 =	sld [smem:$0x3F66];
	s0 =	simm.s32 @p1 $0x1  }
0x15: {  	[smem:$0x3F83] =	sst s0;
	s0 =	simm.s32 @!p2 $0x0  }
0x16: {  	s3 =	sld [smem:$0x3FDB];
	s0 =	simm.s32 @p2 $0x1  }
0x17: {  	s4 =	simm.s32 $0x1BF5;
	[smem:$0x3F85] =	sst s0  }
0x18: {  	s0 =	sld [smem:$0x3F68];
	_ =	swait.ge [sflag:s4], $0x0  }
0x19: {  	s7 =	sld [smem:$0x3F69]  }
0x1a: {  	s8 =	sadd.s32 $0xFFFFE003, lr  }
0x1b: {  	s9 =	sadd.s32 $0xFFFFFEF7, lr;
	s5 =	simm.s32 $0xFFFFFFFF;
	p2 =	slt.u32 s8, $0xFFFFF086  }
0x1c: {  	p1 =	slt.u32 s9, $0xF7A;
	s5 =	simm.s32 @!p2 $0x0  }
0x1d: {  	s5 =	simm.s32 @p1 $0x1;
	p0 =	seq.s32 s7, s2  }
0x1e: {  	s7 =	smul.u32 @!p0 $0xF7A, s2;
	p2 =	seq.s32 @!p0 s5, $0x0  }
0x1f: {  	s9 =	smul.u32 $0xF7A, s1;
	s8 =	simm.s32 @!p0 $0x1BF5;
	p2 =	por !p2, p0  }
0x20: {  	[sflag:s8] =	ssyncset.s32 @!p0 $0xFFFFF086;
	s6 =	sadd.s32 @!p0 s3, s7;
	s7 =	simm.s32 @!p0 $0x108  }
0x21: {  	s3 =	sadd.s32 s3, s9;
	s6 =	sadd.s32 @!p0 $0x88, s6;
	s7 =	simm.s32 @p2 $0x1082  }
0x22: {  	[simem:s7], [sflag:s8] =	dma.local @!p0 [hbm:s6], $0xF7A  }
0x23: {  	s9 =	sor.u32 $0xD0000000, s2;
	s6 =	simm.s32 $0x108;
	_ =	swait.ge @!p0 [sflag:s8], $0x0  }
0x24: {  	s3 =	sadd.s32 $0x88, s3;
	s6 =	simm.s32 @!p1 $0x1082;
	[sflag:s4] =	ssyncset.s32 $0xFFFFF086  }
0x25: {  	[simem:s6], [sflag:s4] =	dma.local [hbm:s3], $0xF7A  }
0x26: {  	[smem:$0x3F69] =	sst s1;
	(tag) =	ssettag s2;
	_ =	strace s9  }
0x27: {  	s1 =	sld [smem:$0x3F79]  }
0x28: {  	s2 =	sld [smem:$0x3F7A]  }
0x29: {  	s4 =	sld [smem:$0x3F7C]  }
0x2a: {  	p0 =	seq.s32 s5, $0x0;
	s5 =	sld [smem:$0x3F7D]  }
0x2b: {  	s6 =	sld [smem:$0x3F7E]  }
0x2c: {  	s7 =	sld [smem:$0x3F7F]  }
0x2d: {  	s3 =	simm.s32 $0x108;
	s8 =	sld [smem:$0x3F80]  }
0x2e: {  	s3 =	simm.s32 @!p0 $0x1082;
	s9 =	sld [smem:$0x3F81]  }
0x2f: {  	lr =	sadd.s32 s0, s3;
	s0 =	sld [smem:$0x3F78]  }
0x30: {  	s3 =	sld [smem:$0x3F7B]  }
0x31: {  	[smem:$0x3F84] =	sst s10  }
0x32: {  	s10 =	sld [smem:$0x3F82];
	_ =	sdelay $0x3  }
0x33: {  	p0 =	seq.s32 s10, $0x1;
	s10 =	sld [smem:$0x3F84];
	_ =	sdelay $0x3  }
0x34: {  	[smem:$0x3F84] =	sst s10  }
0x35: {  	s10 =	sld [smem:$0x3F83];
	_ =	sdelay $0x3  }
0x36: {  	p1 =	seq.s32 s10, $0x1;
	s10 =	sld [smem:$0x3F84];
	_ =	sdelay $0x3  }
0x37: {  	[smem:$0x3F84] =	sst s10  }
0x38: {  	s10 =	sld [smem:$0x3F85]  }
0x39: {  	_ = 	snop;
	(pc) =	sbr.ind lr, $3  }
0x3a: {  	_ = 	snop  }
0x3b: {  	_ = 	snop  }
0x3c: {  	p2 =	seq.s32 s10, $0x1;
	s10 =	sld [smem:$0x3F84]  }
0x3d: {  	_ =	shalt  }
0x3e: {  	_ =	shalt  }
0x3f: {  	_ =	shalt  }
0x40: {  	_ =	shalt  }
0x41: {  	_ =	shalt  }
0x42: {  	_ =	shalt  }
0x43: {  	_ =	shalt  }
0x44: {  	_ =	shalt  }
0x45: {  	_ =	shalt  }
0x46: {  	_ =	shalt  }
0x47: {  	_ =	shalt  }
0x48: {  	_ =	shalt  }
0x49: {  	_ =	shalt  }
0x4a: {  	_ =	shalt  }
0x4b: {  	_ =	shalt  }
0x4c: {  	_ =	shalt  }
0x4d: {  	_ =	shalt  }
0x4e: {  	_ =	shalt  }
0x4f: {  	_ =	shalt  }
0x50: {  	_ =	shalt  }
0x51: {  	_ =	shalt  }
0x52: {  	_ =	shalt  }
0x53: {  	_ =	shalt  }
0x54: {  	_ =	shalt  }
0x55: {  	_ =	shalt  }
0x56: {  	_ =	shalt  }
0x57: {  	_ =	shalt  }
0x58: {  	_ =	shalt  }
0x59: {  	_ =	shalt  }
0x5a: {  	_ =	shalt  }
0x5b: {  	_ =	shalt  }
0x5c: {  	_ =	shalt  }
0x5d: {  	_ =	shalt  }
0x5e: {  	_ =	shalt  }
0x5f: {  	_ =	shalt  }
0x60: {  	_ =	shalt  }
0x61: {  	_ =	shalt  }
0x62: {  	_ =	shalt  }
0x63: {  	_ =	shalt  }
0x64: {  	_ =	shalt  }
0x65: {  	_ =	shalt  }
0x66: {  	_ =	shalt  }
0x67: {  	_ =	shalt  }
0x68: {  	_ =	shalt  }
0x69: {  	_ =	shalt  }
0x6a: {  	_ =	shalt  }
0x6b: {  	_ =	shalt  }
0x6c: {  	_ =	shalt  }
0x6d: {  	_ =	shalt  }
0x6e: {  	_ =	shalt  }
0x6f: {  	_ =	shalt  }
0x70: {  	_ =	shalt  }
0x71: {  	_ =	shalt  }
0x72: {  	_ =	shalt  }
0x73: {  	_ =	shalt  }
0x74: {  	_ =	shalt  }
0x75: {  	_ =	shalt  }
0x76: {  	_ =	shalt  }
0x77: {  	_ =	shalt  }
0x78: {  	_ =	shalt  }
0x79: {  	_ =	shalt  }
0x7a: {  	_ =	shalt  }
0x7b: {  	_ =	shalt  }
0x7c: {  	_ =	shalt  }
0x7d: {  	_ =	shalt  }
0x7e: {  	_ =	shalt  }
0x7f: {  	_ =	shalt  }
0x80: {  	_ =	shalt  }
0x81: {  	_ =	shalt  }
0x82: {  	_ =	shalt  }
0x83: {  	_ =	shalt  }
0x84: {  	_ =	shalt  }
0x85: {  	_ =	shalt  }
0x86: {  	_ =	shalt  }
0x87: {  	_ =	shalt  }
.Lfunc_end0:
.L_simem_size_0:
called_computation.2_lowered:
.L_overlay_start_0:
0x88: {  	s2 =	sld [smem:$0x3FD9]  }
0x89: {  	s3 =	sld [smem:$0x3FFE];
	_ =	sdelay $0x1  }
0x8a: {  	s1 =	srdreg.scid  }
0x8b: {  	s0 =	sand.u32 $0x1, s1  }
0x8c: {  	s16 =	sshll.u32 s0, $0xA;
	s2 =	sadd.s32 s3, s2  }
0x8d: {  	s2 =	sadd.s32 s2, s16  }
0x8e: {  	[smem:$0x3F90] =	sst s2  }
0x8f: {  	_ = 	snop  }
0x90: {  	(tm) =	ssettm $0x1  }
0x91: {  	s17 =	sld [smem:$0x3FFB];
	_ =	sdelay $0x3  }
0x92: {  	_ =	strace s17  }
0x93: {  	s2 =	sld [smem:$0x3FFC];
	_ =	sdelay $0x3  }
0x94: {  	_ =	strace s2  }
0x95: {  	s2 =	sld [smem:$0x3FFD];
	_ =	sdelay $0x3  }
0x96: {  	_ =	strace s2  }
0x97: {  	_ =	strace $0x8FFFFFFF  }
0x98: {  	s18 =	sld [smem:$0x3FDB];
	_ =	sdelay $0x1  }
0x99: {  	s19 =	simm.s32 $_scs_section_size  }
0x9a: {  	s4 =	simm.s32 $_size__tile_overlayer_lowered;
	s5 =	simm.s32 $_tile_overlayer_lowered  }
0x9b: {  	s22 =	simm.s32 $0x1BFF;
	s21 =	sshll.u32 s5, $0x1;
	s2 =	sadd.s32 s19, s18  }
0x9c: {  	s6 =	simm.s32 $0x0;
	s20 =	sshll.u32 s4, $0x1;
	s4 =	sadd.s32 s21, s2  }
0x9d: {  	[timem:s6], [sflag:s22] =	dma.local [hbm:s4], s20  }
0x9e: {  	_ =	swait.ge [sflag:s22], s20  }
0x9f: {  	s3 =	ssub.s32 $0x0, s20;
	[sflag:s22] =	ssyncset.done $0x0  }
0xa0: {  	[sflag:s22] =	ssyncadd.s32 s3;
	_ =	sdelay $0x1  }
0xa1: {  	s23 =	simm.s32 $0x1B8B  }
0xa2: {  	_ =	swait.ge [sflag:s23], $0x1  }
0xa3: {  	[sflag:s23] =	ssyncset.done $0x0  }
0xa4: {  	s25 =	simm.s32 $0x1B8E;
	s24 =	sld [smem:$0x3FFE];
	[sflag:s23] =	ssyncadd.s32 $0xFFFFFFFF  }
0xa5: {  	s26 =	simm.s32 $execute0_lowered;
	[smem:$0x3FD2] =	sst s25  }
0xa6: {  	s4 =	sshll.u32 s26, $0x1;
	_ =	strace $0x8000004C;
	[dreg:$0x1] =	wrdreg $0xFFFFFFFF  }
0xa7: {  	s28 =	simm.s32 $_size_execute0_lowered;
	s2 =	sadd.s32 s2, s4;
	[dreg:$0x0] =	wrdreg $0x0  }
0xa8: {  	s4 =	sshll.u32 s28, $0x1;
	[dreg:$0x2] =	wrdreg s2  }
0xa9: {  	[dreg:$0x3] =	wrdreg s4  }
0xaa: {  	[dreg:$0x4] =	wrdreg $0xC0  }
0xab: {  	_ =	task [dreg:s6], $0x5FFFF  }
0xac: {  	[dreg:$0x1] =	wrdreg $0xFFFFFFFF  }
0xad: {  	[dreg:$0x0] =	wrdreg $0x60  }
0xae: {  	[dreg:$0x2] =	wrdreg s24  }
0xaf: {  	[dreg:$0x3] =	wrdreg $0x150E00  }
0xb0: {  	[dreg:$0x4] =	wrdreg $0x9  }
0xb1: {  	_ =	task.clear_ibuf [dreg:s6], $0x5FFFF;
	_ =	strace $0x9000004C  }
0xb2: {  	s29 =	simm.s32 $0x9;
	_ =	strace $0x8000004E  }
0xb3: {  	_ =	swait.ge [sflag:s29], $0x1  }
0xb4: {  	[sflag:s29] =	ssyncadd.s32 $0xFFFFFFFF  }
0xb5: {  	_ =	strace $0x9000004E  }
0xb6: {  	_ =	sfence  }
0xb7: {  	s30 =	sld [smem:$0x0];
	_ =	sdelay $0x2  }
0xb8: {  	s31 =	sshll.u32 s1, $0xD;
	s1 =	sshrl.u32 s1, $0x2  }
0xb9: {  	s3 =	sand.u32 $0x4000, s31;
	s1 =	sadd.s32 s1, s30  }
0xba: {  	s0 =	sor.u32 s3, s0;
	s1 =	sshll.u32 s1, $0x11  }
0xbb: {  	s0 =	sor.u32 s1, s0  }
0xbc: {  	s0 =	sadd.s32 $0x8F2B, s0  }
0xbd: {  	[sflag:s0] =	ssyncadd.remote.s32 $0x1  }
0xbe: {  	_ =	sfence.sel $0xFFFF  }
0xbf: {  	[dreg:$0x0] =	wrdreg $0xFFFFFFFF;
	(pc) =	sbr.abs _section_cstart, $3  }
0xc0: {  	[dreg:$0x1] =	wrdreg $0xFFFFFFFF  }
0xc1: {  	_ =	task.clear_ibuf [dreg:s6], $0x2FFFF;
	_ =	strace $0x9FFFFFFF  }
0xc2: {  	(tm) =	ssettm $0x7FFFFFFF  }
0xc3: {  	_ =	shalt  }
tec
execute0_lowered:
.L_overlay_start_1:
0x0: {  	(tag) =	ssettag $0x1  }
0x1: {  	s0 =	rddreg [dreg:$0x0]  }
0x2: {  	s1 =	rddreg [dreg:$0x1]  }
0x3: {  	s2 =	simm.s32 $0x0;
	s3 =	srdreg.scid;
	s11 =	stileid.u32  }
0x4: {  	s18 =	simm.s32 $0x3;
	s19 =	simm.s32 $0x7D0;
	s21 =	simm.s32 $0x1770  }
0x5: {  	s22 =	simm.s32 $0x9470;
	s28 =	simm.s32 $0x1;
	s29 =	simm.s32 $0x2  }
0x6: {  	s30 =	simm.s32 $0x128E0;
	s31 =	simm.s32 $0x0;
	[smem:$0x7FF] =	sst s2  }
0x7: {  	s4 =	sadd.s32 $0x41400, s0;
	s5 =	sadd.s32 $0x1A000, s0;
	s6 =	sadd.s32 $0x6600, s0  }
0x8: {  	s3 =	sand.u32 $0x1, s3;
	s8 =	sshll.u32 s11, $0x1;
	s7 =	sadd.s32 $0x2DA00, s0  }
0x9: {  	s10 =	sadd.s32 $0x46400, s0;
	s24 =	smul.u32 $0x2800, s11;
	s11 =	sshll.u32 s11, $0x6  }
0xa: {  	_ =	strace $0x8000004D;
	s9 =	smul.u32 $0x5000, s3;
	s8 =	sor.u32 s3, s8  }
0xb: {  	[dreg:$0x3] =	wrdreg s10;
	s3 =	ssub.s32 $0x2, s3;
	s11 =	sor.u32 $0x1C03, s11  }
0xc: {  	s8 =	smul.u32 $0x4E20, s8;
	s23 =	sshrl.u32 s3, $0x1;
	[dreg:$0x4] =	wrdreg s11  }
0xd: {  	v0 =	vimm.s32 $0x0;
	s26 =	sshrl.u32 s24, $0x3;
	s0 =	sadd.s32 s9, s0;
	s3 =	ssub.s32 s3, s23  }
0xe: {  	v1 =	vimm.s32 $0x1;
	v2 =	vimm.s32 $0x2;
	v3 =	vimm.s32 $0x3;
	s9 =	sadd.s32 s24, s1;
	s23 =	simm.s32 $0x9C40;
	s13 =	sshrl.u32 s8, $0x3  }
0xf: {  	v4 =	vimm.s32 $0x4;
	v5 =	vimm.s32 $0x5;
	v6 =	vimm.s32 $0x6;
	s14 =	sadd.s32 $0x7D0, s8;
	s15 =	sadd.s32 $0xFA0, s8;
	s0 =	sadd.s32 $0x46A00, s0  }
0x10: {  	v7 =	vimm.s32 $0x7;
	v8 =	vimm.s32 $0x8;
	v9 =	vimm.s32 $0x9;
	s16 =	smax.u32 s3, $0x1;
	s17 =	sshrl.u32 s9, $0x3;
	s25 =	sadd.s32 s5, s13  }
0x11: {  	v10 =	vimm.s32 $0xA;
	v11 =	vimm.s32 $0xB;
	v12 =	vimm.s32 $0xC;
	s12 =	sadd.s32 s6, s13;
	s13 =	sadd.s32 s7, s13;
	s24 =	sadd.s32 s26, s0  }
0x12: {  	v13 =	vimm.s32 $0xD;
	v14 =	vimm.s32 $0xE;
	v15 =	vimm.s32 $0xF;
	s26 =	simm.s32 $0xABE0;
	[dreg:$0x5] =	wrdreg s25;
	s25 =	simm.s32 $0xA410  }
.LBB2_1:
0x13: {  	s0 =	rddreg [dreg:$0x3]  }
0x14: {  	s3 =	rddreg [dreg:$0x4]  }
0x15: {  	[spmem:s17], [sflag:s3] =	dma.local [hbm:s0], $0x500  }
0x16: {  	_ =	swait.ge [sflag:s18], $0x500  }
0x17: {  	[sflag:s18] =	ssyncset.done $0x0  }
0x18: {  	[sflag:s18] =	ssyncadd.s32 $0xFFFFFB00  }
0x19: {  	[bflag:$0x0] =	sbarrier.arrive $0xFFFF  }
0x1a: {  	s11 =	rddreg [dreg:$0x5]  }
0x1b: {  	[tilespmem:s2], [sflag:$0x3] =	stream.linear.gather [hbm4b:s11+s2], $0x7D0, $0x38;
	[tilespmem:$0x178E0] =	vst v63  }
0x1c: {  	_ =	swait.ge [sflag:s18], $0x7D0  }
0x1d: {  	[sflag:s18] =	ssyncset.done $0x0  }
0x1e: {  	[sflag:s18] =	ssyncadd.s32 $0xFFFFF830  }
0x1f: {  	[tilespmem:s19], [sflag:$0x3] =	stream.linear.gather [hbm4b:s12+s2], $0x7D0, $0x38;
	[tilespmem:$0x178E0] =	vst v63  }
0x20: {  	_ =	swait.ge [sflag:s18], $0x7D0  }
0x21: {  	[sflag:s18] =	ssyncset.done $0x0  }
0x22: {  	s20 =	simm.s32 $0xFA0;
	[sflag:s18] =	ssyncadd.s32 $0xFFFFF830  }
0x23: {  	[tilespmem:s20], [sflag:$0x3] =	stream.linear.gather [hbm4b:s13+s2], $0x7D0, $0x38;
	[tilespmem:$0x178E0] =	vst v63  }
0x24: {  	_ =	swait.ge [sflag:s18], $0x7D0  }
0x25: {  	[sflag:s18] =	ssyncset.done $0x0  }
0x26: {  	s0 =	simm.s32 $0x0;
	[sflag:s18] =	ssyncadd.s32 $0xFFFFF830  }
0x27: {  	[tilespmem:s21], [sflag:$0x1] =	stream.indirect.gather [hbm4b:s4+s19], $0x10, s2, s19, $0xb8;
	[tilespmem:$0x178E0] =	vst v63  }
.LBB2_2:
0x28: {  	s3 =	smul.u32 $0xFA0, s0;
	_ =	sdelay $0x1  }
0x29: {  	s8 =	sadd.s32 s3, s14  }
0x2a: {  	s8 =	sshrl.u32 s8, $0x3  }
0x2b: {  	s11 =	simm.s32 $0x0;
	s10 =	sadd.s32 s5, s8  }
0x2c: {  	[tilespmem:s22], [sflag:$0x3] =	stream.linear.gather [hbm4b:s10+s11], $0x7D0, $0x38;
	[tilespmem:$0x178E0] =	vst v63  }
0x2d: {  	_ =	swait.ge [sflag:s18], $0x7D0  }
0x2e: {  	[sflag:s18] =	ssyncset.done $0x0  }
0x2f: {  	s20 =	sadd.s32 s6, s8;
	[sflag:s18] =	ssyncadd.s32 $0xFFFFF830  }
0x30: {  	[tilespmem:s23], [sflag:$0x3] =	stream.linear.gather [hbm4b:s20+s11], $0x7D0, $0x38;
	[tilespmem:$0x178E0] =	vst v63  }
0x31: {  	_ =	swait.ge [sflag:s18], $0x7D0  }
0x32: {  	[sflag:s18] =	ssyncset.done $0x0  }
0x33: {  	s8 =	sadd.s32 s7, s8;
	[sflag:s18] =	ssyncadd.s32 $0xFFFFF830  }
0x34: {  	[tilespmem:s25], [sflag:$0x3] =	stream.linear.gather [hbm4b:s8+s11], $0x7D0, $0x38;
	[tilespmem:$0x178E0] =	vst v63  }
0x35: {  	_ =	swait.ge [sflag:s18], $0x7D0  }
0x36: {  	[sflag:s18] =	ssyncset.done $0x0  }
0x37: {  	[sflag:s18] =	ssyncadd.s32 $0xFFFFF830  }
0x38: {  	[tilespmem:s26], [sflag:$0x2] =	stream.indirect.gather [hbm4b:s4+s19], $0x10, s22, s19, $0xb8;
	[tilespmem:$0x178E0] =	vst v63  }
0x39: {  	_ =	swait.ge [sflag:s28], $0x7D00  }
0x3a: {  	[sflag:s28] =	ssyncset.done $0x0  }
0x3b: {  	s20 =	simm.s32 $0x17F0;
	[sflag:s28] =	ssyncadd.s32 $0xFFFF8300  }
0x3c: {  	s10 =	simm.s32 $0x40;
	s11 =	simm.s32 $0x0;
	s8 =	simm.s32 $0x17F0;
	v16 =	vld [tilespmem:s20+$0xFFFFFFB0]  }
.LBB2_3:
0x3d: {  	p0 =	sne.s32 s10, $0x1F00;
	v17 =	vld [tilespmem:s11+$0xFA0]  }
0x3e: {  	v18 =	vld [tilespmem:s20+$0xFFFFFF90]  }
0x3f: {  	v19 =	vld [tilespmem:s20+$0xFFFFFF80]  }
0x40: {  	v20 =	vld [tilespmem:s20+$0xFFFFFFA0]  }
0x41: {  	v21 =	vld [tilespmem:s20+$0xFFFFFFF0]  }
0x42: {  	v22 =	vperm.xlane v17, v0;
	v23 =	vperm.xlane v17, v1;
	v24 =	vld [tilespmem:s20+$0xFFFFFFD0]  }
0x43: {  	v25 =	vperm.xlane v17, v2;
	v26 =	vperm.xlane v17, v3;
	v27 =	vld [tilespmem:s20+$0xFFFFFFC0]  }
0x44: {  	v19 =	vmul.f32 v22, v19;
	v18 =	vmul.f32 v23, v18;
	v22 =	vld [tilespmem:s20+$0xFFFFFFE0]  }
0x45: {  	v16 =	vmul.f32 v26, v16;
	v20 =	vmul.f32 v25, v20;
	v23 =	vld [tilespmem:s20+$0x30]  }
0x46: {  	v25 =	vperm.xlane v17, v5;
	[tilespmem:s20+$0xFFFFFF80] =	vst v19;
	v19 =	vperm.xlane v17, v4;
	v26 =	vld [tilespmem:s20+$0x10]  }
0x47: {  	v28 =	vperm.xlane v17, v7;
	[tilespmem:s20+$0xFFFFFF90] =	vst v18;
	v18 =	vperm.xlane v17, v6;
	v29 =	vld [tilespmem:s20+$0x0]  }
0x48: {  	[tilespmem:s20+$0xFFFFFFA0] =	vst v20;
	v19 =	vmul.f32 v19, v27;
	v20 =	vmul.f32 v25, v24;
	v24 =	vld [tilespmem:s20+$0x20]  }
0x49: {  	[tilespmem:s20+$0xFFFFFFB0] =	vst v16;
	v16 =	vmul.f32 v18, v22;
	v18 =	vmul.f32 v28, v21;
	v21 =	vld [tilespmem:s20+$0x70]  }
0x4a: {  	v22 =	vperm.xlane v17, v9;
	[tilespmem:s20+$0xFFFFFFC0] =	vst v19;
	v19 =	vperm.xlane v17, v8;
	v25 =	vld [tilespmem:s20+$0x50]  }
0x4b: {  	v27 =	vperm.xlane v17, v11;
	[tilespmem:s20+$0xFFFFFFD0] =	vst v20;
	v20 =	vperm.xlane v17, v10;
	v28 =	vld [tilespmem:s20+$0x40]  }
0x4c: {  	[tilespmem:s20+$0xFFFFFFE0] =	vst v16;
	v16 =	vmul.f32 v19, v29;
	v19 =	vmul.f32 v22, v26;
	v22 =	vld [tilespmem:s20+$0x60]  }
0x4d: {  	[tilespmem:s20+$0xFFFFFFF0] =	vst v18;
	v18 =	vmul.f32 v20, v24;
	v20 =	vmul.f32 v27, v23  }
0x4e: {  	v23 =	vperm.xlane v17, v13;
	[tilespmem:s20+$0x0] =	vst v16;
	v16 =	vperm.xlane v17, v12  }
0x4f: {  	[tilespmem:s20+$0x10] =	vst v19;
	v19 =	vperm.xlane v17, v14;
	v17 =	vperm.xlane v17, v15  }
0x50: {  	[tilespmem:s20+$0x20] =	vst v18;
	v16 =	vmul.f32 v16, v28;
	v18 =	vmul.f32 v23, v25  }
.Ltmp0:
0x51: {  	[tilespmem:s20+$0x30] =	vst v20;
	v19 =	vmul.f32 v19, v22;
	v17 =	vmul.f32 v17, v21;
	(pc) =	sbr.rel @p0 .LBB2_3-.Ltmp0, $4  }
0x52: {  	[tilespmem:s20+$0x40] =	vst v16  }
0x53: {  	[tilespmem:s20+$0x50] =	vst v18  }
0x54: {  	s20 =	sadd.s32 $0x100, s20;
	[tilespmem:s8+$0x60] =	vst v19  }
0x55: {  	s11 =	sshra.s32 s10, $0x2;
	s10 =	sadd.s32 $0x40, s10;
	v16 =	vld [tilespmem:s20+$0xFFFFFFB0];
	[tilespmem:s8+$0x70] =	vst v17;
	s8 =	smov.u32 s20  }
0x56: {  	v17 =	vld [tilespmem:s11+$0xFA0];
	_ =	sdelay $0x1  }
0x57: {  	v18 =	vld [tilespmem:s20+$0xFFFFFF80]  }
0x58: {  	v19 =	vld [tilespmem:s20+$0xFFFFFF90]  }
0x59: {  	v20 =	vld [tilespmem:s20+$0xFFFFFFA0]  }
0x5a: {  	v21 =	vperm.xlane v17, v0  }
0x5b: {  	v23 =	vld [tilespmem:s20+$0xFFFFFFC0];
	v22 =	vperm.xlane v17, v1  }
0x5c: {  	v24 =	vld [tilespmem:s20+$0xFFFFFFD0];
	v25 =	vperm.xlane v17, v2;
	v18 =	vmul.f32 v21, v18  }
0x5d: {  	v51 =	vld [tilespmem:s20+$0xFFFFFFE0];
	v50 =	vperm.xlane v17, v3;
	v19 =	vmul.f32 v22, v19  }
0x5e: {  	v53 =	vld [tilespmem:s20+$0x10];
	v20 =	vmul.f32 v25, v20;
	[tilespmem:s20+$0xFFFFFF80] =	vst v18;
	v18 =	vperm.xlane v17, v4  }
0x5f: {  	v52 =	vperm.xlane v17, v5;
	v16 =	vmul.f32 v50, v16;
	[tilespmem:s20+$0xFFFFFF90] =	vst v19;
	v19 =	vld [tilespmem:s20+$0x0]  }
0x60: {  	v26 =	vld [tilespmem:s20+$0xFFFFFFF0];
	v27 =	vperm.xlane v17, v6;
	[tilespmem:s20+$0xFFFFFFA0] =	vst v20;
	v18 =	vmul.f32 v18, v23  }
0x61: {  	v55 =	vld [tilespmem:s20+$0x20];
	v56 =	vperm.xlane v17, v9;
	v21 =	vmul.f32 v52, v24;
	[tilespmem:s20+$0xFFFFFFB0] =	vst v16  }
0x62: {  	v22 =	vmul.f32 v27, v51;
	v16 =	vld [tilespmem:s20+$0x30];
	[tilespmem:s20+$0xFFFFFFC0] =	vst v18;
	v18 =	vperm.xlane v17, v8  }
0x63: {  	v57 =	vld [tilespmem:s20+$0x40];
	v54 =	vperm.xlane v17, v7;
	v60 =	vmul.f32 v56, v53;
	[tilespmem:s20+$0xFFFFFFD0] =	vst v21  }
0x64: {  	v58 =	vld [tilespmem:s20+$0x50];
	v59 =	vperm.xlane v17, v10;
	[tilespmem:s20+$0xFFFFFFE0] =	vst v22;
	v18 =	vmul.f32 v18, v19  }
0x65: {  	v61 =	vld [tilespmem:s20+$0x60];
	v20 =	vmul.f32 v54, v26;
	[tilespmem:s20+$0x10] =	vst v60;
	v19 =	vperm.xlane v17, v11  }
0x66: {  	v62 =	vld [tilespmem:s20+$0x70];
	v23 =	vmul.f32 v59, v55;
	[tilespmem:s20+$0x0] =	vst v18;
	v18 =	vperm.xlane v17, v12  }
0x67: {  	[tilespmem:s20+$0xFFFFFFF0] =	vst v20;
	v16 =	vmul.f32 v19, v16;
	v19 =	vperm.xlane v17, v13  }
0x68: {  	v63 =	vperm.xlane v17, v14;
	[tilespmem:s20+$0x20] =	vst v23;
	v18 =	vmul.f32 v18, v57  }
0x69: {  	v17 =	vperm.xlane v17, v15;
	v19 =	vmul.f32 v19, v58;
	[tilespmem:s20+$0x30] =	vst v16  }
0x6a: {  	v16 =	vmul.f32 v63, v61;
	[tilespmem:s20+$0x40] =	vst v18  }
0x6b: {  	v17 =	vmul.f32 v17, v62;
	[tilespmem:s20+$0x50] =	vst v19  }
0x6c: {  	[tilespmem:s8+$0x60] =	vst v16  }
0x6d: {  	p0 =	seq.s32 s0, $0x4;
	[tilespmem:s8+$0x70] =	vst v17  }
0x6e: {  	[spmem:s1] =	stream.indirect.scatter.add.f32 [tilespmem:s21], [sflag:$0x3], $0x10, s19, s19, $0xb8;
	[tilespmem:$0x178E0] =	vst v63  }
0x6f: {  	s3 =	sadd.s32 @!p0 s3, s15;
	_ =	swait.ge [sflag:s18], $0x7D00  }
0x70: {  	s3 =	sshrl.u32 @!p0 s3, $0x3;
	[sflag:s18] =	ssyncset.done $0x0  }
0x71: {  	s10 =	simm.s32 @!p0 $0x0;
	s8 =	sadd.s32 @!p0 s5, s3;
	[sflag:s18] =	ssyncadd.s32 $0xFFFF8300  }
0x72: {  	[tilespmem:s10], [sflag:$0x3] =	stream.linear.gather @!p0 [hbm4b:s8+s10], $0x7D0, $0x38;
	[tilespmem:$0x178E0] =	vst v63  }
0x73: {  	s8 =	simm.s32 @!p0 $0x3  }
0x74: {  	_ =	swait.ge @!p0 [sflag:s8], $0x7D0  }
0x75: {  	[sflag:s8] =	ssyncset.done @!p0 $0x0  }
0x76: {  	s11 =	sadd.s32 @!p0 s6, s3;
	s20 =	simm.s32 @!p0 $0x7D0;
	[sflag:s8] =	ssyncadd.s32 @!p0 $0xFFFFF830  }
0x77: {  	[tilespmem:s20], [sflag:$0x3] =	stream.linear.gather @!p0 [hbm4b:s11+s10], $0x7D0, $0x38;
	[tilespmem:$0x178E0] =	vst v63  }
0x78: {  	_ =	swait.ge @!p0 [sflag:s8], $0x7D0  }
0x79: {  	[sflag:s8] =	ssyncset.done @!p0 $0x0  }
0x7a: {  	s3 =	sadd.s32 @!p0 s7, s3;
	s11 =	simm.s32 @!p0 $0xFA0;
	[sflag:s8] =	ssyncadd.s32 @!p0 $0xFFFFF830  }
0x7b: {  	[tilespmem:s11], [sflag:$0x3] =	stream.linear.gather @!p0 [hbm4b:s3+s10], $0x7D0, $0x38;
	[tilespmem:$0x178E0] =	vst v63  }
0x7c: {  	_ =	swait.ge @!p0 [sflag:s8], $0x7D0  }
0x7d: {  	[sflag:s8] =	ssyncset.done @!p0 $0x0  }
0x7e: {  	s3 =	simm.s32 @!p0 $0x1770;
	[sflag:s8] =	ssyncadd.s32 @!p0 $0xFFFFF830  }
0x7f: {  	[tilespmem:s3], [sflag:$0x1] =	stream.indirect.gather @!p0 [hbm4b:s4+s20], $0x10, s10, s20, $0xb8;
	[tilespmem:$0x178E0] =	vst v63  }
0x80: {  	_ =	swait.ge [sflag:s29], $0x7D00  }
0x81: {  	[sflag:s29] =	ssyncset.done $0x0  }
0x82: {  	s3 =	simm.s32 $0xAC60;
	[sflag:s29] =	ssyncadd.s32 $0xFFFF8300  }
0x83: {  	s11 =	simm.s32 $0x0;
	s8 =	simm.s32 $0xAC60;
	s10 =	simm.s32 $0x40;
	v16 =	vld [tilespmem:s3+$0xFFFFFFB0]  }
.LBB2_5:
0x84: {  	p0 =	sne.s32 s10, $0x1F00;
	v17 =	vld [tilespmem:s11+$0xA410]  }
0x85: {  	v18 =	vld [tilespmem:s3+$0xFFFFFF90]  }
0x86: {  	v19 =	vld [tilespmem:s3+$0xFFFFFF80]  }
0x87: {  	v20 =	vld [tilespmem:s3+$0xFFFFFFA0]  }
0x88: {  	v21 =	vld [tilespmem:s3+$0xFFFFFFF0]  }
0x89: {  	v22 =	vperm.xlane v17, v0;
	v23 =	vperm.xlane v17, v1;
	v24 =	vld [tilespmem:s3+$0xFFFFFFD0]  }
0x8a: {  	v25 =	vperm.xlane v17, v2;
	v26 =	vperm.xlane v17, v3;
	v27 =	vld [tilespmem:s3+$0xFFFFFFC0]  }
0x8b: {  	v19 =	vmul.f32 v22, v19;
	v18 =	vmul.f32 v23, v18;
	v22 =	vld [tilespmem:s3+$0xFFFFFFE0]  }
0x8c: {  	v16 =	vmul.f32 v26, v16;
	v20 =	vmul.f32 v25, v20;
	v23 =	vld [tilespmem:s3+$0x30]  }
0x8d: {  	v25 =	vperm.xlane v17, v5;
	[tilespmem:s3+$0xFFFFFF80] =	vst v19;
	v19 =	vperm.xlane v17, v4;
	v26 =	vld [tilespmem:s3+$0x10]  }
0x8e: {  	v28 =	vperm.xlane v17, v7;
	[tilespmem:s3+$0xFFFFFF90] =	vst v18;
	v18 =	vperm.xlane v17, v6;
	v29 =	vld [tilespmem:s3+$0x0]  }
0x8f: {  	[tilespmem:s3+$0xFFFFFFA0] =	vst v20;
	v19 =	vmul.f32 v19, v27;
	v20 =	vmul.f32 v25, v24;
	v24 =	vld [tilespmem:s3+$0x20]  }
0x90: {  	[tilespmem:s3+$0xFFFFFFB0] =	vst v16;
	v16 =	vmul.f32 v18, v22;
	v18 =	vmul.f32 v28, v21;
	v21 =	vld [tilespmem:s3+$0x70]  }
0x91: {  	v22 =	vperm.xlane v17, v9;
	[tilespmem:s3+$0xFFFFFFC0] =	vst v19;
	v19 =	vperm.xlane v17, v8;
	v25 =	vld [tilespmem:s3+$0x50]  }
0x92: {  	v27 =	vperm.xlane v17, v11;
	[tilespmem:s3+$0xFFFFFFD0] =	vst v20;
	v20 =	vperm.xlane v17, v10;
	v28 =	vld [tilespmem:s3+$0x40]  }
0x93: {  	[tilespmem:s3+$0xFFFFFFE0] =	vst v16;
	v16 =	vmul.f32 v19, v29;
	v19 =	vmul.f32 v22, v26;
	v22 =	vld [tilespmem:s3+$0x60]  }
0x94: {  	[tilespmem:s3+$0xFFFFFFF0] =	vst v18;
	v18 =	vmul.f32 v20, v24;
	v20 =	vmul.f32 v27, v23  }
0x95: {  	v23 =	vperm.xlane v17, v13;
	[tilespmem:s3+$0x0] =	vst v16;
	v16 =	vperm.xlane v17, v12  }
0x96: {  	[tilespmem:s3+$0x10] =	vst v19;
	v19 =	vperm.xlane v17, v14;
	v17 =	vperm.xlane v17, v15  }
0x97: {  	[tilespmem:s3+$0x20] =	vst v18;
	v16 =	vmul.f32 v16, v28;
	v18 =	vmul.f32 v23, v25  }
.Ltmp1:
0x98: {  	[tilespmem:s3+$0x30] =	vst v20;
	v19 =	vmul.f32 v19, v22;
	v17 =	vmul.f32 v17, v21;
	(pc) =	sbr.rel @p0 .LBB2_5-.Ltmp1, $4  }
0x99: {  	[tilespmem:s3+$0x40] =	vst v16  }
0x9a: {  	[tilespmem:s3+$0x50] =	vst v18  }
0x9b: {  	s3 =	sadd.s32 $0x100, s3;
	[tilespmem:s8+$0x60] =	vst v19  }
0x9c: {  	s11 =	sshra.s32 s10, $0x2;
	s10 =	sadd.s32 $0x40, s10;
	v16 =	vld [tilespmem:s3+$0xFFFFFFB0];
	[tilespmem:s8+$0x70] =	vst v17;
	s8 =	smov.u32 s3  }
0x9d: {  	v17 =	vld [tilespmem:s11+$0xA410];
	_ =	sdelay $0x1  }
0x9e: {  	v18 =	vld [tilespmem:s3+$0xFFFFFF80]  }
0x9f: {  	v19 =	vld [tilespmem:s3+$0xFFFFFF90]  }
0xa0: {  	v20 =	vld [tilespmem:s3+$0xFFFFFFA0]  }
0xa1: {  	v21 =	vperm.xlane v17, v0  }
0xa2: {  	v24 =	vld [tilespmem:s3+$0xFFFFFFD0];
	v22 =	vperm.xlane v17, v1;
	v25 =	vperm.xlane v17, v2  }
0xa3: {  	v45 =	vld [tilespmem:s3+$0xFFFFFFE0];
	v44 =	vperm.xlane v17, v3;
	v18 =	vmul.f32 v21, v18  }
0xa4: {  	v49 =	vld [tilespmem:s3+$0x10];
	v46 =	vperm.xlane v17, v4;
	v19 =	vmul.f32 v22, v19  }
0xa5: {  	v23 =	vld [tilespmem:s3+$0xFFFFFFC0];
	v47 =	vperm.xlane v17, v5;
	v20 =	vmul.f32 v25, v20;
	[tilespmem:s3+$0xFFFFFF80] =	vst v18  }
0xa6: {  	v26 =	vld [tilespmem:s3+$0xFFFFFFF0];
	v27 =	vperm.xlane v17, v6;
	v16 =	vmul.f32 v44, v16;
	[tilespmem:s3+$0xFFFFFF90] =	vst v19  }
0xa7: {  	v51 =	vld [tilespmem:s3+$0x20];
	v53 =	vperm.xlane v17, v9;
	v21 =	vmul.f32 v47, v24;
	[tilespmem:s3+$0xFFFFFFA0] =	vst v20  }
0xa8: {  	v48 =	vld [tilespmem:s3+$0x0];
	v50 =	vperm.xlane v17, v7;
	v22 =	vmul.f32 v27, v45;
	[tilespmem:s3+$0xFFFFFFB0] =	vst v16  }
0xa9: {  	v55 =	vld [tilespmem:s3+$0x50];
	v52 =	vperm.xlane v17, v8;
	v58 =	vmul.f32 v53, v49;
	[tilespmem:s3+$0xFFFFFFD0] =	vst v21  }
0xaa: {  	v54 =	vld [tilespmem:s3+$0x40];
	v56 =	vperm.xlane v17, v10;
	v18 =	vmul.f32 v46, v23;
	[tilespmem:s3+$0xFFFFFFE0] =	vst v22  }
0xab: {  	v57 =	vperm.xlane v17, v11;
	v16 =	vld [tilespmem:s3+$0x30];
	v20 =	vmul.f32 v50, v26;
	[tilespmem:s3+$0x10] =	vst v58  }
0xac: {  	v60 =	vld [tilespmem:s3+$0x70];
	v62 =	vperm.xlane v17, v13;
	v23 =	vmul.f32 v56, v51;
	[tilespmem:s3+$0xFFFFFFC0] =	vst v18  }
0xad: {  	v59 =	vld [tilespmem:s3+$0x60];
	v61 =	vperm.xlane v17, v12;
	v18 =	vmul.f32 v52, v48;
	[tilespmem:s3+$0xFFFFFFF0] =	vst v20  }
0xae: {  	v63 =	vperm.xlane v17, v14;
	v19 =	vmul.f32 v62, v55;
	[tilespmem:s3+$0x20] =	vst v23  }
0xaf: {  	v17 =	vperm.xlane v17, v15;
	[tilespmem:s3+$0x0] =	vst v18;
	v18 =	vmul.f32 v61, v54  }
0xb0: {  	[tilespmem:s3+$0x50] =	vst v19;
	v16 =	vmul.f32 v57, v16  }
0xb1: {  	v17 =	vmul.f32 v17, v60;
	[tilespmem:s3+$0x40] =	vst v18  }
0xb2: {  	s0 =	sadd.s32 $0x1, s0;
	[tilespmem:s3+$0x30] =	vst v16;
	v16 =	vmul.f32 v63, v59  }
0xb3: {  	p0 =	sne.s32 s0, $0x5;
	[tilespmem:s8+$0x70] =	vst v17  }
.Ltmp2:
0xb4: {  	[tilespmem:s8+$0x60] =	vst v16;
	(pc) =	sbr.rel @p0 .LBB2_2-.Ltmp2, $4  }
0xb5: {  	[spmem:s1] =	stream.indirect.scatter.add.f32 [tilespmem:s26], [sflag:$0x3], $0x10, s23, s19, $0xb8;
	[tilespmem:$0x178E0] =	vst v63  }
0xb6: {  	_ =	swait.ge [sflag:s18], $0x7D00  }
0xb7: {  	[sflag:s18] =	ssyncset.done $0x0  }
0xb8: {  	[sflag:s18] =	ssyncadd.s32 $0xFFFF8300  }
0xb9: {  	[bflag:$0x0] =	sbarrier.arrive $0xFFFF  }
0xba: {  	[tilespmem:s30], [sflag:$0x3] =	stream.linear.gather [spmem:s9], $0x2800, $0x38;
	[tilespmem:$0x178E0] =	vst v63  }
0xbb: {  	s31 =	sadd.s32 $0x1, s31;
	_ =	swait.ge [sflag:s18], $0x2800  }
0xbc: {  	p0 =	sne.s32 s31, s16;
	[sflag:s18] =	ssyncset.done $0x0  }
.Ltmp3:
0xbd: {  	[sflag:s18] =	ssyncadd.s32 $0xFFFFD800;
	(pc) =	sbr.rel @p0 .LBB2_1-.Ltmp3, $4  }
0xbe: {  	[hbm4b:s24+s2] =	stream.linear.scatter [tilespmem:s30], [sflag:$0x3], $0x2800, $0x38;
	[tilespmem:$0x178E0] =	vst v63  }
0xbf: {  	_ =	swait.ge [sflag:s18], $0x2800  }
0xc0: {  	[sflag:s18] =	ssyncset.done $0x0  }
0xc1: {  	[sflag:s18] =	ssyncadd.s32 $0xFFFFD800  }
0xc2: {  	_ =	sfence.sel $0x180000  }
0xc3: {  	[bflag:$0x0] =	sbarrier.arrive $0xFFFF  }
0xc4: {  	_ =	strace $0x9000004D  }
0xc5: {  	s0 =	stileid.u32;
	[bflag:$0x2] =	sbarrier.arrive $0xFFFF  }
0xc6: {  	p0 =	sne.s32 s0, $0x0;
	s0 =	rddreg [dreg:$0x2]  }
0xc7: {  	s0 =	sadd.s32 @!p0 $0x100000, s0  }
0xc8: {  	[sflag:s0] =	ssyncadd.tile.s32 @!p0 $0x1;
	_ =	shalt  }
.Lfunc_end2:
_tile_overlayer_lowered:
.L_overlay_start_2:
0xc9: {  	(tag) =	ssettag $0x2  }
0xca: {  	s0 =	rddreg [dreg:$0x0];
	s2 =	stileid.u32  }
0xcb: {  	s1 =	rddreg [dreg:$0x1];
	p0 =	sne.s32 s2, $0x0  }
0xcc: {  	s3 =	rddreg [dreg:$0x2];
	[bflag:$0x3] =	sbarrier.arrive $0xFFFF;
	s2 =	simm.s32 @!p0 $0x1C03  }
0xcd: {  	[timem:s3], [sflag:s2] =	dma.local @!p0 [hbm:s0], s1  }
0xce: {  	s0 =	simm.s32 @!p0 $0x3  }
0xcf: {  	_ =	swait.ge @!p0 [sflag:s0], s1  }
0xd0: {  	s1 =	ssub.s32 @!p0 $0x0, s1;
	[sflag:s0] =	ssyncset.done @!p0 $0x0  }
0xd1: {  	[sflag:s0] =	ssyncadd.s32 @!p0 s1  }
0xd2: {  	[bflag:$0x3] =	sbarrier.arrive $0xFFFF  }
0xd3: {  	_ =	shalt  }

// kernel: kernel.22.cloned.1.call-start
scs
__scs_entry_jumppad:
0x0: {  	(pc) =	sbr.rel $0x88, $3  }
0x1: {  	(tag) =	ssettag $0x0;
	lr =	simm.s32 $0x1  }
0x2: {  	[smem:$0x3F69] =	sst lr;
	_ =	strace $0xD0000000  }
0x3: {  	_ = 	snop  }
0x4: {  	_ = 	snop  }
0x5: {  	_ = 	snop  }
0x6: {  	_ = 	snop  }
0x7: {  	_ = 	snop  }
__scs_overlays_trampoline_lowered:
0x8: {  	[smem:$0x3F78] =	sst s0  }
0x9: {  	[smem:$0x3F79] =	sst s1  }
0xa: {  	[smem:$0x3F7A] =	sst s2  }
0xb: {  	[smem:$0x3F7B] =	sst s3  }
0xc: {  	[smem:$0x3F7C] =	sst s4  }
0xd: {  	[smem:$0x3F7D] =	sst s5  }
0xe: {  	[smem:$0x3F7E] =	sst s6  }
0xf: {  	[smem:$0x3F7F] =	sst s7  }
0x10: {  	[smem:$0x3F80] =	sst s8  }
0x11: {  	[smem:$0x3F81] =	sst s9;
	s0 =	simm.s32 @!p0 $0x0  }
0x12: {  	s1 =	sld [smem:$0x3F67];
	s0 =	simm.s32 @p0 $0x1  }
0x13: {  	[smem:$0x3F82] =	sst s0;
	s0 =	simm.s32 @!p1 $0x0  }
0x14: {  	s2 =	sld [smem:$0x3F66];
	s0 =	simm.s32 @p1 $0x1  }
0x15: {  	[smem:$0x3F83] =	sst s0;
	s0 =	simm.s32 @!p2 $0x0  }
0x16: {  	s3 =	sld [smem:$0x3FDB];
	s0 =	simm.s32 @p2 $0x1  }
0x17: {  	s4 =	simm.s32 $0x1BF5;
	[smem:$0x3F85] =	sst s0  }
0x18: {  	s0 =	sld [smem:$0x3F68];
	_ =	swait.ge [sflag:s4], $0x0  }
0x19: {  	s7 =	sld [smem:$0x3F69]  }
0x1a: {  	s8 =	sadd.s32 $0xFFFFE003, lr  }
0x1b: {  	s9 =	sadd.s32 $0xFFFFFEF7, lr;
	s5 =	simm.s32 $0xFFFFFFFF;
	p2 =	slt.u32 s8, $0xFFFFF086  }
0x1c: {  	p1 =	slt.u32 s9, $0xF7A;
	s5 =	simm.s32 @!p2 $0x0  }
0x1d: {  	s5 =	simm.s32 @p1 $0x1;
	p0 =	seq.s32 s7, s2  }
0x1e: {  	s7 =	smul.u32 @!p0 $0xF7A, s2;
	p2 =	seq.s32 @!p0 s5, $0x0  }
0x1f: {  	s9 =	smul.u32 $0xF7A, s1;
	s8 =	simm.s32 @!p0 $0x1BF5;
	p2 =	por !p2, p0  }
0x20: {  	[sflag:s8] =	ssyncset.s32 @!p0 $0xFFFFF086;
	s6 =	sadd.s32 @!p0 s3, s7;
	s7 =	simm.s32 @!p0 $0x108  }
0x21: {  	s3 =	sadd.s32 s3, s9;
	s6 =	sadd.s32 @!p0 $0x88, s6;
	s7 =	simm.s32 @p2 $0x1082  }
0x22: {  	[simem:s7], [sflag:s8] =	dma.local @!p0 [hbm:s6], $0xF7A  }
0x23: {  	s9 =	sor.u32 $0xD0000000, s2;
	s6 =	simm.s32 $0x108;
	_ =	swait.ge @!p0 [sflag:s8], $0x0  }
0x24: {  	s3 =	sadd.s32 $0x88, s3;
	s6 =	simm.s32 @!p1 $0x1082;
	[sflag:s4] =	ssyncset.s32 $0xFFFFF086  }
0x25: {  	[simem:s6], [sflag:s4] =	dma.local [hbm:s3], $0xF7A  }
0x26: {  	[smem:$0x3F69] =	sst s1;
	(tag) =	ssettag s2;
	_ =	strace s9  }
0x27: {  	s1 =	sld [smem:$0x3F79]  }
0x28: {  	s2 =	sld [smem:$0x3F7A]  }
0x29: {  	s4 =	sld [smem:$0x3F7C]  }
0x2a: {  	p0 =	seq.s32 s5, $0x0;
	s5 =	sld [smem:$0x3F7D]  }
0x2b: {  	s6 =	sld [smem:$0x3F7E]  }
0x2c: {  	s7 =	sld [smem:$0x3F7F]  }
0x2d: {  	s3 =	simm.s32 $0x108;
	s8 =	sld [smem:$0x3F80]  }
0x2e: {  	s3 =	simm.s32 @!p0 $0x1082;
	s9 =	sld [smem:$0x3F81]  }
0x2f: {  	lr =	sadd.s32 s0, s3;
	s0 =	sld [smem:$0x3F78]  }
0x30: {  	s3 =	sld [smem:$0x3F7B]  }
0x31: {  	[smem:$0x3F84] =	sst s10  }
0x32: {  	s10 =	sld [smem:$0x3F82];
	_ =	sdelay $0x3  }
0x33: {  	p0 =	seq.s32 s10, $0x1;
	s10 =	sld [smem:$0x3F84];
	_ =	sdelay $0x3  }
0x34: {  	[smem:$0x3F84] =	sst s10  }
0x35: {  	s10 =	sld [smem:$0x3F83];
	_ =	sdelay $0x3  }
0x36: {  	p1 =	seq.s32 s10, $0x1;
	s10 =	sld [smem:$0x3F84];
	_ =	sdelay $0x3  }
0x37: {  	[smem:$0x3F84] =	sst s10  }
0x38: {  	s10 =	sld [smem:$0x3F85]  }
0x39: {  	_ = 	snop;
	(pc) =	sbr.ind lr, $3  }
0x3a: {  	_ = 	snop  }
0x3b: {  	_ = 	snop  }
0x3c: {  	p2 =	seq.s32 s10, $0x1;
	s10 =	sld [smem:$0x3F84]  }
0x3d: {  	_ =	shalt  }
0x3e: {  	_ =	shalt  }
0x3f: {  	_ =	shalt  }
0x40: {  	_ =	shalt  }
0x41: {  	_ =	shalt  }
0x42: {  	_ =	shalt  }
0x43: {  	_ =	shalt  }
0x44: {  	_ =	shalt  }
0x45: {  	_ =	shalt  }
0x46: {  	_ =	shalt  }
0x47: {  	_ =	shalt  }
0x48: {  	_ =	shalt  }
0x49: {  	_ =	shalt  }
0x4a: {  	_ =	shalt  }
0x4b: {  	_ =	shalt  }
0x4c: {  	_ =	shalt  }
0x4d: {  	_ =	shalt  }
0x4e: {  	_ =	shalt  }
0x4f: {  	_ =	shalt  }
0x50: {  	_ =	shalt  }
0x51: {  	_ =	shalt  }
0x52: {  	_ =	shalt  }
0x53: {  	_ =	shalt  }
0x54: {  	_ =	shalt  }
0x55: {  	_ =	shalt  }
0x56: {  	_ =	shalt  }
0x57: {  	_ =	shalt  }
0x58: {  	_ =	shalt  }
0x59: {  	_ =	shalt  }
0x5a: {  	_ =	shalt  }
0x5b: {  	_ =	shalt  }
0x5c: {  	_ =	shalt  }
0x5d: {  	_ =	shalt  }
0x5e: {  	_ =	shalt  }
0x5f: {  	_ =	shalt  }
0x60: {  	_ =	shalt  }
0x61: {  	_ =	shalt  }
0x62: {  	_ =	shalt  }
0x63: {  	_ =	shalt  }
0x64: {  	_ =	shalt  }
0x65: {  	_ =	shalt  }
0x66: {  	_ =	shalt  }
0x67: {  	_ =	shalt  }
0x68: {  	_ =	shalt  }
0x69: {  	_ =	shalt  }
0x6a: {  	_ =	shalt  }
0x6b: {  	_ =	shalt  }
0x6c: {  	_ =	shalt  }
0x6d: {  	_ =	shalt  }
0x6e: {  	_ =	shalt  }
0x6f: {  	_ =	shalt  }
0x70: {  	_ =	shalt  }
0x71: {  	_ =	shalt  }
0x72: {  	_ =	shalt  }
0x73: {  	_ =	shalt  }
0x74: {  	_ =	shalt  }
0x75: {  	_ =	shalt  }
0x76: {  	_ =	shalt  }
0x77: {  	_ =	shalt  }
0x78: {  	_ =	shalt  }
0x79: {  	_ =	shalt  }
0x7a: {  	_ =	shalt  }
0x7b: {  	_ =	shalt  }
0x7c: {  	_ =	shalt  }
0x7d: {  	_ =	shalt  }
0x7e: {  	_ =	shalt  }
0x7f: {  	_ =	shalt  }
0x80: {  	_ =	shalt  }
0x81: {  	_ =	shalt  }
0x82: {  	_ =	shalt  }
0x83: {  	_ =	shalt  }
0x84: {  	_ =	shalt  }
0x85: {  	_ =	shalt  }
0x86: {  	_ =	shalt  }
0x87: {  	_ =	shalt  }
.Lfunc_end0:
.L_simem_size_0:
called_computation.3_lowered:
.L_overlay_start_0:
0x88: {  	s2 =	sld [smem:$0x3FD9]  }
0x89: {  	s3 =	sld [smem:$0x3FFE];
	_ =	sdelay $0x1  }
0x8a: {  	s1 =	srdreg.scid  }
0x8b: {  	s0 =	sand.u32 $0x1, s1  }
0x8c: {  	s16 =	sshll.u32 s0, $0xA;
	s2 =	sadd.s32 s3, s2  }
0x8d: {  	s2 =	sadd.s32 s2, s16  }
0x8e: {  	[smem:$0x3F90] =	sst s2  }
0x8f: {  	_ = 	snop  }
0x90: {  	(tm) =	ssettm $0x1  }
0x91: {  	s17 =	sld [smem:$0x3FFB];
	_ =	sdelay $0x3  }
0x92: {  	_ =	strace s17  }
0x93: {  	s2 =	sld [smem:$0x3FFC];
	_ =	sdelay $0x3  }
0x94: {  	_ =	strace s2  }
0x95: {  	s2 =	sld [smem:$0x3FFD];
	_ =	sdelay $0x3  }
0x96: {  	_ =	strace s2  }
0x97: {  	_ =	strace $0x8FFFFFFF  }
0x98: {  	s18 =	sld [smem:$0x3FDB];
	_ =	sdelay $0x1  }
0x99: {  	s19 =	simm.s32 $_scs_section_size  }
0x9a: {  	s4 =	simm.s32 $_size__tile_overlayer_lowered;
	s5 =	simm.s32 $_tile_overlayer_lowered  }
0x9b: {  	s22 =	simm.s32 $0x1BFF;
	s21 =	sshll.u32 s5, $0x1;
	s2 =	sadd.s32 s19, s18  }
0x9c: {  	s6 =	simm.s32 $0x0;
	s20 =	sshll.u32 s4, $0x1;
	s4 =	sadd.s32 s21, s2  }
0x9d: {  	[timem:s6], [sflag:s22] =	dma.local [hbm:s4], s20  }
0x9e: {  	_ =	swait.ge [sflag:s22], s20  }
0x9f: {  	s3 =	ssub.s32 $0x0, s20;
	[sflag:s22] =	ssyncset.done $0x0  }
0xa0: {  	[sflag:s22] =	ssyncadd.s32 s3;
	_ =	sdelay $0x1  }
0xa1: {  	s23 =	simm.s32 $0x1B8B  }
0xa2: {  	_ =	swait.ge [sflag:s23], $0x1  }
0xa3: {  	[sflag:s23] =	ssyncset.done $0x0  }
0xa4: {  	s25 =	simm.s32 $0x1B8E;
	s24 =	sld [smem:$0x3FFE];
	[sflag:s23] =	ssyncadd.s32 $0xFFFFFFFF  }
0xa5: {  	s26 =	simm.s32 $execute0_lowered;
	[smem:$0x3FD2] =	sst s25  }
0xa6: {  	s4 =	sshll.u32 s26, $0x1;
	_ =	strace $0x8000004F;
	[dreg:$0x1] =	wrdreg $0xFFFFFFFF  }
0xa7: {  	s28 =	simm.s32 $_size_execute0_lowered;
	s2 =	sadd.s32 s2, s4;
	[dreg:$0x0] =	wrdreg $0x0  }
0xa8: {  	s4 =	sshll.u32 s28, $0x1;
	[dreg:$0x2] =	wrdreg s2  }
0xa9: {  	[dreg:$0x3] =	wrdreg s4  }
0xaa: {  	[dreg:$0x4] =	wrdreg $0xC0  }
0xab: {  	_ =	task [dreg:s6], $0x5FFFF  }
0xac: {  	[dreg:$0x1] =	wrdreg $0xFFFFFFFF  }
0xad: {  	[dreg:$0x0] =	wrdreg $0x60  }
0xae: {  	[dreg:$0x2] =	wrdreg s24  }
0xaf: {  	[dreg:$0x3] =	wrdreg $0x150E00  }
0xb0: {  	[dreg:$0x4] =	wrdreg $0x9  }
0xb1: {  	_ =	task.clear_ibuf [dreg:s6], $0x5FFFF;
	_ =	strace $0x9000004F  }
0xb2: {  	s29 =	simm.s32 $0x9;
	_ =	strace $0x80000051  }
0xb3: {  	_ =	swait.ge [sflag:s29], $0x1  }
0xb4: {  	[sflag:s29] =	ssyncadd.s32 $0xFFFFFFFF  }
0xb5: {  	_ =	strace $0x90000051  }
0xb6: {  	_ =	sfence  }
0xb7: {  	s30 =	sld [smem:$0x0];
	_ =	sdelay $0x2  }
0xb8: {  	s31 =	sshll.u32 s1, $0xD;
	s1 =	sshrl.u32 s1, $0x2  }
0xb9: {  	s3 =	sand.u32 $0x4000, s31;
	s1 =	sadd.s32 s1, s30  }
0xba: {  	s0 =	sor.u32 s3, s0;
	s1 =	sshll.u32 s1, $0x11  }
0xbb: {  	s0 =	sor.u32 s1, s0  }
0xbc: {  	s0 =	sadd.s32 $0x8F2B, s0  }
0xbd: {  	[sflag:s0] =	ssyncadd.remote.s32 $0x1  }
0xbe: {  	_ =	sfence.sel $0xFFFF  }
0xbf: {  	[dreg:$0x0] =	wrdreg $0xFFFFFFFF;
	(pc) =	sbr.abs _section_cstart, $3  }
0xc0: {  	[dreg:$0x1] =	wrdreg $0xFFFFFFFF  }
0xc1: {  	_ =	task.clear_ibuf [dreg:s6], $0x2FFFF;
	_ =	strace $0x9FFFFFFF  }
0xc2: {  	(tm) =	ssettm $0x7FFFFFFF  }
0xc3: {  	_ =	shalt  }
tec
execute0_lowered:
.L_overlay_start_1:
0x0: {  	(tag) =	ssettag $0x1  }
0x1: {  	s0 =	rddreg [dreg:$0x0]  }
0x2: {  	s1 =	rddreg [dreg:$0x1]  }
0x3: {  	s2 =	simm.s32 $0x0;
	s3 =	srdreg.scid;
	s11 =	stileid.u32  }
0x4: {  	s18 =	simm.s32 $0x3;
	s19 =	simm.s32 $0x7D0;
	s21 =	simm.s32 $0x1770  }
0x5: {  	s22 =	simm.s32 $0x9470;
	s28 =	simm.s32 $0x1;
	s29 =	simm.s32 $0x2  }
0x6: {  	s30 =	simm.s32 $0x128E0;
	s31 =	simm.s32 $0x0;
	[smem:$0x7FF] =	sst s2  }
0x7: {  	s4 =	sadd.s32 $0x41400, s0;
	s5 =	sadd.s32 $0x1A000, s0;
	s6 =	sadd.s32 $0x6600, s0  }
0x8: {  	s3 =	sand.u32 $0x1, s3;
	s8 =	sshll.u32 s11, $0x1;
	s7 =	sadd.s32 $0x2DA00, s0  }
0x9: {  	s10 =	sadd.s32 $0x46400, s0;
	s24 =	smul.u32 $0x2800, s11;
	s11 =	sshll.u32 s11, $0x6  }
0xa: {  	_ =	strace $0x80000050;
	s9 =	smul.u32 $0x5000, s3;
	s8 =	sor.u32 s3, s8  }
0xb: {  	[dreg:$0x3] =	wrdreg s10;
	s3 =	ssub.s32 $0x2, s3;
	s11 =	sor.u32 $0x1C03, s11  }
0xc: {  	s8 =	smul.u32 $0x4E20, s8;
	s23 =	sshrl.u32 s3, $0x1;
	[dreg:$0x4] =	wrdreg s11  }
0xd: {  	v0 =	vimm.s32 $0x0;
	s26 =	sshrl.u32 s24, $0x3;
	s0 =	sadd.s32 s9, s0;
	s3 =	ssub.s32 s3, s23  }
0xe: {  	v1 =	vimm.s32 $0x1;
	v2 =	vimm.s32 $0x2;
	v3 =	vimm.s32 $0x3;
	s9 =	sadd.s32 s24, s1;
	s23 =	simm.s32 $0x9C40;
	s13 =	sshrl.u32 s8, $0x3  }
0xf: {  	v4 =	vimm.s32 $0x4;
	v5 =	vimm.s32 $0x5;
	v6 =	vimm.s32 $0x6;
	s14 =	sadd.s32 $0x7D0, s8;
	s15 =	sadd.s32 $0xFA0, s8;
	s0 =	sadd.s32 $0x46A00, s0  }
0x10: {  	v7 =	vimm.s32 $0x7;
	v8 =	vimm.s32 $0x8;
	v9 =	vimm.s32 $0x9;
	s16 =	smax.u32 s3, $0x1;
	s17 =	sshrl.u32 s9, $0x3;
	s25 =	sadd.s32 s5, s13  }
0x11: {  	v10 =	vimm.s32 $0xA;
	v11 =	vimm.s32 $0xB;
	v12 =	vimm.s32 $0xC;
	s12 =	sadd.s32 s6, s13;
	s13 =	sadd.s32 s7, s13;
	s24 =	sadd.s32 s26, s0  }
0x12: {  	v13 =	vimm.s32 $0xD;
	v14 =	vimm.s32 $0xE;
	v15 =	vimm.s32 $0xF;
	s26 =	simm.s32 $0xABE0;
	[dreg:$0x5] =	wrdreg s25;
	s25 =	simm.s32 $0xA410  }
.LBB2_1:
0x13: {  	s0 =	rddreg [dreg:$0x3]  }
0x14: {  	s3 =	rddreg [dreg:$0x4]  }
0x15: {  	[spmem:s17], [sflag:s3] =	dma.local [hbm:s0], $0x500  }
0x16: {  	_ =	swait.ge [sflag:s18], $0x500  }
0x17: {  	[sflag:s18] =	ssyncset.done $0x0  }
0x18: {  	[sflag:s18] =	ssyncadd.s32 $0xFFFFFB00  }
0x19: {  	[bflag:$0x0] =	sbarrier.arrive $0xFFFF  }
0x1a: {  	s11 =	rddreg [dreg:$0x5]  }
0x1b: {  	[tilespmem:s2], [sflag:$0x3] =	stream.linear.gather [hbm4b:s11+s2], $0x7D0, $0x38;
	[tilespmem:$0x178E0] =	vst v63  }
0x1c: {  	_ =	swait.ge [sflag:s18], $0x7D0  }
0x1d: {  	[sflag:s18] =	ssyncset.done $0x0  }
0x1e: {  	[sflag:s18] =	ssyncadd.s32 $0xFFFFF830  }
0x1f: {  	[tilespmem:s19], [sflag:$0x3] =	stream.linear.gather [hbm4b:s12+s2], $0x7D0, $0x38;
	[tilespmem:$0x178E0] =	vst v63  }
0x20: {  	_ =	swait.ge [sflag:s18], $0x7D0  }
0x21: {  	[sflag:s18] =	ssyncset.done $0x0  }
0x22: {  	s20 =	simm.s32 $0xFA0;
	[sflag:s18] =	ssyncadd.s32 $0xFFFFF830  }
0x23: {  	[tilespmem:s20], [sflag:$0x3] =	stream.linear.gather [hbm4b:s13+s2], $0x7D0, $0x38;
	[tilespmem:$0x178E0] =	vst v63  }
0x24: {  	_ =	swait.ge [sflag:s18], $0x7D0  }
0x25: {  	[sflag:s18] =	ssyncset.done $0x0  }
0x26: {  	s0 =	simm.s32 $0x0;
	[sflag:s18] =	ssyncadd.s32 $0xFFFFF830  }
0x27: {  	[tilespmem:s21], [sflag:$0x1] =	stream.indirect.gather [hbm4b:s4+s19], $0x10, s2, s19, $0xb8;
	[tilespmem:$0x178E0] =	vst v63  }
.LBB2_2:
0x28: {  	s3 =	smul.u32 $0xFA0, s0;
	_ =	sdelay $0x1  }
0x29: {  	s8 =	sadd.s32 s3, s14  }
0x2a: {  	s8 =	sshrl.u32 s8, $0x3  }
0x2b: {  	s11 =	simm.s32 $0x0;
	s10 =	sadd.s32 s5, s8  }
0x2c: {  	[tilespmem:s22], [sflag:$0x3] =	stream.linear.gather [hbm4b:s10+s11], $0x7D0, $0x38;
	[tilespmem:$0x178E0] =	vst v63  }
0x2d: {  	_ =	swait.ge [sflag:s18], $0x7D0  }
0x2e: {  	[sflag:s18] =	ssyncset.done $0x0  }
0x2f: {  	s20 =	sadd.s32 s6, s8;
	[sflag:s18] =	ssyncadd.s32 $0xFFFFF830  }
0x30: {  	[tilespmem:s23], [sflag:$0x3] =	stream.linear.gather [hbm4b:s20+s11], $0x7D0, $0x38;
	[tilespmem:$0x178E0] =	vst v63  }
0x31: {  	_ =	swait.ge [sflag:s18], $0x7D0  }
0x32: {  	[sflag:s18] =	ssyncset.done $0x0  }
0x33: {  	s8 =	sadd.s32 s7, s8;
	[sflag:s18] =	ssyncadd.s32 $0xFFFFF830  }
0x34: {  	[tilespmem:s25], [sflag:$0x3] =	stream.linear.gather [hbm4b:s8+s11], $0x7D0, $0x38;
	[tilespmem:$0x178E0] =	vst v63  }
0x35: {  	_ =	swait.ge [sflag:s18], $0x7D0  }
0x36: {  	[sflag:s18] =	ssyncset.done $0x0  }
0x37: {  	[sflag:s18] =	ssyncadd.s32 $0xFFFFF830  }
0x38: {  	[tilespmem:s26], [sflag:$0x2] =	stream.indirect.gather [hbm4b:s4+s19], $0x10, s22, s19, $0xb8;
	[tilespmem:$0x178E0] =	vst v63  }
0x39: {  	_ =	swait.ge [sflag:s28], $0x7D00  }
0x3a: {  	[sflag:s28] =	ssyncset.done $0x0  }
0x3b: {  	s20 =	simm.s32 $0x17F0;
	[sflag:s28] =	ssyncadd.s32 $0xFFFF8300  }
0x3c: {  	s10 =	simm.s32 $0x40;
	s11 =	simm.s32 $0x0;
	s8 =	simm.s32 $0x17F0;
	v16 =	vld [tilespmem:s20+$0xFFFFFFB0]  }
.LBB2_3:
0x3d: {  	p0 =	sne.s32 s10, $0x1F00;
	v17 =	vld [tilespmem:s11+$0xFA0]  }
0x3e: {  	v18 =	vld [tilespmem:s20+$0xFFFFFF90]  }
0x3f: {  	v19 =	vld [tilespmem:s20+$0xFFFFFF80]  }
0x40: {  	v20 =	vld [tilespmem:s20+$0xFFFFFFA0]  }
0x41: {  	v21 =	vld [tilespmem:s20+$0xFFFFFFF0]  }
0x42: {  	v22 =	vperm.xlane v17, v0;
	v23 =	vperm.xlane v17, v1;
	v24 =	vld [tilespmem:s20+$0xFFFFFFD0]  }
0x43: {  	v25 =	vperm.xlane v17, v2;
	v26 =	vperm.xlane v17, v3;
	v27 =	vld [tilespmem:s20+$0xFFFFFFC0]  }
0x44: {  	v19 =	vmul.f32 v22, v19;
	v18 =	vmul.f32 v23, v18;
	v22 =	vld [tilespmem:s20+$0xFFFFFFE0]  }
0x45: {  	v16 =	vmul.f32 v26, v16;
	v20 =	vmul.f32 v25, v20;
	v23 =	vld [tilespmem:s20+$0x30]  }
0x46: {  	v25 =	vperm.xlane v17, v5;
	[tilespmem:s20+$0xFFFFFF80] =	vst v19;
	v19 =	vperm.xlane v17, v4;
	v26 =	vld [tilespmem:s20+$0x10]  }
0x47: {  	v28 =	vperm.xlane v17, v7;
	[tilespmem:s20+$0xFFFFFF90] =	vst v18;
	v18 =	vperm.xlane v17, v6;
	v29 =	vld [tilespmem:s20+$0x0]  }
0x48: {  	[tilespmem:s20+$0xFFFFFFA0] =	vst v20;
	v19 =	vmul.f32 v19, v27;
	v20 =	vmul.f32 v25, v24;
	v24 =	vld [tilespmem:s20+$0x20]  }
0x49: {  	[tilespmem:s20+$0xFFFFFFB0] =	vst v16;
	v16 =	vmul.f32 v18, v22;
	v18 =	vmul.f32 v28, v21;
	v21 =	vld [tilespmem:s20+$0x70]  }
0x4a: {  	v22 =	vperm.xlane v17, v9;
	[tilespmem:s20+$0xFFFFFFC0] =	vst v19;
	v19 =	vperm.xlane v17, v8;
	v25 =	vld [tilespmem:s20+$0x50]  }
0x4b: {  	v27 =	vperm.xlane v17, v11;
	[tilespmem:s20+$0xFFFFFFD0] =	vst v20;
	v20 =	vperm.xlane v17, v10;
	v28 =	vld [tilespmem:s20+$0x40]  }
0x4c: {  	[tilespmem:s20+$0xFFFFFFE0] =	vst v16;
	v16 =	vmul.f32 v19, v29;
	v19 =	vmul.f32 v22, v26;
	v22 =	vld [tilespmem:s20+$0x60]  }
0x4d: {  	[tilespmem:s20+$0xFFFFFFF0] =	vst v18;
	v18 =	vmul.f32 v20, v24;
	v20 =	vmul.f32 v27, v23  }
0x4e: {  	v23 =	vperm.xlane v17, v13;
	[tilespmem:s20+$0x0] =	vst v16;
	v16 =	vperm.xlane v17, v12  }
0x4f: {  	[tilespmem:s20+$0x10] =	vst v19;
	v19 =	vperm.xlane v17, v14;
	v17 =	vperm.xlane v17, v15  }
0x50: {  	[tilespmem:s20+$0x20] =	vst v18;
	v16 =	vmul.f32 v16, v28;
	v18 =	vmul.f32 v23, v25  }
.Ltmp0:
0x51: {  	[tilespmem:s20+$0x30] =	vst v20;
	v19 =	vmul.f32 v19, v22;
	v17 =	vmul.f32 v17, v21;
	(pc) =	sbr.rel @p0 .LBB2_3-.Ltmp0, $4  }
0x52: {  	[tilespmem:s20+$0x40] =	vst v16  }
0x53: {  	[tilespmem:s20+$0x50] =	vst v18  }
0x54: {  	s20 =	sadd.s32 $0x100, s20;
	[tilespmem:s8+$0x60] =	vst v19  }
0x55: {  	s11 =	sshra.s32 s10, $0x2;
	s10 =	sadd.s32 $0x40, s10;
	v16 =	vld [tilespmem:s20+$0xFFFFFFB0];
	[tilespmem:s8+$0x70] =	vst v17;
	s8 =	smov.u32 s20  }
0x56: {  	v17 =	vld [tilespmem:s11+$0xFA0];
	_ =	sdelay $0x1  }
0x57: {  	v18 =	vld [tilespmem:s20+$0xFFFFFF80]  }
0x58: {  	v19 =	vld [tilespmem:s20+$0xFFFFFF90]  }
0x59: {  	v20 =	vld [tilespmem:s20+$0xFFFFFFA0]  }
0x5a: {  	v21 =	vperm.xlane v17, v0  }
0x5b: {  	v23 =	vld [tilespmem:s20+$0xFFFFFFC0];
	v22 =	vperm.xlane v17, v1  }
0x5c: {  	v24 =	vld [tilespmem:s20+$0xFFFFFFD0];
	v25 =	vperm.xlane v17, v2;
	v18 =	vmul.f32 v21, v18  }
0x5d: {  	v51 =	vld [tilespmem:s20+$0xFFFFFFE0];
	v50 =	vperm.xlane v17, v3;
	v19 =	vmul.f32 v22, v19  }
0x5e: {  	v53 =	vld [tilespmem:s20+$0x10];
	v20 =	vmul.f32 v25, v20;
	[tilespmem:s20+$0xFFFFFF80] =	vst v18;
	v18 =	vperm.xlane v17, v4  }
0x5f: {  	v52 =	vperm.xlane v17, v5;
	v16 =	vmul.f32 v50, v16;
	[tilespmem:s20+$0xFFFFFF90] =	vst v19;
	v19 =	vld [tilespmem:s20+$0x0]  }
0x60: {  	v26 =	vld [tilespmem:s20+$0xFFFFFFF0];
	v27 =	vperm.xlane v17, v6;
	[tilespmem:s20+$0xFFFFFFA0] =	vst v20;
	v18 =	vmul.f32 v18, v23  }
0x61: {  	v55 =	vld [tilespmem:s20+$0x20];
	v56 =	vperm.xlane v17, v9;
	v21 =	vmul.f32 v52, v24;
	[tilespmem:s20+$0xFFFFFFB0] =	vst v16  }
0x62: {  	v22 =	vmul.f32 v27, v51;
	v16 =	vld [tilespmem:s20+$0x30];
	[tilespmem:s20+$0xFFFFFFC0] =	vst v18;
	v18 =	vperm.xlane v17, v8  }
0x63: {  	v57 =	vld [tilespmem:s20+$0x40];
	v54 =	vperm.xlane v17, v7;
	v60 =	vmul.f32 v56, v53;
	[tilespmem:s20+$0xFFFFFFD0] =	vst v21  }
0x64: {  	v58 =	vld [tilespmem:s20+$0x50];
	v59 =	vperm.xlane v17, v10;
	[tilespmem:s20+$0xFFFFFFE0] =	vst v22;
	v18 =	vmul.f32 v18, v19  }
0x65: {  	v61 =	vld [tilespmem:s20+$0x60];
	v20 =	vmul.f32 v54, v26;
	[tilespmem:s20+$0x10] =	vst v60;
	v19 =	vperm.xlane v17, v11  }
0x66: {  	v62 =	vld [tilespmem:s20+$0x70];
	v23 =	vmul.f32 v59, v55;
	[tilespmem:s20+$0x0] =	vst v18;
	v18 =	vperm.xlane v17, v12  }
0x67: {  	[tilespmem:s20+$0xFFFFFFF0] =	vst v20;
	v16 =	vmul.f32 v19, v16;
	v19 =	vperm.xlane v17, v13  }
0x68: {  	v63 =	vperm.xlane v17, v14;
	[tilespmem:s20+$0x20] =	vst v23;
	v18 =	vmul.f32 v18, v57  }
0x69: {  	v17 =	vperm.xlane v17, v15;
	v19 =	vmul.f32 v19, v58;
	[tilespmem:s20+$0x30] =	vst v16  }
0x6a: {  	v16 =	vmul.f32 v63, v61;
	[tilespmem:s20+$0x40] =	vst v18  }
0x6b: {  	v17 =	vmul.f32 v17, v62;
	[tilespmem:s20+$0x50] =	vst v19  }
0x6c: {  	[tilespmem:s8+$0x60] =	vst v16  }
0x6d: {  	p0 =	seq.s32 s0, $0x4;
	[tilespmem:s8+$0x70] =	vst v17  }
0x6e: {  	[spmem:s1] =	stream.indirect.scatter.add.f32 [tilespmem:s21], [sflag:$0x3], $0x10, s19, s19, $0xb8;
	[tilespmem:$0x178E0] =	vst v63  }
0x6f: {  	s3 =	sadd.s32 @!p0 s3, s15;
	_ =	swait.ge [sflag:s18], $0x7D00  }
0x70: {  	s3 =	sshrl.u32 @!p0 s3, $0x3;
	[sflag:s18] =	ssyncset.done $0x0  }
0x71: {  	s10 =	simm.s32 @!p0 $0x0;
	s8 =	sadd.s32 @!p0 s5, s3;
	[sflag:s18] =	ssyncadd.s32 $0xFFFF8300  }
0x72: {  	[tilespmem:s10], [sflag:$0x3] =	stream.linear.gather @!p0 [hbm4b:s8+s10], $0x7D0, $0x38;
	[tilespmem:$0x178E0] =	vst v63  }
0x73: {  	s8 =	simm.s32 @!p0 $0x3  }
0x74: {  	_ =	swait.ge @!p0 [sflag:s8], $0x7D0  }
0x75: {  	[sflag:s8] =	ssyncset.done @!p0 $0x0  }
0x76: {  	s11 =	sadd.s32 @!p0 s6, s3;
	s20 =	simm.s32 @!p0 $0x7D0;
	[sflag:s8] =	ssyncadd.s32 @!p0 $0xFFFFF830  }
0x77: {  	[tilespmem:s20], [sflag:$0x3] =	stream.linear.gather @!p0 [hbm4b:s11+s10], $0x7D0, $0x38;
	[tilespmem:$0x178E0] =	vst v63  }
0x78: {  	_ =	swait.ge @!p0 [sflag:s8], $0x7D0  }
0x79: {  	[sflag:s8] =	ssyncset.done @!p0 $0x0  }
0x7a: {  	s3 =	sadd.s32 @!p0 s7, s3;
	s11 =	simm.s32 @!p0 $0xFA0;
	[sflag:s8] =	ssyncadd.s32 @!p0 $0xFFFFF830  }
0x7b: {  	[tilespmem:s11], [sflag:$0x3] =	stream.linear.gather @!p0 [hbm4b:s3+s10], $0x7D0, $0x38;
	[tilespmem:$0x178E0] =	vst v63  }
0x7c: {  	_ =	swait.ge @!p0 [sflag:s8], $0x7D0  }
0x7d: {  	[sflag:s8] =	ssyncset.done @!p0 $0x0  }
0x7e: {  	s3 =	simm.s32 @!p0 $0x1770;
	[sflag:s8] =	ssyncadd.s32 @!p0 $0xFFFFF830  }
0x7f: {  	[tilespmem:s3], [sflag:$0x1] =	stream.indirect.gather @!p0 [hbm4b:s4+s20], $0x10, s10, s20, $0xb8;
	[tilespmem:$0x178E0] =	vst v63  }
0x80: {  	_ =	swait.ge [sflag:s29], $0x7D00  }
0x81: {  	[sflag:s29] =	ssyncset.done $0x0  }
0x82: {  	s3 =	simm.s32 $0xAC60;
	[sflag:s29] =	ssyncadd.s32 $0xFFFF8300  }
0x83: {  	s11 =	simm.s32 $0x0;
	s8 =	simm.s32 $0xAC60;
	s10 =	simm.s32 $0x40;
	v16 =	vld [tilespmem:s3+$0xFFFFFFB0]  }
.LBB2_5:
0x84: {  	p0 =	sne.s32 s10, $0x1F00;
	v17 =	vld [tilespmem:s11+$0xA410]  }
0x85: {  	v18 =	vld [tilespmem:s3+$0xFFFFFF90]  }
0x86: {  	v19 =	vld [tilespmem:s3+$0xFFFFFF80]  }
0x87: {  	v20 =	vld [tilespmem:s3+$0xFFFFFFA0]  }
0x88: {  	v21 =	vld [tilespmem:s3+$0xFFFFFFF0]  }
0x89: {  	v22 =	vperm.xlane v17, v0;
	v23 =	vperm.xlane v17, v1;
	v24 =	vld [tilespmem:s3+$0xFFFFFFD0]  }
0x8a: {  	v25 =	vperm.xlane v17, v2;
	v26 =	vperm.xlane v17, v3;
	v27 =	vld [tilespmem:s3+$0xFFFFFFC0]  }
0x8b: {  	v19 =	vmul.f32 v22, v19;
	v18 =	vmul.f32 v23, v18;
	v22 =	vld [tilespmem:s3+$0xFFFFFFE0]  }
0x8c: {  	v16 =	vmul.f32 v26, v16;
	v20 =	vmul.f32 v25, v20;
	v23 =	vld [tilespmem:s3+$0x30]  }
0x8d: {  	v25 =	vperm.xlane v17, v5;
	[tilespmem:s3+$0xFFFFFF80] =	vst v19;
	v19 =	vperm.xlane v17, v4;
	v26 =	vld [tilespmem:s3+$0x10]  }
0x8e: {  	v28 =	vperm.xlane v17, v7;
	[tilespmem:s3+$0xFFFFFF90] =	vst v18;
	v18 =	vperm.xlane v17, v6;
	v29 =	vld [tilespmem:s3+$0x0]  }
0x8f: {  	[tilespmem:s3+$0xFFFFFFA0] =	vst v20;
	v19 =	vmul.f32 v19, v27;
	v20 =	vmul.f32 v25, v24;
	v24 =	vld [tilespmem:s3+$0x20]  }
0x90: {  	[tilespmem:s3+$0xFFFFFFB0] =	vst v16;
	v16 =	vmul.f32 v18, v22;
	v18 =	vmul.f32 v28, v21;
	v21 =	vld [tilespmem:s3+$0x70]  }
0x91: {  	v22 =	vperm.xlane v17, v9;
	[tilespmem:s3+$0xFFFFFFC0] =	vst v19;
	v19 =	vperm.xlane v17, v8;
	v25 =	vld [tilespmem:s3+$0x50]  }
0x92: {  	v27 =	vperm.xlane v17, v11;
	[tilespmem:s3+$0xFFFFFFD0] =	vst v20;
	v20 =	vperm.xlane v17, v10;
	v28 =	vld [tilespmem:s3+$0x40]  }
0x93: {  	[tilespmem:s3+$0xFFFFFFE0] =	vst v16;
	v16 =	vmul.f32 v19, v29;
	v19 =	vmul.f32 v22, v26;
	v22 =	vld [tilespmem:s3+$0x60]  }
0x94: {  	[tilespmem:s3+$0xFFFFFFF0] =	vst v18;
	v18 =	vmul.f32 v20, v24;
	v20 =	vmul.f32 v27, v23  }
0x95: {  	v23 =	vperm.xlane v17, v13;
	[tilespmem:s3+$0x0] =	vst v16;
	v16 =	vperm.xlane v17, v12  }
0x96: {  	[tilespmem:s3+$0x10] =	vst v19;
	v19 =	vperm.xlane v17, v14;
	v17 =	vperm.xlane v17, v15  }
0x97: {  	[tilespmem:s3+$0x20] =	vst v18;
	v16 =	vmul.f32 v16, v28;
	v18 =	vmul.f32 v23, v25  }
.Ltmp1:
0x98: {  	[tilespmem:s3+$0x30] =	vst v20;
	v19 =	vmul.f32 v19, v22;
	v17 =	vmul.f32 v17, v21;
	(pc) =	sbr.rel @p0 .LBB2_5-.Ltmp1, $4  }
0x99: {  	[tilespmem:s3+$0x40] =	vst v16  }
0x9a: {  	[tilespmem:s3+$0x50] =	vst v18  }
0x9b: {  	s3 =	sadd.s32 $0x100, s3;
	[tilespmem:s8+$0x60] =	vst v19  }
0x9c: {  	s11 =	sshra.s32 s10, $0x2;
	s10 =	sadd.s32 $0x40, s10;
	v16 =	vld [tilespmem:s3+$0xFFFFFFB0];
	[tilespmem:s8+$0x70] =	vst v17;
	s8 =	smov.u32 s3  }
0x9d: {  	v17 =	vld [tilespmem:s11+$0xA410];
	_ =	sdelay $0x1  }
0x9e: {  	v18 =	vld [tilespmem:s3+$0xFFFFFF80]  }
0x9f: {  	v19 =	vld [tilespmem:s3+$0xFFFFFF90]  }
0xa0: {  	v20 =	vld [tilespmem:s3+$0xFFFFFFA0]  }
0xa1: {  	v21 =	vperm.xlane v17, v0  }
0xa2: {  	v24 =	vld [tilespmem:s3+$0xFFFFFFD0];
	v22 =	vperm.xlane v17, v1;
	v25 =	vperm.xlane v17, v2  }
0xa3: {  	v45 =	vld [tilespmem:s3+$0xFFFFFFE0];
	v44 =	vperm.xlane v17, v3;
	v18 =	vmul.f32 v21, v18  }
0xa4: {  	v49 =	vld [tilespmem:s3+$0x10];
	v46 =	vperm.xlane v17, v4;
	v19 =	vmul.f32 v22, v19  }
0xa5: {  	v23 =	vld [tilespmem:s3+$0xFFFFFFC0];
	v47 =	vperm.xlane v17, v5;
	v20 =	vmul.f32 v25, v20;
	[tilespmem:s3+$0xFFFFFF80] =	vst v18  }
0xa6: {  	v26 =	vld [tilespmem:s3+$0xFFFFFFF0];
	v27 =	vperm.xlane v17, v6;
	v16 =	vmul.f32 v44, v16;
	[tilespmem:s3+$0xFFFFFF90] =	vst v19  }
0xa7: {  	v51 =	vld [tilespmem:s3+$0x20];
	v53 =	vperm.xlane v17, v9;
	v21 =	vmul.f32 v47, v24;
	[tilespmem:s3+$0xFFFFFFA0] =	vst v20  }
0xa8: {  	v48 =	vld [tilespmem:s3+$0x0];
	v50 =	vperm.xlane v17, v7;
	v22 =	vmul.f32 v27, v45;
	[tilespmem:s3+$0xFFFFFFB0] =	vst v16  }
0xa9: {  	v55 =	vld [tilespmem:s3+$0x50];
	v52 =	vperm.xlane v17, v8;
	v58 =	vmul.f32 v53, v49;
	[tilespmem:s3+$0xFFFFFFD0] =	vst v21  }
0xaa: {  	v54 =	vld [tilespmem:s3+$0x40];
	v56 =	vperm.xlane v17, v10;
	v18 =	vmul.f32 v46, v23;
	[tilespmem:s3+$0xFFFFFFE0] =	vst v22  }
0xab: {  	v57 =	vperm.xlane v17, v11;
	v16 =	vld [tilespmem:s3+$0x30];
	v20 =	vmul.f32 v50, v26;
	[tilespmem:s3+$0x10] =	vst v58  }
0xac: {  	v60 =	vld [tilespmem:s3+$0x70];
	v62 =	vperm.xlane v17, v13;
	v23 =	vmul.f32 v56, v51;
	[tilespmem:s3+$0xFFFFFFC0] =	vst v18  }
0xad: {  	v59 =	vld [tilespmem:s3+$0x60];
	v61 =	vperm.xlane v17, v12;
	v18 =	vmul.f32 v52, v48;
	[tilespmem:s3+$0xFFFFFFF0] =	vst v20  }
0xae: {  	v63 =	vperm.xlane v17, v14;
	v19 =	vmul.f32 v62, v55;
	[tilespmem:s3+$0x20] =	vst v23  }
0xaf: {  	v17 =	vperm.xlane v17, v15;
	[tilespmem:s3+$0x0] =	vst v18;
	v18 =	vmul.f32 v61, v54  }
0xb0: {  	[tilespmem:s3+$0x50] =	vst v19;
	v16 =	vmul.f32 v57, v16  }
0xb1: {  	v17 =	vmul.f32 v17, v60;
	[tilespmem:s3+$0x40] =	vst v18  }
0xb2: {  	s0 =	sadd.s32 $0x1, s0;
	[tilespmem:s3+$0x30] =	vst v16;
	v16 =	vmul.f32 v63, v59  }
0xb3: {  	p0 =	sne.s32 s0, $0x5;
	[tilespmem:s8+$0x70] =	vst v17  }
.Ltmp2:
0xb4: {  	[tilespmem:s8+$0x60] =	vst v16;
	(pc) =	sbr.rel @p0 .LBB2_2-.Ltmp2, $4  }
0xb5: {  	[spmem:s1] =	stream.indirect.scatter.add.f32 [tilespmem:s26], [sflag:$0x3], $0x10, s23, s19, $0xb8;
	[tilespmem:$0x178E0] =	vst v63  }
0xb6: {  	_ =	swait.ge [sflag:s18], $0x7D00  }
0xb7: {  	[sflag:s18] =	ssyncset.done $0x0  }
0xb8: {  	[sflag:s18] =	ssyncadd.s32 $0xFFFF8300  }
0xb9: {  	[bflag:$0x0] =	sbarrier.arrive $0xFFFF  }
0xba: {  	[tilespmem:s30], [sflag:$0x3] =	stream.linear.gather [spmem:s9], $0x2800, $0x38;
	[tilespmem:$0x178E0] =	vst v63  }
0xbb: {  	s31 =	sadd.s32 $0x1, s31;
	_ =	swait.ge [sflag:s18], $0x2800  }
0xbc: {  	p0 =	sne.s32 s31, s16;
	[sflag:s18] =	ssyncset.done $0x0  }
.Ltmp3:
0xbd: {  	[sflag:s18] =	ssyncadd.s32 $0xFFFFD800;
	(pc) =	sbr.rel @p0 .LBB2_1-.Ltmp3, $4  }
0xbe: {  	[hbm4b:s24+s2] =	stream.linear.scatter [tilespmem:s30], [sflag:$0x3], $0x2800, $0x38;
	[tilespmem:$0x178E0] =	vst v63  }
0xbf: {  	_ =	swait.ge [sflag:s18], $0x2800  }
0xc0: {  	[sflag:s18] =	ssyncset.done $0x0  }
0xc1: {  	[sflag:s18] =	ssyncadd.s32 $0xFFFFD800  }
0xc2: {  	_ =	sfence.sel $0x180000  }
0xc3: {  	[bflag:$0x0] =	sbarrier.arrive $0xFFFF  }
0xc4: {  	_ =	strace $0x90000050  }
0xc5: {  	s0 =	stileid.u32;
	[bflag:$0x2] =	sbarrier.arrive $0xFFFF  }
0xc6: {  	p0 =	sne.s32 s0, $0x0;
	s0 =	rddreg [dreg:$0x2]  }
0xc7: {  	s0 =	sadd.s32 @!p0 $0x100000, s0  }
0xc8: {  	[sflag:s0] =	ssyncadd.tile.s32 @!p0 $0x1;
	_ =	shalt  }
.Lfunc_end2:
_tile_overlayer_lowered:
.L_overlay_start_2:
0xc9: {  	(tag) =	ssettag $0x2  }
0xca: {  	s0 =	rddreg [dreg:$0x0];
	s2 =	stileid.u32  }
0xcb: {  	s1 =	rddreg [dreg:$0x1];
	p0 =	sne.s32 s2, $0x0  }
0xcc: {  	s3 =	rddreg [dreg:$0x2];
	[bflag:$0x3] =	sbarrier.arrive $0xFFFF;
	s2 =	simm.s32 @!p0 $0x1C03  }
0xcd: {  	[timem:s3], [sflag:s2] =	dma.local @!p0 [hbm:s0], s1  }
0xce: {  	s0 =	simm.s32 @!p0 $0x3  }
0xcf: {  	_ =	swait.ge @!p0 [sflag:s0], s1  }
0xd0: {  	s1 =	ssub.s32 @!p0 $0x0, s1;
	[sflag:s0] =	ssyncset.done @!p0 $0x0  }
0xd1: {  	[sflag:s0] =	ssyncadd.s32 @!p0 s1  }
0xd2: {  	[bflag:$0x3] =	sbarrier.arrive $0xFFFF  }
0xd3: {  	_ =	shalt  }

</sc_bundles>
